<compile_context>
chip_gen: v7x
topology: tpu7x:2x2x1
jax: 0.10.2.dev20260603
libtpu: 0.0.44.dev20260713+nightly
codegen_flags: <defaults>
</compile_context>

<pallas_src>
import functools

import jax
import jax.numpy as jnp
from jax import lax
from jax.experimental import pallas as pl
from jax.experimental.pallas import tpu as pltpu
from jax.experimental.pallas import tpu_sc as plsc

_N = 100000
_E = 3200000
_H = 10
_D = 20
_DP = 24


_BN = 4096


def _stage1_body(zt_ref, al_ref, ar_ref, el_ref, er_ref):
    zt = zt_ref[...]
    dn = (((0,), (0,)), ((), ()))
    el_ref[...] = lax.dot_general(zt, al_ref[...], dn,
                                  preferred_element_type=jnp.float32)
    er_ref[...] = lax.dot_general(zt, ar_ref[...], dn,
                                  preferred_element_type=jnp.float32)


def _edge_features(Zt, Al, Ar):
    grid = (_N + _BN - 1) // _BN
    return pl.pallas_call(
        _stage1_body,
        grid=(grid,),
        in_specs=[
            pl.BlockSpec((_H * _D, _BN), lambda i: (0, i)),
            pl.BlockSpec((_H * _D, _DP), lambda i: (0, 0)),
            pl.BlockSpec((_H * _D, _DP), lambda i: (0, 0)),
        ],
        out_specs=[
            pl.BlockSpec((_BN, _DP), lambda i: (i, 0)),
            pl.BlockSpec((_BN, _DP), lambda i: (i, 0)),
        ],
        out_shape=[
            jax.ShapeDtypeStruct((_N, _DP), jnp.float32),
            jax.ShapeDtypeStruct((_N, _DP), jnp.float32),
        ],
    )(Zt, Al, Ar)



_NC = 2
_NS = 16
_NW = _NC * _NS

_CH = 128
_NCHUNK = _E // _CH
_SB = 4

_CNT_HI = 784
_N_HI = 21

_VEC = 16


def _sc_gather_add(el, er, row2d, col2d):
    mesh = plsc.VectorSubcoreMesh(core_axis_name="c", subcore_axis_name="s")

    @functools.partial(
        pl.kernel,
        out_type=jax.ShapeDtypeStruct((3, _NCHUNK, 8, _CH), jnp.float32),
        mesh=mesh,
        scratch_types=[
            pltpu.VMEM((_SB, _CH), jnp.int32),
            pltpu.VMEM((_SB, _CH), jnp.int32),
            pltpu.VMEM((_SB, _CH, _DP), jnp.float32),
            pltpu.VMEM((_SB, _CH, _DP), jnp.float32),
            pltpu.VMEM((3, _SB, 8, _CH), jnp.float32),
            pltpu.VMEM((_SB, _CH), jnp.int32),
            pltpu.VMEM((_SB, _CH), jnp.int32),
            pltpu.VMEM((_SB, _CH, _DP), jnp.float32),
            pltpu.VMEM((_SB, _CH, _DP), jnp.float32),
            pltpu.VMEM((3, _SB, 8, _CH), jnp.float32),
            pltpu.SemaphoreType.DMA,
            pltpu.SemaphoreType.DMA,
            pltpu.SemaphoreType.DMA,
            pltpu.SemaphoreType.DMA,
            pltpu.SemaphoreType.DMA,
            pltpu.SemaphoreType.DMA,
            pltpu.SemaphoreType.DMA,
            pltpu.SemaphoreType.DMA,
        ],
        compiler_params=pltpu.CompilerParams(
            use_tc_tiling_on_sc=False, needs_layout_passes=False),
    )
    def k(el_hbm, er_hbm, row_hbm, col_hbm, out_hbm,
          idx1a, idx2a, buf1a, buf2a, bufta,
          idx1b, idx2b, buf1b, buf2b, buftb,
          g1a, g2a, isa, osa, g1b, g2b, isb, osb):
        wid = lax.axis_index("s") * _NC + lax.axis_index("c")
        start = wid * _CNT_HI - jnp.maximum(wid - _N_HI, 0) * 8
        n_sb = jnp.where(wid < _N_HI, _CNT_HI // _SB, _CNT_HI // _SB - 2)

        seta = (idx1a, idx2a, buf1a, buf2a, bufta, g1a, g2a, isa, osa)
        setb = (idx1b, idx2b, buf1b, buf2b, buftb, g1b, g2b, isb, osb)

        lane = lax.iota(jnp.int32, _VEC)
        u_r0, u_d, u_d3, u_s = [], [], [], []
        for u in range(5):
            o = u * _VEC + lane
            r0 = o // _D
            d = o - r0 * _D
            d3 = d // 8
            u_r0.append(r0)
            u_d.append(d)
            u_d3.append(d3)
            u_s.append(d - d3 * 8)

        def issue_idx(st, t):
            (idx1, idx2, _b1, _b2, _bt, _g1, _g2, isem, _os) = st
            c = start + t * _SB
            pltpu.async_copy(row_hbm.at[pl.ds(c, _SB), :], idx1, isem)
            pltpu.async_copy(col_hbm.at[pl.ds(c, _SB), :], idx2, isem)

        def wait_idx(st):
            (idx1, idx2, _b1, _b2, _bt, _g1, _g2, isem, _os) = st
            pltpu.make_async_copy(row_hbm.at[pl.ds(0, _SB), :], idx1,
                                  isem).wait()
            pltpu.make_async_copy(col_hbm.at[pl.ds(0, _SB), :], idx2,
                                  isem).wait()

        def fire_gathers(st):
            (idx1, idx2, b1, b2, _bt, g1, g2, _is, _os) = st
            for j in range(_SB):
                pltpu.async_copy(el_hbm.at[idx1.at[j]], b1.at[j], g1)
                pltpu.async_copy(er_hbm.at[idx2.at[j]], b2.at[j], g2)

        def wait_gathers(st):
            (idx1, idx2, b1, b2, _bt, g1, g2, _is, _os) = st
            for j in range(_SB):
                pltpu.make_async_copy(el_hbm.at[idx1.at[j]], b1.at[j],
                                      g1).wait()
                pltpu.make_async_copy(er_hbm.at[idx2.at[j]], b2.at[j],
                                      g2).wait()

        def issue_out(st, t):
            (_i1, _i2, _b1, _b2, bt, _g1, _g2, _is, osem) = st
            c = start + t * _SB
            for i in range(3):
                pltpu.async_copy(bt.at[i], out_hbm.at[i, pl.ds(c, _SB), :, :],
                                 osem)

        def wait_out(st):
            (_i1, _i2, _b1, _b2, bt, _g1, _g2, _is, osem) = st
            for i in range(3):
                pltpu.make_async_copy(
                    bt.at[i], out_hbm.at[i, pl.ds(0, _SB), :, :], osem).wait()

        def add_all(st):
            (_i1, _i2, buf1, buf2, buft, _g1, _g2, _is, _os) = st

            @plsc.parallel_loop(0, _SB * _CH * _D // (_VEC * 5), unroll=2)
            def body(g):
                roff = g * 4
                for u in range(5):
                    r = u_r0[u] + roff
                    j = r >> 7
                    rr = r & (_CH - 1)
                    a = plsc.load_gather(buf1, [j, rr, u_d[u]])
                    b = plsc.load_gather(buf2, [j, rr, u_d[u]])
                    plsc.store_scatter(buft, [u_d3[u], j, u_s[u], rr], a + b)

        def step(t, stp, stq):
            wait_gathers(stp)

            @pl.when(t + 1 < n_sb)
            def _():
                wait_idx(stq)
                fire_gathers(stq)

            @pl.when(t + 2 < n_sb)
            def _():
                issue_idx(stp, t + 2)

            @pl.when(t >= 2)
            def _():
                wait_out(stp)
            add_all(stp)
            issue_out(stp, t)

        issue_idx(seta, 0)
        wait_idx(seta)
        fire_gathers(seta)
        issue_idx(setb, 1)

        def pair_body(s2, _):
            t = s2 * 2
            step(t, seta, setb)
            step(t + 1, setb, seta)
            return 0

        lax.fori_loop(0, n_sb // 2, pair_body, 0)

        wait_out(seta)
        wait_out(setb)

    return k(el, er, row2d, col2d)


def kernel(Z, row, col, a_l, a_r):
    Zt = Z.reshape(_N, _H * _D).T
    eyep = jnp.concatenate(
        [jnp.eye(_D, dtype=jnp.float32),
         jnp.zeros((_D, _DP - _D), jnp.float32)], axis=1)
    Al = (a_l[0][:, :, None] * eyep[None]).reshape(_H * _D, _DP)
    Ar = (a_r[0][:, :, None] * eyep[None]).reshape(_H * _D, _DP)
    el, er = _edge_features(Zt, Al, Ar)

    row2d = row.astype(jnp.int32).reshape(_NCHUNK, _CH)
    col2d = col.astype(jnp.int32).reshape(_NCHUNK, _CH)
    out4d = _sc_gather_add(el, er, row2d, col2d)
    return out4d.transpose(1, 3, 0, 2).reshape(_E, 3 * 8)[:, :_D]

# --- scband reference (transcript-rebuilt; emitter-appended) ---
"""Pipeline reference for scband-net-20160576487463 (READ-ONLY COPY).

The authoritative reference and input builder live on the scoring server;
editing this copy changes nothing except your own understanding.
"""

import jax, jax.numpy as jnp
import numpy as np


def setup_inputs(seed: int = 0) -> dict:
    key = jax.random.key(seed)
    k1, k2, k3, k4, k5 = jax.random.split(key, 5)
    N = 100000
    E = 3200000
    Z = jax.random.normal(k1, (N, 10, 20), dtype=jnp.float32)
    row = jax.random.randint(k2, (E,), 0, N, dtype=jnp.int64)
    col = jax.random.randint(k3, (E,), 0, N, dtype=jnp.int64)
    # learned parameters (module inits them to zeros; use randn*0.1 for nontrivial values)
    a_l = jax.random.normal(k4, (1, 10, 20), dtype=jnp.float32) * 0.1
    a_r = jax.random.normal(k5, (1, 10, 20), dtype=jnp.float32) * 0.1
    return {"Z": Z, "row": row, "col": col, "a_l": a_l, "a_r": a_r}


def reference(Z, row, col, a_l, a_r):
    # e_l = (Z * a_l).sum(dim=1) -> [N, 20]
    e_l = (Z * a_l).sum(axis=1)
    e_r = (Z * a_r).sum(axis=1)
    # gather per edge endpoint and add -> [E, 20]
    e = e_l[row] + e_r[col]
    return e

if __name__ == "__main__":
    import jax
    _d = setup_inputs()
    print(jax.jit(kernel)(*tuple(_d.values())))

</pallas_src>

<mosaic_0001>
#map = affine_map<(d0, d1) -> (0, 0)>
#map1 = affine_map<(d0, d1) -> (0, 0, 0, 0)>
module attributes {stable_mosaic.version = 14 : i64} {
  func.func @k(%arg0: i32, %arg1: i32, %arg2: memref<100000x24xf32, #tpu.memory_space<hbm>>, %arg3: memref<100000x24xf32, #tpu.memory_space<hbm>>, %arg4: memref<25000x128xi32, #tpu.memory_space<hbm>>, %arg5: memref<25000x128xi32, #tpu.memory_space<hbm>>, %arg6: memref<3x25000x8x128xf32, #tpu.memory_space<hbm>>, %arg7: memref<4x128xi32, #tpu.memory_space<vmem>>, %arg8: memref<4x128xi32, #tpu.memory_space<vmem>>, %arg9: memref<4x128x24xf32, #tpu.memory_space<vmem>>, %arg10: memref<4x128x24xf32, #tpu.memory_space<vmem>>, %arg11: memref<3x4x8x128xf32, #tpu.memory_space<vmem>>, %arg12: memref<4x128xi32, #tpu.memory_space<vmem>>, %arg13: memref<4x128xi32, #tpu.memory_space<vmem>>, %arg14: memref<4x128x24xf32, #tpu.memory_space<vmem>>, %arg15: memref<4x128x24xf32, #tpu.memory_space<vmem>>, %arg16: memref<3x4x8x128xf32, #tpu.memory_space<vmem>>, %arg17: memref<!tpu.dma_semaphore, #tpu.memory_space<semaphore_mem>>, %arg18: memref<!tpu.dma_semaphore, #tpu.memory_space<semaphore_mem>>, %arg19: memref<!tpu.dma_semaphore, #tpu.memory_space<semaphore_mem>>, %arg20: memref<!tpu.dma_semaphore, #tpu.memory_space<semaphore_mem>>, %arg21: memref<!tpu.dma_semaphore, #tpu.memory_space<semaphore_mem>>, %arg22: memref<!tpu.dma_semaphore, #tpu.memory_space<semaphore_mem>>, %arg23: memref<!tpu.dma_semaphore, #tpu.memory_space<semaphore_mem>>, %arg24: memref<!tpu.dma_semaphore, #tpu.memory_space<semaphore_mem>>) attributes {dimension_semantics = [#tpu.dimension_semantics<core_parallel>, #tpu.dimension_semantics<subcore_parallel>], iteration_bounds = array<i64: 2, 16>, scalar_prefetch = 0 : i64, scratch_operands = 18 : i64, tpu.core_type = #tpu.core_type<sc_vector_subcore>, window_params = [{transform_indices = #map}, {transform_indices = #map}, {transform_indices = #map}, {transform_indices = #map}, {transform_indices = #map1}]} {
    %mul3A = arith.constant 2 : i32
    %mul3A_0 = arith.muli %arg1, %mul3A : i32
    %add3A = arith.addi %mul3A_0, %arg0 : i32
    %mul3A_1 = arith.constant 784 : i32
    %mul3A_2 = arith.muli %add3A, %mul3A_1 : i32
    %sub3A = arith.constant 21 : i32
    %sub3A_3 = arith.subi %add3A, %sub3A : i32
    %max3A = arith.constant 0 : i32
    %max3A_4 = arith.maxsi %sub3A_3, %max3A : i32
    %mul3A_5 = arith.constant 8 : i32
    %mul3A_6 = arith.muli %max3A_4, %mul3A_5 : i32
    %sub3A_7 = arith.subi %mul3A_2, %mul3A_6 : i32
    %lt3A = arith.constant 21 : i32
    %lt3A_8 = arith.cmpi slt, %add3A, %lt3A : i32
    %jit3A = arith.constant 196 : i32
    %jit3A_9 = arith.constant 194 : i32
    %select_n3A = arith.select %lt3A_8, %jit3A, %jit3A_9 : i32
    %iota3A = tpu.iota {dimensions = array<i32: 0>} : vector<16xi32>
    %add3A_10 = arith.constant 0 : i32
    %add3A_11 = vector.broadcast %add3A_10 : i32 to vector<16xi32>
    %add3A_12 = arith.addi %add3A_11, %iota3A : vector<16xi32>
    %jit3A_13 = arith.constant 20 : i32
    %div3A = vector.broadcast %jit3A_13 : i32 to vector<16xi32>
    %div3A_14 = arith.divsi %add3A_12, %div3A : vector<16xi32>
    %sign3A = arith.constant 0 : i32
    %sign3A_15 = vector.broadcast %sign3A : i32 to vector<16xi32>
    %sign3A_16 = arith.cmpi sgt, %add3A_12, %sign3A_15 : vector<16xi32>
    %sign3A_17 = arith.extui %sign3A_16 : vector<16xi1> to vector<16xi32>
    %sign3A_18 = arith.constant 0 : i32
    %sign3A_19 = vector.broadcast %sign3A_18 : i32 to vector<16xi32>
    %sign3A_20 = arith.cmpi slt, %add3A_12, %sign3A_19 : vector<16xi32>
    %sign3A_21 = arith.extui %sign3A_20 : vector<16xi1> to vector<16xi32>
    %sign3A_22 = arith.subi %sign3A_17, %sign3A_21 : vector<16xi32>
    %sign3A_23 = arith.constant 0 : i32
    %sign3A_24 = arith.cmpi sgt, %jit3A_13, %sign3A_23 : i32
    %sign3A_25 = arith.extui %sign3A_24 : i1 to i32
    %sign3A_26 = arith.constant 0 : i32
    %sign3A_27 = arith.cmpi slt, %jit3A_13, %sign3A_26 : i32
    %sign3A_28 = arith.extui %sign3A_27 : i1 to i32
    %sign3A_29 = arith.subi %sign3A_25, %sign3A_28 : i32
    %ne3A = vector.broadcast %sign3A_29 : i32 to vector<16xi32>
    %ne3A_30 = arith.cmpi ne, %sign3A_22, %ne3A : vector<16xi32>
    %rem3A = vector.broadcast %jit3A_13 : i32 to vector<16xi32>
    %rem3A_31 = arith.remsi %add3A_12, %rem3A : vector<16xi32>
    %ne3A_32 = arith.constant 0 : i32
    %ne3A_33 = vector.broadcast %ne3A_32 : i32 to vector<16xi32>
    %ne3A_34 = arith.cmpi ne, %rem3A_31, %ne3A_33 : vector<16xi32>
    %and3A = arith.andi %ne3A_30, %ne3A_34 : vector<16xi1>
    %sub3A_35 = arith.constant 1 : i32
    %sub3A_36 = vector.broadcast %sub3A_35 : i32 to vector<16xi32>
    %sub3A_37 = arith.subi %div3A_14, %sub3A_36 : vector<16xi32>
    %select_n3A_38 = arith.select %and3A, %sub3A_37, %div3A_14 : vector<16xi1>, vector<16xi32>
    %mul3A_39 = arith.constant 20 : i32
    %mul3A_40 = vector.broadcast %mul3A_39 : i32 to vector<16xi32>
    %mul3A_41 = arith.muli %select_n3A_38, %mul3A_40 : vector<16xi32>
    %sub3A_42 = arith.subi %add3A_12, %mul3A_41 : vector<16xi32>
    %jit3A_43 = arith.constant 8 : i32
    %div3A_44 = vector.broadcast %jit3A_43 : i32 to vector<16xi32>
    %div3A_45 = arith.divsi %sub3A_42, %div3A_44 : vector<16xi32>
    %sign3A_46 = arith.constant 0 : i32
    %sign3A_47 = vector.broadcast %sign3A_46 : i32 to vector<16xi32>
    %sign3A_48 = arith.cmpi sgt, %sub3A_42, %sign3A_47 : vector<16xi32>
    %sign3A_49 = arith.extui %sign3A_48 : vector<16xi1> to vector<16xi32>
    %sign3A_50 = arith.constant 0 : i32
    %sign3A_51 = vector.broadcast %sign3A_50 : i32 to vector<16xi32>
    %sign3A_52 = arith.cmpi slt, %sub3A_42, %sign3A_51 : vector<16xi32>
    %sign3A_53 = arith.extui %sign3A_52 : vector<16xi1> to vector<16xi32>
    %sign3A_54 = arith.subi %sign3A_49, %sign3A_53 : vector<16xi32>
    %sign3A_55 = arith.constant 0 : i32
    %sign3A_56 = arith.cmpi sgt, %jit3A_43, %sign3A_55 : i32
    %sign3A_57 = arith.extui %sign3A_56 : i1 to i32
    %sign3A_58 = arith.constant 0 : i32
    %sign3A_59 = arith.cmpi slt, %jit3A_43, %sign3A_58 : i32
    %sign3A_60 = arith.extui %sign3A_59 : i1 to i32
    %sign3A_61 = arith.subi %sign3A_57, %sign3A_60 : i32
    %ne3A_62 = vector.broadcast %sign3A_61 : i32 to vector<16xi32>
    %ne3A_63 = arith.cmpi ne, %sign3A_54, %ne3A_62 : vector<16xi32>
    %rem3A_64 = vector.broadcast %jit3A_43 : i32 to vector<16xi32>
    %rem3A_65 = arith.remsi %sub3A_42, %rem3A_64 : vector<16xi32>
    %ne3A_66 = arith.constant 0 : i32
    %ne3A_67 = vector.broadcast %ne3A_66 : i32 to vector<16xi32>
    %ne3A_68 = arith.cmpi ne, %rem3A_65, %ne3A_67 : vector<16xi32>
    %and3A_69 = arith.andi %ne3A_63, %ne3A_68 : vector<16xi1>
    %sub3A_70 = arith.constant 1 : i32
    %sub3A_71 = vector.broadcast %sub3A_70 : i32 to vector<16xi32>
    %sub3A_72 = arith.subi %div3A_45, %sub3A_71 : vector<16xi32>
    %select_n3A_73 = arith.select %and3A_69, %sub3A_72, %div3A_45 : vector<16xi1>, vector<16xi32>
    %mul3A_74 = arith.constant 8 : i32
    %mul3A_75 = vector.broadcast %mul3A_74 : i32 to vector<16xi32>
    %mul3A_76 = arith.muli %select_n3A_73, %mul3A_75 : vector<16xi32>
    %sub3A_77 = arith.subi %sub3A_42, %mul3A_76 : vector<16xi32>
    %add3A_78 = arith.constant 16 : i32
    %add3A_79 = vector.broadcast %add3A_78 : i32 to vector<16xi32>
    %add3A_80 = arith.addi %add3A_79, %iota3A : vector<16xi32>
    %jit3A_81 = arith.constant 20 : i32
    %div3A_82 = vector.broadcast %jit3A_81 : i32 to vector<16xi32>
    %div3A_83 = arith.divsi %add3A_80, %div3A_82 : vector<16xi32>
    %sign3A_84 = arith.constant 0 : i32
    %sign3A_85 = vector.broadcast %sign3A_84 : i32 to vector<16xi32>
    %sign3A_86 = arith.cmpi sgt, %add3A_80, %sign3A_85 : vector<16xi32>
    %sign3A_87 = arith.extui %sign3A_86 : vector<16xi1> to vector<16xi32>
    %sign3A_88 = arith.constant 0 : i32
    %sign3A_89 = vector.broadcast %sign3A_88 : i32 to vector<16xi32>
    %sign3A_90 = arith.cmpi slt, %add3A_80, %sign3A_89 : vector<16xi32>
    %sign3A_91 = arith.extui %sign3A_90 : vector<16xi1> to vector<16xi32>
    %sign3A_92 = arith.subi %sign3A_87, %sign3A_91 : vector<16xi32>
    %sign3A_93 = arith.constant 0 : i32
    %sign3A_94 = arith.cmpi sgt, %jit3A_81, %sign3A_93 : i32
    %sign3A_95 = arith.extui %sign3A_94 : i1 to i32
    %sign3A_96 = arith.constant 0 : i32
    %sign3A_97 = arith.cmpi slt, %jit3A_81, %sign3A_96 : i32
    %sign3A_98 = arith.extui %sign3A_97 : i1 to i32
    %sign3A_99 = arith.subi %sign3A_95, %sign3A_98 : i32
    %ne3A_100 = vector.broadcast %sign3A_99 : i32 to vector<16xi32>
    %ne3A_101 = arith.cmpi ne, %sign3A_92, %ne3A_100 : vector<16xi32>
    %rem3A_102 = vector.broadcast %jit3A_81 : i32 to vector<16xi32>
    %rem3A_103 = arith.remsi %add3A_80, %rem3A_102 : vector<16xi32>
    %ne3A_104 = arith.constant 0 : i32
    %ne3A_105 = vector.broadcast %ne3A_104 : i32 to vector<16xi32>
    %ne3A_106 = arith.cmpi ne, %rem3A_103, %ne3A_105 : vector<16xi32>
    %and3A_107 = arith.andi %ne3A_101, %ne3A_106 : vector<16xi1>
    %sub3A_108 = arith.constant 1 : i32
    %sub3A_109 = vector.broadcast %sub3A_108 : i32 to vector<16xi32>
    %sub3A_110 = arith.subi %div3A_83, %sub3A_109 : vector<16xi32>
    %select_n3A_111 = arith.select %and3A_107, %sub3A_110, %div3A_83 : vector<16xi1>, vector<16xi32>
    %mul3A_112 = arith.constant 20 : i32
    %mul3A_113 = vector.broadcast %mul3A_112 : i32 to vector<16xi32>
    %mul3A_114 = arith.muli %select_n3A_111, %mul3A_113 : vector<16xi32>
    %sub3A_115 = arith.subi %add3A_80, %mul3A_114 : vector<16xi32>
    %jit3A_116 = arith.constant 8 : i32
    %div3A_117 = vector.broadcast %jit3A_116 : i32 to vector<16xi32>
    %div3A_118 = arith.divsi %sub3A_115, %div3A_117 : vector<16xi32>
    %sign3A_119 = arith.constant 0 : i32
    %sign3A_120 = vector.broadcast %sign3A_119 : i32 to vector<16xi32>
    %sign3A_121 = arith.cmpi sgt, %sub3A_115, %sign3A_120 : vector<16xi32>
    %sign3A_122 = arith.extui %sign3A_121 : vector<16xi1> to vector<16xi32>
    %sign3A_123 = arith.constant 0 : i32
    %sign3A_124 = vector.broadcast %sign3A_123 : i32 to vector<16xi32>
    %sign3A_125 = arith.cmpi slt, %sub3A_115, %sign3A_124 : vector<16xi32>
    %sign3A_126 = arith.extui %sign3A_125 : vector<16xi1> to vector<16xi32>
    %sign3A_127 = arith.subi %sign3A_122, %sign3A_126 : vector<16xi32>
    %sign3A_128 = arith.constant 0 : i32
    %sign3A_129 = arith.cmpi sgt, %jit3A_116, %sign3A_128 : i32
    %sign3A_130 = arith.extui %sign3A_129 : i1 to i32
    %sign3A_131 = arith.constant 0 : i32
    %sign3A_132 = arith.cmpi slt, %jit3A_116, %sign3A_131 : i32
    %sign3A_133 = arith.extui %sign3A_132 : i1 to i32
    %sign3A_134 = arith.subi %sign3A_130, %sign3A_133 : i32
    %ne3A_135 = vector.broadcast %sign3A_134 : i32 to vector<16xi32>
    %ne3A_136 = arith.cmpi ne, %sign3A_127, %ne3A_135 : vector<16xi32>
    %rem3A_137 = vector.broadcast %jit3A_116 : i32 to vector<16xi32>
    %rem3A_138 = arith.remsi %sub3A_115, %rem3A_137 : vector<16xi32>
    %ne3A_139 = arith.constant 0 : i32
    %ne3A_140 = vector.broadcast %ne3A_139 : i32 to vector<16xi32>
    %ne3A_141 = arith.cmpi ne, %rem3A_138, %ne3A_140 : vector<16xi32>
    %and3A_142 = arith.andi %ne3A_136, %ne3A_141 : vector<16xi1>
    %sub3A_143 = arith.constant 1 : i32
    %sub3A_144 = vector.broadcast %sub3A_143 : i32 to vector<16xi32>
    %sub3A_145 = arith.subi %div3A_118, %sub3A_144 : vector<16xi32>
    %select_n3A_146 = arith.select %and3A_142, %sub3A_145, %div3A_118 : vector<16xi1>, vector<16xi32>
    %mul3A_147 = arith.constant 8 : i32
    %mul3A_148 = vector.broadcast %mul3A_147 : i32 to vector<16xi32>
    %mul3A_149 = arith.muli %select_n3A_146, %mul3A_148 : vector<16xi32>
    %sub3A_150 = arith.subi %sub3A_115, %mul3A_149 : vector<16xi32>
    %add3A_151 = arith.constant 32 : i32
    %add3A_152 = vector.broadcast %add3A_151 : i32 to vector<16xi32>
    %add3A_153 = arith.addi %add3A_152, %iota3A : vector<16xi32>
    %jit3A_154 = arith.constant 20 : i32
    %div3A_155 = vector.broadcast %jit3A_154 : i32 to vector<16xi32>
    %div3A_156 = arith.divsi %add3A_153, %div3A_155 : vector<16xi32>
    %sign3A_157 = arith.constant 0 : i32
    %sign3A_158 = vector.broadcast %sign3A_157 : i32 to vector<16xi32>
    %sign3A_159 = arith.cmpi sgt, %add3A_153, %sign3A_158 : vector<16xi32>
    %sign3A_160 = arith.extui %sign3A_159 : vector<16xi1> to vector<16xi32>
    %sign3A_161 = arith.constant 0 : i32
    %sign3A_162 = vector.broadcast %sign3A_161 : i32 to vector<16xi32>
    %sign3A_163 = arith.cmpi slt, %add3A_153, %sign3A_162 : vector<16xi32>
    %sign3A_164 = arith.extui %sign3A_163 : vector<16xi1> to vector<16xi32>
    %sign3A_165 = arith.subi %sign3A_160, %sign3A_164 : vector<16xi32>
    %sign3A_166 = arith.constant 0 : i32
    %sign3A_167 = arith.cmpi sgt, %jit3A_154, %sign3A_166 : i32
    %sign3A_168 = arith.extui %sign3A_167 : i1 to i32
    %sign3A_169 = arith.constant 0 : i32
    %sign3A_170 = arith.cmpi slt, %jit3A_154, %sign3A_169 : i32
    %sign3A_171 = arith.extui %sign3A_170 : i1 to i32
    %sign3A_172 = arith.subi %sign3A_168, %sign3A_171 : i32
    %ne3A_173 = vector.broadcast %sign3A_172 : i32 to vector<16xi32>
    %ne3A_174 = arith.cmpi ne, %sign3A_165, %ne3A_173 : vector<16xi32>
    %rem3A_175 = vector.broadcast %jit3A_154 : i32 to vector<16xi32>
    %rem3A_176 = arith.remsi %add3A_153, %rem3A_175 : vector<16xi32>
    %ne3A_177 = arith.constant 0 : i32
    %ne3A_178 = vector.broadcast %ne3A_177 : i32 to vector<16xi32>
    %ne3A_179 = arith.cmpi ne, %rem3A_176, %ne3A_178 : vector<16xi32>
    %and3A_180 = arith.andi %ne3A_174, %ne3A_179 : vector<16xi1>
    %sub3A_181 = arith.constant 1 : i32
    %sub3A_182 = vector.broadcast %sub3A_181 : i32 to vector<16xi32>
    %sub3A_183 = arith.subi %div3A_156, %sub3A_182 : vector<16xi32>
    %select_n3A_184 = arith.select %and3A_180, %sub3A_183, %div3A_156 : vector<16xi1>, vector<16xi32>
    %mul3A_185 = arith.constant 20 : i32
    %mul3A_186 = vector.broadcast %mul3A_185 : i32 to vector<16xi32>
    %mul3A_187 = arith.muli %select_n3A_184, %mul3A_186 : vector<16xi32>
    %sub3A_188 = arith.subi %add3A_153, %mul3A_187 : vector<16xi32>
    %jit3A_189 = arith.constant 8 : i32
    %div3A_190 = vector.broadcast %jit3A_189 : i32 to vector<16xi32>
    %div3A_191 = arith.divsi %sub3A_188, %div3A_190 : vector<16xi32>
    %sign3A_192 = arith.constant 0 : i32
    %sign3A_193 = vector.broadcast %sign3A_192 : i32 to vector<16xi32>
    %sign3A_194 = arith.cmpi sgt, %sub3A_188, %sign3A_193 : vector<16xi32>
    %sign3A_195 = arith.extui %sign3A_194 : vector<16xi1> to vector<16xi32>
    %sign3A_196 = arith.constant 0 : i32
    %sign3A_197 = vector.broadcast %sign3A_196 : i32 to vector<16xi32>
    %sign3A_198 = arith.cmpi slt, %sub3A_188, %sign3A_197 : vector<16xi32>
    %sign3A_199 = arith.extui %sign3A_198 : vector<16xi1> to vector<16xi32>
    %sign3A_200 = arith.subi %sign3A_195, %sign3A_199 : vector<16xi32>
    %sign3A_201 = arith.constant 0 : i32
    %sign3A_202 = arith.cmpi sgt, %jit3A_189, %sign3A_201 : i32
    %sign3A_203 = arith.extui %sign3A_202 : i1 to i32
    %sign3A_204 = arith.constant 0 : i32
    %sign3A_205 = arith.cmpi slt, %jit3A_189, %sign3A_204 : i32
    %sign3A_206 = arith.extui %sign3A_205 : i1 to i32
    %sign3A_207 = arith.subi %sign3A_203, %sign3A_206 : i32
    %ne3A_208 = vector.broadcast %sign3A_207 : i32 to vector<16xi32>
    %ne3A_209 = arith.cmpi ne, %sign3A_200, %ne3A_208 : vector<16xi32>
    %rem3A_210 = vector.broadcast %jit3A_189 : i32 to vector<16xi32>
    %rem3A_211 = arith.remsi %sub3A_188, %rem3A_210 : vector<16xi32>
    %ne3A_212 = arith.constant 0 : i32
    %ne3A_213 = vector.broadcast %ne3A_212 : i32 to vector<16xi32>
    %ne3A_214 = arith.cmpi ne, %rem3A_211, %ne3A_213 : vector<16xi32>
    %and3A_215 = arith.andi %ne3A_209, %ne3A_214 : vector<16xi1>
    %sub3A_216 = arith.constant 1 : i32
    %sub3A_217 = vector.broadcast %sub3A_216 : i32 to vector<16xi32>
    %sub3A_218 = arith.subi %div3A_191, %sub3A_217 : vector<16xi32>
    %select_n3A_219 = arith.select %and3A_215, %sub3A_218, %div3A_191 : vector<16xi1>, vector<16xi32>
    %mul3A_220 = arith.constant 8 : i32
    %mul3A_221 = vector.broadcast %mul3A_220 : i32 to vector<16xi32>
    %mul3A_222 = arith.muli %select_n3A_219, %mul3A_221 : vector<16xi32>
    %sub3A_223 = arith.subi %sub3A_188, %mul3A_222 : vector<16xi32>
    %add3A_224 = arith.constant 48 : i32
    %add3A_225 = vector.broadcast %add3A_224 : i32 to vector<16xi32>
    %add3A_226 = arith.addi %add3A_225, %iota3A : vector<16xi32>
    %jit3A_227 = arith.constant 20 : i32
    %div3A_228 = vector.broadcast %jit3A_227 : i32 to vector<16xi32>
    %div3A_229 = arith.divsi %add3A_226, %div3A_228 : vector<16xi32>
    %sign3A_230 = arith.constant 0 : i32
    %sign3A_231 = vector.broadcast %sign3A_230 : i32 to vector<16xi32>
    %sign3A_232 = arith.cmpi sgt, %add3A_226, %sign3A_231 : vector<16xi32>
    %sign3A_233 = arith.extui %sign3A_232 : vector<16xi1> to vector<16xi32>
    %sign3A_234 = arith.constant 0 : i32
    %sign3A_235 = vector.broadcast %sign3A_234 : i32 to vector<16xi32>
    %sign3A_236 = arith.cmpi slt, %add3A_226, %sign3A_235 : vector<16xi32>
    %sign3A_237 = arith.extui %sign3A_236 : vector<16xi1> to vector<16xi32>
    %sign3A_238 = arith.subi %sign3A_233, %sign3A_237 : vector<16xi32>
    %sign3A_239 = arith.constant 0 : i32
    %sign3A_240 = arith.cmpi sgt, %jit3A_227, %sign3A_239 : i32
    %sign3A_241 = arith.extui %sign3A_240 : i1 to i32
    %sign3A_242 = arith.constant 0 : i32
    %sign3A_243 = arith.cmpi slt, %jit3A_227, %sign3A_242 : i32
    %sign3A_244 = arith.extui %sign3A_243 : i1 to i32
    %sign3A_245 = arith.subi %sign3A_241, %sign3A_244 : i32
    %ne3A_246 = vector.broadcast %sign3A_245 : i32 to vector<16xi32>
    %ne3A_247 = arith.cmpi ne, %sign3A_238, %ne3A_246 : vector<16xi32>
    %rem3A_248 = vector.broadcast %jit3A_227 : i32 to vector<16xi32>
    %rem3A_249 = arith.remsi %add3A_226, %rem3A_248 : vector<16xi32>
    %ne3A_250 = arith.constant 0 : i32
    %ne3A_251 = vector.broadcast %ne3A_250 : i32 to vector<16xi32>
    %ne3A_252 = arith.cmpi ne, %rem3A_249, %ne3A_251 : vector<16xi32>
    %and3A_253 = arith.andi %ne3A_247, %ne3A_252 : vector<16xi1>
    %sub3A_254 = arith.constant 1 : i32
    %sub3A_255 = vector.broadcast %sub3A_254 : i32 to vector<16xi32>
    %sub3A_256 = arith.subi %div3A_229, %sub3A_255 : vector<16xi32>
    %select_n3A_257 = arith.select %and3A_253, %sub3A_256, %div3A_229 : vector<16xi1>, vector<16xi32>
    %mul3A_258 = arith.constant 20 : i32
    %mul3A_259 = vector.broadcast %mul3A_258 : i32 to vector<16xi32>
    %mul3A_260 = arith.muli %select_n3A_257, %mul3A_259 : vector<16xi32>
    %sub3A_261 = arith.subi %add3A_226, %mul3A_260 : vector<16xi32>
    %jit3A_262 = arith.constant 8 : i32
    %div3A_263 = vector.broadcast %jit3A_262 : i32 to vector<16xi32>
    %div3A_264 = arith.divsi %sub3A_261, %div3A_263 : vector<16xi32>
    %sign3A_265 = arith.constant 0 : i32
    %sign3A_266 = vector.broadcast %sign3A_265 : i32 to vector<16xi32>
    %sign3A_267 = arith.cmpi sgt, %sub3A_261, %sign3A_266 : vector<16xi32>
    %sign3A_268 = arith.extui %sign3A_267 : vector<16xi1> to vector<16xi32>
    %sign3A_269 = arith.constant 0 : i32
    %sign3A_270 = vector.broadcast %sign3A_269 : i32 to vector<16xi32>
    %sign3A_271 = arith.cmpi slt, %sub3A_261, %sign3A_270 : vector<16xi32>
    %sign3A_272 = arith.extui %sign3A_271 : vector<16xi1> to vector<16xi32>
    %sign3A_273 = arith.subi %sign3A_268, %sign3A_272 : vector<16xi32>
    %sign3A_274 = arith.constant 0 : i32
    %sign3A_275 = arith.cmpi sgt, %jit3A_262, %sign3A_274 : i32
    %sign3A_276 = arith.extui %sign3A_275 : i1 to i32
    %sign3A_277 = arith.constant 0 : i32
    %sign3A_278 = arith.cmpi slt, %jit3A_262, %sign3A_277 : i32
    %sign3A_279 = arith.extui %sign3A_278 : i1 to i32
    %sign3A_280 = arith.subi %sign3A_276, %sign3A_279 : i32
    %ne3A_281 = vector.broadcast %sign3A_280 : i32 to vector<16xi32>
    %ne3A_282 = arith.cmpi ne, %sign3A_273, %ne3A_281 : vector<16xi32>
    %rem3A_283 = vector.broadcast %jit3A_262 : i32 to vector<16xi32>
    %rem3A_284 = arith.remsi %sub3A_261, %rem3A_283 : vector<16xi32>
    %ne3A_285 = arith.constant 0 : i32
    %ne3A_286 = vector.broadcast %ne3A_285 : i32 to vector<16xi32>
    %ne3A_287 = arith.cmpi ne, %rem3A_284, %ne3A_286 : vector<16xi32>
    %and3A_288 = arith.andi %ne3A_282, %ne3A_287 : vector<16xi1>
    %sub3A_289 = arith.constant 1 : i32
    %sub3A_290 = vector.broadcast %sub3A_289 : i32 to vector<16xi32>
    %sub3A_291 = arith.subi %div3A_264, %sub3A_290 : vector<16xi32>
    %select_n3A_292 = arith.select %and3A_288, %sub3A_291, %div3A_264 : vector<16xi1>, vector<16xi32>
    %mul3A_293 = arith.constant 8 : i32
    %mul3A_294 = vector.broadcast %mul3A_293 : i32 to vector<16xi32>
    %mul3A_295 = arith.muli %select_n3A_292, %mul3A_294 : vector<16xi32>
    %sub3A_296 = arith.subi %sub3A_261, %mul3A_295 : vector<16xi32>
    %add3A_297 = arith.constant 64 : i32
    %add3A_298 = vector.broadcast %add3A_297 : i32 to vector<16xi32>
    %add3A_299 = arith.addi %add3A_298, %iota3A : vector<16xi32>
    %jit3A_300 = arith.constant 20 : i32
    %div3A_301 = vector.broadcast %jit3A_300 : i32 to vector<16xi32>
    %div3A_302 = arith.divsi %add3A_299, %div3A_301 : vector<16xi32>
    %sign3A_303 = arith.constant 0 : i32
    %sign3A_304 = vector.broadcast %sign3A_303 : i32 to vector<16xi32>
    %sign3A_305 = arith.cmpi sgt, %add3A_299, %sign3A_304 : vector<16xi32>
    %sign3A_306 = arith.extui %sign3A_305 : vector<16xi1> to vector<16xi32>
    %sign3A_307 = arith.constant 0 : i32
    %sign3A_308 = vector.broadcast %sign3A_307 : i32 to vector<16xi32>
    %sign3A_309 = arith.cmpi slt, %add3A_299, %sign3A_308 : vector<16xi32>
    %sign3A_310 = arith.extui %sign3A_309 : vector<16xi1> to vector<16xi32>
    %sign3A_311 = arith.subi %sign3A_306, %sign3A_310 : vector<16xi32>
    %sign3A_312 = arith.constant 0 : i32
    %sign3A_313 = arith.cmpi sgt, %jit3A_300, %sign3A_312 : i32
    %sign3A_314 = arith.extui %sign3A_313 : i1 to i32
    %sign3A_315 = arith.constant 0 : i32
    %sign3A_316 = arith.cmpi slt, %jit3A_300, %sign3A_315 : i32
    %sign3A_317 = arith.extui %sign3A_316 : i1 to i32
    %sign3A_318 = arith.subi %sign3A_314, %sign3A_317 : i32
    %ne3A_319 = vector.broadcast %sign3A_318 : i32 to vector<16xi32>
    %ne3A_320 = arith.cmpi ne, %sign3A_311, %ne3A_319 : vector<16xi32>
    %rem3A_321 = vector.broadcast %jit3A_300 : i32 to vector<16xi32>
    %rem3A_322 = arith.remsi %add3A_299, %rem3A_321 : vector<16xi32>
    %ne3A_323 = arith.constant 0 : i32
    %ne3A_324 = vector.broadcast %ne3A_323 : i32 to vector<16xi32>
    %ne3A_325 = arith.cmpi ne, %rem3A_322, %ne3A_324 : vector<16xi32>
    %and3A_326 = arith.andi %ne3A_320, %ne3A_325 : vector<16xi1>
    %sub3A_327 = arith.constant 1 : i32
    %sub3A_328 = vector.broadcast %sub3A_327 : i32 to vector<16xi32>
    %sub3A_329 = arith.subi %div3A_302, %sub3A_328 : vector<16xi32>
    %select_n3A_330 = arith.select %and3A_326, %sub3A_329, %div3A_302 : vector<16xi1>, vector<16xi32>
    %mul3A_331 = arith.constant 20 : i32
    %mul3A_332 = vector.broadcast %mul3A_331 : i32 to vector<16xi32>
    %mul3A_333 = arith.muli %select_n3A_330, %mul3A_332 : vector<16xi32>
    %sub3A_334 = arith.subi %add3A_299, %mul3A_333 : vector<16xi32>
    %jit3A_335 = arith.constant 8 : i32
    %div3A_336 = vector.broadcast %jit3A_335 : i32 to vector<16xi32>
    %div3A_337 = arith.divsi %sub3A_334, %div3A_336 : vector<16xi32>
    %sign3A_338 = arith.constant 0 : i32
    %sign3A_339 = vector.broadcast %sign3A_338 : i32 to vector<16xi32>
    %sign3A_340 = arith.cmpi sgt, %sub3A_334, %sign3A_339 : vector<16xi32>
    %sign3A_341 = arith.extui %sign3A_340 : vector<16xi1> to vector<16xi32>
    %sign3A_342 = arith.constant 0 : i32
    %sign3A_343 = vector.broadcast %sign3A_342 : i32 to vector<16xi32>
    %sign3A_344 = arith.cmpi slt, %sub3A_334, %sign3A_343 : vector<16xi32>
    %sign3A_345 = arith.extui %sign3A_344 : vector<16xi1> to vector<16xi32>
    %sign3A_346 = arith.subi %sign3A_341, %sign3A_345 : vector<16xi32>
    %sign3A_347 = arith.constant 0 : i32
    %sign3A_348 = arith.cmpi sgt, %jit3A_335, %sign3A_347 : i32
    %sign3A_349 = arith.extui %sign3A_348 : i1 to i32
    %sign3A_350 = arith.constant 0 : i32
    %sign3A_351 = arith.cmpi slt, %jit3A_335, %sign3A_350 : i32
    %sign3A_352 = arith.extui %sign3A_351 : i1 to i32
    %sign3A_353 = arith.subi %sign3A_349, %sign3A_352 : i32
    %ne3A_354 = vector.broadcast %sign3A_353 : i32 to vector<16xi32>
    %ne3A_355 = arith.cmpi ne, %sign3A_346, %ne3A_354 : vector<16xi32>
    %rem3A_356 = vector.broadcast %jit3A_335 : i32 to vector<16xi32>
    %rem3A_357 = arith.remsi %sub3A_334, %rem3A_356 : vector<16xi32>
    %ne3A_358 = arith.constant 0 : i32
    %ne3A_359 = vector.broadcast %ne3A_358 : i32 to vector<16xi32>
    %ne3A_360 = arith.cmpi ne, %rem3A_357, %ne3A_359 : vector<16xi32>
    %and3A_361 = arith.andi %ne3A_355, %ne3A_360 : vector<16xi1>
    %sub3A_362 = arith.constant 1 : i32
    %sub3A_363 = vector.broadcast %sub3A_362 : i32 to vector<16xi32>
    %sub3A_364 = arith.subi %div3A_337, %sub3A_363 : vector<16xi32>
    %select_n3A_365 = arith.select %and3A_361, %sub3A_364, %div3A_337 : vector<16xi1>, vector<16xi32>
    %mul3A_366 = arith.constant 8 : i32
    %mul3A_367 = vector.broadcast %mul3A_366 : i32 to vector<16xi32>
    %mul3A_368 = arith.muli %select_n3A_365, %mul3A_367 : vector<16xi32>
    %sub3A_369 = arith.subi %sub3A_334, %mul3A_368 : vector<16xi32>
    %add3A_370 = arith.constant 0 : i32
    %add3A_371 = arith.addi %sub3A_7, %add3A_370 : i32
    %dma_start3A = arith.constant 0 : i32
    %dma_start3A_372 = tpu.memref_slice %arg4[%add3A_371, %dma_start3A] : memref<25000x128xi32, #tpu.memory_space<hbm>> -> memref<4x128xi32, #tpu.memory_space<hbm>>
    %dma_start3A_373 = arith.constant 0 : i32
    %dma_start3A_374 = tpu.memref_slice %arg4[%add3A_371, %dma_start3A_373] : memref<25000x128xi32, #tpu.memory_space<hbm>> -> memref<4x128xi32, #tpu.memory_space<hbm>>
    tpu.enqueue_dma source(%dma_start3A_374 : memref<4x128xi32, #tpu.memory_space<hbm>>) target(%arg7 : memref<4x128xi32, #tpu.memory_space<vmem>>) target_semaphore(%arg19 : memref<!tpu.dma_semaphore, #tpu.memory_space<semaphore_mem>>)
    %dma_start3A_375 = arith.constant 0 : i32
    %dma_start3A_376 = tpu.memref_slice %arg5[%add3A_371, %dma_start3A_375] : memref<25000x128xi32, #tpu.memory_space<hbm>> -> memref<4x128xi32, #tpu.memory_space<hbm>>
    %dma_start3A_377 = arith.constant 0 : i32
    %dma_start3A_378 = tpu.memref_slice %arg5[%add3A_371, %dma_start3A_377] : memref<25000x128xi32, #tpu.memory_space<hbm>> -> memref<4x128xi32, #tpu.memory_space<hbm>>
    tpu.enqueue_dma source(%dma_start3A_378 : memref<4x128xi32, #tpu.memory_space<hbm>>) target(%arg8 : memref<4x128xi32, #tpu.memory_space<vmem>>) target_semaphore(%arg19 : memref<!tpu.dma_semaphore, #tpu.memory_space<semaphore_mem>>)
    %dma_wait3A = arith.constant 0 : i32
    %dma_wait3A_379 = arith.constant 0 : i32
    %dma_wait3A_380 = tpu.memref_slice %arg4[%dma_wait3A, %dma_wait3A_379] : memref<25000x128xi32, #tpu.memory_space<hbm>> -> memref<4x128xi32, #tpu.memory_space<hbm>>
    %dma_wait3A_381 = arith.constant 0 : i32
    %dma_wait3A_382 = arith.constant 0 : i32
    %dma_wait3A_383 = tpu.memref_slice %arg4[%dma_wait3A_381, %dma_wait3A_382] : memref<25000x128xi32, #tpu.memory_space<hbm>> -> memref<4x128xi32, #tpu.memory_space<hbm>>
    tpu.wait_dma2 semaphore(%arg19 : memref<!tpu.dma_semaphore, #tpu.memory_space<semaphore_mem>>) src(%dma_wait3A_383 : memref<4x128xi32, #tpu.memory_space<hbm>>) dst(%arg7 : memref<4x128xi32, #tpu.memory_space<vmem>>)
    %dma_wait3A_384 = arith.constant 0 : i32
    %dma_wait3A_385 = arith.constant 0 : i32
    %dma_wait3A_386 = tpu.memref_slice %arg5[%dma_wait3A_384, %dma_wait3A_385] : memref<25000x128xi32, #tpu.memory_space<hbm>> -> memref<4x128xi32, #tpu.memory_space<hbm>>
    %dma_wait3A_387 = arith.constant 0 : i32
    %dma_wait3A_388 = arith.constant 0 : i32
    %dma_wait3A_389 = tpu.memref_slice %arg5[%dma_wait3A_387, %dma_wait3A_388] : memref<25000x128xi32, #tpu.memory_space<hbm>> -> memref<4x128xi32, #tpu.memory_space<hbm>>
    tpu.wait_dma2 semaphore(%arg19 : memref<!tpu.dma_semaphore, #tpu.memory_space<semaphore_mem>>) src(%dma_wait3A_389 : memref<4x128xi32, #tpu.memory_space<hbm>>) dst(%arg8 : memref<4x128xi32, #tpu.memory_space<vmem>>)
    %dma_start3A_390 = arith.constant 0 : i32
    %dma_start3A_391 = arith.constant 0 : i32
    %dma_start3A_392 = arith.constant 0 : i32
    %dma_start3A_393 = arith.constant 0 : i32
    %dma_start3A_394 = tpu.memref_slice %arg9[%dma_start3A_391, %dma_start3A_392, %dma_start3A_393] : memref<4x128x24xf32, #tpu.memory_space<vmem>> -> memref<1x128x24xf32, #tpu.memory_space<vmem>>
    %dma_start3A_395 = tpu.memref_squeeze %dma_start3A_394 : memref<1x128x24xf32, #tpu.memory_space<vmem>> -> memref<128x24xf32, #tpu.memory_space<vmem>>
    %dma_start3A_396 = arith.constant 0 : i32
    %dma_start3A_397 = tpu.memref_slice %arg7[%dma_start3A_390, %dma_start3A_396] : memref<4x128xi32, #tpu.memory_space<vmem>> -> memref<1x128xi32, #tpu.memory_space<vmem>>
    %dma_start3A_398 = tpu.memref_squeeze %dma_start3A_397 : memref<1x128xi32, #tpu.memory_space<vmem>> -> memref<128xi32, #tpu.memory_space<vmem>>
    %dma_start3A_399 = arith.constant 0 : i32
    %dma_start3A_400 = arith.constant 0 : i32
    %dma_start3A_401 = tpu.memref_slice %arg2[%dma_start3A_399, %dma_start3A_400] : memref<100000x24xf32, #tpu.memory_space<hbm>> -> memref<100000x24xf32, #tpu.memory_space<hbm>>
    tpu.enqueue_indirect_dma source(%dma_start3A_401 : memref<100000x24xf32, #tpu.memory_space<hbm>>) target(%dma_start3A_395 : memref<128x24xf32, #tpu.memory_space<vmem>>) offsets(%dma_start3A_398 : memref<128xi32, #tpu.memory_space<vmem>>) semaphore(%arg17 : memref<!tpu.dma_semaphore, #tpu.memory_space<semaphore_mem>>)
    %dma_start3A_402 = arith.constant 0 : i32
    %dma_start3A_403 = arith.constant 0 : i32
    %dma_start3A_404 = arith.constant 0 : i32
    %dma_start3A_405 = arith.constant 0 : i32
    %dma_start3A_406 = tpu.memref_slice %arg10[%dma_start3A_403, %dma_start3A_404, %dma_start3A_405] : memref<4x128x24xf32, #tpu.memory_space<vmem>> -> memref<1x128x24xf32, #tpu.memory_space<vmem>>
    %dma_start3A_407 = tpu.memref_squeeze %dma_start3A_406 : memref<1x128x24xf32, #tpu.memory_space<vmem>> -> memref<128x24xf32, #tpu.memory_space<vmem>>
    %dma_start3A_408 = arith.constant 0 : i32
    %dma_start3A_409 = tpu.memref_slice %arg8[%dma_start3A_402, %dma_start3A_408] : memref<4x128xi32, #tpu.memory_space<vmem>> -> memref<1x128xi32, #tpu.memory_space<vmem>>
    %dma_start3A_410 = tpu.memref_squeeze %dma_start3A_409 : memref<1x128xi32, #tpu.memory_space<vmem>> -> memref<128xi32, #tpu.memory_space<vmem>>
    %dma_start3A_411 = arith.constant 0 : i32
    %dma_start3A_412 = arith.constant 0 : i32
    %dma_start3A_413 = tpu.memref_slice %arg3[%dma_start3A_411, %dma_start3A_412] : memref<100000x24xf32, #tpu.memory_space<hbm>> -> memref<100000x24xf32, #tpu.memory_space<hbm>>
    tpu.enqueue_indirect_dma source(%dma_start3A_413 : memref<100000x24xf32, #tpu.memory_space<hbm>>) target(%dma_start3A_407 : memref<128x24xf32, #tpu.memory_space<vmem>>) offsets(%dma_start3A_410 : memref<128xi32, #tpu.memory_space<vmem>>) semaphore(%arg18 : memref<!tpu.dma_semaphore, #tpu.memory_space<semaphore_mem>>)
    %dma_start3A_414 = arith.constant 1 : i32
    %dma_start3A_415 = arith.constant 1 : i32
    %dma_start3A_416 = arith.constant 0 : i32
    %dma_start3A_417 = arith.constant 0 : i32
    %dma_start3A_418 = tpu.memref_slice %arg9[%dma_start3A_415, %dma_start3A_416, %dma_start3A_417] : memref<4x128x24xf32, #tpu.memory_space<vmem>> -> memref<1x128x24xf32, #tpu.memory_space<vmem>>
    %dma_start3A_419 = tpu.memref_squeeze %dma_start3A_418 : memref<1x128x24xf32, #tpu.memory_space<vmem>> -> memref<128x24xf32, #tpu.memory_space<vmem>>
    %dma_start3A_420 = arith.constant 0 : i32
    %dma_start3A_421 = tpu.memref_slice %arg7[%dma_start3A_414, %dma_start3A_420] : memref<4x128xi32, #tpu.memory_space<vmem>> -> memref<1x128xi32, #tpu.memory_space<vmem>>
    %dma_start3A_422 = tpu.memref_squeeze %dma_start3A_421 : memref<1x128xi32, #tpu.memory_space<vmem>> -> memref<128xi32, #tpu.memory_space<vmem>>
    %dma_start3A_423 = arith.constant 0 : i32
    %dma_start3A_424 = arith.constant 0 : i32
    %dma_start3A_425 = tpu.memref_slice %arg2[%dma_start3A_423, %dma_start3A_424] : memref<100000x24xf32, #tpu.memory_space<hbm>> -> memref<100000x24xf32, #tpu.memory_space<hbm>>
    tpu.enqueue_indirect_dma source(%dma_start3A_425 : memref<100000x24xf32, #tpu.memory_space<hbm>>) target(%dma_start3A_419 : memref<128x24xf32, #tpu.memory_space<vmem>>) offsets(%dma_start3A_422 : memref<128xi32, #tpu.memory_space<vmem>>) semaphore(%arg17 : memref<!tpu.dma_semaphore, #tpu.memory_space<semaphore_mem>>)
    %dma_start3A_426 = arith.constant 1 : i32
    %dma_start3A_427 = arith.constant 1 : i32
    %dma_start3A_428 = arith.constant 0 : i32
    %dma_start3A_429 = arith.constant 0 : i32
    %dma_start3A_430 = tpu.memref_slice %arg10[%dma_start3A_427, %dma_start3A_428, %dma_start3A_429] : memref<4x128x24xf32, #tpu.memory_space<vmem>> -> memref<1x128x24xf32, #tpu.memory_space<vmem>>
    %dma_start3A_431 = tpu.memref_squeeze %dma_start3A_430 : memref<1x128x24xf32, #tpu.memory_space<vmem>> -> memref<128x24xf32, #tpu.memory_space<vmem>>
    %dma_start3A_432 = arith.constant 0 : i32
    %dma_start3A_433 = tpu.memref_slice %arg8[%dma_start3A_426, %dma_start3A_432] : memref<4x128xi32, #tpu.memory_space<vmem>> -> memref<1x128xi32, #tpu.memory_space<vmem>>
    %dma_start3A_434 = tpu.memref_squeeze %dma_start3A_433 : memref<1x128xi32, #tpu.memory_space<vmem>> -> memref<128xi32, #tpu.memory_space<vmem>>
    %dma_start3A_435 = arith.constant 0 : i32
    %dma_start3A_436 = arith.constant 0 : i32
    %dma_start3A_437 = tpu.memref_slice %arg3[%dma_start3A_435, %dma_start3A_436] : memref<100000x24xf32, #tpu.memory_space<hbm>> -> memref<100000x24xf32, #tpu.memory_space<hbm>>
    tpu.enqueue_indirect_dma source(%dma_start3A_437 : memref<100000x24xf32, #tpu.memory_space<hbm>>) target(%dma_start3A_431 : memref<128x24xf32, #tpu.memory_space<vmem>>) offsets(%dma_start3A_434 : memref<128xi32, #tpu.memory_space<vmem>>) semaphore(%arg18 : memref<!tpu.dma_semaphore, #tpu.memory_space<semaphore_mem>>)
    %dma_start3A_438 = arith.constant 2 : i32
    %dma_start3A_439 = arith.constant 2 : i32
    %dma_start3A_440 = arith.constant 0 : i32
    %dma_start3A_441 = arith.constant 0 : i32
    %dma_start3A_442 = tpu.memref_slice %arg9[%dma_start3A_439, %dma_start3A_440, %dma_start3A_441] : memref<4x128x24xf32, #tpu.memory_space<vmem>> -> memref<1x128x24xf32, #tpu.memory_space<vmem>>
    %dma_start3A_443 = tpu.memref_squeeze %dma_start3A_442 : memref<1x128x24xf32, #tpu.memory_space<vmem>> -> memref<128x24xf32, #tpu.memory_space<vmem>>
    %dma_start3A_444 = arith.constant 0 : i32
    %dma_start3A_445 = tpu.memref_slice %arg7[%dma_start3A_438, %dma_start3A_444] : memref<4x128xi32, #tpu.memory_space<vmem>> -> memref<1x128xi32, #tpu.memory_space<vmem>>
    %dma_start3A_446 = tpu.memref_squeeze %dma_start3A_445 : memref<1x128xi32, #tpu.memory_space<vmem>> -> memref<128xi32, #tpu.memory_space<vmem>>
    %dma_start3A_447 = arith.constant 0 : i32
    %dma_start3A_448 = arith.constant 0 : i32
    %dma_start3A_449 = tpu.memref_slice %arg2[%dma_start3A_447, %dma_start3A_448] : memref<100000x24xf32, #tpu.memory_space<hbm>> -> memref<100000x24xf32, #tpu.memory_space<hbm>>
    tpu.enqueue_indirect_dma source(%dma_start3A_449 : memref<100000x24xf32, #tpu.memory_space<hbm>>) target(%dma_start3A_443 : memref<128x24xf32, #tpu.memory_space<vmem>>) offsets(%dma_start3A_446 : memref<128xi32, #tpu.memory_space<vmem>>) semaphore(%arg17 : memref<!tpu.dma_semaphore, #tpu.memory_space<semaphore_mem>>)
    %dma_start3A_450 = arith.constant 2 : i32
    %dma_start3A_451 = arith.constant 2 : i32
    %dma_start3A_452 = arith.constant 0 : i32
    %dma_start3A_453 = arith.constant 0 : i32
    %dma_start3A_454 = tpu.memref_slice %arg10[%dma_start3A_451, %dma_start3A_452, %dma_start3A_453] : memref<4x128x24xf32, #tpu.memory_space<vmem>> -> memref<1x128x24xf32, #tpu.memory_space<vmem>>
    %dma_start3A_455 = tpu.memref_squeeze %dma_start3A_454 : memref<1x128x24xf32, #tpu.memory_space<vmem>> -> memref<128x24xf32, #tpu.memory_space<vmem>>
    %dma_start3A_456 = arith.constant 0 : i32
    %dma_start3A_457 = tpu.memref_slice %arg8[%dma_start3A_450, %dma_start3A_456] : memref<4x128xi32, #tpu.memory_space<vmem>> -> memref<1x128xi32, #tpu.memory_space<vmem>>
    %dma_start3A_458 = tpu.memref_squeeze %dma_start3A_457 : memref<1x128xi32, #tpu.memory_space<vmem>> -> memref<128xi32, #tpu.memory_space<vmem>>
    %dma_start3A_459 = arith.constant 0 : i32
    %dma_start3A_460 = arith.constant 0 : i32
    %dma_start3A_461 = tpu.memref_slice %arg3[%dma_start3A_459, %dma_start3A_460] : memref<100000x24xf32, #tpu.memory_space<hbm>> -> memref<100000x24xf32, #tpu.memory_space<hbm>>
    tpu.enqueue_indirect_dma source(%dma_start3A_461 : memref<100000x24xf32, #tpu.memory_space<hbm>>) target(%dma_start3A_455 : memref<128x24xf32, #tpu.memory_space<vmem>>) offsets(%dma_start3A_458 : memref<128xi32, #tpu.memory_space<vmem>>) semaphore(%arg18 : memref<!tpu.dma_semaphore, #tpu.memory_space<semaphore_mem>>)
    %dma_start3A_462 = arith.constant 3 : i32
    %dma_start3A_463 = arith.constant 3 : i32
    %dma_start3A_464 = arith.constant 0 : i32
    %dma_start3A_465 = arith.constant 0 : i32
    %dma_start3A_466 = tpu.memref_slice %arg9[%dma_start3A_463, %dma_start3A_464, %dma_start3A_465] : memref<4x128x24xf32, #tpu.memory_space<vmem>> -> memref<1x128x24xf32, #tpu.memory_space<vmem>>
    %dma_start3A_467 = tpu.memref_squeeze %dma_start3A_466 : memref<1x128x24xf32, #tpu.memory_space<vmem>> -> memref<128x24xf32, #tpu.memory_space<vmem>>
    %dma_start3A_468 = arith.constant 0 : i32
    %dma_start3A_469 = tpu.memref_slice %arg7[%dma_start3A_462, %dma_start3A_468] : memref<4x128xi32, #tpu.memory_space<vmem>> -> memref<1x128xi32, #tpu.memory_space<vmem>>
    %dma_start3A_470 = tpu.memref_squeeze %dma_start3A_469 : memref<1x128xi32, #tpu.memory_space<vmem>> -> memref<128xi32, #tpu.memory_space<vmem>>
    %dma_start3A_471 = arith.constant 0 : i32
    %dma_start3A_472 = arith.constant 0 : i32
    %dma_start3A_473 = tpu.memref_slice %arg2[%dma_start3A_471, %dma_start3A_472] : memref<100000x24xf32, #tpu.memory_space<hbm>> -> memref<100000x24xf32, #tpu.memory_space<hbm>>
    tpu.enqueue_indirect_dma source(%dma_start3A_473 : memref<100000x24xf32, #tpu.memory_space<hbm>>) target(%dma_start3A_467 : memref<128x24xf32, #tpu.memory_space<vmem>>) offsets(%dma_start3A_470 : memref<128xi32, #tpu.memory_space<vmem>>) semaphore(%arg17 : memref<!tpu.dma_semaphore, #tpu.memory_space<semaphore_mem>>)
    %dma_start3A_474 = arith.constant 3 : i32
    %dma_start3A_475 = arith.constant 3 : i32
    %dma_start3A_476 = arith.constant 0 : i32
    %dma_start3A_477 = arith.constant 0 : i32
    %dma_start3A_478 = tpu.memref_slice %arg10[%dma_start3A_475, %dma_start3A_476, %dma_start3A_477] : memref<4x128x24xf32, #tpu.memory_space<vmem>> -> memref<1x128x24xf32, #tpu.memory_space<vmem>>
    %dma_start3A_479 = tpu.memref_squeeze %dma_start3A_478 : memref<1x128x24xf32, #tpu.memory_space<vmem>> -> memref<128x24xf32, #tpu.memory_space<vmem>>
    %dma_start3A_480 = arith.constant 0 : i32
    %dma_start3A_481 = tpu.memref_slice %arg8[%dma_start3A_474, %dma_start3A_480] : memref<4x128xi32, #tpu.memory_space<vmem>> -> memref<1x128xi32, #tpu.memory_space<vmem>>
    %dma_start3A_482 = tpu.memref_squeeze %dma_start3A_481 : memref<1x128xi32, #tpu.memory_space<vmem>> -> memref<128xi32, #tpu.memory_space<vmem>>
    %dma_start3A_483 = arith.constant 0 : i32
    %dma_start3A_484 = arith.constant 0 : i32
    %dma_start3A_485 = tpu.memref_slice %arg3[%dma_start3A_483, %dma_start3A_484] : memref<100000x24xf32, #tpu.memory_space<hbm>> -> memref<100000x24xf32, #tpu.memory_space<hbm>>
    tpu.enqueue_indirect_dma source(%dma_start3A_485 : memref<100000x24xf32, #tpu.memory_space<hbm>>) target(%dma_start3A_479 : memref<128x24xf32, #tpu.memory_space<vmem>>) offsets(%dma_start3A_482 : memref<128xi32, #tpu.memory_space<vmem>>) semaphore(%arg18 : memref<!tpu.dma_semaphore, #tpu.memory_space<semaphore_mem>>)
    %add3A_486 = arith.constant 4 : i32
    %add3A_487 = arith.addi %sub3A_7, %add3A_486 : i32
    %dma_start3A_488 = arith.constant 0 : i32
    %dma_start3A_489 = tpu.memref_slice %arg4[%add3A_487, %dma_start3A_488] : memref<25000x128xi32, #tpu.memory_space<hbm>> -> memref<4x128xi32, #tpu.memory_space<hbm>>
    %dma_start3A_490 = arith.constant 0 : i32
    %dma_start3A_491 = tpu.memref_slice %arg4[%add3A_487, %dma_start3A_490] : memref<25000x128xi32, #tpu.memory_space<hbm>> -> memref<4x128xi32, #tpu.memory_space<hbm>>
    tpu.enqueue_dma source(%dma_start3A_491 : memref<4x128xi32, #tpu.memory_space<hbm>>) target(%arg12 : memref<4x128xi32, #tpu.memory_space<vmem>>) target_semaphore(%arg23 : memref<!tpu.dma_semaphore, #tpu.memory_space<semaphore_mem>>)
    %dma_start3A_492 = arith.constant 0 : i32
    %dma_start3A_493 = tpu.memref_slice %arg5[%add3A_487, %dma_start3A_492] : memref<25000x128xi32, #tpu.memory_space<hbm>> -> memref<4x128xi32, #tpu.memory_space<hbm>>
    %dma_start3A_494 = arith.constant 0 : i32
    %dma_start3A_495 = tpu.memref_slice %arg5[%add3A_487, %dma_start3A_494] : memref<25000x128xi32, #tpu.memory_space<hbm>> -> memref<4x128xi32, #tpu.memory_space<hbm>>
    tpu.enqueue_dma source(%dma_start3A_495 : memref<4x128xi32, #tpu.memory_space<hbm>>) target(%arg13 : memref<4x128xi32, #tpu.memory_space<vmem>>) target_semaphore(%arg23 : memref<!tpu.dma_semaphore, #tpu.memory_space<semaphore_mem>>)
    %jit3A_496 = arith.constant 2 : i32
    %div3A_497 = arith.divsi %select_n3A, %jit3A_496 : i32
    %sign3A_498 = arith.constant 0 : i32
    %sign3A_499 = arith.cmpi sgt, %select_n3A, %sign3A_498 : i32
    %sign3A_500 = arith.extui %sign3A_499 : i1 to i32
    %sign3A_501 = arith.constant 0 : i32
    %sign3A_502 = arith.cmpi slt, %select_n3A, %sign3A_501 : i32
    %sign3A_503 = arith.extui %sign3A_502 : i1 to i32
    %sign3A_504 = arith.subi %sign3A_500, %sign3A_503 : i32
    %sign3A_505 = arith.constant 0 : i32
    %sign3A_506 = arith.cmpi sgt, %jit3A_496, %sign3A_505 : i32
    %sign3A_507 = arith.extui %sign3A_506 : i1 to i32
    %sign3A_508 = arith.constant 0 : i32
    %sign3A_509 = arith.cmpi slt, %jit3A_496, %sign3A_508 : i32
    %sign3A_510 = arith.extui %sign3A_509 : i1 to i32
    %sign3A_511 = arith.subi %sign3A_507, %sign3A_510 : i32
    %ne3A_512 = arith.cmpi ne, %sign3A_504, %sign3A_511 : i32
    %rem3A_513 = arith.remsi %select_n3A, %jit3A_496 : i32
    %ne3A_514 = arith.constant 0 : i32
    %ne3A_515 = arith.cmpi ne, %rem3A_513, %ne3A_514 : i32
    %and3A_516 = arith.andi %ne3A_512, %ne3A_515 : i1
    %sub3A_517 = arith.constant 1 : i32
    %sub3A_518 = arith.subi %div3A_497, %sub3A_517 : i32
    %select_n3A_519 = arith.select %and3A_516, %sub3A_518, %div3A_497 : i32
    %while3A = arith.constant 0 : i32
    %while3A_520 = arith.constant 0 : i32
    %while3A_521 = arith.subi %select_n3A_519, %while3A : i32
    %while3A_522 = arith.addi %while3A, %while3A_521 : i32
    %while3A_523 = arith.constant 1 : i32
    %while3A_524 = arith.divsi %while3A_521, %while3A_523 : i32
    %while3A_525 = arith.muli %while3A_524, %while3A_523 : i32
    %while3A_526 = arith.addi %while3A, %while3A_525 : i32
    %while3A_527 = arith.constant 1 : i32
    %while3A_528 = scf.for %while3A_663 = %while3A to %while3A_526 step %while3A_527 iter_args(%while3A_664 = %while3A_520) -> (i32)  : i32 {
      %mul3A_665 = arith.constant 2 : i32
      %mul3A_666 = arith.muli %while3A_663, %mul3A_665 : i32
      %dma_wait3A_667 = arith.constant 0 : i32
      %dma_wait3A_668 = arith.constant 0 : i32
      %dma_wait3A_669 = arith.constant 0 : i32
      %dma_wait3A_670 = arith.constant 0 : i32
      %dma_wait3A_671 = tpu.memref_slice %arg9[%dma_wait3A_668, %dma_wait3A_669, %dma_wait3A_670] : memref<4x128x24xf32, #tpu.memory_space<vmem>> -> memref<1x128x24xf32, #tpu.memory_space<vmem>>
      %dma_wait3A_672 = tpu.memref_squeeze %dma_wait3A_671 : memref<1x128x24xf32, #tpu.memory_space<vmem>> -> memref<128x24xf32, #tpu.memory_space<vmem>>
      %dma_wait3A_673 = arith.constant 0 : i32
      %dma_wait3A_674 = tpu.memref_slice %arg7[%dma_wait3A_667, %dma_wait3A_673] : memref<4x128xi32, #tpu.memory_space<vmem>> -> memref<1x128xi32, #tpu.memory_space<vmem>>
      %dma_wait3A_675 = tpu.memref_squeeze %dma_wait3A_674 : memref<1x128xi32, #tpu.memory_space<vmem>> -> memref<128xi32, #tpu.memory_space<vmem>>
      %dma_wait3A_676 = arith.constant 0 : i32
      %dma_wait3A_677 = arith.constant 0 : i32
      %dma_wait3A_678 = tpu.memref_slice %arg2[%dma_wait3A_676, %dma_wait3A_677] : memref<100000x24xf32, #tpu.memory_space<hbm>> -> memref<100000x24xf32, #tpu.memory_space<hbm>>
      tpu.wait_indirect_dma semaphore(%arg17 : memref<!tpu.dma_semaphore, #tpu.memory_space<semaphore_mem>>) src(%dma_wait3A_678 : memref<100000x24xf32, #tpu.memory_space<hbm>>) dst(%dma_wait3A_672 : memref<128x24xf32, #tpu.memory_space<vmem>>)
      %dma_wait3A_679 = arith.constant 0 : i32
      %dma_wait3A_680 = arith.constant 0 : i32
      %dma_wait3A_681 = arith.constant 0 : i32
      %dma_wait3A_682 = arith.constant 0 : i32
      %dma_wait3A_683 = tpu.memref_slice %arg10[%dma_wait3A_680, %dma_wait3A_681, %dma_wait3A_682] : memref<4x128x24xf32, #tpu.memory_space<vmem>> -> memref<1x128x24xf32, #tpu.memory_space<vmem>>
      %dma_wait3A_684 = tpu.memref_squeeze %dma_wait3A_683 : memref<1x128x24xf32, #tpu.memory_space<vmem>> -> memref<128x24xf32, #tpu.memory_space<vmem>>
      %dma_wait3A_685 = arith.constant 0 : i32
      %dma_wait3A_686 = tpu.memref_slice %arg8[%dma_wait3A_679, %dma_wait3A_685] : memref<4x128xi32, #tpu.memory_space<vmem>> -> memref<1x128xi32, #tpu.memory_space<vmem>>
      %dma_wait3A_687 = tpu.memref_squeeze %dma_wait3A_686 : memref<1x128xi32, #tpu.memory_space<vmem>> -> memref<128xi32, #tpu.memory_space<vmem>>
      %dma_wait3A_688 = arith.constant 0 : i32
      %dma_wait3A_689 = arith.constant 0 : i32
      %dma_wait3A_690 = tpu.memref_slice %arg3[%dma_wait3A_688, %dma_wait3A_689] : memref<100000x24xf32, #tpu.memory_space<hbm>> -> memref<100000x24xf32, #tpu.memory_space<hbm>>
      tpu.wait_indirect_dma semaphore(%arg18 : memref<!tpu.dma_semaphore, #tpu.memory_space<semaphore_mem>>) src(%dma_wait3A_690 : memref<100000x24xf32, #tpu.memory_space<hbm>>) dst(%dma_wait3A_684 : memref<128x24xf32, #tpu.memory_space<vmem>>)
      %dma_wait3A_691 = arith.constant 1 : i32
      %dma_wait3A_692 = arith.constant 1 : i32
      %dma_wait3A_693 = arith.constant 0 : i32
      %dma_wait3A_694 = arith.constant 0 : i32
      %dma_wait3A_695 = tpu.memref_slice %arg9[%dma_wait3A_692, %dma_wait3A_693, %dma_wait3A_694] : memref<4x128x24xf32, #tpu.memory_space<vmem>> -> memref<1x128x24xf32, #tpu.memory_space<vmem>>
      %dma_wait3A_696 = tpu.memref_squeeze %dma_wait3A_695 : memref<1x128x24xf32, #tpu.memory_space<vmem>> -> memref<128x24xf32, #tpu.memory_space<vmem>>
      %dma_wait3A_697 = arith.constant 0 : i32
      %dma_wait3A_698 = tpu.memref_slice %arg7[%dma_wait3A_691, %dma_wait3A_697] : memref<4x128xi32, #tpu.memory_space<vmem>> -> memref<1x128xi32, #tpu.memory_space<vmem>>
      %dma_wait3A_699 = tpu.memref_squeeze %dma_wait3A_698 : memref<1x128xi32, #tpu.memory_space<vmem>> -> memref<128xi32, #tpu.memory_space<vmem>>
      %dma_wait3A_700 = arith.constant 0 : i32
      %dma_wait3A_701 = arith.constant 0 : i32
      %dma_wait3A_702 = tpu.memref_slice %arg2[%dma_wait3A_700, %dma_wait3A_701] : memref<100000x24xf32, #tpu.memory_space<hbm>> -> memref<100000x24xf32, #tpu.memory_space<hbm>>
      tpu.wait_indirect_dma semaphore(%arg17 : memref<!tpu.dma_semaphore, #tpu.memory_space<semaphore_mem>>) src(%dma_wait3A_702 : memref<100000x24xf32, #tpu.memory_space<hbm>>) dst(%dma_wait3A_696 : memref<128x24xf32, #tpu.memory_space<vmem>>)
      %dma_wait3A_703 = arith.constant 1 : i32
      %dma_wait3A_704 = arith.constant 1 : i32
      %dma_wait3A_705 = arith.constant 0 : i32
      %dma_wait3A_706 = arith.constant 0 : i32
      %dma_wait3A_707 = tpu.memref_slice %arg10[%dma_wait3A_704, %dma_wait3A_705, %dma_wait3A_706] : memref<4x128x24xf32, #tpu.memory_space<vmem>> -> memref<1x128x24xf32, #tpu.memory_space<vmem>>
      %dma_wait3A_708 = tpu.memref_squeeze %dma_wait3A_707 : memref<1x128x24xf32, #tpu.memory_space<vmem>> -> memref<128x24xf32, #tpu.memory_space<vmem>>
      %dma_wait3A_709 = arith.constant 0 : i32
      %dma_wait3A_710 = tpu.memref_slice %arg8[%dma_wait3A_703, %dma_wait3A_709] : memref<4x128xi32, #tpu.memory_space<vmem>> -> memref<1x128xi32, #tpu.memory_space<vmem>>
      %dma_wait3A_711 = tpu.memref_squeeze %dma_wait3A_710 : memref<1x128xi32, #tpu.memory_space<vmem>> -> memref<128xi32, #tpu.memory_space<vmem>>
      %dma_wait3A_712 = arith.constant 0 : i32
      %dma_wait3A_713 = arith.constant 0 : i32
      %dma_wait3A_714 = tpu.memref_slice %arg3[%dma_wait3A_712, %dma_wait3A_713] : memref<100000x24xf32, #tpu.memory_space<hbm>> -> memref<100000x24xf32, #tpu.memory_space<hbm>>
      tpu.wait_indirect_dma semaphore(%arg18 : memref<!tpu.dma_semaphore, #tpu.memory_space<semaphore_mem>>) src(%dma_wait3A_714 : memref<100000x24xf32, #tpu.memory_space<hbm>>) dst(%dma_wait3A_708 : memref<128x24xf32, #tpu.memory_space<vmem>>)
      %dma_wait3A_715 = arith.constant 2 : i32
      %dma_wait3A_716 = arith.constant 2 : i32
      %dma_wait3A_717 = arith.constant 0 : i32
      %dma_wait3A_718 = arith.constant 0 : i32
      %dma_wait3A_719 = tpu.memref_slice %arg9[%dma_wait3A_716, %dma_wait3A_717, %dma_wait3A_718] : memref<4x128x24xf32, #tpu.memory_space<vmem>> -> memref<1x128x24xf32, #tpu.memory_space<vmem>>
      %dma_wait3A_720 = tpu.memref_squeeze %dma_wait3A_719 : memref<1x128x24xf32, #tpu.memory_space<vmem>> -> memref<128x24xf32, #tpu.memory_space<vmem>>
      %dma_wait3A_721 = arith.constant 0 : i32
      %dma_wait3A_722 = tpu.memref_slice %arg7[%dma_wait3A_715, %dma_wait3A_721] : memref<4x128xi32, #tpu.memory_space<vmem>> -> memref<1x128xi32, #tpu.memory_space<vmem>>
      %dma_wait3A_723 = tpu.memref_squeeze %dma_wait3A_722 : memref<1x128xi32, #tpu.memory_space<vmem>> -> memref<128xi32, #tpu.memory_space<vmem>>
      %dma_wait3A_724 = arith.constant 0 : i32
      %dma_wait3A_725 = arith.constant 0 : i32
      %dma_wait3A_726 = tpu.memref_slice %arg2[%dma_wait3A_724, %dma_wait3A_725] : memref<100000x24xf32, #tpu.memory_space<hbm>> -> memref<100000x24xf32, #tpu.memory_space<hbm>>
      tpu.wait_indirect_dma semaphore(%arg17 : memref<!tpu.dma_semaphore, #tpu.memory_space<semaphore_mem>>) src(%dma_wait3A_726 : memref<100000x24xf32, #tpu.memory_space<hbm>>) dst(%dma_wait3A_720 : memref<128x24xf32, #tpu.memory_space<vmem>>)
      %dma_wait3A_727 = arith.constant 2 : i32
      %dma_wait3A_728 = arith.constant 2 : i32
      %dma_wait3A_729 = arith.constant 0 : i32
      %dma_wait3A_730 = arith.constant 0 : i32
      %dma_wait3A_731 = tpu.memref_slice %arg10[%dma_wait3A_728, %dma_wait3A_729, %dma_wait3A_730] : memref<4x128x24xf32, #tpu.memory_space<vmem>> -> memref<1x128x24xf32, #tpu.memory_space<vmem>>
      %dma_wait3A_732 = tpu.memref_squeeze %dma_wait3A_731 : memref<1x128x24xf32, #tpu.memory_space<vmem>> -> memref<128x24xf32, #tpu.memory_space<vmem>>
      %dma_wait3A_733 = arith.constant 0 : i32
      %dma_wait3A_734 = tpu.memref_slice %arg8[%dma_wait3A_727, %dma_wait3A_733] : memref<4x128xi32, #tpu.memory_space<vmem>> -> memref<1x128xi32, #tpu.memory_space<vmem>>
      %dma_wait3A_735 = tpu.memref_squeeze %dma_wait3A_734 : memref<1x128xi32, #tpu.memory_space<vmem>> -> memref<128xi32, #tpu.memory_space<vmem>>
      %dma_wait3A_736 = arith.constant 0 : i32
      %dma_wait3A_737 = arith.constant 0 : i32
      %dma_wait3A_738 = tpu.memref_slice %arg3[%dma_wait3A_736, %dma_wait3A_737] : memref<100000x24xf32, #tpu.memory_space<hbm>> -> memref<100000x24xf32, #tpu.memory_space<hbm>>
      tpu.wait_indirect_dma semaphore(%arg18 : memref<!tpu.dma_semaphore, #tpu.memory_space<semaphore_mem>>) src(%dma_wait3A_738 : memref<100000x24xf32, #tpu.memory_space<hbm>>) dst(%dma_wait3A_732 : memref<128x24xf32, #tpu.memory_space<vmem>>)
      %dma_wait3A_739 = arith.constant 3 : i32
      %dma_wait3A_740 = arith.constant 3 : i32
      %dma_wait3A_741 = arith.constant 0 : i32
      %dma_wait3A_742 = arith.constant 0 : i32
      %dma_wait3A_743 = tpu.memref_slice %arg9[%dma_wait3A_740, %dma_wait3A_741, %dma_wait3A_742] : memref<4x128x24xf32, #tpu.memory_space<vmem>> -> memref<1x128x24xf32, #tpu.memory_space<vmem>>
      %dma_wait3A_744 = tpu.memref_squeeze %dma_wait3A_743 : memref<1x128x24xf32, #tpu.memory_space<vmem>> -> memref<128x24xf32, #tpu.memory_space<vmem>>
      %dma_wait3A_745 = arith.constant 0 : i32
      %dma_wait3A_746 = tpu.memref_slice %arg7[%dma_wait3A_739, %dma_wait3A_745] : memref<4x128xi32, #tpu.memory_space<vmem>> -> memref<1x128xi32, #tpu.memory_space<vmem>>
      %dma_wait3A_747 = tpu.memref_squeeze %dma_wait3A_746 : memref<1x128xi32, #tpu.memory_space<vmem>> -> memref<128xi32, #tpu.memory_space<vmem>>
      %dma_wait3A_748 = arith.constant 0 : i32
      %dma_wait3A_749 = arith.constant 0 : i32
      %dma_wait3A_750 = tpu.memref_slice %arg2[%dma_wait3A_748, %dma_wait3A_749] : memref<100000x24xf32, #tpu.memory_space<hbm>> -> memref<100000x24xf32, #tpu.memory_space<hbm>>
      tpu.wait_indirect_dma semaphore(%arg17 : memref<!tpu.dma_semaphore, #tpu.memory_space<semaphore_mem>>) src(%dma_wait3A_750 : memref<100000x24xf32, #tpu.memory_space<hbm>>) dst(%dma_wait3A_744 : memref<128x24xf32, #tpu.memory_space<vmem>>)
      %dma_wait3A_751 = arith.constant 3 : i32
      %dma_wait3A_752 = arith.constant 3 : i32
      %dma_wait3A_753 = arith.constant 0 : i32
      %dma_wait3A_754 = arith.constant 0 : i32
      %dma_wait3A_755 = tpu.memref_slice %arg10[%dma_wait3A_752, %dma_wait3A_753, %dma_wait3A_754] : memref<4x128x24xf32, #tpu.memory_space<vmem>> -> memref<1x128x24xf32, #tpu.memory_space<vmem>>
      %dma_wait3A_756 = tpu.memref_squeeze %dma_wait3A_755 : memref<1x128x24xf32, #tpu.memory_space<vmem>> -> memref<128x24xf32, #tpu.memory_space<vmem>>
      %dma_wait3A_757 = arith.constant 0 : i32
      %dma_wait3A_758 = tpu.memref_slice %arg8[%dma_wait3A_751, %dma_wait3A_757] : memref<4x128xi32, #tpu.memory_space<vmem>> -> memref<1x128xi32, #tpu.memory_space<vmem>>
      %dma_wait3A_759 = tpu.memref_squeeze %dma_wait3A_758 : memref<1x128xi32, #tpu.memory_space<vmem>> -> memref<128xi32, #tpu.memory_space<vmem>>
      %dma_wait3A_760 = arith.constant 0 : i32
      %dma_wait3A_761 = arith.constant 0 : i32
      %dma_wait3A_762 = tpu.memref_slice %arg3[%dma_wait3A_760, %dma_wait3A_761] : memref<100000x24xf32, #tpu.memory_space<hbm>> -> memref<100000x24xf32, #tpu.memory_space<hbm>>
      tpu.wait_indirect_dma semaphore(%arg18 : memref<!tpu.dma_semaphore, #tpu.memory_space<semaphore_mem>>) src(%dma_wait3A_762 : memref<100000x24xf32, #tpu.memory_space<hbm>>) dst(%dma_wait3A_756 : memref<128x24xf32, #tpu.memory_space<vmem>>)
      %add3A_763 = arith.constant 1 : i32
      %add3A_764 = arith.addi %mul3A_666, %add3A_763 : i32
      %lt3A_765 = arith.cmpi slt, %add3A_764, %select_n3A : i32
      %convert_element_type3A = arith.extui %lt3A_765 : i1 to i32
      %cond3A = arith.constant 0 : i32
      %cond3A_766 = arith.cmpi ne, %convert_element_type3A, %cond3A : i32
      scf.if %cond3A_766 {
        %dma_wait3A_1024 = arith.constant 0 : i32
        %dma_wait3A_1025 = arith.constant 0 : i32
        %dma_wait3A_1026 = tpu.memref_slice %arg4[%dma_wait3A_1024, %dma_wait3A_1025] : memref<25000x128xi32, #tpu.memory_space<hbm>> -> memref<4x128xi32, #tpu.memory_space<hbm>>
        %dma_wait3A_1027 = arith.constant 0 : i32
        %dma_wait3A_1028 = arith.constant 0 : i32
        %dma_wait3A_1029 = tpu.memref_slice %arg4[%dma_wait3A_1027, %dma_wait3A_1028] : memref<25000x128xi32, #tpu.memory_space<hbm>> -> memref<4x128xi32, #tpu.memory_space<hbm>>
        tpu.wait_dma2 semaphore(%arg23 : memref<!tpu.dma_semaphore, #tpu.memory_space<semaphore_mem>>) src(%dma_wait3A_1029 : memref<4x128xi32, #tpu.memory_space<hbm>>) dst(%arg12 : memref<4x128xi32, #tpu.memory_space<vmem>>)
        %dma_wait3A_1030 = arith.constant 0 : i32
        %dma_wait3A_1031 = arith.constant 0 : i32
        %dma_wait3A_1032 = tpu.memref_slice %arg5[%dma_wait3A_1030, %dma_wait3A_1031] : memref<25000x128xi32, #tpu.memory_space<hbm>> -> memref<4x128xi32, #tpu.memory_space<hbm>>
        %dma_wait3A_1033 = arith.constant 0 : i32
        %dma_wait3A_1034 = arith.constant 0 : i32
        %dma_wait3A_1035 = tpu.memref_slice %arg5[%dma_wait3A_1033, %dma_wait3A_1034] : memref<25000x128xi32, #tpu.memory_space<hbm>> -> memref<4x128xi32, #tpu.memory_space<hbm>>
        tpu.wait_dma2 semaphore(%arg23 : memref<!tpu.dma_semaphore, #tpu.memory_space<semaphore_mem>>) src(%dma_wait3A_1035 : memref<4x128xi32, #tpu.memory_space<hbm>>) dst(%arg13 : memref<4x128xi32, #tpu.memory_space<vmem>>)
        %dma_start3A_1036 = arith.constant 0 : i32
        %dma_start3A_1037 = arith.constant 0 : i32
        %dma_start3A_1038 = arith.constant 0 : i32
        %dma_start3A_1039 = arith.constant 0 : i32
        %dma_start3A_1040 = tpu.memref_slice %arg14[%dma_start3A_1037, %dma_start3A_1038, %dma_start3A_1039] : memref<4x128x24xf32, #tpu.memory_space<vmem>> -> memref<1x128x24xf32, #tpu.memory_space<vmem>>
        %dma_start3A_1041 = tpu.memref_squeeze %dma_start3A_1040 : memref<1x128x24xf32, #tpu.memory_space<vmem>> -> memref<128x24xf32, #tpu.memory_space<vmem>>
        %dma_start3A_1042 = arith.constant 0 : i32
        %dma_start3A_1043 = tpu.memref_slice %arg12[%dma_start3A_1036, %dma_start3A_1042] : memref<4x128xi32, #tpu.memory_space<vmem>> -> memref<1x128xi32, #tpu.memory_space<vmem>>
        %dma_start3A_1044 = tpu.memref_squeeze %dma_start3A_1043 : memref<1x128xi32, #tpu.memory_space<vmem>> -> memref<128xi32, #tpu.memory_space<vmem>>
        %dma_start3A_1045 = arith.constant 0 : i32
        %dma_start3A_1046 = arith.constant 0 : i32
        %dma_start3A_1047 = tpu.memref_slice %arg2[%dma_start3A_1045, %dma_start3A_1046] : memref<100000x24xf32, #tpu.memory_space<hbm>> -> memref<100000x24xf32, #tpu.memory_space<hbm>>
        tpu.enqueue_indirect_dma source(%dma_start3A_1047 : memref<100000x24xf32, #tpu.memory_space<hbm>>) target(%dma_start3A_1041 : memref<128x24xf32, #tpu.memory_space<vmem>>) offsets(%dma_start3A_1044 : memref<128xi32, #tpu.memory_space<vmem>>) semaphore(%arg21 : memref<!tpu.dma_semaphore, #tpu.memory_space<semaphore_mem>>)
        %dma_start3A_1048 = arith.constant 0 : i32
        %dma_start3A_1049 = arith.constant 0 : i32
        %dma_start3A_1050 = arith.constant 0 : i32
        %dma_start3A_1051 = arith.constant 0 : i32
        %dma_start3A_1052 = tpu.memref_slice %arg15[%dma_start3A_1049, %dma_start3A_1050, %dma_start3A_1051] : memref<4x128x24xf32, #tpu.memory_space<vmem>> -> memref<1x128x24xf32, #tpu.memory_space<vmem>>
        %dma_start3A_1053 = tpu.memref_squeeze %dma_start3A_1052 : memref<1x128x24xf32, #tpu.memory_space<vmem>> -> memref<128x24xf32, #tpu.memory_space<vmem>>
        %dma_start3A_1054 = arith.constant 0 : i32
        %dma_start3A_1055 = tpu.memref_slice %arg13[%dma_start3A_1048, %dma_start3A_1054] : memref<4x128xi32, #tpu.memory_space<vmem>> -> memref<1x128xi32, #tpu.memory_space<vmem>>
        %dma_start3A_1056 = tpu.memref_squeeze %dma_start3A_1055 : memref<1x128xi32, #tpu.memory_space<vmem>> -> memref<128xi32, #tpu.memory_space<vmem>>
        %dma_start3A_1057 = arith.constant 0 : i32
        %dma_start3A_1058 = arith.constant 0 : i32
        %dma_start3A_1059 = tpu.memref_slice %arg3[%dma_start3A_1057, %dma_start3A_1058] : memref<100000x24xf32, #tpu.memory_space<hbm>> -> memref<100000x24xf32, #tpu.memory_space<hbm>>
        tpu.enqueue_indirect_dma source(%dma_start3A_1059 : memref<100000x24xf32, #tpu.memory_space<hbm>>) target(%dma_start3A_1053 : memref<128x24xf32, #tpu.memory_space<vmem>>) offsets(%dma_start3A_1056 : memref<128xi32, #tpu.memory_space<vmem>>) semaphore(%arg22 : memref<!tpu.dma_semaphore, #tpu.memory_space<semaphore_mem>>)
        %dma_start3A_1060 = arith.constant 1 : i32
        %dma_start3A_1061 = arith.constant 1 : i32
        %dma_start3A_1062 = arith.constant 0 : i32
        %dma_start3A_1063 = arith.constant 0 : i32
        %dma_start3A_1064 = tpu.memref_slice %arg14[%dma_start3A_1061, %dma_start3A_1062, %dma_start3A_1063] : memref<4x128x24xf32, #tpu.memory_space<vmem>> -> memref<1x128x24xf32, #tpu.memory_space<vmem>>
        %dma_start3A_1065 = tpu.memref_squeeze %dma_start3A_1064 : memref<1x128x24xf32, #tpu.memory_space<vmem>> -> memref<128x24xf32, #tpu.memory_space<vmem>>
        %dma_start3A_1066 = arith.constant 0 : i32
        %dma_start3A_1067 = tpu.memref_slice %arg12[%dma_start3A_1060, %dma_start3A_1066] : memref<4x128xi32, #tpu.memory_space<vmem>> -> memref<1x128xi32, #tpu.memory_space<vmem>>
        %dma_start3A_1068 = tpu.memref_squeeze %dma_start3A_1067 : memref<1x128xi32, #tpu.memory_space<vmem>> -> memref<128xi32, #tpu.memory_space<vmem>>
        %dma_start3A_1069 = arith.constant 0 : i32
        %dma_start3A_1070 = arith.constant 0 : i32
        %dma_start3A_1071 = tpu.memref_slice %arg2[%dma_start3A_1069, %dma_start3A_1070] : memref<100000x24xf32, #tpu.memory_space<hbm>> -> memref<100000x24xf32, #tpu.memory_space<hbm>>
        tpu.enqueue_indirect_dma source(%dma_start3A_1071 : memref<100000x24xf32, #tpu.memory_space<hbm>>) target(%dma_start3A_1065 : memref<128x24xf32, #tpu.memory_space<vmem>>) offsets(%dma_start3A_1068 : memref<128xi32, #tpu.memory_space<vmem>>) semaphore(%arg21 : memref<!tpu.dma_semaphore, #tpu.memory_space<semaphore_mem>>)
        %dma_start3A_1072 = arith.constant 1 : i32
        %dma_start3A_1073 = arith.constant 1 : i32
        %dma_start3A_1074 = arith.constant 0 : i32
        %dma_start3A_1075 = arith.constant 0 : i32
        %dma_start3A_1076 = tpu.memref_slice %arg15[%dma_start3A_1073, %dma_start3A_1074, %dma_start3A_1075] : memref<4x128x24xf32, #tpu.memory_space<vmem>> -> memref<1x128x24xf32, #tpu.memory_space<vmem>>
        %dma_start3A_1077 = tpu.memref_squeeze %dma_start3A_1076 : memref<1x128x24xf32, #tpu.memory_space<vmem>> -> memref<128x24xf32, #tpu.memory_space<vmem>>
        %dma_start3A_1078 = arith.constant 0 : i32
        %dma_start3A_1079 = tpu.memref_slice %arg13[%dma_start3A_1072, %dma_start3A_1078] : memref<4x128xi32, #tpu.memory_space<vmem>> -> memref<1x128xi32, #tpu.memory_space<vmem>>
        %dma_start3A_1080 = tpu.memref_squeeze %dma_start3A_1079 : memref<1x128xi32, #tpu.memory_space<vmem>> -> memref<128xi32, #tpu.memory_space<vmem>>
        %dma_start3A_1081 = arith.constant 0 : i32
        %dma_start3A_1082 = arith.constant 0 : i32
        %dma_start3A_1083 = tpu.memref_slice %arg3[%dma_start3A_1081, %dma_start3A_1082] : memref<100000x24xf32, #tpu.memory_space<hbm>> -> memref<100000x24xf32, #tpu.memory_space<hbm>>
        tpu.enqueue_indirect_dma source(%dma_start3A_1083 : memref<100000x24xf32, #tpu.memory_space<hbm>>) target(%dma_start3A_1077 : memref<128x24xf32, #tpu.memory_space<vmem>>) offsets(%dma_start3A_1080 : memref<128xi32, #tpu.memory_space<vmem>>) semaphore(%arg22 : memref<!tpu.dma_semaphore, #tpu.memory_space<semaphore_mem>>)
        %dma_start3A_1084 = arith.constant 2 : i32
        %dma_start3A_1085 = arith.constant 2 : i32
        %dma_start3A_1086 = arith.constant 0 : i32
        %dma_start3A_1087 = arith.constant 0 : i32
        %dma_start3A_1088 = tpu.memref_slice %arg14[%dma_start3A_1085, %dma_start3A_1086, %dma_start3A_1087] : memref<4x128x24xf32, #tpu.memory_space<vmem>> -> memref<1x128x24xf32, #tpu.memory_space<vmem>>
        %dma_start3A_1089 = tpu.memref_squeeze %dma_start3A_1088 : memref<1x128x24xf32, #tpu.memory_space<vmem>> -> memref<128x24xf32, #tpu.memory_space<vmem>>
        %dma_start3A_1090 = arith.constant 0 : i32
        %dma_start3A_1091 = tpu.memref_slice %arg12[%dma_start3A_1084, %dma_start3A_1090] : memref<4x128xi32, #tpu.memory_space<vmem>> -> memref<1x128xi32, #tpu.memory_space<vmem>>
        %dma_start3A_1092 = tpu.memref_squeeze %dma_start3A_1091 : memref<1x128xi32, #tpu.memory_space<vmem>> -> memref<128xi32, #tpu.memory_space<vmem>>
        %dma_start3A_1093 = arith.constant 0 : i32
        %dma_start3A_1094 = arith.constant 0 : i32
        %dma_start3A_1095 = tpu.memref_slice %arg2[%dma_start3A_1093, %dma_start3A_1094] : memref<100000x24xf32, #tpu.memory_space<hbm>> -> memref<100000x24xf32, #tpu.memory_space<hbm>>
        tpu.enqueue_indirect_dma source(%dma_start3A_1095 : memref<100000x24xf32, #tpu.memory_space<hbm>>) target(%dma_start3A_1089 : memref<128x24xf32, #tpu.memory_space<vmem>>) offsets(%dma_start3A_1092 : memref<128xi32, #tpu.memory_space<vmem>>) semaphore(%arg21 : memref<!tpu.dma_semaphore, #tpu.memory_space<semaphore_mem>>)
        %dma_start3A_1096 = arith.constant 2 : i32
        %dma_start3A_1097 = arith.constant 2 : i32
        %dma_start3A_1098 = arith.constant 0 : i32
        %dma_start3A_1099 = arith.constant 0 : i32
        %dma_start3A_1100 = tpu.memref_slice %arg15[%dma_start3A_1097, %dma_start3A_1098, %dma_start3A_1099] : memref<4x128x24xf32, #tpu.memory_space<vmem>> -> memref<1x128x24xf32, #tpu.memory_space<vmem>>
        %dma_start3A_1101 = tpu.memref_squeeze %dma_start3A_1100 : memref<1x128x24xf32, #tpu.memory_space<vmem>> -> memref<128x24xf32, #tpu.memory_space<vmem>>
        %dma_start3A_1102 = arith.constant 0 : i32
        %dma_start3A_1103 = tpu.memref_slice %arg13[%dma_start3A_1096, %dma_start3A_1102] : memref<4x128xi32, #tpu.memory_space<vmem>> -> memref<1x128xi32, #tpu.memory_space<vmem>>
        %dma_start3A_1104 = tpu.memref_squeeze %dma_start3A_1103 : memref<1x128xi32, #tpu.memory_space<vmem>> -> memref<128xi32, #tpu.memory_space<vmem>>
        %dma_start3A_1105 = arith.constant 0 : i32
        %dma_start3A_1106 = arith.constant 0 : i32
        %dma_start3A_1107 = tpu.memref_slice %arg3[%dma_start3A_1105, %dma_start3A_1106] : memref<100000x24xf32, #tpu.memory_space<hbm>> -> memref<100000x24xf32, #tpu.memory_space<hbm>>
        tpu.enqueue_indirect_dma source(%dma_start3A_1107 : memref<100000x24xf32, #tpu.memory_space<hbm>>) target(%dma_start3A_1101 : memref<128x24xf32, #tpu.memory_space<vmem>>) offsets(%dma_start3A_1104 : memref<128xi32, #tpu.memory_space<vmem>>) semaphore(%arg22 : memref<!tpu.dma_semaphore, #tpu.memory_space<semaphore_mem>>)
        %dma_start3A_1108 = arith.constant 3 : i32
        %dma_start3A_1109 = arith.constant 3 : i32
        %dma_start3A_1110 = arith.constant 0 : i32
        %dma_start3A_1111 = arith.constant 0 : i32
        %dma_start3A_1112 = tpu.memref_slice %arg14[%dma_start3A_1109, %dma_start3A_1110, %dma_start3A_1111] : memref<4x128x24xf32, #tpu.memory_space<vmem>> -> memref<1x128x24xf32, #tpu.memory_space<vmem>>
        %dma_start3A_1113 = tpu.memref_squeeze %dma_start3A_1112 : memref<1x128x24xf32, #tpu.memory_space<vmem>> -> memref<128x24xf32, #tpu.memory_space<vmem>>
        %dma_start3A_1114 = arith.constant 0 : i32
        %dma_start3A_1115 = tpu.memref_slice %arg12[%dma_start3A_1108, %dma_start3A_1114] : memref<4x128xi32, #tpu.memory_space<vmem>> -> memref<1x128xi32, #tpu.memory_space<vmem>>
        %dma_start3A_1116 = tpu.memref_squeeze %dma_start3A_1115 : memref<1x128xi32, #tpu.memory_space<vmem>> -> memref<128xi32, #tpu.memory_space<vmem>>
        %dma_start3A_1117 = arith.constant 0 : i32
        %dma_start3A_1118 = arith.constant 0 : i32
        %dma_start3A_1119 = tpu.memref_slice %arg2[%dma_start3A_1117, %dma_start3A_1118] : memref<100000x24xf32, #tpu.memory_space<hbm>> -> memref<100000x24xf32, #tpu.memory_space<hbm>>
        tpu.enqueue_indirect_dma source(%dma_start3A_1119 : memref<100000x24xf32, #tpu.memory_space<hbm>>) target(%dma_start3A_1113 : memref<128x24xf32, #tpu.memory_space<vmem>>) offsets(%dma_start3A_1116 : memref<128xi32, #tpu.memory_space<vmem>>) semaphore(%arg21 : memref<!tpu.dma_semaphore, #tpu.memory_space<semaphore_mem>>)
        %dma_start3A_1120 = arith.constant 3 : i32
        %dma_start3A_1121 = arith.constant 3 : i32
        %dma_start3A_1122 = arith.constant 0 : i32
        %dma_start3A_1123 = arith.constant 0 : i32
        %dma_start3A_1124 = tpu.memref_slice %arg15[%dma_start3A_1121, %dma_start3A_1122, %dma_start3A_1123] : memref<4x128x24xf32, #tpu.memory_space<vmem>> -> memref<1x128x24xf32, #tpu.memory_space<vmem>>
        %dma_start3A_1125 = tpu.memref_squeeze %dma_start3A_1124 : memref<1x128x24xf32, #tpu.memory_space<vmem>> -> memref<128x24xf32, #tpu.memory_space<vmem>>
        %dma_start3A_1126 = arith.constant 0 : i32
        %dma_start3A_1127 = tpu.memref_slice %arg13[%dma_start3A_1120, %dma_start3A_1126] : memref<4x128xi32, #tpu.memory_space<vmem>> -> memref<1x128xi32, #tpu.memory_space<vmem>>
        %dma_start3A_1128 = tpu.memref_squeeze %dma_start3A_1127 : memref<1x128xi32, #tpu.memory_space<vmem>> -> memref<128xi32, #tpu.memory_space<vmem>>
        %dma_start3A_1129 = arith.constant 0 : i32
        %dma_start3A_1130 = arith.constant 0 : i32
        %dma_start3A_1131 = tpu.memref_slice %arg3[%dma_start3A_1129, %dma_start3A_1130] : memref<100000x24xf32, #tpu.memory_space<hbm>> -> memref<100000x24xf32, #tpu.memory_space<hbm>>
        tpu.enqueue_indirect_dma source(%dma_start3A_1131 : memref<100000x24xf32, #tpu.memory_space<hbm>>) target(%dma_start3A_1125 : memref<128x24xf32, #tpu.memory_space<vmem>>) offsets(%dma_start3A_1128 : memref<128xi32, #tpu.memory_space<vmem>>) semaphore(%arg22 : memref<!tpu.dma_semaphore, #tpu.memory_space<semaphore_mem>>)
      } else {
      }
      %add3A_767 = arith.constant 2 : i32
      %add3A_768 = arith.addi %mul3A_666, %add3A_767 : i32
      %lt3A_769 = arith.cmpi slt, %add3A_768, %select_n3A : i32
      %convert_element_type3A_770 = arith.extui %lt3A_769 : i1 to i32
      %cond3A_771 = arith.constant 0 : i32
      %cond3A_772 = arith.cmpi ne, %convert_element_type3A_770, %cond3A_771 : i32
      scf.if %cond3A_772 {
        %add3A_1024 = arith.constant 2 : i32
        %add3A_1025 = arith.addi %mul3A_666, %add3A_1024 : i32
        %mul3A_1026 = arith.constant 4 : i32
        %mul3A_1027 = arith.muli %add3A_1025, %mul3A_1026 : i32
        %add3A_1028 = arith.addi %sub3A_7, %mul3A_1027 : i32
        %dma_start3A_1029 = arith.constant 0 : i32
        %dma_start3A_1030 = tpu.memref_slice %arg4[%add3A_1028, %dma_start3A_1029] : memref<25000x128xi32, #tpu.memory_space<hbm>> -> memref<4x128xi32, #tpu.memory_space<hbm>>
        %dma_start3A_1031 = arith.constant 0 : i32
        %dma_start3A_1032 = tpu.memref_slice %arg4[%add3A_1028, %dma_start3A_1031] : memref<25000x128xi32, #tpu.memory_space<hbm>> -> memref<4x128xi32, #tpu.memory_space<hbm>>
        tpu.enqueue_dma source(%dma_start3A_1032 : memref<4x128xi32, #tpu.memory_space<hbm>>) target(%arg7 : memref<4x128xi32, #tpu.memory_space<vmem>>) target_semaphore(%arg19 : memref<!tpu.dma_semaphore, #tpu.memory_space<semaphore_mem>>)
        %dma_start3A_1033 = arith.constant 0 : i32
        %dma_start3A_1034 = tpu.memref_slice %arg5[%add3A_1028, %dma_start3A_1033] : memref<25000x128xi32, #tpu.memory_space<hbm>> -> memref<4x128xi32, #tpu.memory_space<hbm>>
        %dma_start3A_1035 = arith.constant 0 : i32
        %dma_start3A_1036 = tpu.memref_slice %arg5[%add3A_1028, %dma_start3A_1035] : memref<25000x128xi32, #tpu.memory_space<hbm>> -> memref<4x128xi32, #tpu.memory_space<hbm>>
        tpu.enqueue_dma source(%dma_start3A_1036 : memref<4x128xi32, #tpu.memory_space<hbm>>) target(%arg8 : memref<4x128xi32, #tpu.memory_space<vmem>>) target_semaphore(%arg19 : memref<!tpu.dma_semaphore, #tpu.memory_space<semaphore_mem>>)
      } else {
      }
      %ge3A = arith.constant 2 : i32
      %ge3A_773 = arith.cmpi sge, %mul3A_666, %ge3A : i32
      %convert_element_type3A_774 = arith.extui %ge3A_773 : i1 to i32
      %cond3A_775 = arith.constant 0 : i32
      %cond3A_776 = arith.cmpi ne, %convert_element_type3A_774, %cond3A_775 : i32
      scf.if %cond3A_776 {
        %dma_wait3A_1024 = arith.constant 0 : i32
        %dma_wait3A_1025 = arith.constant 0 : i32
        %dma_wait3A_1026 = arith.constant 0 : i32
        %dma_wait3A_1027 = arith.constant 0 : i32
        %dma_wait3A_1028 = arith.constant 0 : i32
        %dma_wait3A_1029 = tpu.memref_slice %arg11[%dma_wait3A_1024, %dma_wait3A_1026, %dma_wait3A_1027, %dma_wait3A_1028] : memref<3x4x8x128xf32, #tpu.memory_space<vmem>> -> memref<1x4x8x128xf32, #tpu.memory_space<vmem>>
        %dma_wait3A_1030 = tpu.memref_squeeze %dma_wait3A_1029 : memref<1x4x8x128xf32, #tpu.memory_space<vmem>> -> memref<4x8x128xf32, #tpu.memory_space<vmem>>
        %dma_wait3A_1031 = arith.constant 0 : i32
        %dma_wait3A_1032 = arith.constant 0 : i32
        %dma_wait3A_1033 = arith.constant 0 : i32
        %dma_wait3A_1034 = tpu.memref_slice %arg6[%dma_wait3A_1025, %dma_wait3A_1031, %dma_wait3A_1032, %dma_wait3A_1033] : memref<3x25000x8x128xf32, #tpu.memory_space<hbm>> -> memref<1x4x8x128xf32, #tpu.memory_space<hbm>>
        %dma_wait3A_1035 = tpu.memref_squeeze %dma_wait3A_1034 : memref<1x4x8x128xf32, #tpu.memory_space<hbm>> -> memref<4x8x128xf32, #tpu.memory_space<hbm>>
        %dma_wait3A_1036 = arith.constant 0 : i32
        %dma_wait3A_1037 = arith.constant 0 : i32
        %dma_wait3A_1038 = arith.constant 0 : i32
        %dma_wait3A_1039 = tpu.memref_slice %arg6[%dma_wait3A_1025, %dma_wait3A_1036, %dma_wait3A_1037, %dma_wait3A_1038] : memref<3x25000x8x128xf32, #tpu.memory_space<hbm>> -> memref<1x4x8x128xf32, #tpu.memory_space<hbm>>
        %dma_wait3A_1040 = tpu.memref_squeeze %dma_wait3A_1039 : memref<1x4x8x128xf32, #tpu.memory_space<hbm>> -> memref<4x8x128xf32, #tpu.memory_space<hbm>>
        %dma_wait3A_1041 = arith.constant 0 : i32
        %dma_wait3A_1042 = arith.constant 0 : i32
        %dma_wait3A_1043 = arith.constant 0 : i32
        %dma_wait3A_1044 = tpu.memref_slice %arg11[%dma_wait3A_1024, %dma_wait3A_1041, %dma_wait3A_1042, %dma_wait3A_1043] : memref<3x4x8x128xf32, #tpu.memory_space<vmem>> -> memref<1x4x8x128xf32, #tpu.memory_space<vmem>>
        %dma_wait3A_1045 = tpu.memref_squeeze %dma_wait3A_1044 : memref<1x4x8x128xf32, #tpu.memory_space<vmem>> -> memref<4x8x128xf32, #tpu.memory_space<vmem>>
        tpu.wait_dma2 semaphore(%arg20 : memref<!tpu.dma_semaphore, #tpu.memory_space<semaphore_mem>>) src(%dma_wait3A_1045 : memref<4x8x128xf32, #tpu.memory_space<vmem>>) dst(%dma_wait3A_1040 : memref<4x8x128xf32, #tpu.memory_space<hbm>>)
        %dma_wait3A_1046 = arith.constant 1 : i32
        %dma_wait3A_1047 = arith.constant 1 : i32
        %dma_wait3A_1048 = arith.constant 0 : i32
        %dma_wait3A_1049 = arith.constant 0 : i32
        %dma_wait3A_1050 = arith.constant 0 : i32
        %dma_wait3A_1051 = tpu.memref_slice %arg11[%dma_wait3A_1046, %dma_wait3A_1048, %dma_wait3A_1049, %dma_wait3A_1050] : memref<3x4x8x128xf32, #tpu.memory_space<vmem>> -> memref<1x4x8x128xf32, #tpu.memory_space<vmem>>
        %dma_wait3A_1052 = tpu.memref_squeeze %dma_wait3A_1051 : memref<1x4x8x128xf32, #tpu.memory_space<vmem>> -> memref<4x8x128xf32, #tpu.memory_space<vmem>>
        %dma_wait3A_1053 = arith.constant 0 : i32
        %dma_wait3A_1054 = arith.constant 0 : i32
        %dma_wait3A_1055 = arith.constant 0 : i32
        %dma_wait3A_1056 = tpu.memref_slice %arg6[%dma_wait3A_1047, %dma_wait3A_1053, %dma_wait3A_1054, %dma_wait3A_1055] : memref<3x25000x8x128xf32, #tpu.memory_space<hbm>> -> memref<1x4x8x128xf32, #tpu.memory_space<hbm>>
        %dma_wait3A_1057 = tpu.memref_squeeze %dma_wait3A_1056 : memref<1x4x8x128xf32, #tpu.memory_space<hbm>> -> memref<4x8x128xf32, #tpu.memory_space<hbm>>
        %dma_wait3A_1058 = arith.constant 0 : i32
        %dma_wait3A_1059 = arith.constant 0 : i32
        %dma_wait3A_1060 = arith.constant 0 : i32
        %dma_wait3A_1061 = tpu.memref_slice %arg6[%dma_wait3A_1047, %dma_wait3A_1058, %dma_wait3A_1059, %dma_wait3A_1060] : memref<3x25000x8x128xf32, #tpu.memory_space<hbm>> -> memref<1x4x8x128xf32, #tpu.memory_space<hbm>>
        %dma_wait3A_1062 = tpu.memref_squeeze %dma_wait3A_1061 : memref<1x4x8x128xf32, #tpu.memory_space<hbm>> -> memref<4x8x128xf32, #tpu.memory_space<hbm>>
        %dma_wait3A_1063 = arith.constant 0 : i32
        %dma_wait3A_1064 = arith.constant 0 : i32
        %dma_wait3A_1065 = arith.constant 0 : i32
        %dma_wait3A_1066 = tpu.memref_slice %arg11[%dma_wait3A_1046, %dma_wait3A_1063, %dma_wait3A_1064, %dma_wait3A_1065] : memref<3x4x8x128xf32, #tpu.memory_space<vmem>> -> memref<1x4x8x128xf32, #tpu.memory_space<vmem>>
        %dma_wait3A_1067 = tpu.memref_squeeze %dma_wait3A_1066 : memref<1x4x8x128xf32, #tpu.memory_space<vmem>> -> memref<4x8x128xf32, #tpu.memory_space<vmem>>
        tpu.wait_dma2 semaphore(%arg20 : memref<!tpu.dma_semaphore, #tpu.memory_space<semaphore_mem>>) src(%dma_wait3A_1067 : memref<4x8x128xf32, #tpu.memory_space<vmem>>) dst(%dma_wait3A_1062 : memref<4x8x128xf32, #tpu.memory_space<hbm>>)
        %dma_wait3A_1068 = arith.constant 2 : i32
        %dma_wait3A_1069 = arith.constant 2 : i32
        %dma_wait3A_1070 = arith.constant 0 : i32
        %dma_wait3A_1071 = arith.constant 0 : i32
        %dma_wait3A_1072 = arith.constant 0 : i32
        %dma_wait3A_1073 = tpu.memref_slice %arg11[%dma_wait3A_1068, %dma_wait3A_1070, %dma_wait3A_1071, %dma_wait3A_1072] : memref<3x4x8x128xf32, #tpu.memory_space<vmem>> -> memref<1x4x8x128xf32, #tpu.memory_space<vmem>>
        %dma_wait3A_1074 = tpu.memref_squeeze %dma_wait3A_1073 : memref<1x4x8x128xf32, #tpu.memory_space<vmem>> -> memref<4x8x128xf32, #tpu.memory_space<vmem>>
        %dma_wait3A_1075 = arith.constant 0 : i32
        %dma_wait3A_1076 = arith.constant 0 : i32
        %dma_wait3A_1077 = arith.constant 0 : i32
        %dma_wait3A_1078 = tpu.memref_slice %arg6[%dma_wait3A_1069, %dma_wait3A_1075, %dma_wait3A_1076, %dma_wait3A_1077] : memref<3x25000x8x128xf32, #tpu.memory_space<hbm>> -> memref<1x4x8x128xf32, #tpu.memory_space<hbm>>
        %dma_wait3A_1079 = tpu.memref_squeeze %dma_wait3A_1078 : memref<1x4x8x128xf32, #tpu.memory_space<hbm>> -> memref<4x8x128xf32, #tpu.memory_space<hbm>>
        %dma_wait3A_1080 = arith.constant 0 : i32
        %dma_wait3A_1081 = arith.constant 0 : i32
        %dma_wait3A_1082 = arith.constant 0 : i32
        %dma_wait3A_1083 = tpu.memref_slice %arg6[%dma_wait3A_1069, %dma_wait3A_1080, %dma_wait3A_1081, %dma_wait3A_1082] : memref<3x25000x8x128xf32, #tpu.memory_space<hbm>> -> memref<1x4x8x128xf32, #tpu.memory_space<hbm>>
        %dma_wait3A_1084 = tpu.memref_squeeze %dma_wait3A_1083 : memref<1x4x8x128xf32, #tpu.memory_space<hbm>> -> memref<4x8x128xf32, #tpu.memory_space<hbm>>
        %dma_wait3A_1085 = arith.constant 0 : i32
        %dma_wait3A_1086 = arith.constant 0 : i32
        %dma_wait3A_1087 = arith.constant 0 : i32
        %dma_wait3A_1088 = tpu.memref_slice %arg11[%dma_wait3A_1068, %dma_wait3A_1085, %dma_wait3A_1086, %dma_wait3A_1087] : memref<3x4x8x128xf32, #tpu.memory_space<vmem>> -> memref<1x4x8x128xf32, #tpu.memory_space<vmem>>
        %dma_wait3A_1089 = tpu.memref_squeeze %dma_wait3A_1088 : memref<1x4x8x128xf32, #tpu.memory_space<vmem>> -> memref<4x8x128xf32, #tpu.memory_space<vmem>>
        tpu.wait_dma2 semaphore(%arg20 : memref<!tpu.dma_semaphore, #tpu.memory_space<semaphore_mem>>) src(%dma_wait3A_1089 : memref<4x8x128xf32, #tpu.memory_space<vmem>>) dst(%dma_wait3A_1084 : memref<4x8x128xf32, #tpu.memory_space<hbm>>)
      } else {
      }
      %parallel_loop3A = arith.constant 0 : i32
      %parallel_loop3A_777 = arith.constant 128 : i32
      %parallel_loop3A_778 = arith.constant 1 : i32
      scf.for %parallel_loop3A_1024 = %parallel_loop3A to %parallel_loop3A_777 step %parallel_loop3A_778  : i32 {
        %parallel_loop3A_1025 = arith.constant 4 : i32
        %parallel_loop3A_1026 = arith.muli %parallel_loop3A_1024, %parallel_loop3A_1025 : i32
        %parallel_loop3A_1027 = vector.broadcast %parallel_loop3A_1026 : i32 to vector<16xi32>
        %parallel_loop3A_1028 = arith.addi %select_n3A_38, %parallel_loop3A_1027 : vector<16xi32>
        %parallel_loop3A_1029 = arith.constant 7 : i32
        %parallel_loop3A_1030 = vector.broadcast %parallel_loop3A_1029 : i32 to vector<16xi32>
        %parallel_loop3A_1031 = arith.shrsi %parallel_loop3A_1028, %parallel_loop3A_1030 : vector<16xi32>
        %parallel_loop3A_1032 = arith.constant 127 : i32
        %parallel_loop3A_1033 = vector.broadcast %parallel_loop3A_1032 : i32 to vector<16xi32>
        %parallel_loop3A_1034 = arith.andi %parallel_loop3A_1028, %parallel_loop3A_1033 : vector<16xi32>
        %parallel_loop3A_1035 = tpu.vector_load_idx %arg9[%parallel_loop3A_1031, %parallel_loop3A_1034, %sub3A_42] : memref<4x128x24xf32, #tpu.memory_space<vmem>>[vector<16xi32>, vector<16xi32>, vector<16xi32>], vector<16xf32>,
        %parallel_loop3A_1036 = tpu.vector_load_idx %arg10[%parallel_loop3A_1031, %parallel_loop3A_1034, %sub3A_42] : memref<4x128x24xf32, #tpu.memory_space<vmem>>[vector<16xi32>, vector<16xi32>, vector<16xi32>], vector<16xf32>,
        %parallel_loop3A_1037 = arith.addf %parallel_loop3A_1035, %parallel_loop3A_1036 : vector<16xf32>
        tpu.vector_store_idx %arg11[%select_n3A_73, %parallel_loop3A_1031, %sub3A_77, %parallel_loop3A_1034], %parallel_loop3A_1037 : memref<3x4x8x128xf32, #tpu.memory_space<vmem>>[vector<16xi32>, vector<16xi32>, vector<16xi32>, vector<16xi32>], vector<16xf32>,
        %parallel_loop3A_1038 = vector.broadcast %parallel_loop3A_1026 : i32 to vector<16xi32>
        %parallel_loop3A_1039 = arith.addi %select_n3A_111, %parallel_loop3A_1038 : vector<16xi32>
        %parallel_loop3A_1040 = arith.constant 7 : i32
        %parallel_loop3A_1041 = vector.broadcast %parallel_loop3A_1040 : i32 to vector<16xi32>
        %parallel_loop3A_1042 = arith.shrsi %parallel_loop3A_1039, %parallel_loop3A_1041 : vector<16xi32>
        %parallel_loop3A_1043 = arith.constant 127 : i32
        %parallel_loop3A_1044 = vector.broadcast %parallel_loop3A_1043 : i32 to vector<16xi32>
        %parallel_loop3A_1045 = arith.andi %parallel_loop3A_1039, %parallel_loop3A_1044 : vector<16xi32>
        %parallel_loop3A_1046 = tpu.vector_load_idx %arg9[%parallel_loop3A_1042, %parallel_loop3A_1045, %sub3A_115] : memref<4x128x24xf32, #tpu.memory_space<vmem>>[vector<16xi32>, vector<16xi32>, vector<16xi32>], vector<16xf32>,
        %parallel_loop3A_1047 = tpu.vector_load_idx %arg10[%parallel_loop3A_1042, %parallel_loop3A_1045, %sub3A_115] : memref<4x128x24xf32, #tpu.memory_space<vmem>>[vector<16xi32>, vector<16xi32>, vector<16xi32>], vector<16xf32>,
        %parallel_loop3A_1048 = arith.addf %parallel_loop3A_1046, %parallel_loop3A_1047 : vector<16xf32>
        tpu.vector_store_idx %arg11[%select_n3A_146, %parallel_loop3A_1042, %sub3A_150, %parallel_loop3A_1045], %parallel_loop3A_1048 : memref<3x4x8x128xf32, #tpu.memory_space<vmem>>[vector<16xi32>, vector<16xi32>, vector<16xi32>, vector<16xi32>], vector<16xf32>,
        %parallel_loop3A_1049 = vector.broadcast %parallel_loop3A_1026 : i32 to vector<16xi32>
        %parallel_loop3A_1050 = arith.addi %select_n3A_184, %parallel_loop3A_1049 : vector<16xi32>
        %parallel_loop3A_1051 = arith.constant 7 : i32
        %parallel_loop3A_1052 = vector.broadcast %parallel_loop3A_1051 : i32 to vector<16xi32>
        %parallel_loop3A_1053 = arith.shrsi %parallel_loop3A_1050, %parallel_loop3A_1052 : vector<16xi32>
        %parallel_loop3A_1054 = arith.constant 127 : i32
        %parallel_loop3A_1055 = vector.broadcast %parallel_loop3A_1054 : i32 to vector<16xi32>
        %parallel_loop3A_1056 = arith.andi %parallel_loop3A_1050, %parallel_loop3A_1055 : vector<16xi32>
        %parallel_loop3A_1057 = tpu.vector_load_idx %arg9[%parallel_loop3A_1053, %parallel_loop3A_1056, %sub3A_188] : memref<4x128x24xf32, #tpu.memory_space<vmem>>[vector<16xi32>, vector<16xi32>, vector<16xi32>], vector<16xf32>,
        %parallel_loop3A_1058 = tpu.vector_load_idx %arg10[%parallel_loop3A_1053, %parallel_loop3A_1056, %sub3A_188] : memref<4x128x24xf32, #tpu.memory_space<vmem>>[vector<16xi32>, vector<16xi32>, vector<16xi32>], vector<16xf32>,
        %parallel_loop3A_1059 = arith.addf %parallel_loop3A_1057, %parallel_loop3A_1058 : vector<16xf32>
        tpu.vector_store_idx %arg11[%select_n3A_219, %parallel_loop3A_1053, %sub3A_223, %parallel_loop3A_1056], %parallel_loop3A_1059 : memref<3x4x8x128xf32, #tpu.memory_space<vmem>>[vector<16xi32>, vector<16xi32>, vector<16xi32>, vector<16xi32>], vector<16xf32>,
        %parallel_loop3A_1060 = vector.broadcast %parallel_loop3A_1026 : i32 to vector<16xi32>
        %parallel_loop3A_1061 = arith.addi %select_n3A_257, %parallel_loop3A_1060 : vector<16xi32>
        %parallel_loop3A_1062 = arith.constant 7 : i32
        %parallel_loop3A_1063 = vector.broadcast %parallel_loop3A_1062 : i32 to vector<16xi32>
        %parallel_loop3A_1064 = arith.shrsi %parallel_loop3A_1061, %parallel_loop3A_1063 : vector<16xi32>
        %parallel_loop3A_1065 = arith.constant 127 : i32
        %parallel_loop3A_1066 = vector.broadcast %parallel_loop3A_1065 : i32 to vector<16xi32>
        %parallel_loop3A_1067 = arith.andi %parallel_loop3A_1061, %parallel_loop3A_1066 : vector<16xi32>
        %parallel_loop3A_1068 = tpu.vector_load_idx %arg9[%parallel_loop3A_1064, %parallel_loop3A_1067, %sub3A_261] : memref<4x128x24xf32, #tpu.memory_space<vmem>>[vector<16xi32>, vector<16xi32>, vector<16xi32>], vector<16xf32>,
        %parallel_loop3A_1069 = tpu.vector_load_idx %arg10[%parallel_loop3A_1064, %parallel_loop3A_1067, %sub3A_261] : memref<4x128x24xf32, #tpu.memory_space<vmem>>[vector<16xi32>, vector<16xi32>, vector<16xi32>], vector<16xf32>,
        %parallel_loop3A_1070 = arith.addf %parallel_loop3A_1068, %parallel_loop3A_1069 : vector<16xf32>
        tpu.vector_store_idx %arg11[%select_n3A_292, %parallel_loop3A_1064, %sub3A_296, %parallel_loop3A_1067], %parallel_loop3A_1070 : memref<3x4x8x128xf32, #tpu.memory_space<vmem>>[vector<16xi32>, vector<16xi32>, vector<16xi32>, vector<16xi32>], vector<16xf32>,
        %parallel_loop3A_1071 = vector.broadcast %parallel_loop3A_1026 : i32 to vector<16xi32>
        %parallel_loop3A_1072 = arith.addi %select_n3A_330, %parallel_loop3A_1071 : vector<16xi32>
        %parallel_loop3A_1073 = arith.constant 7 : i32
        %parallel_loop3A_1074 = vector.broadcast %parallel_loop3A_1073 : i32 to vector<16xi32>
        %parallel_loop3A_1075 = arith.shrsi %parallel_loop3A_1072, %parallel_loop3A_1074 : vector<16xi32>
        %parallel_loop3A_1076 = arith.constant 127 : i32
        %parallel_loop3A_1077 = vector.broadcast %parallel_loop3A_1076 : i32 to vector<16xi32>
        %parallel_loop3A_1078 = arith.andi %parallel_loop3A_1072, %parallel_loop3A_1077 : vector<16xi32>
        %parallel_loop3A_1079 = tpu.vector_load_idx %arg9[%parallel_loop3A_1075, %parallel_loop3A_1078, %sub3A_334] : memref<4x128x24xf32, #tpu.memory_space<vmem>>[vector<16xi32>, vector<16xi32>, vector<16xi32>], vector<16xf32>,
        %parallel_loop3A_1080 = tpu.vector_load_idx %arg10[%parallel_loop3A_1075, %parallel_loop3A_1078, %sub3A_334] : memref<4x128x24xf32, #tpu.memory_space<vmem>>[vector<16xi32>, vector<16xi32>, vector<16xi32>], vector<16xf32>,
        %parallel_loop3A_1081 = arith.addf %parallel_loop3A_1079, %parallel_loop3A_1080 : vector<16xf32>
        tpu.vector_store_idx %arg11[%select_n3A_365, %parallel_loop3A_1075, %sub3A_369, %parallel_loop3A_1078], %parallel_loop3A_1081 : memref<3x4x8x128xf32, #tpu.memory_space<vmem>>[vector<16xi32>, vector<16xi32>, vector<16xi32>, vector<16xi32>], vector<16xf32>,
      } {sc.loop_unroll_factor = 2 : i64, sc.parallel_access}
      %mul3A_779 = arith.constant 4 : i32
      %mul3A_780 = arith.muli %mul3A_666, %mul3A_779 : i32
      %add3A_781 = arith.addi %sub3A_7, %mul3A_780 : i32
      %dma_start3A_782 = arith.constant 0 : i32
      %dma_start3A_783 = arith.constant 0 : i32
      %dma_start3A_784 = arith.constant 0 : i32
      %dma_start3A_785 = arith.constant 0 : i32
      %dma_start3A_786 = arith.constant 0 : i32
      %dma_start3A_787 = tpu.memref_slice %arg11[%dma_start3A_782, %dma_start3A_784, %dma_start3A_785, %dma_start3A_786] : memref<3x4x8x128xf32, #tpu.memory_space<vmem>> -> memref<1x4x8x128xf32, #tpu.memory_space<vmem>>
      %dma_start3A_788 = tpu.memref_squeeze %dma_start3A_787 : memref<1x4x8x128xf32, #tpu.memory_space<vmem>> -> memref<4x8x128xf32, #tpu.memory_space<vmem>>
      %dma_start3A_789 = arith.constant 0 : i32
      %dma_start3A_790 = arith.constant 0 : i32
      %dma_start3A_791 = tpu.memref_slice %arg6[%dma_start3A_783, %add3A_781, %dma_start3A_789, %dma_start3A_790] : memref<3x25000x8x128xf32, #tpu.memory_space<hbm>> -> memref<1x4x8x128xf32, #tpu.memory_space<hbm>>
      %dma_start3A_792 = tpu.memref_squeeze %dma_start3A_791 : memref<1x4x8x128xf32, #tpu.memory_space<hbm>> -> memref<4x8x128xf32, #tpu.memory_space<hbm>>
      %dma_start3A_793 = arith.constant 0 : i32
      %dma_start3A_794 = arith.constant 0 : i32
      %dma_start3A_795 = tpu.memref_slice %arg6[%dma_start3A_783, %add3A_781, %dma_start3A_793, %dma_start3A_794] : memref<3x25000x8x128xf32, #tpu.memory_space<hbm>> -> memref<1x4x8x128xf32, #tpu.memory_space<hbm>>
      %dma_start3A_796 = tpu.memref_squeeze %dma_start3A_795 : memref<1x4x8x128xf32, #tpu.memory_space<hbm>> -> memref<4x8x128xf32, #tpu.memory_space<hbm>>
      %dma_start3A_797 = arith.constant 0 : i32
      %dma_start3A_798 = arith.constant 0 : i32
      %dma_start3A_799 = arith.constant 0 : i32
      %dma_start3A_800 = tpu.memref_slice %arg11[%dma_start3A_782, %dma_start3A_797, %dma_start3A_798, %dma_start3A_799] : memref<3x4x8x128xf32, #tpu.memory_space<vmem>> -> memref<1x4x8x128xf32, #tpu.memory_space<vmem>>
      %dma_start3A_801 = tpu.memref_squeeze %dma_start3A_800 : memref<1x4x8x128xf32, #tpu.memory_space<vmem>> -> memref<4x8x128xf32, #tpu.memory_space<vmem>>
      tpu.enqueue_dma source(%dma_start3A_801 : memref<4x8x128xf32, #tpu.memory_space<vmem>>) target(%dma_start3A_796 : memref<4x8x128xf32, #tpu.memory_space<hbm>>) target_semaphore(%arg20 : memref<!tpu.dma_semaphore, #tpu.memory_space<semaphore_mem>>)
      %dma_start3A_802 = arith.constant 1 : i32
      %dma_start3A_803 = arith.constant 1 : i32
      %dma_start3A_804 = arith.constant 0 : i32
      %dma_start3A_805 = arith.constant 0 : i32
      %dma_start3A_806 = arith.constant 0 : i32
      %dma_start3A_807 = tpu.memref_slice %arg11[%dma_start3A_802, %dma_start3A_804, %dma_start3A_805, %dma_start3A_806] : memref<3x4x8x128xf32, #tpu.memory_space<vmem>> -> memref<1x4x8x128xf32, #tpu.memory_space<vmem>>
      %dma_start3A_808 = tpu.memref_squeeze %dma_start3A_807 : memref<1x4x8x128xf32, #tpu.memory_space<vmem>> -> memref<4x8x128xf32, #tpu.memory_space<vmem>>
      %dma_start3A_809 = arith.constant 0 : i32
      %dma_start3A_810 = arith.constant 0 : i32
      %dma_start3A_811 = tpu.memref_slice %arg6[%dma_start3A_803, %add3A_781, %dma_start3A_809, %dma_start3A_810] : memref<3x25000x8x128xf32, #tpu.memory_space<hbm>> -> memref<1x4x8x128xf32, #tpu.memory_space<hbm>>
      %dma_start3A_812 = tpu.memref_squeeze %dma_start3A_811 : memref<1x4x8x128xf32, #tpu.memory_space<hbm>> -> memref<4x8x128xf32, #tpu.memory_space<hbm>>
      %dma_start3A_813 = arith.constant 0 : i32
      %dma_start3A_814 = arith.constant 0 : i32
      %dma_start3A_815 = tpu.memref_slice %arg6[%dma_start3A_803, %add3A_781, %dma_start3A_813, %dma_start3A_814] : memref<3x25000x8x128xf32, #tpu.memory_space<hbm>> -> memref<1x4x8x128xf32, #tpu.memory_space<hbm>>
      %dma_start3A_816 = tpu.memref_squeeze %dma_start3A_815 : memref<1x4x8x128xf32, #tpu.memory_space<hbm>> -> memref<4x8x128xf32, #tpu.memory_space<hbm>>
      %dma_start3A_817 = arith.constant 0 : i32
      %dma_start3A_818 = arith.constant 0 : i32
      %dma_start3A_819 = arith.constant 0 : i32
      %dma_start3A_820 = tpu.memref_slice %arg11[%dma_start3A_802, %dma_start3A_817, %dma_start3A_818, %dma_start3A_819] : memref<3x4x8x128xf32, #tpu.memory_space<vmem>> -> memref<1x4x8x128xf32, #tpu.memory_space<vmem>>
      %dma_start3A_821 = tpu.memref_squeeze %dma_start3A_820 : memref<1x4x8x128xf32, #tpu.memory_space<vmem>> -> memref<4x8x128xf32, #tpu.memory_space<vmem>>
      tpu.enqueue_dma source(%dma_start3A_821 : memref<4x8x128xf32, #tpu.memory_space<vmem>>) target(%dma_start3A_816 : memref<4x8x128xf32, #tpu.memory_space<hbm>>) target_semaphore(%arg20 : memref<!tpu.dma_semaphore, #tpu.memory_space<semaphore_mem>>)
      %dma_start3A_822 = arith.constant 2 : i32
      %dma_start3A_823 = arith.constant 2 : i32
      %dma_start3A_824 = arith.constant 0 : i32
      %dma_start3A_825 = arith.constant 0 : i32
      %dma_start3A_826 = arith.constant 0 : i32
      %dma_start3A_827 = tpu.memref_slice %arg11[%dma_start3A_822, %dma_start3A_824, %dma_start3A_825, %dma_start3A_826] : memref<3x4x8x128xf32, #tpu.memory_space<vmem>> -> memref<1x4x8x128xf32, #tpu.memory_space<vmem>>
      %dma_start3A_828 = tpu.memref_squeeze %dma_start3A_827 : memref<1x4x8x128xf32, #tpu.memory_space<vmem>> -> memref<4x8x128xf32, #tpu.memory_space<vmem>>
      %dma_start3A_829 = arith.constant 0 : i32
      %dma_start3A_830 = arith.constant 0 : i32
      %dma_start3A_831 = tpu.memref_slice %arg6[%dma_start3A_823, %add3A_781, %dma_start3A_829, %dma_start3A_830] : memref<3x25000x8x128xf32, #tpu.memory_space<hbm>> -> memref<1x4x8x128xf32, #tpu.memory_space<hbm>>
      %dma_start3A_832 = tpu.memref_squeeze %dma_start3A_831 : memref<1x4x8x128xf32, #tpu.memory_space<hbm>> -> memref<4x8x128xf32, #tpu.memory_space<hbm>>
      %dma_start3A_833 = arith.constant 0 : i32
      %dma_start3A_834 = arith.constant 0 : i32
      %dma_start3A_835 = tpu.memref_slice %arg6[%dma_start3A_823, %add3A_781, %dma_start3A_833, %dma_start3A_834] : memref<3x25000x8x128xf32, #tpu.memory_space<hbm>> -> memref<1x4x8x128xf32, #tpu.memory_space<hbm>>
      %dma_start3A_836 = tpu.memref_squeeze %dma_start3A_835 : memref<1x4x8x128xf32, #tpu.memory_space<hbm>> -> memref<4x8x128xf32, #tpu.memory_space<hbm>>
      %dma_start3A_837 = arith.constant 0 : i32
      %dma_start3A_838 = arith.constant 0 : i32
      %dma_start3A_839 = arith.constant 0 : i32
      %dma_start3A_840 = tpu.memref_slice %arg11[%dma_start3A_822, %dma_start3A_837, %dma_start3A_838, %dma_start3A_839] : memref<3x4x8x128xf32, #tpu.memory_space<vmem>> -> memref<1x4x8x128xf32, #tpu.memory_space<vmem>>
      %dma_start3A_841 = tpu.memref_squeeze %dma_start3A_840 : memref<1x4x8x128xf32, #tpu.memory_space<vmem>> -> memref<4x8x128xf32, #tpu.memory_space<vmem>>
      tpu.enqueue_dma source(%dma_start3A_841 : memref<4x8x128xf32, #tpu.memory_space<vmem>>) target(%dma_start3A_836 : memref<4x8x128xf32, #tpu.memory_space<hbm>>) target_semaphore(%arg20 : memref<!tpu.dma_semaphore, #tpu.memory_space<semaphore_mem>>)
      %add3A_842 = arith.constant 1 : i32
      %add3A_843 = arith.addi %mul3A_666, %add3A_842 : i32
      %dma_wait3A_844 = arith.constant 0 : i32
      %dma_wait3A_845 = arith.constant 0 : i32
      %dma_wait3A_846 = arith.constant 0 : i32
      %dma_wait3A_847 = arith.constant 0 : i32
      %dma_wait3A_848 = tpu.memref_slice %arg14[%dma_wait3A_845, %dma_wait3A_846, %dma_wait3A_847] : memref<4x128x24xf32, #tpu.memory_space<vmem>> -> memref<1x128x24xf32, #tpu.memory_space<vmem>>
      %dma_wait3A_849 = tpu.memref_squeeze %dma_wait3A_848 : memref<1x128x24xf32, #tpu.memory_space<vmem>> -> memref<128x24xf32, #tpu.memory_space<vmem>>
      %dma_wait3A_850 = arith.constant 0 : i32
      %dma_wait3A_851 = tpu.memref_slice %arg12[%dma_wait3A_844, %dma_wait3A_850] : memref<4x128xi32, #tpu.memory_space<vmem>> -> memref<1x128xi32, #tpu.memory_space<vmem>>
      %dma_wait3A_852 = tpu.memref_squeeze %dma_wait3A_851 : memref<1x128xi32, #tpu.memory_space<vmem>> -> memref<128xi32, #tpu.memory_space<vmem>>
      %dma_wait3A_853 = arith.constant 0 : i32
      %dma_wait3A_854 = arith.constant 0 : i32
      %dma_wait3A_855 = tpu.memref_slice %arg2[%dma_wait3A_853, %dma_wait3A_854] : memref<100000x24xf32, #tpu.memory_space<hbm>> -> memref<100000x24xf32, #tpu.memory_space<hbm>>
      tpu.wait_indirect_dma semaphore(%arg21 : memref<!tpu.dma_semaphore, #tpu.memory_space<semaphore_mem>>) src(%dma_wait3A_855 : memref<100000x24xf32, #tpu.memory_space<hbm>>) dst(%dma_wait3A_849 : memref<128x24xf32, #tpu.memory_space<vmem>>)
      %dma_wait3A_856 = arith.constant 0 : i32
      %dma_wait3A_857 = arith.constant 0 : i32
      %dma_wait3A_858 = arith.constant 0 : i32
      %dma_wait3A_859 = arith.constant 0 : i32
      %dma_wait3A_860 = tpu.memref_slice %arg15[%dma_wait3A_857, %dma_wait3A_858, %dma_wait3A_859] : memref<4x128x24xf32, #tpu.memory_space<vmem>> -> memref<1x128x24xf32, #tpu.memory_space<vmem>>
      %dma_wait3A_861 = tpu.memref_squeeze %dma_wait3A_860 : memref<1x128x24xf32, #tpu.memory_space<vmem>> -> memref<128x24xf32, #tpu.memory_space<vmem>>
      %dma_wait3A_862 = arith.constant 0 : i32
      %dma_wait3A_863 = tpu.memref_slice %arg13[%dma_wait3A_856, %dma_wait3A_862] : memref<4x128xi32, #tpu.memory_space<vmem>> -> memref<1x128xi32, #tpu.memory_space<vmem>>
      %dma_wait3A_864 = tpu.memref_squeeze %dma_wait3A_863 : memref<1x128xi32, #tpu.memory_space<vmem>> -> memref<128xi32, #tpu.memory_space<vmem>>
      %dma_wait3A_865 = arith.constant 0 : i32
      %dma_wait3A_866 = arith.constant 0 : i32
      %dma_wait3A_867 = tpu.memref_slice %arg3[%dma_wait3A_865, %dma_wait3A_866] : memref<100000x24xf32, #tpu.memory_space<hbm>> -> memref<100000x24xf32, #tpu.memory_space<hbm>>
      tpu.wait_indirect_dma semaphore(%arg22 : memref<!tpu.dma_semaphore, #tpu.memory_space<semaphore_mem>>) src(%dma_wait3A_867 : memref<100000x24xf32, #tpu.memory_space<hbm>>) dst(%dma_wait3A_861 : memref<128x24xf32, #tpu.memory_space<vmem>>)
      %dma_wait3A_868 = arith.constant 1 : i32
      %dma_wait3A_869 = arith.constant 1 : i32
      %dma_wait3A_870 = arith.constant 0 : i32
      %dma_wait3A_871 = arith.constant 0 : i32
      %dma_wait3A_872 = tpu.memref_slice %arg14[%dma_wait3A_869, %dma_wait3A_870, %dma_wait3A_871] : memref<4x128x24xf32, #tpu.memory_space<vmem>> -> memref<1x128x24xf32, #tpu.memory_space<vmem>>
      %dma_wait3A_873 = tpu.memref_squeeze %dma_wait3A_872 : memref<1x128x24xf32, #tpu.memory_space<vmem>> -> memref<128x24xf32, #tpu.memory_space<vmem>>
      %dma_wait3A_874 = arith.constant 0 : i32
      %dma_wait3A_875 = tpu.memref_slice %arg12[%dma_wait3A_868, %dma_wait3A_874] : memref<4x128xi32, #tpu.memory_space<vmem>> -> memref<1x128xi32, #tpu.memory_space<vmem>>
      %dma_wait3A_876 = tpu.memref_squeeze %dma_wait3A_875 : memref<1x128xi32, #tpu.memory_space<vmem>> -> memref<128xi32, #tpu.memory_space<vmem>>
      %dma_wait3A_877 = arith.constant 0 : i32
      %dma_wait3A_878 = arith.constant 0 : i32
      %dma_wait3A_879 = tpu.memref_slice %arg2[%dma_wait3A_877, %dma_wait3A_878] : memref<100000x24xf32, #tpu.memory_space<hbm>> -> memref<100000x24xf32, #tpu.memory_space<hbm>>
      tpu.wait_indirect_dma semaphore(%arg21 : memref<!tpu.dma_semaphore, #tpu.memory_space<semaphore_mem>>) src(%dma_wait3A_879 : memref<100000x24xf32, #tpu.memory_space<hbm>>) dst(%dma_wait3A_873 : memref<128x24xf32, #tpu.memory_space<vmem>>)
      %dma_wait3A_880 = arith.constant 1 : i32
      %dma_wait3A_881 = arith.constant 1 : i32
      %dma_wait3A_882 = arith.constant 0 : i32
      %dma_wait3A_883 = arith.constant 0 : i32
      %dma_wait3A_884 = tpu.memref_slice %arg15[%dma_wait3A_881, %dma_wait3A_882, %dma_wait3A_883] : memref<4x128x24xf32, #tpu.memory_space<vmem>> -> memref<1x128x24xf32, #tpu.memory_space<vmem>>
      %dma_wait3A_885 = tpu.memref_squeeze %dma_wait3A_884 : memref<1x128x24xf32, #tpu.memory_space<vmem>> -> memref<128x24xf32, #tpu.memory_space<vmem>>
      %dma_wait3A_886 = arith.constant 0 : i32
      %dma_wait3A_887 = tpu.memref_slice %arg13[%dma_wait3A_880, %dma_wait3A_886] : memref<4x128xi32, #tpu.memory_space<vmem>> -> memref<1x128xi32, #tpu.memory_space<vmem>>
      %dma_wait3A_888 = tpu.memref_squeeze %dma_wait3A_887 : memref<1x128xi32, #tpu.memory_space<vmem>> -> memref<128xi32, #tpu.memory_space<vmem>>
      %dma_wait3A_889 = arith.constant 0 : i32
      %dma_wait3A_890 = arith.constant 0 : i32
      %dma_wait3A_891 = tpu.memref_slice %arg3[%dma_wait3A_889, %dma_wait3A_890] : memref<100000x24xf32, #tpu.memory_space<hbm>> -> memref<100000x24xf32, #tpu.memory_space<hbm>>
      tpu.wait_indirect_dma semaphore(%arg22 : memref<!tpu.dma_semaphore, #tpu.memory_space<semaphore_mem>>) src(%dma_wait3A_891 : memref<100000x24xf32, #tpu.memory_space<hbm>>) dst(%dma_wait3A_885 : memref<128x24xf32, #tpu.memory_space<vmem>>)
      %dma_wait3A_892 = arith.constant 2 : i32
      %dma_wait3A_893 = arith.constant 2 : i32
      %dma_wait3A_894 = arith.constant 0 : i32
      %dma_wait3A_895 = arith.constant 0 : i32
      %dma_wait3A_896 = tpu.memref_slice %arg14[%dma_wait3A_893, %dma_wait3A_894, %dma_wait3A_895] : memref<4x128x24xf32, #tpu.memory_space<vmem>> -> memref<1x128x24xf32, #tpu.memory_space<vmem>>
      %dma_wait3A_897 = tpu.memref_squeeze %dma_wait3A_896 : memref<1x128x24xf32, #tpu.memory_space<vmem>> -> memref<128x24xf32, #tpu.memory_space<vmem>>
      %dma_wait3A_898 = arith.constant 0 : i32
      %dma_wait3A_899 = tpu.memref_slice %arg12[%dma_wait3A_892, %dma_wait3A_898] : memref<4x128xi32, #tpu.memory_space<vmem>> -> memref<1x128xi32, #tpu.memory_space<vmem>>
      %dma_wait3A_900 = tpu.memref_squeeze %dma_wait3A_899 : memref<1x128xi32, #tpu.memory_space<vmem>> -> memref<128xi32, #tpu.memory_space<vmem>>
      %dma_wait3A_901 = arith.constant 0 : i32
      %dma_wait3A_902 = arith.constant 0 : i32
      %dma_wait3A_903 = tpu.memref_slice %arg2[%dma_wait3A_901, %dma_wait3A_902] : memref<100000x24xf32, #tpu.memory_space<hbm>> -> memref<100000x24xf32, #tpu.memory_space<hbm>>
      tpu.wait_indirect_dma semaphore(%arg21 : memref<!tpu.dma_semaphore, #tpu.memory_space<semaphore_mem>>) src(%dma_wait3A_903 : memref<100000x24xf32, #tpu.memory_space<hbm>>) dst(%dma_wait3A_897 : memref<128x24xf32, #tpu.memory_space<vmem>>)
      %dma_wait3A_904 = arith.constant 2 : i32
      %dma_wait3A_905 = arith.constant 2 : i32
      %dma_wait3A_906 = arith.constant 0 : i32
      %dma_wait3A_907 = arith.constant 0 : i32
      %dma_wait3A_908 = tpu.memref_slice %arg15[%dma_wait3A_905, %dma_wait3A_906, %dma_wait3A_907] : memref<4x128x24xf32, #tpu.memory_space<vmem>> -> memref<1x128x24xf32, #tpu.memory_space<vmem>>
      %dma_wait3A_909 = tpu.memref_squeeze %dma_wait3A_908 : memref<1x128x24xf32, #tpu.memory_space<vmem>> -> memref<128x24xf32, #tpu.memory_space<vmem>>
      %dma_wait3A_910 = arith.constant 0 : i32
      %dma_wait3A_911 = tpu.memref_slice %arg13[%dma_wait3A_904, %dma_wait3A_910] : memref<4x128xi32, #tpu.memory_space<vmem>> -> memref<1x128xi32, #tpu.memory_space<vmem>>
      %dma_wait3A_912 = tpu.memref_squeeze %dma_wait3A_911 : memref<1x128xi32, #tpu.memory_space<vmem>> -> memref<128xi32, #tpu.memory_space<vmem>>
      %dma_wait3A_913 = arith.constant 0 : i32
      %dma_wait3A_914 = arith.constant 0 : i32
      %dma_wait3A_915 = tpu.memref_slice %arg3[%dma_wait3A_913, %dma_wait3A_914] : memref<100000x24xf32, #tpu.memory_space<hbm>> -> memref<100000x24xf32, #tpu.memory_space<hbm>>
      tpu.wait_indirect_dma semaphore(%arg22 : memref<!tpu.dma_semaphore, #tpu.memory_space<semaphore_mem>>) src(%dma_wait3A_915 : memref<100000x24xf32, #tpu.memory_space<hbm>>) dst(%dma_wait3A_909 : memref<128x24xf32, #tpu.memory_space<vmem>>)
      %dma_wait3A_916 = arith.constant 3 : i32
      %dma_wait3A_917 = arith.constant 3 : i32
      %dma_wait3A_918 = arith.constant 0 : i32
      %dma_wait3A_919 = arith.constant 0 : i32
      %dma_wait3A_920 = tpu.memref_slice %arg14[%dma_wait3A_917, %dma_wait3A_918, %dma_wait3A_919] : memref<4x128x24xf32, #tpu.memory_space<vmem>> -> memref<1x128x24xf32, #tpu.memory_space<vmem>>
      %dma_wait3A_921 = tpu.memref_squeeze %dma_wait3A_920 : memref<1x128x24xf32, #tpu.memory_space<vmem>> -> memref<128x24xf32, #tpu.memory_space<vmem>>
      %dma_wait3A_922 = arith.constant 0 : i32
      %dma_wait3A_923 = tpu.memref_slice %arg12[%dma_wait3A_916, %dma_wait3A_922] : memref<4x128xi32, #tpu.memory_space<vmem>> -> memref<1x128xi32, #tpu.memory_space<vmem>>
      %dma_wait3A_924 = tpu.memref_squeeze %dma_wait3A_923 : memref<1x128xi32, #tpu.memory_space<vmem>> -> memref<128xi32, #tpu.memory_space<vmem>>
      %dma_wait3A_925 = arith.constant 0 : i32
      %dma_wait3A_926 = arith.constant 0 : i32
      %dma_wait3A_927 = tpu.memref_slice %arg2[%dma_wait3A_925, %dma_wait3A_926] : memref<100000x24xf32, #tpu.memory_space<hbm>> -> memref<100000x24xf32, #tpu.memory_space<hbm>>
      tpu.wait_indirect_dma semaphore(%arg21 : memref<!tpu.dma_semaphore, #tpu.memory_space<semaphore_mem>>) src(%dma_wait3A_927 : memref<100000x24xf32, #tpu.memory_space<hbm>>) dst(%dma_wait3A_921 : memref<128x24xf32, #tpu.memory_space<vmem>>)
      %dma_wait3A_928 = arith.constant 3 : i32
      %dma_wait3A_929 = arith.constant 3 : i32
      %dma_wait3A_930 = arith.constant 0 : i32
      %dma_wait3A_931 = arith.constant 0 : i32
      %dma_wait3A_932 = tpu.memref_slice %arg15[%dma_wait3A_929, %dma_wait3A_930, %dma_wait3A_931] : memref<4x128x24xf32, #tpu.memory_space<vmem>> -> memref<1x128x24xf32, #tpu.memory_space<vmem>>
      %dma_wait3A_933 = tpu.memref_squeeze %dma_wait3A_932 : memref<1x128x24xf32, #tpu.memory_space<vmem>> -> memref<128x24xf32, #tpu.memory_space<vmem>>
      %dma_wait3A_934 = arith.constant 0 : i32
      %dma_wait3A_935 = tpu.memref_slice %arg13[%dma_wait3A_928, %dma_wait3A_934] : memref<4x128xi32, #tpu.memory_space<vmem>> -> memref<1x128xi32, #tpu.memory_space<vmem>>
      %dma_wait3A_936 = tpu.memref_squeeze %dma_wait3A_935 : memref<1x128xi32, #tpu.memory_space<vmem>> -> memref<128xi32, #tpu.memory_space<vmem>>
      %dma_wait3A_937 = arith.constant 0 : i32
      %dma_wait3A_938 = arith.constant 0 : i32
      %dma_wait3A_939 = tpu.memref_slice %arg3[%dma_wait3A_937, %dma_wait3A_938] : memref<100000x24xf32, #tpu.memory_space<hbm>> -> memref<100000x24xf32, #tpu.memory_space<hbm>>
      tpu.wait_indirect_dma semaphore(%arg22 : memref<!tpu.dma_semaphore, #tpu.memory_space<semaphore_mem>>) src(%dma_wait3A_939 : memref<100000x24xf32, #tpu.memory_space<hbm>>) dst(%dma_wait3A_933 : memref<128x24xf32, #tpu.memory_space<vmem>>)
      %add3A_940 = arith.constant 1 : i32
      %add3A_941 = arith.addi %add3A_843, %add3A_940 : i32
      %lt3A_942 = arith.cmpi slt, %add3A_941, %select_n3A : i32
      %convert_element_type3A_943 = arith.extui %lt3A_942 : i1 to i32
      %cond3A_944 = arith.constant 0 : i32
      %cond3A_945 = arith.cmpi ne, %convert_element_type3A_943, %cond3A_944 : i32
      scf.if %cond3A_945 {
        %dma_wait3A_1024 = arith.constant 0 : i32
        %dma_wait3A_1025 = arith.constant 0 : i32
        %dma_wait3A_1026 = tpu.memref_slice %arg4[%dma_wait3A_1024, %dma_wait3A_1025] : memref<25000x128xi32, #tpu.memory_space<hbm>> -> memref<4x128xi32, #tpu.memory_space<hbm>>
        %dma_wait3A_1027 = arith.constant 0 : i32
        %dma_wait3A_1028 = arith.constant 0 : i32
        %dma_wait3A_1029 = tpu.memref_slice %arg4[%dma_wait3A_1027, %dma_wait3A_1028] : memref<25000x128xi32, #tpu.memory_space<hbm>> -> memref<4x128xi32, #tpu.memory_space<hbm>>
        tpu.wait_dma2 semaphore(%arg19 : memref<!tpu.dma_semaphore, #tpu.memory_space<semaphore_mem>>) src(%dma_wait3A_1029 : memref<4x128xi32, #tpu.memory_space<hbm>>) dst(%arg7 : memref<4x128xi32, #tpu.memory_space<vmem>>)
        %dma_wait3A_1030 = arith.constant 0 : i32
        %dma_wait3A_1031 = arith.constant 0 : i32
        %dma_wait3A_1032 = tpu.memref_slice %arg5[%dma_wait3A_1030, %dma_wait3A_1031] : memref<25000x128xi32, #tpu.memory_space<hbm>> -> memref<4x128xi32, #tpu.memory_space<hbm>>
        %dma_wait3A_1033 = arith.constant 0 : i32
        %dma_wait3A_1034 = arith.constant 0 : i32
        %dma_wait3A_1035 = tpu.memref_slice %arg5[%dma_wait3A_1033, %dma_wait3A_1034] : memref<25000x128xi32, #tpu.memory_space<hbm>> -> memref<4x128xi32, #tpu.memory_space<hbm>>
        tpu.wait_dma2 semaphore(%arg19 : memref<!tpu.dma_semaphore, #tpu.memory_space<semaphore_mem>>) src(%dma_wait3A_1035 : memref<4x128xi32, #tpu.memory_space<hbm>>) dst(%arg8 : memref<4x128xi32, #tpu.memory_space<vmem>>)
        %dma_start3A_1036 = arith.constant 0 : i32
        %dma_start3A_1037 = arith.constant 0 : i32
        %dma_start3A_1038 = arith.constant 0 : i32
        %dma_start3A_1039 = arith.constant 0 : i32
        %dma_start3A_1040 = tpu.memref_slice %arg9[%dma_start3A_1037, %dma_start3A_1038, %dma_start3A_1039] : memref<4x128x24xf32, #tpu.memory_space<vmem>> -> memref<1x128x24xf32, #tpu.memory_space<vmem>>
        %dma_start3A_1041 = tpu.memref_squeeze %dma_start3A_1040 : memref<1x128x24xf32, #tpu.memory_space<vmem>> -> memref<128x24xf32, #tpu.memory_space<vmem>>
        %dma_start3A_1042 = arith.constant 0 : i32
        %dma_start3A_1043 = tpu.memref_slice %arg7[%dma_start3A_1036, %dma_start3A_1042] : memref<4x128xi32, #tpu.memory_space<vmem>> -> memref<1x128xi32, #tpu.memory_space<vmem>>
        %dma_start3A_1044 = tpu.memref_squeeze %dma_start3A_1043 : memref<1x128xi32, #tpu.memory_space<vmem>> -> memref<128xi32, #tpu.memory_space<vmem>>
        %dma_start3A_1045 = arith.constant 0 : i32
        %dma_start3A_1046 = arith.constant 0 : i32
        %dma_start3A_1047 = tpu.memref_slice %arg2[%dma_start3A_1045, %dma_start3A_1046] : memref<100000x24xf32, #tpu.memory_space<hbm>> -> memref<100000x24xf32, #tpu.memory_space<hbm>>
        tpu.enqueue_indirect_dma source(%dma_start3A_1047 : memref<100000x24xf32, #tpu.memory_space<hbm>>) target(%dma_start3A_1041 : memref<128x24xf32, #tpu.memory_space<vmem>>) offsets(%dma_start3A_1044 : memref<128xi32, #tpu.memory_space<vmem>>) semaphore(%arg17 : memref<!tpu.dma_semaphore, #tpu.memory_space<semaphore_mem>>)
        %dma_start3A_1048 = arith.constant 0 : i32
        %dma_start3A_1049 = arith.constant 0 : i32
        %dma_start3A_1050 = arith.constant 0 : i32
        %dma_start3A_1051 = arith.constant 0 : i32
        %dma_start3A_1052 = tpu.memref_slice %arg10[%dma_start3A_1049, %dma_start3A_1050, %dma_start3A_1051] : memref<4x128x24xf32, #tpu.memory_space<vmem>> -> memref<1x128x24xf32, #tpu.memory_space<vmem>>
        %dma_start3A_1053 = tpu.memref_squeeze %dma_start3A_1052 : memref<1x128x24xf32, #tpu.memory_space<vmem>> -> memref<128x24xf32, #tpu.memory_space<vmem>>
        %dma_start3A_1054 = arith.constant 0 : i32
        %dma_start3A_1055 = tpu.memref_slice %arg8[%dma_start3A_1048, %dma_start3A_1054] : memref<4x128xi32, #tpu.memory_space<vmem>> -> memref<1x128xi32, #tpu.memory_space<vmem>>
        %dma_start3A_1056 = tpu.memref_squeeze %dma_start3A_1055 : memref<1x128xi32, #tpu.memory_space<vmem>> -> memref<128xi32, #tpu.memory_space<vmem>>
        %dma_start3A_1057 = arith.constant 0 : i32
        %dma_start3A_1058 = arith.constant 0 : i32
        %dma_start3A_1059 = tpu.memref_slice %arg3[%dma_start3A_1057, %dma_start3A_1058] : memref<100000x24xf32, #tpu.memory_space<hbm>> -> memref<100000x24xf32, #tpu.memory_space<hbm>>
        tpu.enqueue_indirect_dma source(%dma_start3A_1059 : memref<100000x24xf32, #tpu.memory_space<hbm>>) target(%dma_start3A_1053 : memref<128x24xf32, #tpu.memory_space<vmem>>) offsets(%dma_start3A_1056 : memref<128xi32, #tpu.memory_space<vmem>>) semaphore(%arg18 : memref<!tpu.dma_semaphore, #tpu.memory_space<semaphore_mem>>)
        %dma_start3A_1060 = arith.constant 1 : i32
        %dma_start3A_1061 = arith.constant 1 : i32
        %dma_start3A_1062 = arith.constant 0 : i32
        %dma_start3A_1063 = arith.constant 0 : i32
        %dma_start3A_1064 = tpu.memref_slice %arg9[%dma_start3A_1061, %dma_start3A_1062, %dma_start3A_1063] : memref<4x128x24xf32, #tpu.memory_space<vmem>> -> memref<1x128x24xf32, #tpu.memory_space<vmem>>
        %dma_start3A_1065 = tpu.memref_squeeze %dma_start3A_1064 : memref<1x128x24xf32, #tpu.memory_space<vmem>> -> memref<128x24xf32, #tpu.memory_space<vmem>>
        %dma_start3A_1066 = arith.constant 0 : i32
        %dma_start3A_1067 = tpu.memref_slice %arg7[%dma_start3A_1060, %dma_start3A_1066] : memref<4x128xi32, #tpu.memory_space<vmem>> -> memref<1x128xi32, #tpu.memory_space<vmem>>
        %dma_start3A_1068 = tpu.memref_squeeze %dma_start3A_1067 : memref<1x128xi32, #tpu.memory_space<vmem>> -> memref<128xi32, #tpu.memory_space<vmem>>
        %dma_start3A_1069 = arith.constant 0 : i32
        %dma_start3A_1070 = arith.constant 0 : i32
        %dma_start3A_1071 = tpu.memref_slice %arg2[%dma_start3A_1069, %dma_start3A_1070] : memref<100000x24xf32, #tpu.memory_space<hbm>> -> memref<100000x24xf32, #tpu.memory_space<hbm>>
        tpu.enqueue_indirect_dma source(%dma_start3A_1071 : memref<100000x24xf32, #tpu.memory_space<hbm>>) target(%dma_start3A_1065 : memref<128x24xf32, #tpu.memory_space<vmem>>) offsets(%dma_start3A_1068 : memref<128xi32, #tpu.memory_space<vmem>>) semaphore(%arg17 : memref<!tpu.dma_semaphore, #tpu.memory_space<semaphore_mem>>)
        %dma_start3A_1072 = arith.constant 1 : i32
        %dma_start3A_1073 = arith.constant 1 : i32
        %dma_start3A_1074 = arith.constant 0 : i32
        %dma_start3A_1075 = arith.constant 0 : i32
        %dma_start3A_1076 = tpu.memref_slice %arg10[%dma_start3A_1073, %dma_start3A_1074, %dma_start3A_1075] : memref<4x128x24xf32, #tpu.memory_space<vmem>> -> memref<1x128x24xf32, #tpu.memory_space<vmem>>
        %dma_start3A_1077 = tpu.memref_squeeze %dma_start3A_1076 : memref<1x128x24xf32, #tpu.memory_space<vmem>> -> memref<128x24xf32, #tpu.memory_space<vmem>>
        %dma_start3A_1078 = arith.constant 0 : i32
        %dma_start3A_1079 = tpu.memref_slice %arg8[%dma_start3A_1072, %dma_start3A_1078] : memref<4x128xi32, #tpu.memory_space<vmem>> -> memref<1x128xi32, #tpu.memory_space<vmem>>
        %dma_start3A_1080 = tpu.memref_squeeze %dma_start3A_1079 : memref<1x128xi32, #tpu.memory_space<vmem>> -> memref<128xi32, #tpu.memory_space<vmem>>
        %dma_start3A_1081 = arith.constant 0 : i32
        %dma_start3A_1082 = arith.constant 0 : i32
        %dma_start3A_1083 = tpu.memref_slice %arg3[%dma_start3A_1081, %dma_start3A_1082] : memref<100000x24xf32, #tpu.memory_space<hbm>> -> memref<100000x24xf32, #tpu.memory_space<hbm>>
        tpu.enqueue_indirect_dma source(%dma_start3A_1083 : memref<100000x24xf32, #tpu.memory_space<hbm>>) target(%dma_start3A_1077 : memref<128x24xf32, #tpu.memory_space<vmem>>) offsets(%dma_start3A_1080 : memref<128xi32, #tpu.memory_space<vmem>>) semaphore(%arg18 : memref<!tpu.dma_semaphore, #tpu.memory_space<semaphore_mem>>)
        %dma_start3A_1084 = arith.constant 2 : i32
        %dma_start3A_1085 = arith.constant 2 : i32
        %dma_start3A_1086 = arith.constant 0 : i32
        %dma_start3A_1087 = arith.constant 0 : i32
        %dma_start3A_1088 = tpu.memref_slice %arg9[%dma_start3A_1085, %dma_start3A_1086, %dma_start3A_1087] : memref<4x128x24xf32, #tpu.memory_space<vmem>> -> memref<1x128x24xf32, #tpu.memory_space<vmem>>
        %dma_start3A_1089 = tpu.memref_squeeze %dma_start3A_1088 : memref<1x128x24xf32, #tpu.memory_space<vmem>> -> memref<128x24xf32, #tpu.memory_space<vmem>>
        %dma_start3A_1090 = arith.constant 0 : i32
        %dma_start3A_1091 = tpu.memref_slice %arg7[%dma_start3A_1084, %dma_start3A_1090] : memref<4x128xi32, #tpu.memory_space<vmem>> -> memref<1x128xi32, #tpu.memory_space<vmem>>
        %dma_start3A_1092 = tpu.memref_squeeze %dma_start3A_1091 : memref<1x128xi32, #tpu.memory_space<vmem>> -> memref<128xi32, #tpu.memory_space<vmem>>
        %dma_start3A_1093 = arith.constant 0 : i32
        %dma_start3A_1094 = arith.constant 0 : i32
        %dma_start3A_1095 = tpu.memref_slice %arg2[%dma_start3A_1093, %dma_start3A_1094] : memref<100000x24xf32, #tpu.memory_space<hbm>> -> memref<100000x24xf32, #tpu.memory_space<hbm>>
        tpu.enqueue_indirect_dma source(%dma_start3A_1095 : memref<100000x24xf32, #tpu.memory_space<hbm>>) target(%dma_start3A_1089 : memref<128x24xf32, #tpu.memory_space<vmem>>) offsets(%dma_start3A_1092 : memref<128xi32, #tpu.memory_space<vmem>>) semaphore(%arg17 : memref<!tpu.dma_semaphore, #tpu.memory_space<semaphore_mem>>)
        %dma_start3A_1096 = arith.constant 2 : i32
        %dma_start3A_1097 = arith.constant 2 : i32
        %dma_start3A_1098 = arith.constant 0 : i32
        %dma_start3A_1099 = arith.constant 0 : i32
        %dma_start3A_1100 = tpu.memref_slice %arg10[%dma_start3A_1097, %dma_start3A_1098, %dma_start3A_1099] : memref<4x128x24xf32, #tpu.memory_space<vmem>> -> memref<1x128x24xf32, #tpu.memory_space<vmem>>
        %dma_start3A_1101 = tpu.memref_squeeze %dma_start3A_1100 : memref<1x128x24xf32, #tpu.memory_space<vmem>> -> memref<128x24xf32, #tpu.memory_space<vmem>>
        %dma_start3A_1102 = arith.constant 0 : i32
        %dma_start3A_1103 = tpu.memref_slice %arg8[%dma_start3A_1096, %dma_start3A_1102] : memref<4x128xi32, #tpu.memory_space<vmem>> -> memref<1x128xi32, #tpu.memory_space<vmem>>
        %dma_start3A_1104 = tpu.memref_squeeze %dma_start3A_1103 : memref<1x128xi32, #tpu.memory_space<vmem>> -> memref<128xi32, #tpu.memory_space<vmem>>
        %dma_start3A_1105 = arith.constant 0 : i32
        %dma_start3A_1106 = arith.constant 0 : i32
        %dma_start3A_1107 = tpu.memref_slice %arg3[%dma_start3A_1105, %dma_start3A_1106] : memref<100000x24xf32, #tpu.memory_space<hbm>> -> memref<100000x24xf32, #tpu.memory_space<hbm>>
        tpu.enqueue_indirect_dma source(%dma_start3A_1107 : memref<100000x24xf32, #tpu.memory_space<hbm>>) target(%dma_start3A_1101 : memref<128x24xf32, #tpu.memory_space<vmem>>) offsets(%dma_start3A_1104 : memref<128xi32, #tpu.memory_space<vmem>>) semaphore(%arg18 : memref<!tpu.dma_semaphore, #tpu.memory_space<semaphore_mem>>)
        %dma_start3A_1108 = arith.constant 3 : i32
        %dma_start3A_1109 = arith.constant 3 : i32
        %dma_start3A_1110 = arith.constant 0 : i32
        %dma_start3A_1111 = arith.constant 0 : i32
        %dma_start3A_1112 = tpu.memref_slice %arg9[%dma_start3A_1109, %dma_start3A_1110, %dma_start3A_1111] : memref<4x128x24xf32, #tpu.memory_space<vmem>> -> memref<1x128x24xf32, #tpu.memory_space<vmem>>
        %dma_start3A_1113 = tpu.memref_squeeze %dma_start3A_1112 : memref<1x128x24xf32, #tpu.memory_space<vmem>> -> memref<128x24xf32, #tpu.memory_space<vmem>>
        %dma_start3A_1114 = arith.constant 0 : i32
        %dma_start3A_1115 = tpu.memref_slice %arg7[%dma_start3A_1108, %dma_start3A_1114] : memref<4x128xi32, #tpu.memory_space<vmem>> -> memref<1x128xi32, #tpu.memory_space<vmem>>
        %dma_start3A_1116 = tpu.memref_squeeze %dma_start3A_1115 : memref<1x128xi32, #tpu.memory_space<vmem>> -> memref<128xi32, #tpu.memory_space<vmem>>
        %dma_start3A_1117 = arith.constant 0 : i32
        %dma_start3A_1118 = arith.constant 0 : i32
        %dma_start3A_1119 = tpu.memref_slice %arg2[%dma_start3A_1117, %dma_start3A_1118] : memref<100000x24xf32, #tpu.memory_space<hbm>> -> memref<100000x24xf32, #tpu.memory_space<hbm>>
        tpu.enqueue_indirect_dma source(%dma_start3A_1119 : memref<100000x24xf32, #tpu.memory_space<hbm>>) target(%dma_start3A_1113 : memref<128x24xf32, #tpu.memory_space<vmem>>) offsets(%dma_start3A_1116 : memref<128xi32, #tpu.memory_space<vmem>>) semaphore(%arg17 : memref<!tpu.dma_semaphore, #tpu.memory_space<semaphore_mem>>)
        %dma_start3A_1120 = arith.constant 3 : i32
        %dma_start3A_1121 = arith.constant 3 : i32
        %dma_start3A_1122 = arith.constant 0 : i32
        %dma_start3A_1123 = arith.constant 0 : i32
        %dma_start3A_1124 = tpu.memref_slice %arg10[%dma_start3A_1121, %dma_start3A_1122, %dma_start3A_1123] : memref<4x128x24xf32, #tpu.memory_space<vmem>> -> memref<1x128x24xf32, #tpu.memory_space<vmem>>
        %dma_start3A_1125 = tpu.memref_squeeze %dma_start3A_1124 : memref<1x128x24xf32, #tpu.memory_space<vmem>> -> memref<128x24xf32, #tpu.memory_space<vmem>>
        %dma_start3A_1126 = arith.constant 0 : i32
        %dma_start3A_1127 = tpu.memref_slice %arg8[%dma_start3A_1120, %dma_start3A_1126] : memref<4x128xi32, #tpu.memory_space<vmem>> -> memref<1x128xi32, #tpu.memory_space<vmem>>
        %dma_start3A_1128 = tpu.memref_squeeze %dma_start3A_1127 : memref<1x128xi32, #tpu.memory_space<vmem>> -> memref<128xi32, #tpu.memory_space<vmem>>
        %dma_start3A_1129 = arith.constant 0 : i32
        %dma_start3A_1130 = arith.constant 0 : i32
        %dma_start3A_1131 = tpu.memref_slice %arg3[%dma_start3A_1129, %dma_start3A_1130] : memref<100000x24xf32, #tpu.memory_space<hbm>> -> memref<100000x24xf32, #tpu.memory_space<hbm>>
        tpu.enqueue_indirect_dma source(%dma_start3A_1131 : memref<100000x24xf32, #tpu.memory_space<hbm>>) target(%dma_start3A_1125 : memref<128x24xf32, #tpu.memory_space<vmem>>) offsets(%dma_start3A_1128 : memref<128xi32, #tpu.memory_space<vmem>>) semaphore(%arg18 : memref<!tpu.dma_semaphore, #tpu.memory_space<semaphore_mem>>)
      } else {
      }
      %add3A_946 = arith.constant 2 : i32
      %add3A_947 = arith.addi %add3A_843, %add3A_946 : i32
      %lt3A_948 = arith.cmpi slt, %add3A_947, %select_n3A : i32
      %convert_element_type3A_949 = arith.extui %lt3A_948 : i1 to i32
      %cond3A_950 = arith.constant 0 : i32
      %cond3A_951 = arith.cmpi ne, %convert_element_type3A_949, %cond3A_950 : i32
      scf.if %cond3A_951 {
        %add3A_1024 = arith.constant 2 : i32
        %add3A_1025 = arith.addi %add3A_843, %add3A_1024 : i32
        %mul3A_1026 = arith.constant 4 : i32
        %mul3A_1027 = arith.muli %add3A_1025, %mul3A_1026 : i32
        %add3A_1028 = arith.addi %sub3A_7, %mul3A_1027 : i32
        %dma_start3A_1029 = arith.constant 0 : i32
        %dma_start3A_1030 = tpu.memref_slice %arg4[%add3A_1028, %dma_start3A_1029] : memref<25000x128xi32, #tpu.memory_space<hbm>> -> memref<4x128xi32, #tpu.memory_space<hbm>>
        %dma_start3A_1031 = arith.constant 0 : i32
        %dma_start3A_1032 = tpu.memref_slice %arg4[%add3A_1028, %dma_start3A_1031] : memref<25000x128xi32, #tpu.memory_space<hbm>> -> memref<4x128xi32, #tpu.memory_space<hbm>>
        tpu.enqueue_dma source(%dma_start3A_1032 : memref<4x128xi32, #tpu.memory_space<hbm>>) target(%arg12 : memref<4x128xi32, #tpu.memory_space<vmem>>) target_semaphore(%arg23 : memref<!tpu.dma_semaphore, #tpu.memory_space<semaphore_mem>>)
        %dma_start3A_1033 = arith.constant 0 : i32
        %dma_start3A_1034 = tpu.memref_slice %arg5[%add3A_1028, %dma_start3A_1033] : memref<25000x128xi32, #tpu.memory_space<hbm>> -> memref<4x128xi32, #tpu.memory_space<hbm>>
        %dma_start3A_1035 = arith.constant 0 : i32
        %dma_start3A_1036 = tpu.memref_slice %arg5[%add3A_1028, %dma_start3A_1035] : memref<25000x128xi32, #tpu.memory_space<hbm>> -> memref<4x128xi32, #tpu.memory_space<hbm>>
        tpu.enqueue_dma source(%dma_start3A_1036 : memref<4x128xi32, #tpu.memory_space<hbm>>) target(%arg13 : memref<4x128xi32, #tpu.memory_space<vmem>>) target_semaphore(%arg23 : memref<!tpu.dma_semaphore, #tpu.memory_space<semaphore_mem>>)
      } else {
      }
      %ge3A_952 = arith.constant 2 : i32
      %ge3A_953 = arith.cmpi sge, %add3A_843, %ge3A_952 : i32
      %convert_element_type3A_954 = arith.extui %ge3A_953 : i1 to i32
      %cond3A_955 = arith.constant 0 : i32
      %cond3A_956 = arith.cmpi ne, %convert_element_type3A_954, %cond3A_955 : i32
      scf.if %cond3A_956 {
        %dma_wait3A_1024 = arith.constant 0 : i32
        %dma_wait3A_1025 = arith.constant 0 : i32
        %dma_wait3A_1026 = arith.constant 0 : i32
        %dma_wait3A_1027 = arith.constant 0 : i32
        %dma_wait3A_1028 = arith.constant 0 : i32
        %dma_wait3A_1029 = tpu.memref_slice %arg16[%dma_wait3A_1024, %dma_wait3A_1026, %dma_wait3A_1027, %dma_wait3A_1028] : memref<3x4x8x128xf32, #tpu.memory_space<vmem>> -> memref<1x4x8x128xf32, #tpu.memory_space<vmem>>
        %dma_wait3A_1030 = tpu.memref_squeeze %dma_wait3A_1029 : memref<1x4x8x128xf32, #tpu.memory_space<vmem>> -> memref<4x8x128xf32, #tpu.memory_space<vmem>>
        %dma_wait3A_1031 = arith.constant 0 : i32
        %dma_wait3A_1032 = arith.constant 0 : i32
        %dma_wait3A_1033 = arith.constant 0 : i32
        %dma_wait3A_1034 = tpu.memref_slice %arg6[%dma_wait3A_1025, %dma_wait3A_1031, %dma_wait3A_1032, %dma_wait3A_1033] : memref<3x25000x8x128xf32, #tpu.memory_space<hbm>> -> memref<1x4x8x128xf32, #tpu.memory_space<hbm>>
        %dma_wait3A_1035 = tpu.memref_squeeze %dma_wait3A_1034 : memref<1x4x8x128xf32, #tpu.memory_space<hbm>> -> memref<4x8x128xf32, #tpu.memory_space<hbm>>
        %dma_wait3A_1036 = arith.constant 0 : i32
        %dma_wait3A_1037 = arith.constant 0 : i32
        %dma_wait3A_1038 = arith.constant 0 : i32
        %dma_wait3A_1039 = tpu.memref_slice %arg6[%dma_wait3A_1025, %dma_wait3A_1036, %dma_wait3A_1037, %dma_wait3A_1038] : memref<3x25000x8x128xf32, #tpu.memory_space<hbm>> -> memref<1x4x8x128xf32, #tpu.memory_space<hbm>>
        %dma_wait3A_1040 = tpu.memref_squeeze %dma_wait3A_1039 : memref<1x4x8x128xf32, #tpu.memory_space<hbm>> -> memref<4x8x128xf32, #tpu.memory_space<hbm>>
        %dma_wait3A_1041 = arith.constant 0 : i32
        %dma_wait3A_1042 = arith.constant 0 : i32
        %dma_wait3A_1043 = arith.constant 0 : i32
        %dma_wait3A_1044 = tpu.memref_slice %arg16[%dma_wait3A_1024, %dma_wait3A_1041, %dma_wait3A_1042, %dma_wait3A_1043] : memref<3x4x8x128xf32, #tpu.memory_space<vmem>> -> memref<1x4x8x128xf32, #tpu.memory_space<vmem>>
        %dma_wait3A_1045 = tpu.memref_squeeze %dma_wait3A_1044 : memref<1x4x8x128xf32, #tpu.memory_space<vmem>> -> memref<4x8x128xf32, #tpu.memory_space<vmem>>
        tpu.wait_dma2 semaphore(%arg24 : memref<!tpu.dma_semaphore, #tpu.memory_space<semaphore_mem>>) src(%dma_wait3A_1045 : memref<4x8x128xf32, #tpu.memory_space<vmem>>) dst(%dma_wait3A_1040 : memref<4x8x128xf32, #tpu.memory_space<hbm>>)
        %dma_wait3A_1046 = arith.constant 1 : i32
        %dma_wait3A_1047 = arith.constant 1 : i32
        %dma_wait3A_1048 = arith.constant 0 : i32
        %dma_wait3A_1049 = arith.constant 0 : i32
        %dma_wait3A_1050 = arith.constant 0 : i32
        %dma_wait3A_1051 = tpu.memref_slice %arg16[%dma_wait3A_1046, %dma_wait3A_1048, %dma_wait3A_1049, %dma_wait3A_1050] : memref<3x4x8x128xf32, #tpu.memory_space<vmem>> -> memref<1x4x8x128xf32, #tpu.memory_space<vmem>>
        %dma_wait3A_1052 = tpu.memref_squeeze %dma_wait3A_1051 : memref<1x4x8x128xf32, #tpu.memory_space<vmem>> -> memref<4x8x128xf32, #tpu.memory_space<vmem>>
        %dma_wait3A_1053 = arith.constant 0 : i32
        %dma_wait3A_1054 = arith.constant 0 : i32
        %dma_wait3A_1055 = arith.constant 0 : i32
        %dma_wait3A_1056 = tpu.memref_slice %arg6[%dma_wait3A_1047, %dma_wait3A_1053, %dma_wait3A_1054, %dma_wait3A_1055] : memref<3x25000x8x128xf32, #tpu.memory_space<hbm>> -> memref<1x4x8x128xf32, #tpu.memory_space<hbm>>
        %dma_wait3A_1057 = tpu.memref_squeeze %dma_wait3A_1056 : memref<1x4x8x128xf32, #tpu.memory_space<hbm>> -> memref<4x8x128xf32, #tpu.memory_space<hbm>>
        %dma_wait3A_1058 = arith.constant 0 : i32
        %dma_wait3A_1059 = arith.constant 0 : i32
        %dma_wait3A_1060 = arith.constant 0 : i32
        %dma_wait3A_1061 = tpu.memref_slice %arg6[%dma_wait3A_1047, %dma_wait3A_1058, %dma_wait3A_1059, %dma_wait3A_1060] : memref<3x25000x8x128xf32, #tpu.memory_space<hbm>> -> memref<1x4x8x128xf32, #tpu.memory_space<hbm>>
        %dma_wait3A_1062 = tpu.memref_squeeze %dma_wait3A_1061 : memref<1x4x8x128xf32, #tpu.memory_space<hbm>> -> memref<4x8x128xf32, #tpu.memory_space<hbm>>
        %dma_wait3A_1063 = arith.constant 0 : i32
        %dma_wait3A_1064 = arith.constant 0 : i32
        %dma_wait3A_1065 = arith.constant 0 : i32
        %dma_wait3A_1066 = tpu.memref_slice %arg16[%dma_wait3A_1046, %dma_wait3A_1063, %dma_wait3A_1064, %dma_wait3A_1065] : memref<3x4x8x128xf32, #tpu.memory_space<vmem>> -> memref<1x4x8x128xf32, #tpu.memory_space<vmem>>
        %dma_wait3A_1067 = tpu.memref_squeeze %dma_wait3A_1066 : memref<1x4x8x128xf32, #tpu.memory_space<vmem>> -> memref<4x8x128xf32, #tpu.memory_space<vmem>>
        tpu.wait_dma2 semaphore(%arg24 : memref<!tpu.dma_semaphore, #tpu.memory_space<semaphore_mem>>) src(%dma_wait3A_1067 : memref<4x8x128xf32, #tpu.memory_space<vmem>>) dst(%dma_wait3A_1062 : memref<4x8x128xf32, #tpu.memory_space<hbm>>)
        %dma_wait3A_1068 = arith.constant 2 : i32
        %dma_wait3A_1069 = arith.constant 2 : i32
        %dma_wait3A_1070 = arith.constant 0 : i32
        %dma_wait3A_1071 = arith.constant 0 : i32
        %dma_wait3A_1072 = arith.constant 0 : i32
        %dma_wait3A_1073 = tpu.memref_slice %arg16[%dma_wait3A_1068, %dma_wait3A_1070, %dma_wait3A_1071, %dma_wait3A_1072] : memref<3x4x8x128xf32, #tpu.memory_space<vmem>> -> memref<1x4x8x128xf32, #tpu.memory_space<vmem>>
        %dma_wait3A_1074 = tpu.memref_squeeze %dma_wait3A_1073 : memref<1x4x8x128xf32, #tpu.memory_space<vmem>> -> memref<4x8x128xf32, #tpu.memory_space<vmem>>
        %dma_wait3A_1075 = arith.constant 0 : i32
        %dma_wait3A_1076 = arith.constant 0 : i32
        %dma_wait3A_1077 = arith.constant 0 : i32
        %dma_wait3A_1078 = tpu.memref_slice %arg6[%dma_wait3A_1069, %dma_wait3A_1075, %dma_wait3A_1076, %dma_wait3A_1077] : memref<3x25000x8x128xf32, #tpu.memory_space<hbm>> -> memref<1x4x8x128xf32, #tpu.memory_space<hbm>>
        %dma_wait3A_1079 = tpu.memref_squeeze %dma_wait3A_1078 : memref<1x4x8x128xf32, #tpu.memory_space<hbm>> -> memref<4x8x128xf32, #tpu.memory_space<hbm>>
        %dma_wait3A_1080 = arith.constant 0 : i32
        %dma_wait3A_1081 = arith.constant 0 : i32
        %dma_wait3A_1082 = arith.constant 0 : i32
        %dma_wait3A_1083 = tpu.memref_slice %arg6[%dma_wait3A_1069, %dma_wait3A_1080, %dma_wait3A_1081, %dma_wait3A_1082] : memref<3x25000x8x128xf32, #tpu.memory_space<hbm>> -> memref<1x4x8x128xf32, #tpu.memory_space<hbm>>
        %dma_wait3A_1084 = tpu.memref_squeeze %dma_wait3A_1083 : memref<1x4x8x128xf32, #tpu.memory_space<hbm>> -> memref<4x8x128xf32, #tpu.memory_space<hbm>>
        %dma_wait3A_1085 = arith.constant 0 : i32
        %dma_wait3A_1086 = arith.constant 0 : i32
        %dma_wait3A_1087 = arith.constant 0 : i32
        %dma_wait3A_1088 = tpu.memref_slice %arg16[%dma_wait3A_1068, %dma_wait3A_1085, %dma_wait3A_1086, %dma_wait3A_1087] : memref<3x4x8x128xf32, #tpu.memory_space<vmem>> -> memref<1x4x8x128xf32, #tpu.memory_space<vmem>>
        %dma_wait3A_1089 = tpu.memref_squeeze %dma_wait3A_1088 : memref<1x4x8x128xf32, #tpu.memory_space<vmem>> -> memref<4x8x128xf32, #tpu.memory_space<vmem>>
        tpu.wait_dma2 semaphore(%arg24 : memref<!tpu.dma_semaphore, #tpu.memory_space<semaphore_mem>>) src(%dma_wait3A_1089 : memref<4x8x128xf32, #tpu.memory_space<vmem>>) dst(%dma_wait3A_1084 : memref<4x8x128xf32, #tpu.memory_space<hbm>>)
      } else {
      }
      %parallel_loop3A_957 = arith.constant 0 : i32
      %parallel_loop3A_958 = arith.constant 128 : i32
      %parallel_loop3A_959 = arith.constant 1 : i32
      scf.for %parallel_loop3A_1024 = %parallel_loop3A_957 to %parallel_loop3A_958 step %parallel_loop3A_959  : i32 {
        %parallel_loop3A_1025 = arith.constant 4 : i32
        %parallel_loop3A_1026 = arith.muli %parallel_loop3A_1024, %parallel_loop3A_1025 : i32
        %parallel_loop3A_1027 = vector.broadcast %parallel_loop3A_1026 : i32 to vector<16xi32>
        %parallel_loop3A_1028 = arith.addi %select_n3A_38, %parallel_loop3A_1027 : vector<16xi32>
        %parallel_loop3A_1029 = arith.constant 7 : i32
        %parallel_loop3A_1030 = vector.broadcast %parallel_loop3A_1029 : i32 to vector<16xi32>
        %parallel_loop3A_1031 = arith.shrsi %parallel_loop3A_1028, %parallel_loop3A_1030 : vector<16xi32>
        %parallel_loop3A_1032 = arith.constant 127 : i32
        %parallel_loop3A_1033 = vector.broadcast %parallel_loop3A_1032 : i32 to vector<16xi32>
        %parallel_loop3A_1034 = arith.andi %parallel_loop3A_1028, %parallel_loop3A_1033 : vector<16xi32>
        %parallel_loop3A_1035 = tpu.vector_load_idx %arg14[%parallel_loop3A_1031, %parallel_loop3A_1034, %sub3A_42] : memref<4x128x24xf32, #tpu.memory_space<vmem>>[vector<16xi32>, vector<16xi32>, vector<16xi32>], vector<16xf32>,
        %parallel_loop3A_1036 = tpu.vector_load_idx %arg15[%parallel_loop3A_1031, %parallel_loop3A_1034, %sub3A_42] : memref<4x128x24xf32, #tpu.memory_space<vmem>>[vector<16xi32>, vector<16xi32>, vector<16xi32>], vector<16xf32>,
        %parallel_loop3A_1037 = arith.addf %parallel_loop3A_1035, %parallel_loop3A_1036 : vector<16xf32>
        tpu.vector_store_idx %arg16[%select_n3A_73, %parallel_loop3A_1031, %sub3A_77, %parallel_loop3A_1034], %parallel_loop3A_1037 : memref<3x4x8x128xf32, #tpu.memory_space<vmem>>[vector<16xi32>, vector<16xi32>, vector<16xi32>, vector<16xi32>], vector<16xf32>,
        %parallel_loop3A_1038 = vector.broadcast %parallel_loop3A_1026 : i32 to vector<16xi32>
        %parallel_loop3A_1039 = arith.addi %select_n3A_111, %parallel_loop3A_1038 : vector<16xi32>
        %parallel_loop3A_1040 = arith.constant 7 : i32
        %parallel_loop3A_1041 = vector.broadcast %parallel_loop3A_1040 : i32 to vector<16xi32>
        %parallel_loop3A_1042 = arith.shrsi %parallel_loop3A_1039, %parallel_loop3A_1041 : vector<16xi32>
        %parallel_loop3A_1043 = arith.constant 127 : i32
        %parallel_loop3A_1044 = vector.broadcast %parallel_loop3A_1043 : i32 to vector<16xi32>
        %parallel_loop3A_1045 = arith.andi %parallel_loop3A_1039, %parallel_loop3A_1044 : vector<16xi32>
        %parallel_loop3A_1046 = tpu.vector_load_idx %arg14[%parallel_loop3A_1042, %parallel_loop3A_1045, %sub3A_115] : memref<4x128x24xf32, #tpu.memory_space<vmem>>[vector<16xi32>, vector<16xi32>, vector<16xi32>], vector<16xf32>,
        %parallel_loop3A_1047 = tpu.vector_load_idx %arg15[%parallel_loop3A_1042, %parallel_loop3A_1045, %sub3A_115] : memref<4x128x24xf32, #tpu.memory_space<vmem>>[vector<16xi32>, vector<16xi32>, vector<16xi32>], vector<16xf32>,
        %parallel_loop3A_1048 = arith.addf %parallel_loop3A_1046, %parallel_loop3A_1047 : vector<16xf32>
        tpu.vector_store_idx %arg16[%select_n3A_146, %parallel_loop3A_1042, %sub3A_150, %parallel_loop3A_1045], %parallel_loop3A_1048 : memref<3x4x8x128xf32, #tpu.memory_space<vmem>>[vector<16xi32>, vector<16xi32>, vector<16xi32>, vector<16xi32>], vector<16xf32>,
        %parallel_loop3A_1049 = vector.broadcast %parallel_loop3A_1026 : i32 to vector<16xi32>
        %parallel_loop3A_1050 = arith.addi %select_n3A_184, %parallel_loop3A_1049 : vector<16xi32>
        %parallel_loop3A_1051 = arith.constant 7 : i32
        %parallel_loop3A_1052 = vector.broadcast %parallel_loop3A_1051 : i32 to vector<16xi32>
        %parallel_loop3A_1053 = arith.shrsi %parallel_loop3A_1050, %parallel_loop3A_1052 : vector<16xi32>
        %parallel_loop3A_1054 = arith.constant 127 : i32
        %parallel_loop3A_1055 = vector.broadcast %parallel_loop3A_1054 : i32 to vector<16xi32>
        %parallel_loop3A_1056 = arith.andi %parallel_loop3A_1050, %parallel_loop3A_1055 : vector<16xi32>
        %parallel_loop3A_1057 = tpu.vector_load_idx %arg14[%parallel_loop3A_1053, %parallel_loop3A_1056, %sub3A_188] : memref<4x128x24xf32, #tpu.memory_space<vmem>>[vector<16xi32>, vector<16xi32>, vector<16xi32>], vector<16xf32>,
        %parallel_loop3A_1058 = tpu.vector_load_idx %arg15[%parallel_loop3A_1053, %parallel_loop3A_1056, %sub3A_188] : memref<4x128x24xf32, #tpu.memory_space<vmem>>[vector<16xi32>, vector<16xi32>, vector<16xi32>], vector<16xf32>,
        %parallel_loop3A_1059 = arith.addf %parallel_loop3A_1057, %parallel_loop3A_1058 : vector<16xf32>
        tpu.vector_store_idx %arg16[%select_n3A_219, %parallel_loop3A_1053, %sub3A_223, %parallel_loop3A_1056], %parallel_loop3A_1059 : memref<3x4x8x128xf32, #tpu.memory_space<vmem>>[vector<16xi32>, vector<16xi32>, vector<16xi32>, vector<16xi32>], vector<16xf32>,
        %parallel_loop3A_1060 = vector.broadcast %parallel_loop3A_1026 : i32 to vector<16xi32>
        %parallel_loop3A_1061 = arith.addi %select_n3A_257, %parallel_loop3A_1060 : vector<16xi32>
        %parallel_loop3A_1062 = arith.constant 7 : i32
        %parallel_loop3A_1063 = vector.broadcast %parallel_loop3A_1062 : i32 to vector<16xi32>
        %parallel_loop3A_1064 = arith.shrsi %parallel_loop3A_1061, %parallel_loop3A_1063 : vector<16xi32>
        %parallel_loop3A_1065 = arith.constant 127 : i32
        %parallel_loop3A_1066 = vector.broadcast %parallel_loop3A_1065 : i32 to vector<16xi32>
        %parallel_loop3A_1067 = arith.andi %parallel_loop3A_1061, %parallel_loop3A_1066 : vector<16xi32>
        %parallel_loop3A_1068 = tpu.vector_load_idx %arg14[%parallel_loop3A_1064, %parallel_loop3A_1067, %sub3A_261] : memref<4x128x24xf32, #tpu.memory_space<vmem>>[vector<16xi32>, vector<16xi32>, vector<16xi32>], vector<16xf32>,
        %parallel_loop3A_1069 = tpu.vector_load_idx %arg15[%parallel_loop3A_1064, %parallel_loop3A_1067, %sub3A_261] : memref<4x128x24xf32, #tpu.memory_space<vmem>>[vector<16xi32>, vector<16xi32>, vector<16xi32>], vector<16xf32>,
        %parallel_loop3A_1070 = arith.addf %parallel_loop3A_1068, %parallel_loop3A_1069 : vector<16xf32>
        tpu.vector_store_idx %arg16[%select_n3A_292, %parallel_loop3A_1064, %sub3A_296, %parallel_loop3A_1067], %parallel_loop3A_1070 : memref<3x4x8x128xf32, #tpu.memory_space<vmem>>[vector<16xi32>, vector<16xi32>, vector<16xi32>, vector<16xi32>], vector<16xf32>,
        %parallel_loop3A_1071 = vector.broadcast %parallel_loop3A_1026 : i32 to vector<16xi32>
        %parallel_loop3A_1072 = arith.addi %select_n3A_330, %parallel_loop3A_1071 : vector<16xi32>
        %parallel_loop3A_1073 = arith.constant 7 : i32
        %parallel_loop3A_1074 = vector.broadcast %parallel_loop3A_1073 : i32 to vector<16xi32>
        %parallel_loop3A_1075 = arith.shrsi %parallel_loop3A_1072, %parallel_loop3A_1074 : vector<16xi32>
        %parallel_loop3A_1076 = arith.constant 127 : i32
        %parallel_loop3A_1077 = vector.broadcast %parallel_loop3A_1076 : i32 to vector<16xi32>
        %parallel_loop3A_1078 = arith.andi %parallel_loop3A_1072, %parallel_loop3A_1077 : vector<16xi32>
        %parallel_loop3A_1079 = tpu.vector_load_idx %arg14[%parallel_loop3A_1075, %parallel_loop3A_1078, %sub3A_334] : memref<4x128x24xf32, #tpu.memory_space<vmem>>[vector<16xi32>, vector<16xi32>, vector<16xi32>], vector<16xf32>,
        %parallel_loop3A_1080 = tpu.vector_load_idx %arg15[%parallel_loop3A_1075, %parallel_loop3A_1078, %sub3A_334] : memref<4x128x24xf32, #tpu.memory_space<vmem>>[vector<16xi32>, vector<16xi32>, vector<16xi32>], vector<16xf32>,
        %parallel_loop3A_1081 = arith.addf %parallel_loop3A_1079, %parallel_loop3A_1080 : vector<16xf32>
        tpu.vector_store_idx %arg16[%select_n3A_365, %parallel_loop3A_1075, %sub3A_369, %parallel_loop3A_1078], %parallel_loop3A_1081 : memref<3x4x8x128xf32, #tpu.memory_space<vmem>>[vector<16xi32>, vector<16xi32>, vector<16xi32>, vector<16xi32>], vector<16xf32>,
      } {sc.loop_unroll_factor = 2 : i64, sc.parallel_access}
      %mul3A_960 = arith.constant 4 : i32
      %mul3A_961 = arith.muli %add3A_843, %mul3A_960 : i32
      %add3A_962 = arith.addi %sub3A_7, %mul3A_961 : i32
      %dma_start3A_963 = arith.constant 0 : i32
      %dma_start3A_964 = arith.constant 0 : i32
      %dma_start3A_965 = arith.constant 0 : i32
      %dma_start3A_966 = arith.constant 0 : i32
      %dma_start3A_967 = arith.constant 0 : i32
      %dma_start3A_968 = tpu.memref_slice %arg16[%dma_start3A_963, %dma_start3A_965, %dma_start3A_966, %dma_start3A_967] : memref<3x4x8x128xf32, #tpu.memory_space<vmem>> -> memref<1x4x8x128xf32, #tpu.memory_space<vmem>>
      %dma_start3A_969 = tpu.memref_squeeze %dma_start3A_968 : memref<1x4x8x128xf32, #tpu.memory_space<vmem>> -> memref<4x8x128xf32, #tpu.memory_space<vmem>>
      %dma_start3A_970 = arith.constant 0 : i32
      %dma_start3A_971 = arith.constant 0 : i32
      %dma_start3A_972 = tpu.memref_slice %arg6[%dma_start3A_964, %add3A_962, %dma_start3A_970, %dma_start3A_971] : memref<3x25000x8x128xf32, #tpu.memory_space<hbm>> -> memref<1x4x8x128xf32, #tpu.memory_space<hbm>>
      %dma_start3A_973 = tpu.memref_squeeze %dma_start3A_972 : memref<1x4x8x128xf32, #tpu.memory_space<hbm>> -> memref<4x8x128xf32, #tpu.memory_space<hbm>>
      %dma_start3A_974 = arith.constant 0 : i32
      %dma_start3A_975 = arith.constant 0 : i32
      %dma_start3A_976 = tpu.memref_slice %arg6[%dma_start3A_964, %add3A_962, %dma_start3A_974, %dma_start3A_975] : memref<3x25000x8x128xf32, #tpu.memory_space<hbm>> -> memref<1x4x8x128xf32, #tpu.memory_space<hbm>>
      %dma_start3A_977 = tpu.memref_squeeze %dma_start3A_976 : memref<1x4x8x128xf32, #tpu.memory_space<hbm>> -> memref<4x8x128xf32, #tpu.memory_space<hbm>>
      %dma_start3A_978 = arith.constant 0 : i32
      %dma_start3A_979 = arith.constant 0 : i32
      %dma_start3A_980 = arith.constant 0 : i32
      %dma_start3A_981 = tpu.memref_slice %arg16[%dma_start3A_963, %dma_start3A_978, %dma_start3A_979, %dma_start3A_980] : memref<3x4x8x128xf32, #tpu.memory_space<vmem>> -> memref<1x4x8x128xf32, #tpu.memory_space<vmem>>
      %dma_start3A_982 = tpu.memref_squeeze %dma_start3A_981 : memref<1x4x8x128xf32, #tpu.memory_space<vmem>> -> memref<4x8x128xf32, #tpu.memory_space<vmem>>
      tpu.enqueue_dma source(%dma_start3A_982 : memref<4x8x128xf32, #tpu.memory_space<vmem>>) target(%dma_start3A_977 : memref<4x8x128xf32, #tpu.memory_space<hbm>>) target_semaphore(%arg24 : memref<!tpu.dma_semaphore, #tpu.memory_space<semaphore_mem>>)
      %dma_start3A_983 = arith.constant 1 : i32
      %dma_start3A_984 = arith.constant 1 : i32
      %dma_start3A_985 = arith.constant 0 : i32
      %dma_start3A_986 = arith.constant 0 : i32
      %dma_start3A_987 = arith.constant 0 : i32
      %dma_start3A_988 = tpu.memref_slice %arg16[%dma_start3A_983, %dma_start3A_985, %dma_start3A_986, %dma_start3A_987] : memref<3x4x8x128xf32, #tpu.memory_space<vmem>> -> memref<1x4x8x128xf32, #tpu.memory_space<vmem>>
      %dma_start3A_989 = tpu.memref_squeeze %dma_start3A_988 : memref<1x4x8x128xf32, #tpu.memory_space<vmem>> -> memref<4x8x128xf32, #tpu.memory_space<vmem>>
      %dma_start3A_990 = arith.constant 0 : i32
      %dma_start3A_991 = arith.constant 0 : i32
      %dma_start3A_992 = tpu.memref_slice %arg6[%dma_start3A_984, %add3A_962, %dma_start3A_990, %dma_start3A_991] : memref<3x25000x8x128xf32, #tpu.memory_space<hbm>> -> memref<1x4x8x128xf32, #tpu.memory_space<hbm>>
      %dma_start3A_993 = tpu.memref_squeeze %dma_start3A_992 : memref<1x4x8x128xf32, #tpu.memory_space<hbm>> -> memref<4x8x128xf32, #tpu.memory_space<hbm>>
      %dma_start3A_994 = arith.constant 0 : i32
      %dma_start3A_995 = arith.constant 0 : i32
      %dma_start3A_996 = tpu.memref_slice %arg6[%dma_start3A_984, %add3A_962, %dma_start3A_994, %dma_start3A_995] : memref<3x25000x8x128xf32, #tpu.memory_space<hbm>> -> memref<1x4x8x128xf32, #tpu.memory_space<hbm>>
      %dma_start3A_997 = tpu.memref_squeeze %dma_start3A_996 : memref<1x4x8x128xf32, #tpu.memory_space<hbm>> -> memref<4x8x128xf32, #tpu.memory_space<hbm>>
      %dma_start3A_998 = arith.constant 0 : i32
      %dma_start3A_999 = arith.constant 0 : i32
      %dma_start3A_1000 = arith.constant 0 : i32
      %dma_start3A_1001 = tpu.memref_slice %arg16[%dma_start3A_983, %dma_start3A_998, %dma_start3A_999, %dma_start3A_1000] : memref<3x4x8x128xf32, #tpu.memory_space<vmem>> -> memref<1x4x8x128xf32, #tpu.memory_space<vmem>>
      %dma_start3A_1002 = tpu.memref_squeeze %dma_start3A_1001 : memref<1x4x8x128xf32, #tpu.memory_space<vmem>> -> memref<4x8x128xf32, #tpu.memory_space<vmem>>
      tpu.enqueue_dma source(%dma_start3A_1002 : memref<4x8x128xf32, #tpu.memory_space<vmem>>) target(%dma_start3A_997 : memref<4x8x128xf32, #tpu.memory_space<hbm>>) target_semaphore(%arg24 : memref<!tpu.dma_semaphore, #tpu.memory_space<semaphore_mem>>)
      %dma_start3A_1003 = arith.constant 2 : i32
      %dma_start3A_1004 = arith.constant 2 : i32
      %dma_start3A_1005 = arith.constant 0 : i32
      %dma_start3A_1006 = arith.constant 0 : i32
      %dma_start3A_1007 = arith.constant 0 : i32
      %dma_start3A_1008 = tpu.memref_slice %arg16[%dma_start3A_1003, %dma_start3A_1005, %dma_start3A_1006, %dma_start3A_1007] : memref<3x4x8x128xf32, #tpu.memory_space<vmem>> -> memref<1x4x8x128xf32, #tpu.memory_space<vmem>>
      %dma_start3A_1009 = tpu.memref_squeeze %dma_start3A_1008 : memref<1x4x8x128xf32, #tpu.memory_space<vmem>> -> memref<4x8x128xf32, #tpu.memory_space<vmem>>
      %dma_start3A_1010 = arith.constant 0 : i32
      %dma_start3A_1011 = arith.constant 0 : i32
      %dma_start3A_1012 = tpu.memref_slice %arg6[%dma_start3A_1004, %add3A_962, %dma_start3A_1010, %dma_start3A_1011] : memref<3x25000x8x128xf32, #tpu.memory_space<hbm>> -> memref<1x4x8x128xf32, #tpu.memory_space<hbm>>
      %dma_start3A_1013 = tpu.memref_squeeze %dma_start3A_1012 : memref<1x4x8x128xf32, #tpu.memory_space<hbm>> -> memref<4x8x128xf32, #tpu.memory_space<hbm>>
      %dma_start3A_1014 = arith.constant 0 : i32
      %dma_start3A_1015 = arith.constant 0 : i32
      %dma_start3A_1016 = tpu.memref_slice %arg6[%dma_start3A_1004, %add3A_962, %dma_start3A_1014, %dma_start3A_1015] : memref<3x25000x8x128xf32, #tpu.memory_space<hbm>> -> memref<1x4x8x128xf32, #tpu.memory_space<hbm>>
      %dma_start3A_1017 = tpu.memref_squeeze %dma_start3A_1016 : memref<1x4x8x128xf32, #tpu.memory_space<hbm>> -> memref<4x8x128xf32, #tpu.memory_space<hbm>>
      %dma_start3A_1018 = arith.constant 0 : i32
      %dma_start3A_1019 = arith.constant 0 : i32
      %dma_start3A_1020 = arith.constant 0 : i32
      %dma_start3A_1021 = tpu.memref_slice %arg16[%dma_start3A_1003, %dma_start3A_1018, %dma_start3A_1019, %dma_start3A_1020] : memref<3x4x8x128xf32, #tpu.memory_space<vmem>> -> memref<1x4x8x128xf32, #tpu.memory_space<vmem>>
      %dma_start3A_1022 = tpu.memref_squeeze %dma_start3A_1021 : memref<1x4x8x128xf32, #tpu.memory_space<vmem>> -> memref<4x8x128xf32, #tpu.memory_space<vmem>>
      tpu.enqueue_dma source(%dma_start3A_1022 : memref<4x8x128xf32, #tpu.memory_space<vmem>>) target(%dma_start3A_1017 : memref<4x8x128xf32, #tpu.memory_space<hbm>>) target_semaphore(%arg24 : memref<!tpu.dma_semaphore, #tpu.memory_space<semaphore_mem>>)
      %while3A_1023 = arith.constant 0 : i32
      scf.yield %while3A_1023 : i32
    }
    %while3A_529 = arith.constant 1 : i32
    %while3A_530 = scf.for %while3A_663 = %while3A_526 to %while3A_522 step %while3A_529 iter_args(%while3A_664 = %while3A_528) -> (i32)  : i32 {
      %mul3A_665 = arith.constant 2 : i32
      %mul3A_666 = arith.muli %while3A_663, %mul3A_665 : i32
      %dma_wait3A_667 = arith.constant 0 : i32
      %dma_wait3A_668 = arith.constant 0 : i32
      %dma_wait3A_669 = arith.constant 0 : i32
      %dma_wait3A_670 = arith.constant 0 : i32
      %dma_wait3A_671 = tpu.memref_slice %arg9[%dma_wait3A_668, %dma_wait3A_669, %dma_wait3A_670] : memref<4x128x24xf32, #tpu.memory_space<vmem>> -> memref<1x128x24xf32, #tpu.memory_space<vmem>>
      %dma_wait3A_672 = tpu.memref_squeeze %dma_wait3A_671 : memref<1x128x24xf32, #tpu.memory_space<vmem>> -> memref<128x24xf32, #tpu.memory_space<vmem>>
      %dma_wait3A_673 = arith.constant 0 : i32
      %dma_wait3A_674 = tpu.memref_slice %arg7[%dma_wait3A_667, %dma_wait3A_673] : memref<4x128xi32, #tpu.memory_space<vmem>> -> memref<1x128xi32, #tpu.memory_space<vmem>>
      %dma_wait3A_675 = tpu.memref_squeeze %dma_wait3A_674 : memref<1x128xi32, #tpu.memory_space<vmem>> -> memref<128xi32, #tpu.memory_space<vmem>>
      %dma_wait3A_676 = arith.constant 0 : i32
      %dma_wait3A_677 = arith.constant 0 : i32
      %dma_wait3A_678 = tpu.memref_slice %arg2[%dma_wait3A_676, %dma_wait3A_677] : memref<100000x24xf32, #tpu.memory_space<hbm>> -> memref<100000x24xf32, #tpu.memory_space<hbm>>
      tpu.wait_indirect_dma semaphore(%arg17 : memref<!tpu.dma_semaphore, #tpu.memory_space<semaphore_mem>>) src(%dma_wait3A_678 : memref<100000x24xf32, #tpu.memory_space<hbm>>) dst(%dma_wait3A_672 : memref<128x24xf32, #tpu.memory_space<vmem>>)
      %dma_wait3A_679 = arith.constant 0 : i32
      %dma_wait3A_680 = arith.constant 0 : i32
      %dma_wait3A_681 = arith.constant 0 : i32
      %dma_wait3A_682 = arith.constant 0 : i32
      %dma_wait3A_683 = tpu.memref_slice %arg10[%dma_wait3A_680, %dma_wait3A_681, %dma_wait3A_682] : memref<4x128x24xf32, #tpu.memory_space<vmem>> -> memref<1x128x24xf32, #tpu.memory_space<vmem>>
      %dma_wait3A_684 = tpu.memref_squeeze %dma_wait3A_683 : memref<1x128x24xf32, #tpu.memory_space<vmem>> -> memref<128x24xf32, #tpu.memory_space<vmem>>
      %dma_wait3A_685 = arith.constant 0 : i32
      %dma_wait3A_686 = tpu.memref_slice %arg8[%dma_wait3A_679, %dma_wait3A_685] : memref<4x128xi32, #tpu.memory_space<vmem>> -> memref<1x128xi32, #tpu.memory_space<vmem>>
      %dma_wait3A_687 = tpu.memref_squeeze %dma_wait3A_686 : memref<1x128xi32, #tpu.memory_space<vmem>> -> memref<128xi32, #tpu.memory_space<vmem>>
      %dma_wait3A_688 = arith.constant 0 : i32
      %dma_wait3A_689 = arith.constant 0 : i32
      %dma_wait3A_690 = tpu.memref_slice %arg3[%dma_wait3A_688, %dma_wait3A_689] : memref<100000x24xf32, #tpu.memory_space<hbm>> -> memref<100000x24xf32, #tpu.memory_space<hbm>>
      tpu.wait_indirect_dma semaphore(%arg18 : memref<!tpu.dma_semaphore, #tpu.memory_space<semaphore_mem>>) src(%dma_wait3A_690 : memref<100000x24xf32, #tpu.memory_space<hbm>>) dst(%dma_wait3A_684 : memref<128x24xf32, #tpu.memory_space<vmem>>)
      %dma_wait3A_691 = arith.constant 1 : i32
      %dma_wait3A_692 = arith.constant 1 : i32
      %dma_wait3A_693 = arith.constant 0 : i32
      %dma_wait3A_694 = arith.constant 0 : i32
      %dma_wait3A_695 = tpu.memref_slice %arg9[%dma_wait3A_692, %dma_wait3A_693, %dma_wait3A_694] : memref<4x128x24xf32, #tpu.memory_space<vmem>> -> memref<1x128x24xf32, #tpu.memory_space<vmem>>
      %dma_wait3A_696 = tpu.memref_squeeze %dma_wait3A_695 : memref<1x128x24xf32, #tpu.memory_space<vmem>> -> memref<128x24xf32, #tpu.memory_space<vmem>>
      %dma_wait3A_697 = arith.constant 0 : i32
      %dma_wait3A_698 = tpu.memref_slice %arg7[%dma_wait3A_691, %dma_wait3A_697] : memref<4x128xi32, #tpu.memory_space<vmem>> -> memref<1x128xi32, #tpu.memory_space<vmem>>
      %dma_wait3A_699 = tpu.memref_squeeze %dma_wait3A_698 : memref<1x128xi32, #tpu.memory_space<vmem>> -> memref<128xi32, #tpu.memory_space<vmem>>
      %dma_wait3A_700 = arith.constant 0 : i32
      %dma_wait3A_701 = arith.constant 0 : i32
      %dma_wait3A_702 = tpu.memref_slice %arg2[%dma_wait3A_700, %dma_wait3A_701] : memref<100000x24xf32, #tpu.memory_space<hbm>> -> memref<100000x24xf32, #tpu.memory_space<hbm>>
      tpu.wait_indirect_dma semaphore(%arg17 : memref<!tpu.dma_semaphore, #tpu.memory_space<semaphore_mem>>) src(%dma_wait3A_702 : memref<100000x24xf32, #tpu.memory_space<hbm>>) dst(%dma_wait3A_696 : memref<128x24xf32, #tpu.memory_space<vmem>>)
      %dma_wait3A_703 = arith.constant 1 : i32
      %dma_wait3A_704 = arith.constant 1 : i32
      %dma_wait3A_705 = arith.constant 0 : i32
      %dma_wait3A_706 = arith.constant 0 : i32
      %dma_wait3A_707 = tpu.memref_slice %arg10[%dma_wait3A_704, %dma_wait3A_705, %dma_wait3A_706] : memref<4x128x24xf32, #tpu.memory_space<vmem>> -> memref<1x128x24xf32, #tpu.memory_space<vmem>>
      %dma_wait3A_708 = tpu.memref_squeeze %dma_wait3A_707 : memref<1x128x24xf32, #tpu.memory_space<vmem>> -> memref<128x24xf32, #tpu.memory_space<vmem>>
      %dma_wait3A_709 = arith.constant 0 : i32
      %dma_wait3A_710 = tpu.memref_slice %arg8[%dma_wait3A_703, %dma_wait3A_709] : memref<4x128xi32, #tpu.memory_space<vmem>> -> memref<1x128xi32, #tpu.memory_space<vmem>>
      %dma_wait3A_711 = tpu.memref_squeeze %dma_wait3A_710 : memref<1x128xi32, #tpu.memory_space<vmem>> -> memref<128xi32, #tpu.memory_space<vmem>>
      %dma_wait3A_712 = arith.constant 0 : i32
      %dma_wait3A_713 = arith.constant 0 : i32
      %dma_wait3A_714 = tpu.memref_slice %arg3[%dma_wait3A_712, %dma_wait3A_713] : memref<100000x24xf32, #tpu.memory_space<hbm>> -> memref<100000x24xf32, #tpu.memory_space<hbm>>
      tpu.wait_indirect_dma semaphore(%arg18 : memref<!tpu.dma_semaphore, #tpu.memory_space<semaphore_mem>>) src(%dma_wait3A_714 : memref<100000x24xf32, #tpu.memory_space<hbm>>) dst(%dma_wait3A_708 : memref<128x24xf32, #tpu.memory_space<vmem>>)
      %dma_wait3A_715 = arith.constant 2 : i32
      %dma_wait3A_716 = arith.constant 2 : i32
      %dma_wait3A_717 = arith.constant 0 : i32
      %dma_wait3A_718 = arith.constant 0 : i32
      %dma_wait3A_719 = tpu.memref_slice %arg9[%dma_wait3A_716, %dma_wait3A_717, %dma_wait3A_718] : memref<4x128x24xf32, #tpu.memory_space<vmem>> -> memref<1x128x24xf32, #tpu.memory_space<vmem>>
      %dma_wait3A_720 = tpu.memref_squeeze %dma_wait3A_719 : memref<1x128x24xf32, #tpu.memory_space<vmem>> -> memref<128x24xf32, #tpu.memory_space<vmem>>
      %dma_wait3A_721 = arith.constant 0 : i32
      %dma_wait3A_722 = tpu.memref_slice %arg7[%dma_wait3A_715, %dma_wait3A_721] : memref<4x128xi32, #tpu.memory_space<vmem>> -> memref<1x128xi32, #tpu.memory_space<vmem>>
      %dma_wait3A_723 = tpu.memref_squeeze %dma_wait3A_722 : memref<1x128xi32, #tpu.memory_space<vmem>> -> memref<128xi32, #tpu.memory_space<vmem>>
      %dma_wait3A_724 = arith.constant 0 : i32
      %dma_wait3A_725 = arith.constant 0 : i32
      %dma_wait3A_726 = tpu.memref_slice %arg2[%dma_wait3A_724, %dma_wait3A_725] : memref<100000x24xf32, #tpu.memory_space<hbm>> -> memref<100000x24xf32, #tpu.memory_space<hbm>>
      tpu.wait_indirect_dma semaphore(%arg17 : memref<!tpu.dma_semaphore, #tpu.memory_space<semaphore_mem>>) src(%dma_wait3A_726 : memref<100000x24xf32, #tpu.memory_space<hbm>>) dst(%dma_wait3A_720 : memref<128x24xf32, #tpu.memory_space<vmem>>)
      %dma_wait3A_727 = arith.constant 2 : i32
      %dma_wait3A_728 = arith.constant 2 : i32
      %dma_wait3A_729 = arith.constant 0 : i32
      %dma_wait3A_730 = arith.constant 0 : i32
      %dma_wait3A_731 = tpu.memref_slice %arg10[%dma_wait3A_728, %dma_wait3A_729, %dma_wait3A_730] : memref<4x128x24xf32, #tpu.memory_space<vmem>> -> memref<1x128x24xf32, #tpu.memory_space<vmem>>
      %dma_wait3A_732 = tpu.memref_squeeze %dma_wait3A_731 : memref<1x128x24xf32, #tpu.memory_space<vmem>> -> memref<128x24xf32, #tpu.memory_space<vmem>>
      %dma_wait3A_733 = arith.constant 0 : i32
      %dma_wait3A_734 = tpu.memref_slice %arg8[%dma_wait3A_727, %dma_wait3A_733] : memref<4x128xi32, #tpu.memory_space<vmem>> -> memref<1x128xi32, #tpu.memory_space<vmem>>
      %dma_wait3A_735 = tpu.memref_squeeze %dma_wait3A_734 : memref<1x128xi32, #tpu.memory_space<vmem>> -> memref<128xi32, #tpu.memory_space<vmem>>
      %dma_wait3A_736 = arith.constant 0 : i32
      %dma_wait3A_737 = arith.constant 0 : i32
      %dma_wait3A_738 = tpu.memref_slice %arg3[%dma_wait3A_736, %dma_wait3A_737] : memref<100000x24xf32, #tpu.memory_space<hbm>> -> memref<100000x24xf32, #tpu.memory_space<hbm>>
      tpu.wait_indirect_dma semaphore(%arg18 : memref<!tpu.dma_semaphore, #tpu.memory_space<semaphore_mem>>) src(%dma_wait3A_738 : memref<100000x24xf32, #tpu.memory_space<hbm>>) dst(%dma_wait3A_732 : memref<128x24xf32, #tpu.memory_space<vmem>>)
      %dma_wait3A_739 = arith.constant 3 : i32
      %dma_wait3A_740 = arith.constant 3 : i32
      %dma_wait3A_741 = arith.constant 0 : i32
      %dma_wait3A_742 = arith.constant 0 : i32
      %dma_wait3A_743 = tpu.memref_slice %arg9[%dma_wait3A_740, %dma_wait3A_741, %dma_wait3A_742] : memref<4x128x24xf32, #tpu.memory_space<vmem>> -> memref<1x128x24xf32, #tpu.memory_space<vmem>>
      %dma_wait3A_744 = tpu.memref_squeeze %dma_wait3A_743 : memref<1x128x24xf32, #tpu.memory_space<vmem>> -> memref<128x24xf32, #tpu.memory_space<vmem>>
      %dma_wait3A_745 = arith.constant 0 : i32
      %dma_wait3A_746 = tpu.memref_slice %arg7[%dma_wait3A_739, %dma_wait3A_745] : memref<4x128xi32, #tpu.memory_space<vmem>> -> memref<1x128xi32, #tpu.memory_space<vmem>>
      %dma_wait3A_747 = tpu.memref_squeeze %dma_wait3A_746 : memref<1x128xi32, #tpu.memory_space<vmem>> -> memref<128xi32, #tpu.memory_space<vmem>>
      %dma_wait3A_748 = arith.constant 0 : i32
      %dma_wait3A_749 = arith.constant 0 : i32
      %dma_wait3A_750 = tpu.memref_slice %arg2[%dma_wait3A_748, %dma_wait3A_749] : memref<100000x24xf32, #tpu.memory_space<hbm>> -> memref<100000x24xf32, #tpu.memory_space<hbm>>
      tpu.wait_indirect_dma semaphore(%arg17 : memref<!tpu.dma_semaphore, #tpu.memory_space<semaphore_mem>>) src(%dma_wait3A_750 : memref<100000x24xf32, #tpu.memory_space<hbm>>) dst(%dma_wait3A_744 : memref<128x24xf32, #tpu.memory_space<vmem>>)
      %dma_wait3A_751 = arith.constant 3 : i32
      %dma_wait3A_752 = arith.constant 3 : i32
      %dma_wait3A_753 = arith.constant 0 : i32
      %dma_wait3A_754 = arith.constant 0 : i32
      %dma_wait3A_755 = tpu.memref_slice %arg10[%dma_wait3A_752, %dma_wait3A_753, %dma_wait3A_754] : memref<4x128x24xf32, #tpu.memory_space<vmem>> -> memref<1x128x24xf32, #tpu.memory_space<vmem>>
      %dma_wait3A_756 = tpu.memref_squeeze %dma_wait3A_755 : memref<1x128x24xf32, #tpu.memory_space<vmem>> -> memref<128x24xf32, #tpu.memory_space<vmem>>
      %dma_wait3A_757 = arith.constant 0 : i32
      %dma_wait3A_758 = tpu.memref_slice %arg8[%dma_wait3A_751, %dma_wait3A_757] : memref<4x128xi32, #tpu.memory_space<vmem>> -> memref<1x128xi32, #tpu.memory_space<vmem>>
      %dma_wait3A_759 = tpu.memref_squeeze %dma_wait3A_758 : memref<1x128xi32, #tpu.memory_space<vmem>> -> memref<128xi32, #tpu.memory_space<vmem>>
      %dma_wait3A_760 = arith.constant 0 : i32
      %dma_wait3A_761 = arith.constant 0 : i32
      %dma_wait3A_762 = tpu.memref_slice %arg3[%dma_wait3A_760, %dma_wait3A_761] : memref<100000x24xf32, #tpu.memory_space<hbm>> -> memref<100000x24xf32, #tpu.memory_space<hbm>>
      tpu.wait_indirect_dma semaphore(%arg18 : memref<!tpu.dma_semaphore, #tpu.memory_space<semaphore_mem>>) src(%dma_wait3A_762 : memref<100000x24xf32, #tpu.memory_space<hbm>>) dst(%dma_wait3A_756 : memref<128x24xf32, #tpu.memory_space<vmem>>)
      %add3A_763 = arith.constant 1 : i32
      %add3A_764 = arith.addi %mul3A_666, %add3A_763 : i32
      %lt3A_765 = arith.cmpi slt, %add3A_764, %select_n3A : i32
      %convert_element_type3A = arith.extui %lt3A_765 : i1 to i32
      %cond3A = arith.constant 0 : i32
      %cond3A_766 = arith.cmpi ne, %convert_element_type3A, %cond3A : i32
      scf.if %cond3A_766 {
        %dma_wait3A_1024 = arith.constant 0 : i32
        %dma_wait3A_1025 = arith.constant 0 : i32
        %dma_wait3A_1026 = tpu.memref_slice %arg4[%dma_wait3A_1024, %dma_wait3A_1025] : memref<25000x128xi32, #tpu.memory_space<hbm>> -> memref<4x128xi32, #tpu.memory_space<hbm>>
        %dma_wait3A_1027 = arith.constant 0 : i32
        %dma_wait3A_1028 = arith.constant 0 : i32
        %dma_wait3A_1029 = tpu.memref_slice %arg4[%dma_wait3A_1027, %dma_wait3A_1028] : memref<25000x128xi32, #tpu.memory_space<hbm>> -> memref<4x128xi32, #tpu.memory_space<hbm>>
        tpu.wait_dma2 semaphore(%arg23 : memref<!tpu.dma_semaphore, #tpu.memory_space<semaphore_mem>>) src(%dma_wait3A_1029 : memref<4x128xi32, #tpu.memory_space<hbm>>) dst(%arg12 : memref<4x128xi32, #tpu.memory_space<vmem>>)
        %dma_wait3A_1030 = arith.constant 0 : i32
        %dma_wait3A_1031 = arith.constant 0 : i32
        %dma_wait3A_1032 = tpu.memref_slice %arg5[%dma_wait3A_1030, %dma_wait3A_1031] : memref<25000x128xi32, #tpu.memory_space<hbm>> -> memref<4x128xi32, #tpu.memory_space<hbm>>
        %dma_wait3A_1033 = arith.constant 0 : i32
        %dma_wait3A_1034 = arith.constant 0 : i32
        %dma_wait3A_1035 = tpu.memref_slice %arg5[%dma_wait3A_1033, %dma_wait3A_1034] : memref<25000x128xi32, #tpu.memory_space<hbm>> -> memref<4x128xi32, #tpu.memory_space<hbm>>
        tpu.wait_dma2 semaphore(%arg23 : memref<!tpu.dma_semaphore, #tpu.memory_space<semaphore_mem>>) src(%dma_wait3A_1035 : memref<4x128xi32, #tpu.memory_space<hbm>>) dst(%arg13 : memref<4x128xi32, #tpu.memory_space<vmem>>)
        %dma_start3A_1036 = arith.constant 0 : i32
        %dma_start3A_1037 = arith.constant 0 : i32
        %dma_start3A_1038 = arith.constant 0 : i32
        %dma_start3A_1039 = arith.constant 0 : i32
        %dma_start3A_1040 = tpu.memref_slice %arg14[%dma_start3A_1037, %dma_start3A_1038, %dma_start3A_1039] : memref<4x128x24xf32, #tpu.memory_space<vmem>> -> memref<1x128x24xf32, #tpu.memory_space<vmem>>
        %dma_start3A_1041 = tpu.memref_squeeze %dma_start3A_1040 : memref<1x128x24xf32, #tpu.memory_space<vmem>> -> memref<128x24xf32, #tpu.memory_space<vmem>>
        %dma_start3A_1042 = arith.constant 0 : i32
        %dma_start3A_1043 = tpu.memref_slice %arg12[%dma_start3A_1036, %dma_start3A_1042] : memref<4x128xi32, #tpu.memory_space<vmem>> -> memref<1x128xi32, #tpu.memory_space<vmem>>
        %dma_start3A_1044 = tpu.memref_squeeze %dma_start3A_1043 : memref<1x128xi32, #tpu.memory_space<vmem>> -> memref<128xi32, #tpu.memory_space<vmem>>
        %dma_start3A_1045 = arith.constant 0 : i32
        %dma_start3A_1046 = arith.constant 0 : i32
        %dma_start3A_1047 = tpu.memref_slice %arg2[%dma_start3A_1045, %dma_start3A_1046] : memref<100000x24xf32, #tpu.memory_space<hbm>> -> memref<100000x24xf32, #tpu.memory_space<hbm>>
        tpu.enqueue_indirect_dma source(%dma_start3A_1047 : memref<100000x24xf32, #tpu.memory_space<hbm>>) target(%dma_start3A_1041 : memref<128x24xf32, #tpu.memory_space<vmem>>) offsets(%dma_start3A_1044 : memref<128xi32, #tpu.memory_space<vmem>>) semaphore(%arg21 : memref<!tpu.dma_semaphore, #tpu.memory_space<semaphore_mem>>)
        %dma_start3A_1048 = arith.constant 0 : i32
        %dma_start3A_1049 = arith.constant 0 : i32
        %dma_start3A_1050 = arith.constant 0 : i32
        %dma_start3A_1051 = arith.constant 0 : i32
        %dma_start3A_1052 = tpu.memref_slice %arg15[%dma_start3A_1049, %dma_start3A_1050, %dma_start3A_1051] : memref<4x128x24xf32, #tpu.memory_space<vmem>> -> memref<1x128x24xf32, #tpu.memory_space<vmem>>
        %dma_start3A_1053 = tpu.memref_squeeze %dma_start3A_1052 : memref<1x128x24xf32, #tpu.memory_space<vmem>> -> memref<128x24xf32, #tpu.memory_space<vmem>>
        %dma_start3A_1054 = arith.constant 0 : i32
        %dma_start3A_1055 = tpu.memref_slice %arg13[%dma_start3A_1048, %dma_start3A_1054] : memref<4x128xi32, #tpu.memory_space<vmem>> -> memref<1x128xi32, #tpu.memory_space<vmem>>
        %dma_start3A_1056 = tpu.memref_squeeze %dma_start3A_1055 : memref<1x128xi32, #tpu.memory_space<vmem>> -> memref<128xi32, #tpu.memory_space<vmem>>
        %dma_start3A_1057 = arith.constant 0 : i32
        %dma_start3A_1058 = arith.constant 0 : i32
        %dma_start3A_1059 = tpu.memref_slice %arg3[%dma_start3A_1057, %dma_start3A_1058] : memref<100000x24xf32, #tpu.memory_space<hbm>> -> memref<100000x24xf32, #tpu.memory_space<hbm>>
        tpu.enqueue_indirect_dma source(%dma_start3A_1059 : memref<100000x24xf32, #tpu.memory_space<hbm>>) target(%dma_start3A_1053 : memref<128x24xf32, #tpu.memory_space<vmem>>) offsets(%dma_start3A_1056 : memref<128xi32, #tpu.memory_space<vmem>>) semaphore(%arg22 : memref<!tpu.dma_semaphore, #tpu.memory_space<semaphore_mem>>)
        %dma_start3A_1060 = arith.constant 1 : i32
        %dma_start3A_1061 = arith.constant 1 : i32
        %dma_start3A_1062 = arith.constant 0 : i32
        %dma_start3A_1063 = arith.constant 0 : i32
        %dma_start3A_1064 = tpu.memref_slice %arg14[%dma_start3A_1061, %dma_start3A_1062, %dma_start3A_1063] : memref<4x128x24xf32, #tpu.memory_space<vmem>> -> memref<1x128x24xf32, #tpu.memory_space<vmem>>
        %dma_start3A_1065 = tpu.memref_squeeze %dma_start3A_1064 : memref<1x128x24xf32, #tpu.memory_space<vmem>> -> memref<128x24xf32, #tpu.memory_space<vmem>>
        %dma_start3A_1066 = arith.constant 0 : i32
        %dma_start3A_1067 = tpu.memref_slice %arg12[%dma_start3A_1060, %dma_start3A_1066] : memref<4x128xi32, #tpu.memory_space<vmem>> -> memref<1x128xi32, #tpu.memory_space<vmem>>
        %dma_start3A_1068 = tpu.memref_squeeze %dma_start3A_1067 : memref<1x128xi32, #tpu.memory_space<vmem>> -> memref<128xi32, #tpu.memory_space<vmem>>
        %dma_start3A_1069 = arith.constant 0 : i32
        %dma_start3A_1070 = arith.constant 0 : i32
        %dma_start3A_1071 = tpu.memref_slice %arg2[%dma_start3A_1069, %dma_start3A_1070] : memref<100000x24xf32, #tpu.memory_space<hbm>> -> memref<100000x24xf32, #tpu.memory_space<hbm>>
        tpu.enqueue_indirect_dma source(%dma_start3A_1071 : memref<100000x24xf32, #tpu.memory_space<hbm>>) target(%dma_start3A_1065 : memref<128x24xf32, #tpu.memory_space<vmem>>) offsets(%dma_start3A_1068 : memref<128xi32, #tpu.memory_space<vmem>>) semaphore(%arg21 : memref<!tpu.dma_semaphore, #tpu.memory_space<semaphore_mem>>)
        %dma_start3A_1072 = arith.constant 1 : i32
        %dma_start3A_1073 = arith.constant 1 : i32
        %dma_start3A_1074 = arith.constant 0 : i32
        %dma_start3A_1075 = arith.constant 0 : i32
        %dma_start3A_1076 = tpu.memref_slice %arg15[%dma_start3A_1073, %dma_start3A_1074, %dma_start3A_1075] : memref<4x128x24xf32, #tpu.memory_space<vmem>> -> memref<1x128x24xf32, #tpu.memory_space<vmem>>
        %dma_start3A_1077 = tpu.memref_squeeze %dma_start3A_1076 : memref<1x128x24xf32, #tpu.memory_space<vmem>> -> memref<128x24xf32, #tpu.memory_space<vmem>>
        %dma_start3A_1078 = arith.constant 0 : i32
        %dma_start3A_1079 = tpu.memref_slice %arg13[%dma_start3A_1072, %dma_start3A_1078] : memref<4x128xi32, #tpu.memory_space<vmem>> -> memref<1x128xi32, #tpu.memory_space<vmem>>
        %dma_start3A_1080 = tpu.memref_squeeze %dma_start3A_1079 : memref<1x128xi32, #tpu.memory_space<vmem>> -> memref<128xi32, #tpu.memory_space<vmem>>
        %dma_start3A_1081 = arith.constant 0 : i32
        %dma_start3A_1082 = arith.constant 0 : i32
        %dma_start3A_1083 = tpu.memref_slice %arg3[%dma_start3A_1081, %dma_start3A_1082] : memref<100000x24xf32, #tpu.memory_space<hbm>> -> memref<100000x24xf32, #tpu.memory_space<hbm>>
        tpu.enqueue_indirect_dma source(%dma_start3A_1083 : memref<100000x24xf32, #tpu.memory_space<hbm>>) target(%dma_start3A_1077 : memref<128x24xf32, #tpu.memory_space<vmem>>) offsets(%dma_start3A_1080 : memref<128xi32, #tpu.memory_space<vmem>>) semaphore(%arg22 : memref<!tpu.dma_semaphore, #tpu.memory_space<semaphore_mem>>)
        %dma_start3A_1084 = arith.constant 2 : i32
        %dma_start3A_1085 = arith.constant 2 : i32
        %dma_start3A_1086 = arith.constant 0 : i32
        %dma_start3A_1087 = arith.constant 0 : i32
        %dma_start3A_1088 = tpu.memref_slice %arg14[%dma_start3A_1085, %dma_start3A_1086, %dma_start3A_1087] : memref<4x128x24xf32, #tpu.memory_space<vmem>> -> memref<1x128x24xf32, #tpu.memory_space<vmem>>
        %dma_start3A_1089 = tpu.memref_squeeze %dma_start3A_1088 : memref<1x128x24xf32, #tpu.memory_space<vmem>> -> memref<128x24xf32, #tpu.memory_space<vmem>>
        %dma_start3A_1090 = arith.constant 0 : i32
        %dma_start3A_1091 = tpu.memref_slice %arg12[%dma_start3A_1084, %dma_start3A_1090] : memref<4x128xi32, #tpu.memory_space<vmem>> -> memref<1x128xi32, #tpu.memory_space<vmem>>
        %dma_start3A_1092 = tpu.memref_squeeze %dma_start3A_1091 : memref<1x128xi32, #tpu.memory_space<vmem>> -> memref<128xi32, #tpu.memory_space<vmem>>
        %dma_start3A_1093 = arith.constant 0 : i32
        %dma_start3A_1094 = arith.constant 0 : i32
        %dma_start3A_1095 = tpu.memref_slice %arg2[%dma_start3A_1093, %dma_start3A_1094] : memref<100000x24xf32, #tpu.memory_space<hbm>> -> memref<100000x24xf32, #tpu.memory_space<hbm>>
        tpu.enqueue_indirect_dma source(%dma_start3A_1095 : memref<100000x24xf32, #tpu.memory_space<hbm>>) target(%dma_start3A_1089 : memref<128x24xf32, #tpu.memory_space<vmem>>) offsets(%dma_start3A_1092 : memref<128xi32, #tpu.memory_space<vmem>>) semaphore(%arg21 : memref<!tpu.dma_semaphore, #tpu.memory_space<semaphore_mem>>)
        %dma_start3A_1096 = arith.constant 2 : i32
        %dma_start3A_1097 = arith.constant 2 : i32
        %dma_start3A_1098 = arith.constant 0 : i32
        %dma_start3A_1099 = arith.constant 0 : i32
        %dma_start3A_1100 = tpu.memref_slice %arg15[%dma_start3A_1097, %dma_start3A_1098, %dma_start3A_1099] : memref<4x128x24xf32, #tpu.memory_space<vmem>> -> memref<1x128x24xf32, #tpu.memory_space<vmem>>
        %dma_start3A_1101 = tpu.memref_squeeze %dma_start3A_1100 : memref<1x128x24xf32, #tpu.memory_space<vmem>> -> memref<128x24xf32, #tpu.memory_space<vmem>>
        %dma_start3A_1102 = arith.constant 0 : i32
        %dma_start3A_1103 = tpu.memref_slice %arg13[%dma_start3A_1096, %dma_start3A_1102] : memref<4x128xi32, #tpu.memory_space<vmem>> -> memref<1x128xi32, #tpu.memory_space<vmem>>
        %dma_start3A_1104 = tpu.memref_squeeze %dma_start3A_1103 : memref<1x128xi32, #tpu.memory_space<vmem>> -> memref<128xi32, #tpu.memory_space<vmem>>
        %dma_start3A_1105 = arith.constant 0 : i32
        %dma_start3A_1106 = arith.constant 0 : i32
        %dma_start3A_1107 = tpu.memref_slice %arg3[%dma_start3A_1105, %dma_start3A_1106] : memref<100000x24xf32, #tpu.memory_space<hbm>> -> memref<100000x24xf32, #tpu.memory_space<hbm>>
        tpu.enqueue_indirect_dma source(%dma_start3A_1107 : memref<100000x24xf32, #tpu.memory_space<hbm>>) target(%dma_start3A_1101 : memref<128x24xf32, #tpu.memory_space<vmem>>) offsets(%dma_start3A_1104 : memref<128xi32, #tpu.memory_space<vmem>>) semaphore(%arg22 : memref<!tpu.dma_semaphore, #tpu.memory_space<semaphore_mem>>)
        %dma_start3A_1108 = arith.constant 3 : i32
        %dma_start3A_1109 = arith.constant 3 : i32
        %dma_start3A_1110 = arith.constant 0 : i32
        %dma_start3A_1111 = arith.constant 0 : i32
        %dma_start3A_1112 = tpu.memref_slice %arg14[%dma_start3A_1109, %dma_start3A_1110, %dma_start3A_1111] : memref<4x128x24xf32, #tpu.memory_space<vmem>> -> memref<1x128x24xf32, #tpu.memory_space<vmem>>
        %dma_start3A_1113 = tpu.memref_squeeze %dma_start3A_1112 : memref<1x128x24xf32, #tpu.memory_space<vmem>> -> memref<128x24xf32, #tpu.memory_space<vmem>>
        %dma_start3A_1114 = arith.constant 0 : i32
        %dma_start3A_1115 = tpu.memref_slice %arg12[%dma_start3A_1108, %dma_start3A_1114] : memref<4x128xi32, #tpu.memory_space<vmem>> -> memref<1x128xi32, #tpu.memory_space<vmem>>
        %dma_start3A_1116 = tpu.memref_squeeze %dma_start3A_1115 : memref<1x128xi32, #tpu.memory_space<vmem>> -> memref<128xi32, #tpu.memory_space<vmem>>
        %dma_start3A_1117 = arith.constant 0 : i32
        %dma_start3A_1118 = arith.constant 0 : i32
        %dma_start3A_1119 = tpu.memref_slice %arg2[%dma_start3A_1117, %dma_start3A_1118] : memref<100000x24xf32, #tpu.memory_space<hbm>> -> memref<100000x24xf32, #tpu.memory_space<hbm>>
        tpu.enqueue_indirect_dma source(%dma_start3A_1119 : memref<100000x24xf32, #tpu.memory_space<hbm>>) target(%dma_start3A_1113 : memref<128x24xf32, #tpu.memory_space<vmem>>) offsets(%dma_start3A_1116 : memref<128xi32, #tpu.memory_space<vmem>>) semaphore(%arg21 : memref<!tpu.dma_semaphore, #tpu.memory_space<semaphore_mem>>)
        %dma_start3A_1120 = arith.constant 3 : i32
        %dma_start3A_1121 = arith.constant 3 : i32
        %dma_start3A_1122 = arith.constant 0 : i32
        %dma_start3A_1123 = arith.constant 0 : i32
        %dma_start3A_1124 = tpu.memref_slice %arg15[%dma_start3A_1121, %dma_start3A_1122, %dma_start3A_1123] : memref<4x128x24xf32, #tpu.memory_space<vmem>> -> memref<1x128x24xf32, #tpu.memory_space<vmem>>
        %dma_start3A_1125 = tpu.memref_squeeze %dma_start3A_1124 : memref<1x128x24xf32, #tpu.memory_space<vmem>> -> memref<128x24xf32, #tpu.memory_space<vmem>>
        %dma_start3A_1126 = arith.constant 0 : i32
        %dma_start3A_1127 = tpu.memref_slice %arg13[%dma_start3A_1120, %dma_start3A_1126] : memref<4x128xi32, #tpu.memory_space<vmem>> -> memref<1x128xi32, #tpu.memory_space<vmem>>
        %dma_start3A_1128 = tpu.memref_squeeze %dma_start3A_1127 : memref<1x128xi32, #tpu.memory_space<vmem>> -> memref<128xi32, #tpu.memory_space<vmem>>
        %dma_start3A_1129 = arith.constant 0 : i32
        %dma_start3A_1130 = arith.constant 0 : i32
        %dma_start3A_1131 = tpu.memref_slice %arg3[%dma_start3A_1129, %dma_start3A_1130] : memref<100000x24xf32, #tpu.memory_space<hbm>> -> memref<100000x24xf32, #tpu.memory_space<hbm>>
        tpu.enqueue_indirect_dma source(%dma_start3A_1131 : memref<100000x24xf32, #tpu.memory_space<hbm>>) target(%dma_start3A_1125 : memref<128x24xf32, #tpu.memory_space<vmem>>) offsets(%dma_start3A_1128 : memref<128xi32, #tpu.memory_space<vmem>>) semaphore(%arg22 : memref<!tpu.dma_semaphore, #tpu.memory_space<semaphore_mem>>)
      } else {
      }
      %add3A_767 = arith.constant 2 : i32
      %add3A_768 = arith.addi %mul3A_666, %add3A_767 : i32
      %lt3A_769 = arith.cmpi slt, %add3A_768, %select_n3A : i32
      %convert_element_type3A_770 = arith.extui %lt3A_769 : i1 to i32
      %cond3A_771 = arith.constant 0 : i32
      %cond3A_772 = arith.cmpi ne, %convert_element_type3A_770, %cond3A_771 : i32
      scf.if %cond3A_772 {
        %add3A_1024 = arith.constant 2 : i32
        %add3A_1025 = arith.addi %mul3A_666, %add3A_1024 : i32
        %mul3A_1026 = arith.constant 4 : i32
        %mul3A_1027 = arith.muli %add3A_1025, %mul3A_1026 : i32
        %add3A_1028 = arith.addi %sub3A_7, %mul3A_1027 : i32
        %dma_start3A_1029 = arith.constant 0 : i32
        %dma_start3A_1030 = tpu.memref_slice %arg4[%add3A_1028, %dma_start3A_1029] : memref<25000x128xi32, #tpu.memory_space<hbm>> -> memref<4x128xi32, #tpu.memory_space<hbm>>
        %dma_start3A_1031 = arith.constant 0 : i32
        %dma_start3A_1032 = tpu.memref_slice %arg4[%add3A_1028, %dma_start3A_1031] : memref<25000x128xi32, #tpu.memory_space<hbm>> -> memref<4x128xi32, #tpu.memory_space<hbm>>
        tpu.enqueue_dma source(%dma_start3A_1032 : memref<4x128xi32, #tpu.memory_space<hbm>>) target(%arg7 : memref<4x128xi32, #tpu.memory_space<vmem>>) target_semaphore(%arg19 : memref<!tpu.dma_semaphore, #tpu.memory_space<semaphore_mem>>)
        %dma_start3A_1033 = arith.constant 0 : i32
        %dma_start3A_1034 = tpu.memref_slice %arg5[%add3A_1028, %dma_start3A_1033] : memref<25000x128xi32, #tpu.memory_space<hbm>> -> memref<4x128xi32, #tpu.memory_space<hbm>>
        %dma_start3A_1035 = arith.constant 0 : i32
        %dma_start3A_1036 = tpu.memref_slice %arg5[%add3A_1028, %dma_start3A_1035] : memref<25000x128xi32, #tpu.memory_space<hbm>> -> memref<4x128xi32, #tpu.memory_space<hbm>>
        tpu.enqueue_dma source(%dma_start3A_1036 : memref<4x128xi32, #tpu.memory_space<hbm>>) target(%arg8 : memref<4x128xi32, #tpu.memory_space<vmem>>) target_semaphore(%arg19 : memref<!tpu.dma_semaphore, #tpu.memory_space<semaphore_mem>>)
      } else {
      }
      %ge3A = arith.constant 2 : i32
      %ge3A_773 = arith.cmpi sge, %mul3A_666, %ge3A : i32
      %convert_element_type3A_774 = arith.extui %ge3A_773 : i1 to i32
      %cond3A_775 = arith.constant 0 : i32
      %cond3A_776 = arith.cmpi ne, %convert_element_type3A_774, %cond3A_775 : i32
      scf.if %cond3A_776 {
        %dma_wait3A_1024 = arith.constant 0 : i32
        %dma_wait3A_1025 = arith.constant 0 : i32
        %dma_wait3A_1026 = arith.constant 0 : i32
        %dma_wait3A_1027 = arith.constant 0 : i32
        %dma_wait3A_1028 = arith.constant 0 : i32
        %dma_wait3A_1029 = tpu.memref_slice %arg11[%dma_wait3A_1024, %dma_wait3A_1026, %dma_wait3A_1027, %dma_wait3A_1028] : memref<3x4x8x128xf32, #tpu.memory_space<vmem>> -> memref<1x4x8x128xf32, #tpu.memory_space<vmem>>
        %dma_wait3A_1030 = tpu.memref_squeeze %dma_wait3A_1029 : memref<1x4x8x128xf32, #tpu.memory_space<vmem>> -> memref<4x8x128xf32, #tpu.memory_space<vmem>>
        %dma_wait3A_1031 = arith.constant 0 : i32
        %dma_wait3A_1032 = arith.constant 0 : i32
        %dma_wait3A_1033 = arith.constant 0 : i32
        %dma_wait3A_1034 = tpu.memref_slice %arg6[%dma_wait3A_1025, %dma_wait3A_1031, %dma_wait3A_1032, %dma_wait3A_1033] : memref<3x25000x8x128xf32, #tpu.memory_space<hbm>> -> memref<1x4x8x128xf32, #tpu.memory_space<hbm>>
        %dma_wait3A_1035 = tpu.memref_squeeze %dma_wait3A_1034 : memref<1x4x8x128xf32, #tpu.memory_space<hbm>> -> memref<4x8x128xf32, #tpu.memory_space<hbm>>
        %dma_wait3A_1036 = arith.constant 0 : i32
        %dma_wait3A_1037 = arith.constant 0 : i32
        %dma_wait3A_1038 = arith.constant 0 : i32
        %dma_wait3A_1039 = tpu.memref_slice %arg6[%dma_wait3A_1025, %dma_wait3A_1036, %dma_wait3A_1037, %dma_wait3A_1038] : memref<3x25000x8x128xf32, #tpu.memory_space<hbm>> -> memref<1x4x8x128xf32, #tpu.memory_space<hbm>>
        %dma_wait3A_1040 = tpu.memref_squeeze %dma_wait3A_1039 : memref<1x4x8x128xf32, #tpu.memory_space<hbm>> -> memref<4x8x128xf32, #tpu.memory_space<hbm>>
        %dma_wait3A_1041 = arith.constant 0 : i32
        %dma_wait3A_1042 = arith.constant 0 : i32
        %dma_wait3A_1043 = arith.constant 0 : i32
        %dma_wait3A_1044 = tpu.memref_slice %arg11[%dma_wait3A_1024, %dma_wait3A_1041, %dma_wait3A_1042, %dma_wait3A_1043] : memref<3x4x8x128xf32, #tpu.memory_space<vmem>> -> memref<1x4x8x128xf32, #tpu.memory_space<vmem>>
        %dma_wait3A_1045 = tpu.memref_squeeze %dma_wait3A_1044 : memref<1x4x8x128xf32, #tpu.memory_space<vmem>> -> memref<4x8x128xf32, #tpu.memory_space<vmem>>
        tpu.wait_dma2 semaphore(%arg20 : memref<!tpu.dma_semaphore, #tpu.memory_space<semaphore_mem>>) src(%dma_wait3A_1045 : memref<4x8x128xf32, #tpu.memory_space<vmem>>) dst(%dma_wait3A_1040 : memref<4x8x128xf32, #tpu.memory_space<hbm>>)
        %dma_wait3A_1046 = arith.constant 1 : i32
        %dma_wait3A_1047 = arith.constant 1 : i32
        %dma_wait3A_1048 = arith.constant 0 : i32
        %dma_wait3A_1049 = arith.constant 0 : i32
        %dma_wait3A_1050 = arith.constant 0 : i32
        %dma_wait3A_1051 = tpu.memref_slice %arg11[%dma_wait3A_1046, %dma_wait3A_1048, %dma_wait3A_1049, %dma_wait3A_1050] : memref<3x4x8x128xf32, #tpu.memory_space<vmem>> -> memref<1x4x8x128xf32, #tpu.memory_space<vmem>>
        %dma_wait3A_1052 = tpu.memref_squeeze %dma_wait3A_1051 : memref<1x4x8x128xf32, #tpu.memory_space<vmem>> -> memref<4x8x128xf32, #tpu.memory_space<vmem>>
        %dma_wait3A_1053 = arith.constant 0 : i32
        %dma_wait3A_1054 = arith.constant 0 : i32
        %dma_wait3A_1055 = arith.constant 0 : i32
        %dma_wait3A_1056 = tpu.memref_slice %arg6[%dma_wait3A_1047, %dma_wait3A_1053, %dma_wait3A_1054, %dma_wait3A_1055] : memref<3x25000x8x128xf32, #tpu.memory_space<hbm>> -> memref<1x4x8x128xf32, #tpu.memory_space<hbm>>
        %dma_wait3A_1057 = tpu.memref_squeeze %dma_wait3A_1056 : memref<1x4x8x128xf32, #tpu.memory_space<hbm>> -> memref<4x8x128xf32, #tpu.memory_space<hbm>>
        %dma_wait3A_1058 = arith.constant 0 : i32
        %dma_wait3A_1059 = arith.constant 0 : i32
        %dma_wait3A_1060 = arith.constant 0 : i32
        %dma_wait3A_1061 = tpu.memref_slice %arg6[%dma_wait3A_1047, %dma_wait3A_1058, %dma_wait3A_1059, %dma_wait3A_1060] : memref<3x25000x8x128xf32, #tpu.memory_space<hbm>> -> memref<1x4x8x128xf32, #tpu.memory_space<hbm>>
        %dma_wait3A_1062 = tpu.memref_squeeze %dma_wait3A_1061 : memref<1x4x8x128xf32, #tpu.memory_space<hbm>> -> memref<4x8x128xf32, #tpu.memory_space<hbm>>
        %dma_wait3A_1063 = arith.constant 0 : i32
        %dma_wait3A_1064 = arith.constant 0 : i32
        %dma_wait3A_1065 = arith.constant 0 : i32
        %dma_wait3A_1066 = tpu.memref_slice %arg11[%dma_wait3A_1046, %dma_wait3A_1063, %dma_wait3A_1064, %dma_wait3A_1065] : memref<3x4x8x128xf32, #tpu.memory_space<vmem>> -> memref<1x4x8x128xf32, #tpu.memory_space<vmem>>
        %dma_wait3A_1067 = tpu.memref_squeeze %dma_wait3A_1066 : memref<1x4x8x128xf32, #tpu.memory_space<vmem>> -> memref<4x8x128xf32, #tpu.memory_space<vmem>>
        tpu.wait_dma2 semaphore(%arg20 : memref<!tpu.dma_semaphore, #tpu.memory_space<semaphore_mem>>) src(%dma_wait3A_1067 : memref<4x8x128xf32, #tpu.memory_space<vmem>>) dst(%dma_wait3A_1062 : memref<4x8x128xf32, #tpu.memory_space<hbm>>)
        %dma_wait3A_1068 = arith.constant 2 : i32
        %dma_wait3A_1069 = arith.constant 2 : i32
        %dma_wait3A_1070 = arith.constant 0 : i32
        %dma_wait3A_1071 = arith.constant 0 : i32
        %dma_wait3A_1072 = arith.constant 0 : i32
        %dma_wait3A_1073 = tpu.memref_slice %arg11[%dma_wait3A_1068, %dma_wait3A_1070, %dma_wait3A_1071, %dma_wait3A_1072] : memref<3x4x8x128xf32, #tpu.memory_space<vmem>> -> memref<1x4x8x128xf32, #tpu.memory_space<vmem>>
        %dma_wait3A_1074 = tpu.memref_squeeze %dma_wait3A_1073 : memref<1x4x8x128xf32, #tpu.memory_space<vmem>> -> memref<4x8x128xf32, #tpu.memory_space<vmem>>
        %dma_wait3A_1075 = arith.constant 0 : i32
        %dma_wait3A_1076 = arith.constant 0 : i32
        %dma_wait3A_1077 = arith.constant 0 : i32
        %dma_wait3A_1078 = tpu.memref_slice %arg6[%dma_wait3A_1069, %dma_wait3A_1075, %dma_wait3A_1076, %dma_wait3A_1077] : memref<3x25000x8x128xf32, #tpu.memory_space<hbm>> -> memref<1x4x8x128xf32, #tpu.memory_space<hbm>>
        %dma_wait3A_1079 = tpu.memref_squeeze %dma_wait3A_1078 : memref<1x4x8x128xf32, #tpu.memory_space<hbm>> -> memref<4x8x128xf32, #tpu.memory_space<hbm>>
        %dma_wait3A_1080 = arith.constant 0 : i32
        %dma_wait3A_1081 = arith.constant 0 : i32
        %dma_wait3A_1082 = arith.constant 0 : i32
        %dma_wait3A_1083 = tpu.memref_slice %arg6[%dma_wait3A_1069, %dma_wait3A_1080, %dma_wait3A_1081, %dma_wait3A_1082] : memref<3x25000x8x128xf32, #tpu.memory_space<hbm>> -> memref<1x4x8x128xf32, #tpu.memory_space<hbm>>
        %dma_wait3A_1084 = tpu.memref_squeeze %dma_wait3A_1083 : memref<1x4x8x128xf32, #tpu.memory_space<hbm>> -> memref<4x8x128xf32, #tpu.memory_space<hbm>>
        %dma_wait3A_1085 = arith.constant 0 : i32
        %dma_wait3A_1086 = arith.constant 0 : i32
        %dma_wait3A_1087 = arith.constant 0 : i32
        %dma_wait3A_1088 = tpu.memref_slice %arg11[%dma_wait3A_1068, %dma_wait3A_1085, %dma_wait3A_1086, %dma_wait3A_1087] : memref<3x4x8x128xf32, #tpu.memory_space<vmem>> -> memref<1x4x8x128xf32, #tpu.memory_space<vmem>>
        %dma_wait3A_1089 = tpu.memref_squeeze %dma_wait3A_1088 : memref<1x4x8x128xf32, #tpu.memory_space<vmem>> -> memref<4x8x128xf32, #tpu.memory_space<vmem>>
        tpu.wait_dma2 semaphore(%arg20 : memref<!tpu.dma_semaphore, #tpu.memory_space<semaphore_mem>>) src(%dma_wait3A_1089 : memref<4x8x128xf32, #tpu.memory_space<vmem>>) dst(%dma_wait3A_1084 : memref<4x8x128xf32, #tpu.memory_space<hbm>>)
      } else {
      }
      %parallel_loop3A = arith.constant 0 : i32
      %parallel_loop3A_777 = arith.constant 128 : i32
      %parallel_loop3A_778 = arith.constant 1 : i32
      scf.for %parallel_loop3A_1024 = %parallel_loop3A to %parallel_loop3A_777 step %parallel_loop3A_778  : i32 {
        %parallel_loop3A_1025 = arith.constant 4 : i32
        %parallel_loop3A_1026 = arith.muli %parallel_loop3A_1024, %parallel_loop3A_1025 : i32
        %parallel_loop3A_1027 = vector.broadcast %parallel_loop3A_1026 : i32 to vector<16xi32>
        %parallel_loop3A_1028 = arith.addi %select_n3A_38, %parallel_loop3A_1027 : vector<16xi32>
        %parallel_loop3A_1029 = arith.constant 7 : i32
        %parallel_loop3A_1030 = vector.broadcast %parallel_loop3A_1029 : i32 to vector<16xi32>
        %parallel_loop3A_1031 = arith.shrsi %parallel_loop3A_1028, %parallel_loop3A_1030 : vector<16xi32>
        %parallel_loop3A_1032 = arith.constant 127 : i32
        %parallel_loop3A_1033 = vector.broadcast %parallel_loop3A_1032 : i32 to vector<16xi32>
        %parallel_loop3A_1034 = arith.andi %parallel_loop3A_1028, %parallel_loop3A_1033 : vector<16xi32>
        %parallel_loop3A_1035 = tpu.vector_load_idx %arg9[%parallel_loop3A_1031, %parallel_loop3A_1034, %sub3A_42] : memref<4x128x24xf32, #tpu.memory_space<vmem>>[vector<16xi32>, vector<16xi32>, vector<16xi32>], vector<16xf32>,
        %parallel_loop3A_1036 = tpu.vector_load_idx %arg10[%parallel_loop3A_1031, %parallel_loop3A_1034, %sub3A_42] : memref<4x128x24xf32, #tpu.memory_space<vmem>>[vector<16xi32>, vector<16xi32>, vector<16xi32>], vector<16xf32>,
        %parallel_loop3A_1037 = arith.addf %parallel_loop3A_1035, %parallel_loop3A_1036 : vector<16xf32>
        tpu.vector_store_idx %arg11[%select_n3A_73, %parallel_loop3A_1031, %sub3A_77, %parallel_loop3A_1034], %parallel_loop3A_1037 : memref<3x4x8x128xf32, #tpu.memory_space<vmem>>[vector<16xi32>, vector<16xi32>, vector<16xi32>, vector<16xi32>], vector<16xf32>,
        %parallel_loop3A_1038 = vector.broadcast %parallel_loop3A_1026 : i32 to vector<16xi32>
        %parallel_loop3A_1039 = arith.addi %select_n3A_111, %parallel_loop3A_1038 : vector<16xi32>
        %parallel_loop3A_1040 = arith.constant 7 : i32
        %parallel_loop3A_1041 = vector.broadcast %parallel_loop3A_1040 : i32 to vector<16xi32>
        %parallel_loop3A_1042 = arith.shrsi %parallel_loop3A_1039, %parallel_loop3A_1041 : vector<16xi32>
        %parallel_loop3A_1043 = arith.constant 127 : i32
        %parallel_loop3A_1044 = vector.broadcast %parallel_loop3A_1043 : i32 to vector<16xi32>
        %parallel_loop3A_1045 = arith.andi %parallel_loop3A_1039, %parallel_loop3A_1044 : vector<16xi32>
        %parallel_loop3A_1046 = tpu.vector_load_idx %arg9[%parallel_loop3A_1042, %parallel_loop3A_1045, %sub3A_115] : memref<4x128x24xf32, #tpu.memory_space<vmem>>[vector<16xi32>, vector<16xi32>, vector<16xi32>], vector<16xf32>,
        %parallel_loop3A_1047 = tpu.vector_load_idx %arg10[%parallel_loop3A_1042, %parallel_loop3A_1045, %sub3A_115] : memref<4x128x24xf32, #tpu.memory_space<vmem>>[vector<16xi32>, vector<16xi32>, vector<16xi32>], vector<16xf32>,
        %parallel_loop3A_1048 = arith.addf %parallel_loop3A_1046, %parallel_loop3A_1047 : vector<16xf32>
        tpu.vector_store_idx %arg11[%select_n3A_146, %parallel_loop3A_1042, %sub3A_150, %parallel_loop3A_1045], %parallel_loop3A_1048 : memref<3x4x8x128xf32, #tpu.memory_space<vmem>>[vector<16xi32>, vector<16xi32>, vector<16xi32>, vector<16xi32>], vector<16xf32>,
        %parallel_loop3A_1049 = vector.broadcast %parallel_loop3A_1026 : i32 to vector<16xi32>
        %parallel_loop3A_1050 = arith.addi %select_n3A_184, %parallel_loop3A_1049 : vector<16xi32>
        %parallel_loop3A_1051 = arith.constant 7 : i32
        %parallel_loop3A_1052 = vector.broadcast %parallel_loop3A_1051 : i32 to vector<16xi32>
        %parallel_loop3A_1053 = arith.shrsi %parallel_loop3A_1050, %parallel_loop3A_1052 : vector<16xi32>
        %parallel_loop3A_1054 = arith.constant 127 : i32
        %parallel_loop3A_1055 = vector.broadcast %parallel_loop3A_1054 : i32 to vector<16xi32>
        %parallel_loop3A_1056 = arith.andi %parallel_loop3A_1050, %parallel_loop3A_1055 : vector<16xi32>
        %parallel_loop3A_1057 = tpu.vector_load_idx %arg9[%parallel_loop3A_1053, %parallel_loop3A_1056, %sub3A_188] : memref<4x128x24xf32, #tpu.memory_space<vmem>>[vector<16xi32>, vector<16xi32>, vector<16xi32>], vector<16xf32>,
        %parallel_loop3A_1058 = tpu.vector_load_idx %arg10[%parallel_loop3A_1053, %parallel_loop3A_1056, %sub3A_188] : memref<4x128x24xf32, #tpu.memory_space<vmem>>[vector<16xi32>, vector<16xi32>, vector<16xi32>], vector<16xf32>,
        %parallel_loop3A_1059 = arith.addf %parallel_loop3A_1057, %parallel_loop3A_1058 : vector<16xf32>
        tpu.vector_store_idx %arg11[%select_n3A_219, %parallel_loop3A_1053, %sub3A_223, %parallel_loop3A_1056], %parallel_loop3A_1059 : memref<3x4x8x128xf32, #tpu.memory_space<vmem>>[vector<16xi32>, vector<16xi32>, vector<16xi32>, vector<16xi32>], vector<16xf32>,
        %parallel_loop3A_1060 = vector.broadcast %parallel_loop3A_1026 : i32 to vector<16xi32>
        %parallel_loop3A_1061 = arith.addi %select_n3A_257, %parallel_loop3A_1060 : vector<16xi32>
        %parallel_loop3A_1062 = arith.constant 7 : i32
        %parallel_loop3A_1063 = vector.broadcast %parallel_loop3A_1062 : i32 to vector<16xi32>
        %parallel_loop3A_1064 = arith.shrsi %parallel_loop3A_1061, %parallel_loop3A_1063 : vector<16xi32>
        %parallel_loop3A_1065 = arith.constant 127 : i32
        %parallel_loop3A_1066 = vector.broadcast %parallel_loop3A_1065 : i32 to vector<16xi32>
        %parallel_loop3A_1067 = arith.andi %parallel_loop3A_1061, %parallel_loop3A_1066 : vector<16xi32>
        %parallel_loop3A_1068 = tpu.vector_load_idx %arg9[%parallel_loop3A_1064, %parallel_loop3A_1067, %sub3A_261] : memref<4x128x24xf32, #tpu.memory_space<vmem>>[vector<16xi32>, vector<16xi32>, vector<16xi32>], vector<16xf32>,
        %parallel_loop3A_1069 = tpu.vector_load_idx %arg10[%parallel_loop3A_1064, %parallel_loop3A_1067, %sub3A_261] : memref<4x128x24xf32, #tpu.memory_space<vmem>>[vector<16xi32>, vector<16xi32>, vector<16xi32>], vector<16xf32>,
        %parallel_loop3A_1070 = arith.addf %parallel_loop3A_1068, %parallel_loop3A_1069 : vector<16xf32>
        tpu.vector_store_idx %arg11[%select_n3A_292, %parallel_loop3A_1064, %sub3A_296, %parallel_loop3A_1067], %parallel_loop3A_1070 : memref<3x4x8x128xf32, #tpu.memory_space<vmem>>[vector<16xi32>, vector<16xi32>, vector<16xi32>, vector<16xi32>], vector<16xf32>,
        %parallel_loop3A_1071 = vector.broadcast %parallel_loop3A_1026 : i32 to vector<16xi32>
        %parallel_loop3A_1072 = arith.addi %select_n3A_330, %parallel_loop3A_1071 : vector<16xi32>
        %parallel_loop3A_1073 = arith.constant 7 : i32
        %parallel_loop3A_1074 = vector.broadcast %parallel_loop3A_1073 : i32 to vector<16xi32>
        %parallel_loop3A_1075 = arith.shrsi %parallel_loop3A_1072, %parallel_loop3A_1074 : vector<16xi32>
        %parallel_loop3A_1076 = arith.constant 127 : i32
        %parallel_loop3A_1077 = vector.broadcast %parallel_loop3A_1076 : i32 to vector<16xi32>
        %parallel_loop3A_1078 = arith.andi %parallel_loop3A_1072, %parallel_loop3A_1077 : vector<16xi32>
        %parallel_loop3A_1079 = tpu.vector_load_idx %arg9[%parallel_loop3A_1075, %parallel_loop3A_1078, %sub3A_334] : memref<4x128x24xf32, #tpu.memory_space<vmem>>[vector<16xi32>, vector<16xi32>, vector<16xi32>], vector<16xf32>,
        %parallel_loop3A_1080 = tpu.vector_load_idx %arg10[%parallel_loop3A_1075, %parallel_loop3A_1078, %sub3A_334] : memref<4x128x24xf32, #tpu.memory_space<vmem>>[vector<16xi32>, vector<16xi32>, vector<16xi32>], vector<16xf32>,
        %parallel_loop3A_1081 = arith.addf %parallel_loop3A_1079, %parallel_loop3A_1080 : vector<16xf32>
        tpu.vector_store_idx %arg11[%select_n3A_365, %parallel_loop3A_1075, %sub3A_369, %parallel_loop3A_1078], %parallel_loop3A_1081 : memref<3x4x8x128xf32, #tpu.memory_space<vmem>>[vector<16xi32>, vector<16xi32>, vector<16xi32>, vector<16xi32>], vector<16xf32>,
      } {sc.loop_unroll_factor = 2 : i64, sc.parallel_access}
      %mul3A_779 = arith.constant 4 : i32
      %mul3A_780 = arith.muli %mul3A_666, %mul3A_779 : i32
      %add3A_781 = arith.addi %sub3A_7, %mul3A_780 : i32
      %dma_start3A_782 = arith.constant 0 : i32
      %dma_start3A_783 = arith.constant 0 : i32
      %dma_start3A_784 = arith.constant 0 : i32
      %dma_start3A_785 = arith.constant 0 : i32
      %dma_start3A_786 = arith.constant 0 : i32
      %dma_start3A_787 = tpu.memref_slice %arg11[%dma_start3A_782, %dma_start3A_784, %dma_start3A_785, %dma_start3A_786] : memref<3x4x8x128xf32, #tpu.memory_space<vmem>> -> memref<1x4x8x128xf32, #tpu.memory_space<vmem>>
      %dma_start3A_788 = tpu.memref_squeeze %dma_start3A_787 : memref<1x4x8x128xf32, #tpu.memory_space<vmem>> -> memref<4x8x128xf32, #tpu.memory_space<vmem>>
      %dma_start3A_789 = arith.constant 0 : i32
      %dma_start3A_790 = arith.constant 0 : i32
      %dma_start3A_791 = tpu.memref_slice %arg6[%dma_start3A_783, %add3A_781, %dma_start3A_789, %dma_start3A_790] : memref<3x25000x8x128xf32, #tpu.memory_space<hbm>> -> memref<1x4x8x128xf32, #tpu.memory_space<hbm>>
      %dma_start3A_792 = tpu.memref_squeeze %dma_start3A_791 : memref<1x4x8x128xf32, #tpu.memory_space<hbm>> -> memref<4x8x128xf32, #tpu.memory_space<hbm>>
      %dma_start3A_793 = arith.constant 0 : i32
      %dma_start3A_794 = arith.constant 0 : i32
      %dma_start3A_795 = tpu.memref_slice %arg6[%dma_start3A_783, %add3A_781, %dma_start3A_793, %dma_start3A_794] : memref<3x25000x8x128xf32, #tpu.memory_space<hbm>> -> memref<1x4x8x128xf32, #tpu.memory_space<hbm>>
      %dma_start3A_796 = tpu.memref_squeeze %dma_start3A_795 : memref<1x4x8x128xf32, #tpu.memory_space<hbm>> -> memref<4x8x128xf32, #tpu.memory_space<hbm>>
      %dma_start3A_797 = arith.constant 0 : i32
      %dma_start3A_798 = arith.constant 0 : i32
      %dma_start3A_799 = arith.constant 0 : i32
      %dma_start3A_800 = tpu.memref_slice %arg11[%dma_start3A_782, %dma_start3A_797, %dma_start3A_798, %dma_start3A_799] : memref<3x4x8x128xf32, #tpu.memory_space<vmem>> -> memref<1x4x8x128xf32, #tpu.memory_space<vmem>>
      %dma_start3A_801 = tpu.memref_squeeze %dma_start3A_800 : memref<1x4x8x128xf32, #tpu.memory_space<vmem>> -> memref<4x8x128xf32, #tpu.memory_space<vmem>>
      tpu.enqueue_dma source(%dma_start3A_801 : memref<4x8x128xf32, #tpu.memory_space<vmem>>) target(%dma_start3A_796 : memref<4x8x128xf32, #tpu.memory_space<hbm>>) target_semaphore(%arg20 : memref<!tpu.dma_semaphore, #tpu.memory_space<semaphore_mem>>)
      %dma_start3A_802 = arith.constant 1 : i32
      %dma_start3A_803 = arith.constant 1 : i32
      %dma_start3A_804 = arith.constant 0 : i32
      %dma_start3A_805 = arith.constant 0 : i32
      %dma_start3A_806 = arith.constant 0 : i32
      %dma_start3A_807 = tpu.memref_slice %arg11[%dma_start3A_802, %dma_start3A_804, %dma_start3A_805, %dma_start3A_806] : memref<3x4x8x128xf32, #tpu.memory_space<vmem>> -> memref<1x4x8x128xf32, #tpu.memory_space<vmem>>
      %dma_start3A_808 = tpu.memref_squeeze %dma_start3A_807 : memref<1x4x8x128xf32, #tpu.memory_space<vmem>> -> memref<4x8x128xf32, #tpu.memory_space<vmem>>
      %dma_start3A_809 = arith.constant 0 : i32
      %dma_start3A_810 = arith.constant 0 : i32
      %dma_start3A_811 = tpu.memref_slice %arg6[%dma_start3A_803, %add3A_781, %dma_start3A_809, %dma_start3A_810] : memref<3x25000x8x128xf32, #tpu.memory_space<hbm>> -> memref<1x4x8x128xf32, #tpu.memory_space<hbm>>
      %dma_start3A_812 = tpu.memref_squeeze %dma_start3A_811 : memref<1x4x8x128xf32, #tpu.memory_space<hbm>> -> memref<4x8x128xf32, #tpu.memory_space<hbm>>
      %dma_start3A_813 = arith.constant 0 : i32
      %dma_start3A_814 = arith.constant 0 : i32
      %dma_start3A_815 = tpu.memref_slice %arg6[%dma_start3A_803, %add3A_781, %dma_start3A_813, %dma_start3A_814] : memref<3x25000x8x128xf32, #tpu.memory_space<hbm>> -> memref<1x4x8x128xf32, #tpu.memory_space<hbm>>
      %dma_start3A_816 = tpu.memref_squeeze %dma_start3A_815 : memref<1x4x8x128xf32, #tpu.memory_space<hbm>> -> memref<4x8x128xf32, #tpu.memory_space<hbm>>
      %dma_start3A_817 = arith.constant 0 : i32
      %dma_start3A_818 = arith.constant 0 : i32
      %dma_start3A_819 = arith.constant 0 : i32
      %dma_start3A_820 = tpu.memref_slice %arg11[%dma_start3A_802, %dma_start3A_817, %dma_start3A_818, %dma_start3A_819] : memref<3x4x8x128xf32, #tpu.memory_space<vmem>> -> memref<1x4x8x128xf32, #tpu.memory_space<vmem>>
      %dma_start3A_821 = tpu.memref_squeeze %dma_start3A_820 : memref<1x4x8x128xf32, #tpu.memory_space<vmem>> -> memref<4x8x128xf32, #tpu.memory_space<vmem>>
      tpu.enqueue_dma source(%dma_start3A_821 : memref<4x8x128xf32, #tpu.memory_space<vmem>>) target(%dma_start3A_816 : memref<4x8x128xf32, #tpu.memory_space<hbm>>) target_semaphore(%arg20 : memref<!tpu.dma_semaphore, #tpu.memory_space<semaphore_mem>>)
      %dma_start3A_822 = arith.constant 2 : i32
      %dma_start3A_823 = arith.constant 2 : i32
      %dma_start3A_824 = arith.constant 0 : i32
      %dma_start3A_825 = arith.constant 0 : i32
      %dma_start3A_826 = arith.constant 0 : i32
      %dma_start3A_827 = tpu.memref_slice %arg11[%dma_start3A_822, %dma_start3A_824, %dma_start3A_825, %dma_start3A_826] : memref<3x4x8x128xf32, #tpu.memory_space<vmem>> -> memref<1x4x8x128xf32, #tpu.memory_space<vmem>>
      %dma_start3A_828 = tpu.memref_squeeze %dma_start3A_827 : memref<1x4x8x128xf32, #tpu.memory_space<vmem>> -> memref<4x8x128xf32, #tpu.memory_space<vmem>>
      %dma_start3A_829 = arith.constant 0 : i32
      %dma_start3A_830 = arith.constant 0 : i32
      %dma_start3A_831 = tpu.memref_slice %arg6[%dma_start3A_823, %add3A_781, %dma_start3A_829, %dma_start3A_830] : memref<3x25000x8x128xf32, #tpu.memory_space<hbm>> -> memref<1x4x8x128xf32, #tpu.memory_space<hbm>>
      %dma_start3A_832 = tpu.memref_squeeze %dma_start3A_831 : memref<1x4x8x128xf32, #tpu.memory_space<hbm>> -> memref<4x8x128xf32, #tpu.memory_space<hbm>>
      %dma_start3A_833 = arith.constant 0 : i32
      %dma_start3A_834 = arith.constant 0 : i32
      %dma_start3A_835 = tpu.memref_slice %arg6[%dma_start3A_823, %add3A_781, %dma_start3A_833, %dma_start3A_834] : memref<3x25000x8x128xf32, #tpu.memory_space<hbm>> -> memref<1x4x8x128xf32, #tpu.memory_space<hbm>>
      %dma_start3A_836 = tpu.memref_squeeze %dma_start3A_835 : memref<1x4x8x128xf32, #tpu.memory_space<hbm>> -> memref<4x8x128xf32, #tpu.memory_space<hbm>>
      %dma_start3A_837 = arith.constant 0 : i32
      %dma_start3A_838 = arith.constant 0 : i32
      %dma_start3A_839 = arith.constant 0 : i32
      %dma_start3A_840 = tpu.memref_slice %arg11[%dma_start3A_822, %dma_start3A_837, %dma_start3A_838, %dma_start3A_839] : memref<3x4x8x128xf32, #tpu.memory_space<vmem>> -> memref<1x4x8x128xf32, #tpu.memory_space<vmem>>
      %dma_start3A_841 = tpu.memref_squeeze %dma_start3A_840 : memref<1x4x8x128xf32, #tpu.memory_space<vmem>> -> memref<4x8x128xf32, #tpu.memory_space<vmem>>
      tpu.enqueue_dma source(%dma_start3A_841 : memref<4x8x128xf32, #tpu.memory_space<vmem>>) target(%dma_start3A_836 : memref<4x8x128xf32, #tpu.memory_space<hbm>>) target_semaphore(%arg20 : memref<!tpu.dma_semaphore, #tpu.memory_space<semaphore_mem>>)
      %add3A_842 = arith.constant 1 : i32
      %add3A_843 = arith.addi %mul3A_666, %add3A_842 : i32
      %dma_wait3A_844 = arith.constant 0 : i32
      %dma_wait3A_845 = arith.constant 0 : i32
      %dma_wait3A_846 = arith.constant 0 : i32
      %dma_wait3A_847 = arith.constant 0 : i32
      %dma_wait3A_848 = tpu.memref_slice %arg14[%dma_wait3A_845, %dma_wait3A_846, %dma_wait3A_847] : memref<4x128x24xf32, #tpu.memory_space<vmem>> -> memref<1x128x24xf32, #tpu.memory_space<vmem>>
      %dma_wait3A_849 = tpu.memref_squeeze %dma_wait3A_848 : memref<1x128x24xf32, #tpu.memory_space<vmem>> -> memref<128x24xf32, #tpu.memory_space<vmem>>
      %dma_wait3A_850 = arith.constant 0 : i32
      %dma_wait3A_851 = tpu.memref_slice %arg12[%dma_wait3A_844, %dma_wait3A_850] : memref<4x128xi32, #tpu.memory_space<vmem>> -> memref<1x128xi32, #tpu.memory_space<vmem>>
      %dma_wait3A_852 = tpu.memref_squeeze %dma_wait3A_851 : memref<1x128xi32, #tpu.memory_space<vmem>> -> memref<128xi32, #tpu.memory_space<vmem>>
      %dma_wait3A_853 = arith.constant 0 : i32
      %dma_wait3A_854 = arith.constant 0 : i32
      %dma_wait3A_855 = tpu.memref_slice %arg2[%dma_wait3A_853, %dma_wait3A_854] : memref<100000x24xf32, #tpu.memory_space<hbm>> -> memref<100000x24xf32, #tpu.memory_space<hbm>>
      tpu.wait_indirect_dma semaphore(%arg21 : memref<!tpu.dma_semaphore, #tpu.memory_space<semaphore_mem>>) src(%dma_wait3A_855 : memref<100000x24xf32, #tpu.memory_space<hbm>>) dst(%dma_wait3A_849 : memref<128x24xf32, #tpu.memory_space<vmem>>)
      %dma_wait3A_856 = arith.constant 0 : i32
      %dma_wait3A_857 = arith.constant 0 : i32
      %dma_wait3A_858 = arith.constant 0 : i32
      %dma_wait3A_859 = arith.constant 0 : i32
      %dma_wait3A_860 = tpu.memref_slice %arg15[%dma_wait3A_857, %dma_wait3A_858, %dma_wait3A_859] : memref<4x128x24xf32, #tpu.memory_space<vmem>> -> memref<1x128x24xf32, #tpu.memory_space<vmem>>
      %dma_wait3A_861 = tpu.memref_squeeze %dma_wait3A_860 : memref<1x128x24xf32, #tpu.memory_space<vmem>> -> memref<128x24xf32, #tpu.memory_space<vmem>>
      %dma_wait3A_862 = arith.constant 0 : i32
      %dma_wait3A_863 = tpu.memref_slice %arg13[%dma_wait3A_856, %dma_wait3A_862] : memref<4x128xi32, #tpu.memory_space<vmem>> -> memref<1x128xi32, #tpu.memory_space<vmem>>
      %dma_wait3A_864 = tpu.memref_squeeze %dma_wait3A_863 : memref<1x128xi32, #tpu.memory_space<vmem>> -> memref<128xi32, #tpu.memory_space<vmem>>
      %dma_wait3A_865 = arith.constant 0 : i32
      %dma_wait3A_866 = arith.constant 0 : i32
      %dma_wait3A_867 = tpu.memref_slice %arg3[%dma_wait3A_865, %dma_wait3A_866] : memref<100000x24xf32, #tpu.memory_space<hbm>> -> memref<100000x24xf32, #tpu.memory_space<hbm>>
      tpu.wait_indirect_dma semaphore(%arg22 : memref<!tpu.dma_semaphore, #tpu.memory_space<semaphore_mem>>) src(%dma_wait3A_867 : memref<100000x24xf32, #tpu.memory_space<hbm>>) dst(%dma_wait3A_861 : memref<128x24xf32, #tpu.memory_space<vmem>>)
      %dma_wait3A_868 = arith.constant 1 : i32
      %dma_wait3A_869 = arith.constant 1 : i32
      %dma_wait3A_870 = arith.constant 0 : i32
      %dma_wait3A_871 = arith.constant 0 : i32
      %dma_wait3A_872 = tpu.memref_slice %arg14[%dma_wait3A_869, %dma_wait3A_870, %dma_wait3A_871] : memref<4x128x24xf32, #tpu.memory_space<vmem>> -> memref<1x128x24xf32, #tpu.memory_space<vmem>>
      %dma_wait3A_873 = tpu.memref_squeeze %dma_wait3A_872 : memref<1x128x24xf32, #tpu.memory_space<vmem>> -> memref<128x24xf32, #tpu.memory_space<vmem>>
      %dma_wait3A_874 = arith.constant 0 : i32
      %dma_wait3A_875 = tpu.memref_slice %arg12[%dma_wait3A_868, %dma_wait3A_874] : memref<4x128xi32, #tpu.memory_space<vmem>> -> memref<1x128xi32, #tpu.memory_space<vmem>>
      %dma_wait3A_876 = tpu.memref_squeeze %dma_wait3A_875 : memref<1x128xi32, #tpu.memory_space<vmem>> -> memref<128xi32, #tpu.memory_space<vmem>>
      %dma_wait3A_877 = arith.constant 0 : i32
      %dma_wait3A_878 = arith.constant 0 : i32
      %dma_wait3A_879 = tpu.memref_slice %arg2[%dma_wait3A_877, %dma_wait3A_878] : memref<100000x24xf32, #tpu.memory_space<hbm>> -> memref<100000x24xf32, #tpu.memory_space<hbm>>
      tpu.wait_indirect_dma semaphore(%arg21 : memref<!tpu.dma_semaphore, #tpu.memory_space<semaphore_mem>>) src(%dma_wait3A_879 : memref<100000x24xf32, #tpu.memory_space<hbm>>) dst(%dma_wait3A_873 : memref<128x24xf32, #tpu.memory_space<vmem>>)
      %dma_wait3A_880 = arith.constant 1 : i32
      %dma_wait3A_881 = arith.constant 1 : i32
      %dma_wait3A_882 = arith.constant 0 : i32
      %dma_wait3A_883 = arith.constant 0 : i32
      %dma_wait3A_884 = tpu.memref_slice %arg15[%dma_wait3A_881, %dma_wait3A_882, %dma_wait3A_883] : memref<4x128x24xf32, #tpu.memory_space<vmem>> -> memref<1x128x24xf32, #tpu.memory_space<vmem>>
      %dma_wait3A_885 = tpu.memref_squeeze %dma_wait3A_884 : memref<1x128x24xf32, #tpu.memory_space<vmem>> -> memref<128x24xf32, #tpu.memory_space<vmem>>
      %dma_wait3A_886 = arith.constant 0 : i32
      %dma_wait3A_887 = tpu.memref_slice %arg13[%dma_wait3A_880, %dma_wait3A_886] : memref<4x128xi32, #tpu.memory_space<vmem>> -> memref<1x128xi32, #tpu.memory_space<vmem>>
      %dma_wait3A_888 = tpu.memref_squeeze %dma_wait3A_887 : memref<1x128xi32, #tpu.memory_space<vmem>> -> memref<128xi32, #tpu.memory_space<vmem>>
      %dma_wait3A_889 = arith.constant 0 : i32
      %dma_wait3A_890 = arith.constant 0 : i32
      %dma_wait3A_891 = tpu.memref_slice %arg3[%dma_wait3A_889, %dma_wait3A_890] : memref<100000x24xf32, #tpu.memory_space<hbm>> -> memref<100000x24xf32, #tpu.memory_space<hbm>>
      tpu.wait_indirect_dma semaphore(%arg22 : memref<!tpu.dma_semaphore, #tpu.memory_space<semaphore_mem>>) src(%dma_wait3A_891 : memref<100000x24xf32, #tpu.memory_space<hbm>>) dst(%dma_wait3A_885 : memref<128x24xf32, #tpu.memory_space<vmem>>)
      %dma_wait3A_892 = arith.constant 2 : i32
      %dma_wait3A_893 = arith.constant 2 : i32
      %dma_wait3A_894 = arith.constant 0 : i32
      %dma_wait3A_895 = arith.constant 0 : i32
      %dma_wait3A_896 = tpu.memref_slice %arg14[%dma_wait3A_893, %dma_wait3A_894, %dma_wait3A_895] : memref<4x128x24xf32, #tpu.memory_space<vmem>> -> memref<1x128x24xf32, #tpu.memory_space<vmem>>
      %dma_wait3A_897 = tpu.memref_squeeze %dma_wait3A_896 : memref<1x128x24xf32, #tpu.memory_space<vmem>> -> memref<128x24xf32, #tpu.memory_space<vmem>>
      %dma_wait3A_898 = arith.constant 0 : i32
      %dma_wait3A_899 = tpu.memref_slice %arg12[%dma_wait3A_892, %dma_wait3A_898] : memref<4x128xi32, #tpu.memory_space<vmem>> -> memref<1x128xi32, #tpu.memory_space<vmem>>
      %dma_wait3A_900 = tpu.memref_squeeze %dma_wait3A_899 : memref<1x128xi32, #tpu.memory_space<vmem>> -> memref<128xi32, #tpu.memory_space<vmem>>
      %dma_wait3A_901 = arith.constant 0 : i32
      %dma_wait3A_902 = arith.constant 0 : i32
      %dma_wait3A_903 = tpu.memref_slice %arg2[%dma_wait3A_901, %dma_wait3A_902] : memref<100000x24xf32, #tpu.memory_space<hbm>> -> memref<100000x24xf32, #tpu.memory_space<hbm>>
      tpu.wait_indirect_dma semaphore(%arg21 : memref<!tpu.dma_semaphore, #tpu.memory_space<semaphore_mem>>) src(%dma_wait3A_903 : memref<100000x24xf32, #tpu.memory_space<hbm>>) dst(%dma_wait3A_897 : memref<128x24xf32, #tpu.memory_space<vmem>>)
      %dma_wait3A_904 = arith.constant 2 : i32
      %dma_wait3A_905 = arith.constant 2 : i32
      %dma_wait3A_906 = arith.constant 0 : i32
      %dma_wait3A_907 = arith.constant 0 : i32
      %dma_wait3A_908 = tpu.memref_slice %arg15[%dma_wait3A_905, %dma_wait3A_906, %dma_wait3A_907] : memref<4x128x24xf32, #tpu.memory_space<vmem>> -> memref<1x128x24xf32, #tpu.memory_space<vmem>>
      %dma_wait3A_909 = tpu.memref_squeeze %dma_wait3A_908 : memref<1x128x24xf32, #tpu.memory_space<vmem>> -> memref<128x24xf32, #tpu.memory_space<vmem>>
      %dma_wait3A_910 = arith.constant 0 : i32
      %dma_wait3A_911 = tpu.memref_slice %arg13[%dma_wait3A_904, %dma_wait3A_910] : memref<4x128xi32, #tpu.memory_space<vmem>> -> memref<1x128xi32, #tpu.memory_space<vmem>>
      %dma_wait3A_912 = tpu.memref_squeeze %dma_wait3A_911 : memref<1x128xi32, #tpu.memory_space<vmem>> -> memref<128xi32, #tpu.memory_space<vmem>>
      %dma_wait3A_913 = arith.constant 0 : i32
      %dma_wait3A_914 = arith.constant 0 : i32
      %dma_wait3A_915 = tpu.memref_slice %arg3[%dma_wait3A_913, %dma_wait3A_914] : memref<100000x24xf32, #tpu.memory_space<hbm>> -> memref<100000x24xf32, #tpu.memory_space<hbm>>
      tpu.wait_indirect_dma semaphore(%arg22 : memref<!tpu.dma_semaphore, #tpu.memory_space<semaphore_mem>>) src(%dma_wait3A_915 : memref<100000x24xf32, #tpu.memory_space<hbm>>) dst(%dma_wait3A_909 : memref<128x24xf32, #tpu.memory_space<vmem>>)
      %dma_wait3A_916 = arith.constant 3 : i32
      %dma_wait3A_917 = arith.constant 3 : i32
      %dma_wait3A_918 = arith.constant 0 : i32
      %dma_wait3A_919 = arith.constant 0 : i32
      %dma_wait3A_920 = tpu.memref_slice %arg14[%dma_wait3A_917, %dma_wait3A_918, %dma_wait3A_919] : memref<4x128x24xf32, #tpu.memory_space<vmem>> -> memref<1x128x24xf32, #tpu.memory_space<vmem>>
      %dma_wait3A_921 = tpu.memref_squeeze %dma_wait3A_920 : memref<1x128x24xf32, #tpu.memory_space<vmem>> -> memref<128x24xf32, #tpu.memory_space<vmem>>
      %dma_wait3A_922 = arith.constant 0 : i32
      %dma_wait3A_923 = tpu.memref_slice %arg12[%dma_wait3A_916, %dma_wait3A_922] : memref<4x128xi32, #tpu.memory_space<vmem>> -> memref<1x128xi32, #tpu.memory_space<vmem>>
      %dma_wait3A_924 = tpu.memref_squeeze %dma_wait3A_923 : memref<1x128xi32, #tpu.memory_space<vmem>> -> memref<128xi32, #tpu.memory_space<vmem>>
      %dma_wait3A_925 = arith.constant 0 : i32
      %dma_wait3A_926 = arith.constant 0 : i32
      %dma_wait3A_927 = tpu.memref_slice %arg2[%dma_wait3A_925, %dma_wait3A_926] : memref<100000x24xf32, #tpu.memory_space<hbm>> -> memref<100000x24xf32, #tpu.memory_space<hbm>>
      tpu.wait_indirect_dma semaphore(%arg21 : memref<!tpu.dma_semaphore, #tpu.memory_space<semaphore_mem>>) src(%dma_wait3A_927 : memref<100000x24xf32, #tpu.memory_space<hbm>>) dst(%dma_wait3A_921 : memref<128x24xf32, #tpu.memory_space<vmem>>)
      %dma_wait3A_928 = arith.constant 3 : i32
      %dma_wait3A_929 = arith.constant 3 : i32
      %dma_wait3A_930 = arith.constant 0 : i32
      %dma_wait3A_931 = arith.constant 0 : i32
      %dma_wait3A_932 = tpu.memref_slice %arg15[%dma_wait3A_929, %dma_wait3A_930, %dma_wait3A_931] : memref<4x128x24xf32, #tpu.memory_space<vmem>> -> memref<1x128x24xf32, #tpu.memory_space<vmem>>
      %dma_wait3A_933 = tpu.memref_squeeze %dma_wait3A_932 : memref<1x128x24xf32, #tpu.memory_space<vmem>> -> memref<128x24xf32, #tpu.memory_space<vmem>>
      %dma_wait3A_934 = arith.constant 0 : i32
      %dma_wait3A_935 = tpu.memref_slice %arg13[%dma_wait3A_928, %dma_wait3A_934] : memref<4x128xi32, #tpu.memory_space<vmem>> -> memref<1x128xi32, #tpu.memory_space<vmem>>
      %dma_wait3A_936 = tpu.memref_squeeze %dma_wait3A_935 : memref<1x128xi32, #tpu.memory_space<vmem>> -> memref<128xi32, #tpu.memory_space<vmem>>
      %dma_wait3A_937 = arith.constant 0 : i32
      %dma_wait3A_938 = arith.constant 0 : i32
      %dma_wait3A_939 = tpu.memref_slice %arg3[%dma_wait3A_937, %dma_wait3A_938] : memref<100000x24xf32, #tpu.memory_space<hbm>> -> memref<100000x24xf32, #tpu.memory_space<hbm>>
      tpu.wait_indirect_dma semaphore(%arg22 : memref<!tpu.dma_semaphore, #tpu.memory_space<semaphore_mem>>) src(%dma_wait3A_939 : memref<100000x24xf32, #tpu.memory_space<hbm>>) dst(%dma_wait3A_933 : memref<128x24xf32, #tpu.memory_space<vmem>>)
      %add3A_940 = arith.constant 1 : i32
      %add3A_941 = arith.addi %add3A_843, %add3A_940 : i32
      %lt3A_942 = arith.cmpi slt, %add3A_941, %select_n3A : i32
      %convert_element_type3A_943 = arith.extui %lt3A_942 : i1 to i32
      %cond3A_944 = arith.constant 0 : i32
      %cond3A_945 = arith.cmpi ne, %convert_element_type3A_943, %cond3A_944 : i32
      scf.if %cond3A_945 {
        %dma_wait3A_1024 = arith.constant 0 : i32
        %dma_wait3A_1025 = arith.constant 0 : i32
        %dma_wait3A_1026 = tpu.memref_slice %arg4[%dma_wait3A_1024, %dma_wait3A_1025] : memref<25000x128xi32, #tpu.memory_space<hbm>> -> memref<4x128xi32, #tpu.memory_space<hbm>>
        %dma_wait3A_1027 = arith.constant 0 : i32
        %dma_wait3A_1028 = arith.constant 0 : i32
        %dma_wait3A_1029 = tpu.memref_slice %arg4[%dma_wait3A_1027, %dma_wait3A_1028] : memref<25000x128xi32, #tpu.memory_space<hbm>> -> memref<4x128xi32, #tpu.memory_space<hbm>>
        tpu.wait_dma2 semaphore(%arg19 : memref<!tpu.dma_semaphore, #tpu.memory_space<semaphore_mem>>) src(%dma_wait3A_1029 : memref<4x128xi32, #tpu.memory_space<hbm>>) dst(%arg7 : memref<4x128xi32, #tpu.memory_space<vmem>>)
        %dma_wait3A_1030 = arith.constant 0 : i32
        %dma_wait3A_1031 = arith.constant 0 : i32
        %dma_wait3A_1032 = tpu.memref_slice %arg5[%dma_wait3A_1030, %dma_wait3A_1031] : memref<25000x128xi32, #tpu.memory_space<hbm>> -> memref<4x128xi32, #tpu.memory_space<hbm>>
        %dma_wait3A_1033 = arith.constant 0 : i32
        %dma_wait3A_1034 = arith.constant 0 : i32
        %dma_wait3A_1035 = tpu.memref_slice %arg5[%dma_wait3A_1033, %dma_wait3A_1034] : memref<25000x128xi32, #tpu.memory_space<hbm>> -> memref<4x128xi32, #tpu.memory_space<hbm>>
        tpu.wait_dma2 semaphore(%arg19 : memref<!tpu.dma_semaphore, #tpu.memory_space<semaphore_mem>>) src(%dma_wait3A_1035 : memref<4x128xi32, #tpu.memory_space<hbm>>) dst(%arg8 : memref<4x128xi32, #tpu.memory_space<vmem>>)
        %dma_start3A_1036 = arith.constant 0 : i32
        %dma_start3A_1037 = arith.constant 0 : i32
        %dma_start3A_1038 = arith.constant 0 : i32
        %dma_start3A_1039 = arith.constant 0 : i32
        %dma_start3A_1040 = tpu.memref_slice %arg9[%dma_start3A_1037, %dma_start3A_1038, %dma_start3A_1039] : memref<4x128x24xf32, #tpu.memory_space<vmem>> -> memref<1x128x24xf32, #tpu.memory_space<vmem>>
        %dma_start3A_1041 = tpu.memref_squeeze %dma_start3A_1040 : memref<1x128x24xf32, #tpu.memory_space<vmem>> -> memref<128x24xf32, #tpu.memory_space<vmem>>
        %dma_start3A_1042 = arith.constant 0 : i32
        %dma_start3A_1043 = tpu.memref_slice %arg7[%dma_start3A_1036, %dma_start3A_1042] : memref<4x128xi32, #tpu.memory_space<vmem>> -> memref<1x128xi32, #tpu.memory_space<vmem>>
        %dma_start3A_1044 = tpu.memref_squeeze %dma_start3A_1043 : memref<1x128xi32, #tpu.memory_space<vmem>> -> memref<128xi32, #tpu.memory_space<vmem>>
        %dma_start3A_1045 = arith.constant 0 : i32
        %dma_start3A_1046 = arith.constant 0 : i32
        %dma_start3A_1047 = tpu.memref_slice %arg2[%dma_start3A_1045, %dma_start3A_1046] : memref<100000x24xf32, #tpu.memory_space<hbm>> -> memref<100000x24xf32, #tpu.memory_space<hbm>>
        tpu.enqueue_indirect_dma source(%dma_start3A_1047 : memref<100000x24xf32, #tpu.memory_space<hbm>>) target(%dma_start3A_1041 : memref<128x24xf32, #tpu.memory_space<vmem>>) offsets(%dma_start3A_1044 : memref<128xi32, #tpu.memory_space<vmem>>) semaphore(%arg17 : memref<!tpu.dma_semaphore, #tpu.memory_space<semaphore_mem>>)
        %dma_start3A_1048 = arith.constant 0 : i32
        %dma_start3A_1049 = arith.constant 0 : i32
        %dma_start3A_1050 = arith.constant 0 : i32
        %dma_start3A_1051 = arith.constant 0 : i32
        %dma_start3A_1052 = tpu.memref_slice %arg10[%dma_start3A_1049, %dma_start3A_1050, %dma_start3A_1051] : memref<4x128x24xf32, #tpu.memory_space<vmem>> -> memref<1x128x24xf32, #tpu.memory_space<vmem>>
        %dma_start3A_1053 = tpu.memref_squeeze %dma_start3A_1052 : memref<1x128x24xf32, #tpu.memory_space<vmem>> -> memref<128x24xf32, #tpu.memory_space<vmem>>
        %dma_start3A_1054 = arith.constant 0 : i32
        %dma_start3A_1055 = tpu.memref_slice %arg8[%dma_start3A_1048, %dma_start3A_1054] : memref<4x128xi32, #tpu.memory_space<vmem>> -> memref<1x128xi32, #tpu.memory_space<vmem>>
        %dma_start3A_1056 = tpu.memref_squeeze %dma_start3A_1055 : memref<1x128xi32, #tpu.memory_space<vmem>> -> memref<128xi32, #tpu.memory_space<vmem>>
        %dma_start3A_1057 = arith.constant 0 : i32
        %dma_start3A_1058 = arith.constant 0 : i32
        %dma_start3A_1059 = tpu.memref_slice %arg3[%dma_start3A_1057, %dma_start3A_1058] : memref<100000x24xf32, #tpu.memory_space<hbm>> -> memref<100000x24xf32, #tpu.memory_space<hbm>>
        tpu.enqueue_indirect_dma source(%dma_start3A_1059 : memref<100000x24xf32, #tpu.memory_space<hbm>>) target(%dma_start3A_1053 : memref<128x24xf32, #tpu.memory_space<vmem>>) offsets(%dma_start3A_1056 : memref<128xi32, #tpu.memory_space<vmem>>) semaphore(%arg18 : memref<!tpu.dma_semaphore, #tpu.memory_space<semaphore_mem>>)
        %dma_start3A_1060 = arith.constant 1 : i32
        %dma_start3A_1061 = arith.constant 1 : i32
        %dma_start3A_1062 = arith.constant 0 : i32
        %dma_start3A_1063 = arith.constant 0 : i32
        %dma_start3A_1064 = tpu.memref_slice %arg9[%dma_start3A_1061, %dma_start3A_1062, %dma_start3A_1063] : memref<4x128x24xf32, #tpu.memory_space<vmem>> -> memref<1x128x24xf32, #tpu.memory_space<vmem>>
        %dma_start3A_1065 = tpu.memref_squeeze %dma_start3A_1064 : memref<1x128x24xf32, #tpu.memory_space<vmem>> -> memref<128x24xf32, #tpu.memory_space<vmem>>
        %dma_start3A_1066 = arith.constant 0 : i32
        %dma_start3A_1067 = tpu.memref_slice %arg7[%dma_start3A_1060, %dma_start3A_1066] : memref<4x128xi32, #tpu.memory_space<vmem>> -> memref<1x128xi32, #tpu.memory_space<vmem>>
        %dma_start3A_1068 = tpu.memref_squeeze %dma_start3A_1067 : memref<1x128xi32, #tpu.memory_space<vmem>> -> memref<128xi32, #tpu.memory_space<vmem>>
        %dma_start3A_1069 = arith.constant 0 : i32
        %dma_start3A_1070 = arith.constant 0 : i32
        %dma_start3A_1071 = tpu.memref_slice %arg2[%dma_start3A_1069, %dma_start3A_1070] : memref<100000x24xf32, #tpu.memory_space<hbm>> -> memref<100000x24xf32, #tpu.memory_space<hbm>>
        tpu.enqueue_indirect_dma source(%dma_start3A_1071 : memref<100000x24xf32, #tpu.memory_space<hbm>>) target(%dma_start3A_1065 : memref<128x24xf32, #tpu.memory_space<vmem>>) offsets(%dma_start3A_1068 : memref<128xi32, #tpu.memory_space<vmem>>) semaphore(%arg17 : memref<!tpu.dma_semaphore, #tpu.memory_space<semaphore_mem>>)
        %dma_start3A_1072 = arith.constant 1 : i32
        %dma_start3A_1073 = arith.constant 1 : i32
        %dma_start3A_1074 = arith.constant 0 : i32
        %dma_start3A_1075 = arith.constant 0 : i32
        %dma_start3A_1076 = tpu.memref_slice %arg10[%dma_start3A_1073, %dma_start3A_1074, %dma_start3A_1075] : memref<4x128x24xf32, #tpu.memory_space<vmem>> -> memref<1x128x24xf32, #tpu.memory_space<vmem>>
        %dma_start3A_1077 = tpu.memref_squeeze %dma_start3A_1076 : memref<1x128x24xf32, #tpu.memory_space<vmem>> -> memref<128x24xf32, #tpu.memory_space<vmem>>
        %dma_start3A_1078 = arith.constant 0 : i32
        %dma_start3A_1079 = tpu.memref_slice %arg8[%dma_start3A_1072, %dma_start3A_1078] : memref<4x128xi32, #tpu.memory_space<vmem>> -> memref<1x128xi32, #tpu.memory_space<vmem>>
        %dma_start3A_1080 = tpu.memref_squeeze %dma_start3A_1079 : memref<1x128xi32, #tpu.memory_space<vmem>> -> memref<128xi32, #tpu.memory_space<vmem>>
        %dma_start3A_1081 = arith.constant 0 : i32
        %dma_start3A_1082 = arith.constant 0 : i32
        %dma_start3A_1083 = tpu.memref_slice %arg3[%dma_start3A_1081, %dma_start3A_1082] : memref<100000x24xf32, #tpu.memory_space<hbm>> -> memref<100000x24xf32, #tpu.memory_space<hbm>>
        tpu.enqueue_indirect_dma source(%dma_start3A_1083 : memref<100000x24xf32, #tpu.memory_space<hbm>>) target(%dma_start3A_1077 : memref<128x24xf32, #tpu.memory_space<vmem>>) offsets(%dma_start3A_1080 : memref<128xi32, #tpu.memory_space<vmem>>) semaphore(%arg18 : memref<!tpu.dma_semaphore, #tpu.memory_space<semaphore_mem>>)
        %dma_start3A_1084 = arith.constant 2 : i32
        %dma_start3A_1085 = arith.constant 2 : i32
        %dma_start3A_1086 = arith.constant 0 : i32
        %dma_start3A_1087 = arith.constant 0 : i32
        %dma_start3A_1088 = tpu.memref_slice %arg9[%dma_start3A_1085, %dma_start3A_1086, %dma_start3A_1087] : memref<4x128x24xf32, #tpu.memory_space<vmem>> -> memref<1x128x24xf32, #tpu.memory_space<vmem>>
        %dma_start3A_1089 = tpu.memref_squeeze %dma_start3A_1088 : memref<1x128x24xf32, #tpu.memory_space<vmem>> -> memref<128x24xf32, #tpu.memory_space<vmem>>
        %dma_start3A_1090 = arith.constant 0 : i32
        %dma_start3A_1091 = tpu.memref_slice %arg7[%dma_start3A_1084, %dma_start3A_1090] : memref<4x128xi32, #tpu.memory_space<vmem>> -> memref<1x128xi32, #tpu.memory_space<vmem>>
        %dma_start3A_1092 = tpu.memref_squeeze %dma_start3A_1091 : memref<1x128xi32, #tpu.memory_space<vmem>> -> memref<128xi32, #tpu.memory_space<vmem>>
        %dma_start3A_1093 = arith.constant 0 : i32
        %dma_start3A_1094 = arith.constant 0 : i32
        %dma_start3A_1095 = tpu.memref_slice %arg2[%dma_start3A_1093, %dma_start3A_1094] : memref<100000x24xf32, #tpu.memory_space<hbm>> -> memref<100000x24xf32, #tpu.memory_space<hbm>>
        tpu.enqueue_indirect_dma source(%dma_start3A_1095 : memref<100000x24xf32, #tpu.memory_space<hbm>>) target(%dma_start3A_1089 : memref<128x24xf32, #tpu.memory_space<vmem>>) offsets(%dma_start3A_1092 : memref<128xi32, #tpu.memory_space<vmem>>) semaphore(%arg17 : memref<!tpu.dma_semaphore, #tpu.memory_space<semaphore_mem>>)
        %dma_start3A_1096 = arith.constant 2 : i32
        %dma_start3A_1097 = arith.constant 2 : i32
        %dma_start3A_1098 = arith.constant 0 : i32
        %dma_start3A_1099 = arith.constant 0 : i32
        %dma_start3A_1100 = tpu.memref_slice %arg10[%dma_start3A_1097, %dma_start3A_1098, %dma_start3A_1099] : memref<4x128x24xf32, #tpu.memory_space<vmem>> -> memref<1x128x24xf32, #tpu.memory_space<vmem>>
        %dma_start3A_1101 = tpu.memref_squeeze %dma_start3A_1100 : memref<1x128x24xf32, #tpu.memory_space<vmem>> -> memref<128x24xf32, #tpu.memory_space<vmem>>
        %dma_start3A_1102 = arith.constant 0 : i32
        %dma_start3A_1103 = tpu.memref_slice %arg8[%dma_start3A_1096, %dma_start3A_1102] : memref<4x128xi32, #tpu.memory_space<vmem>> -> memref<1x128xi32, #tpu.memory_space<vmem>>
        %dma_start3A_1104 = tpu.memref_squeeze %dma_start3A_1103 : memref<1x128xi32, #tpu.memory_space<vmem>> -> memref<128xi32, #tpu.memory_space<vmem>>
        %dma_start3A_1105 = arith.constant 0 : i32
        %dma_start3A_1106 = arith.constant 0 : i32
        %dma_start3A_1107 = tpu.memref_slice %arg3[%dma_start3A_1105, %dma_start3A_1106] : memref<100000x24xf32, #tpu.memory_space<hbm>> -> memref<100000x24xf32, #tpu.memory_space<hbm>>
        tpu.enqueue_indirect_dma source(%dma_start3A_1107 : memref<100000x24xf32, #tpu.memory_space<hbm>>) target(%dma_start3A_1101 : memref<128x24xf32, #tpu.memory_space<vmem>>) offsets(%dma_start3A_1104 : memref<128xi32, #tpu.memory_space<vmem>>) semaphore(%arg18 : memref<!tpu.dma_semaphore, #tpu.memory_space<semaphore_mem>>)
        %dma_start3A_1108 = arith.constant 3 : i32
        %dma_start3A_1109 = arith.constant 3 : i32
        %dma_start3A_1110 = arith.constant 0 : i32
        %dma_start3A_1111 = arith.constant 0 : i32
        %dma_start3A_1112 = tpu.memref_slice %arg9[%dma_start3A_1109, %dma_start3A_1110, %dma_start3A_1111] : memref<4x128x24xf32, #tpu.memory_space<vmem>> -> memref<1x128x24xf32, #tpu.memory_space<vmem>>
        %dma_start3A_1113 = tpu.memref_squeeze %dma_start3A_1112 : memref<1x128x24xf32, #tpu.memory_space<vmem>> -> memref<128x24xf32, #tpu.memory_space<vmem>>
        %dma_start3A_1114 = arith.constant 0 : i32
        %dma_start3A_1115 = tpu.memref_slice %arg7[%dma_start3A_1108, %dma_start3A_1114] : memref<4x128xi32, #tpu.memory_space<vmem>> -> memref<1x128xi32, #tpu.memory_space<vmem>>
        %dma_start3A_1116 = tpu.memref_squeeze %dma_start3A_1115 : memref<1x128xi32, #tpu.memory_space<vmem>> -> memref<128xi32, #tpu.memory_space<vmem>>
        %dma_start3A_1117 = arith.constant 0 : i32
        %dma_start3A_1118 = arith.constant 0 : i32
        %dma_start3A_1119 = tpu.memref_slice %arg2[%dma_start3A_1117, %dma_start3A_1118] : memref<100000x24xf32, #tpu.memory_space<hbm>> -> memref<100000x24xf32, #tpu.memory_space<hbm>>
        tpu.enqueue_indirect_dma source(%dma_start3A_1119 : memref<100000x24xf32, #tpu.memory_space<hbm>>) target(%dma_start3A_1113 : memref<128x24xf32, #tpu.memory_space<vmem>>) offsets(%dma_start3A_1116 : memref<128xi32, #tpu.memory_space<vmem>>) semaphore(%arg17 : memref<!tpu.dma_semaphore, #tpu.memory_space<semaphore_mem>>)
        %dma_start3A_1120 = arith.constant 3 : i32
        %dma_start3A_1121 = arith.constant 3 : i32
        %dma_start3A_1122 = arith.constant 0 : i32
        %dma_start3A_1123 = arith.constant 0 : i32
        %dma_start3A_1124 = tpu.memref_slice %arg10[%dma_start3A_1121, %dma_start3A_1122, %dma_start3A_1123] : memref<4x128x24xf32, #tpu.memory_space<vmem>> -> memref<1x128x24xf32, #tpu.memory_space<vmem>>
        %dma_start3A_1125 = tpu.memref_squeeze %dma_start3A_1124 : memref<1x128x24xf32, #tpu.memory_space<vmem>> -> memref<128x24xf32, #tpu.memory_space<vmem>>
        %dma_start3A_1126 = arith.constant 0 : i32
        %dma_start3A_1127 = tpu.memref_slice %arg8[%dma_start3A_1120, %dma_start3A_1126] : memref<4x128xi32, #tpu.memory_space<vmem>> -> memref<1x128xi32, #tpu.memory_space<vmem>>
        %dma_start3A_1128 = tpu.memref_squeeze %dma_start3A_1127 : memref<1x128xi32, #tpu.memory_space<vmem>> -> memref<128xi32, #tpu.memory_space<vmem>>
        %dma_start3A_1129 = arith.constant 0 : i32
        %dma_start3A_1130 = arith.constant 0 : i32
        %dma_start3A_1131 = tpu.memref_slice %arg3[%dma_start3A_1129, %dma_start3A_1130] : memref<100000x24xf32, #tpu.memory_space<hbm>> -> memref<100000x24xf32, #tpu.memory_space<hbm>>
        tpu.enqueue_indirect_dma source(%dma_start3A_1131 : memref<100000x24xf32, #tpu.memory_space<hbm>>) target(%dma_start3A_1125 : memref<128x24xf32, #tpu.memory_space<vmem>>) offsets(%dma_start3A_1128 : memref<128xi32, #tpu.memory_space<vmem>>) semaphore(%arg18 : memref<!tpu.dma_semaphore, #tpu.memory_space<semaphore_mem>>)
      } else {
      }
      %add3A_946 = arith.constant 2 : i32
      %add3A_947 = arith.addi %add3A_843, %add3A_946 : i32
      %lt3A_948 = arith.cmpi slt, %add3A_947, %select_n3A : i32
      %convert_element_type3A_949 = arith.extui %lt3A_948 : i1 to i32
      %cond3A_950 = arith.constant 0 : i32
      %cond3A_951 = arith.cmpi ne, %convert_element_type3A_949, %cond3A_950 : i32
      scf.if %cond3A_951 {
        %add3A_1024 = arith.constant 2 : i32
        %add3A_1025 = arith.addi %add3A_843, %add3A_1024 : i32
        %mul3A_1026 = arith.constant 4 : i32
        %mul3A_1027 = arith.muli %add3A_1025, %mul3A_1026 : i32
        %add3A_1028 = arith.addi %sub3A_7, %mul3A_1027 : i32
        %dma_start3A_1029 = arith.constant 0 : i32
        %dma_start3A_1030 = tpu.memref_slice %arg4[%add3A_1028, %dma_start3A_1029] : memref<25000x128xi32, #tpu.memory_space<hbm>> -> memref<4x128xi32, #tpu.memory_space<hbm>>
        %dma_start3A_1031 = arith.constant 0 : i32
        %dma_start3A_1032 = tpu.memref_slice %arg4[%add3A_1028, %dma_start3A_1031] : memref<25000x128xi32, #tpu.memory_space<hbm>> -> memref<4x128xi32, #tpu.memory_space<hbm>>
        tpu.enqueue_dma source(%dma_start3A_1032 : memref<4x128xi32, #tpu.memory_space<hbm>>) target(%arg12 : memref<4x128xi32, #tpu.memory_space<vmem>>) target_semaphore(%arg23 : memref<!tpu.dma_semaphore, #tpu.memory_space<semaphore_mem>>)
        %dma_start3A_1033 = arith.constant 0 : i32
        %dma_start3A_1034 = tpu.memref_slice %arg5[%add3A_1028, %dma_start3A_1033] : memref<25000x128xi32, #tpu.memory_space<hbm>> -> memref<4x128xi32, #tpu.memory_space<hbm>>
        %dma_start3A_1035 = arith.constant 0 : i32
        %dma_start3A_1036 = tpu.memref_slice %arg5[%add3A_1028, %dma_start3A_1035] : memref<25000x128xi32, #tpu.memory_space<hbm>> -> memref<4x128xi32, #tpu.memory_space<hbm>>
        tpu.enqueue_dma source(%dma_start3A_1036 : memref<4x128xi32, #tpu.memory_space<hbm>>) target(%arg13 : memref<4x128xi32, #tpu.memory_space<vmem>>) target_semaphore(%arg23 : memref<!tpu.dma_semaphore, #tpu.memory_space<semaphore_mem>>)
      } else {
      }
      %ge3A_952 = arith.constant 2 : i32
      %ge3A_953 = arith.cmpi sge, %add3A_843, %ge3A_952 : i32
      %convert_element_type3A_954 = arith.extui %ge3A_953 : i1 to i32
      %cond3A_955 = arith.constant 0 : i32
      %cond3A_956 = arith.cmpi ne, %convert_element_type3A_954, %cond3A_955 : i32
      scf.if %cond3A_956 {
        %dma_wait3A_1024 = arith.constant 0 : i32
        %dma_wait3A_1025 = arith.constant 0 : i32
        %dma_wait3A_1026 = arith.constant 0 : i32
        %dma_wait3A_1027 = arith.constant 0 : i32
        %dma_wait3A_1028 = arith.constant 0 : i32
        %dma_wait3A_1029 = tpu.memref_slice %arg16[%dma_wait3A_1024, %dma_wait3A_1026, %dma_wait3A_1027, %dma_wait3A_1028] : memref<3x4x8x128xf32, #tpu.memory_space<vmem>> -> memref<1x4x8x128xf32, #tpu.memory_space<vmem>>
        %dma_wait3A_1030 = tpu.memref_squeeze %dma_wait3A_1029 : memref<1x4x8x128xf32, #tpu.memory_space<vmem>> -> memref<4x8x128xf32, #tpu.memory_space<vmem>>
        %dma_wait3A_1031 = arith.constant 0 : i32
        %dma_wait3A_1032 = arith.constant 0 : i32
        %dma_wait3A_1033 = arith.constant 0 : i32
        %dma_wait3A_1034 = tpu.memref_slice %arg6[%dma_wait3A_1025, %dma_wait3A_1031, %dma_wait3A_1032, %dma_wait3A_1033] : memref<3x25000x8x128xf32, #tpu.memory_space<hbm>> -> memref<1x4x8x128xf32, #tpu.memory_space<hbm>>
        %dma_wait3A_1035 = tpu.memref_squeeze %dma_wait3A_1034 : memref<1x4x8x128xf32, #tpu.memory_space<hbm>> -> memref<4x8x128xf32, #tpu.memory_space<hbm>>
        %dma_wait3A_1036 = arith.constant 0 : i32
        %dma_wait3A_1037 = arith.constant 0 : i32
        %dma_wait3A_1038 = arith.constant 0 : i32
        %dma_wait3A_1039 = tpu.memref_slice %arg6[%dma_wait3A_1025, %dma_wait3A_1036, %dma_wait3A_1037, %dma_wait3A_1038] : memref<3x25000x8x128xf32, #tpu.memory_space<hbm>> -> memref<1x4x8x128xf32, #tpu.memory_space<hbm>>
        %dma_wait3A_1040 = tpu.memref_squeeze %dma_wait3A_1039 : memref<1x4x8x128xf32, #tpu.memory_space<hbm>> -> memref<4x8x128xf32, #tpu.memory_space<hbm>>
        %dma_wait3A_1041 = arith.constant 0 : i32
        %dma_wait3A_1042 = arith.constant 0 : i32
        %dma_wait3A_1043 = arith.constant 0 : i32
        %dma_wait3A_1044 = tpu.memref_slice %arg16[%dma_wait3A_1024, %dma_wait3A_1041, %dma_wait3A_1042, %dma_wait3A_1043] : memref<3x4x8x128xf32, #tpu.memory_space<vmem>> -> memref<1x4x8x128xf32, #tpu.memory_space<vmem>>
        %dma_wait3A_1045 = tpu.memref_squeeze %dma_wait3A_1044 : memref<1x4x8x128xf32, #tpu.memory_space<vmem>> -> memref<4x8x128xf32, #tpu.memory_space<vmem>>
        tpu.wait_dma2 semaphore(%arg24 : memref<!tpu.dma_semaphore, #tpu.memory_space<semaphore_mem>>) src(%dma_wait3A_1045 : memref<4x8x128xf32, #tpu.memory_space<vmem>>) dst(%dma_wait3A_1040 : memref<4x8x128xf32, #tpu.memory_space<hbm>>)
        %dma_wait3A_1046 = arith.constant 1 : i32
        %dma_wait3A_1047 = arith.constant 1 : i32
        %dma_wait3A_1048 = arith.constant 0 : i32
        %dma_wait3A_1049 = arith.constant 0 : i32
        %dma_wait3A_1050 = arith.constant 0 : i32
        %dma_wait3A_1051 = tpu.memref_slice %arg16[%dma_wait3A_1046, %dma_wait3A_1048, %dma_wait3A_1049, %dma_wait3A_1050] : memref<3x4x8x128xf32, #tpu.memory_space<vmem>> -> memref<1x4x8x128xf32, #tpu.memory_space<vmem>>
        %dma_wait3A_1052 = tpu.memref_squeeze %dma_wait3A_1051 : memref<1x4x8x128xf32, #tpu.memory_space<vmem>> -> memref<4x8x128xf32, #tpu.memory_space<vmem>>
        %dma_wait3A_1053 = arith.constant 0 : i32
        %dma_wait3A_1054 = arith.constant 0 : i32
        %dma_wait3A_1055 = arith.constant 0 : i32
        %dma_wait3A_1056 = tpu.memref_slice %arg6[%dma_wait3A_1047, %dma_wait3A_1053, %dma_wait3A_1054, %dma_wait3A_1055] : memref<3x25000x8x128xf32, #tpu.memory_space<hbm>> -> memref<1x4x8x128xf32, #tpu.memory_space<hbm>>
        %dma_wait3A_1057 = tpu.memref_squeeze %dma_wait3A_1056 : memref<1x4x8x128xf32, #tpu.memory_space<hbm>> -> memref<4x8x128xf32, #tpu.memory_space<hbm>>
        %dma_wait3A_1058 = arith.constant 0 : i32
        %dma_wait3A_1059 = arith.constant 0 : i32
        %dma_wait3A_1060 = arith.constant 0 : i32
        %dma_wait3A_1061 = tpu.memref_slice %arg6[%dma_wait3A_1047, %dma_wait3A_1058, %dma_wait3A_1059, %dma_wait3A_1060] : memref<3x25000x8x128xf32, #tpu.memory_space<hbm>> -> memref<1x4x8x128xf32, #tpu.memory_space<hbm>>
        %dma_wait3A_1062 = tpu.memref_squeeze %dma_wait3A_1061 : memref<1x4x8x128xf32, #tpu.memory_space<hbm>> -> memref<4x8x128xf32, #tpu.memory_space<hbm>>
        %dma_wait3A_1063 = arith.constant 0 : i32
        %dma_wait3A_1064 = arith.constant 0 : i32
        %dma_wait3A_1065 = arith.constant 0 : i32
        %dma_wait3A_1066 = tpu.memref_slice %arg16[%dma_wait3A_1046, %dma_wait3A_1063, %dma_wait3A_1064, %dma_wait3A_1065] : memref<3x4x8x128xf32, #tpu.memory_space<vmem>> -> memref<1x4x8x128xf32, #tpu.memory_space<vmem>>
        %dma_wait3A_1067 = tpu.memref_squeeze %dma_wait3A_1066 : memref<1x4x8x128xf32, #tpu.memory_space<vmem>> -> memref<4x8x128xf32, #tpu.memory_space<vmem>>
        tpu.wait_dma2 semaphore(%arg24 : memref<!tpu.dma_semaphore, #tpu.memory_space<semaphore_mem>>) src(%dma_wait3A_1067 : memref<4x8x128xf32, #tpu.memory_space<vmem>>) dst(%dma_wait3A_1062 : memref<4x8x128xf32, #tpu.memory_space<hbm>>)
        %dma_wait3A_1068 = arith.constant 2 : i32
        %dma_wait3A_1069 = arith.constant 2 : i32
        %dma_wait3A_1070 = arith.constant 0 : i32
        %dma_wait3A_1071 = arith.constant 0 : i32
        %dma_wait3A_1072 = arith.constant 0 : i32
        %dma_wait3A_1073 = tpu.memref_slice %arg16[%dma_wait3A_1068, %dma_wait3A_1070, %dma_wait3A_1071, %dma_wait3A_1072] : memref<3x4x8x128xf32, #tpu.memory_space<vmem>> -> memref<1x4x8x128xf32, #tpu.memory_space<vmem>>
        %dma_wait3A_1074 = tpu.memref_squeeze %dma_wait3A_1073 : memref<1x4x8x128xf32, #tpu.memory_space<vmem>> -> memref<4x8x128xf32, #tpu.memory_space<vmem>>
        %dma_wait3A_1075 = arith.constant 0 : i32
        %dma_wait3A_1076 = arith.constant 0 : i32
        %dma_wait3A_1077 = arith.constant 0 : i32
        %dma_wait3A_1078 = tpu.memref_slice %arg6[%dma_wait3A_1069, %dma_wait3A_1075, %dma_wait3A_1076, %dma_wait3A_1077] : memref<3x25000x8x128xf32, #tpu.memory_space<hbm>> -> memref<1x4x8x128xf32, #tpu.memory_space<hbm>>
        %dma_wait3A_1079 = tpu.memref_squeeze %dma_wait3A_1078 : memref<1x4x8x128xf32, #tpu.memory_space<hbm>> -> memref<4x8x128xf32, #tpu.memory_space<hbm>>
        %dma_wait3A_1080 = arith.constant 0 : i32
        %dma_wait3A_1081 = arith.constant 0 : i32
        %dma_wait3A_1082 = arith.constant 0 : i32
        %dma_wait3A_1083 = tpu.memref_slice %arg6[%dma_wait3A_1069, %dma_wait3A_1080, %dma_wait3A_1081, %dma_wait3A_1082] : memref<3x25000x8x128xf32, #tpu.memory_space<hbm>> -> memref<1x4x8x128xf32, #tpu.memory_space<hbm>>
        %dma_wait3A_1084 = tpu.memref_squeeze %dma_wait3A_1083 : memref<1x4x8x128xf32, #tpu.memory_space<hbm>> -> memref<4x8x128xf32, #tpu.memory_space<hbm>>
        %dma_wait3A_1085 = arith.constant 0 : i32
        %dma_wait3A_1086 = arith.constant 0 : i32
        %dma_wait3A_1087 = arith.constant 0 : i32
        %dma_wait3A_1088 = tpu.memref_slice %arg16[%dma_wait3A_1068, %dma_wait3A_1085, %dma_wait3A_1086, %dma_wait3A_1087] : memref<3x4x8x128xf32, #tpu.memory_space<vmem>> -> memref<1x4x8x128xf32, #tpu.memory_space<vmem>>
        %dma_wait3A_1089 = tpu.memref_squeeze %dma_wait3A_1088 : memref<1x4x8x128xf32, #tpu.memory_space<vmem>> -> memref<4x8x128xf32, #tpu.memory_space<vmem>>
        tpu.wait_dma2 semaphore(%arg24 : memref<!tpu.dma_semaphore, #tpu.memory_space<semaphore_mem>>) src(%dma_wait3A_1089 : memref<4x8x128xf32, #tpu.memory_space<vmem>>) dst(%dma_wait3A_1084 : memref<4x8x128xf32, #tpu.memory_space<hbm>>)
      } else {
      }
      %parallel_loop3A_957 = arith.constant 0 : i32
      %parallel_loop3A_958 = arith.constant 128 : i32
      %parallel_loop3A_959 = arith.constant 1 : i32
      scf.for %parallel_loop3A_1024 = %parallel_loop3A_957 to %parallel_loop3A_958 step %parallel_loop3A_959  : i32 {
        %parallel_loop3A_1025 = arith.constant 4 : i32
        %parallel_loop3A_1026 = arith.muli %parallel_loop3A_1024, %parallel_loop3A_1025 : i32
        %parallel_loop3A_1027 = vector.broadcast %parallel_loop3A_1026 : i32 to vector<16xi32>
        %parallel_loop3A_1028 = arith.addi %select_n3A_38, %parallel_loop3A_1027 : vector<16xi32>
        %parallel_loop3A_1029 = arith.constant 7 : i32
        %parallel_loop3A_1030 = vector.broadcast %parallel_loop3A_1029 : i32 to vector<16xi32>
        %parallel_loop3A_1031 = arith.shrsi %parallel_loop3A_1028, %parallel_loop3A_1030 : vector<16xi32>
        %parallel_loop3A_1032 = arith.constant 127 : i32
        %parallel_loop3A_1033 = vector.broadcast %parallel_loop3A_1032 : i32 to vector<16xi32>
        %parallel_loop3A_1034 = arith.andi %parallel_loop3A_1028, %parallel_loop3A_1033 : vector<16xi32>
        %parallel_loop3A_1035 = tpu.vector_load_idx %arg14[%parallel_loop3A_1031, %parallel_loop3A_1034, %sub3A_42] : memref<4x128x24xf32, #tpu.memory_space<vmem>>[vector<16xi32>, vector<16xi32>, vector<16xi32>], vector<16xf32>,
        %parallel_loop3A_1036 = tpu.vector_load_idx %arg15[%parallel_loop3A_1031, %parallel_loop3A_1034, %sub3A_42] : memref<4x128x24xf32, #tpu.memory_space<vmem>>[vector<16xi32>, vector<16xi32>, vector<16xi32>], vector<16xf32>,
        %parallel_loop3A_1037 = arith.addf %parallel_loop3A_1035, %parallel_loop3A_1036 : vector<16xf32>
        tpu.vector_store_idx %arg16[%select_n3A_73, %parallel_loop3A_1031, %sub3A_77, %parallel_loop3A_1034], %parallel_loop3A_1037 : memref<3x4x8x128xf32, #tpu.memory_space<vmem>>[vector<16xi32>, vector<16xi32>, vector<16xi32>, vector<16xi32>], vector<16xf32>,
        %parallel_loop3A_1038 = vector.broadcast %parallel_loop3A_1026 : i32 to vector<16xi32>
        %parallel_loop3A_1039 = arith.addi %select_n3A_111, %parallel_loop3A_1038 : vector<16xi32>
        %parallel_loop3A_1040 = arith.constant 7 : i32
        %parallel_loop3A_1041 = vector.broadcast %parallel_loop3A_1040 : i32 to vector<16xi32>
        %parallel_loop3A_1042 = arith.shrsi %parallel_loop3A_1039, %parallel_loop3A_1041 : vector<16xi32>
        %parallel_loop3A_1043 = arith.constant 127 : i32
        %parallel_loop3A_1044 = vector.broadcast %parallel_loop3A_1043 : i32 to vector<16xi32>
        %parallel_loop3A_1045 = arith.andi %parallel_loop3A_1039, %parallel_loop3A_1044 : vector<16xi32>
        %parallel_loop3A_1046 = tpu.vector_load_idx %arg14[%parallel_loop3A_1042, %parallel_loop3A_1045, %sub3A_115] : memref<4x128x24xf32, #tpu.memory_space<vmem>>[vector<16xi32>, vector<16xi32>, vector<16xi32>], vector<16xf32>,
        %parallel_loop3A_1047 = tpu.vector_load_idx %arg15[%parallel_loop3A_1042, %parallel_loop3A_1045, %sub3A_115] : memref<4x128x24xf32, #tpu.memory_space<vmem>>[vector<16xi32>, vector<16xi32>, vector<16xi32>], vector<16xf32>,
        %parallel_loop3A_1048 = arith.addf %parallel_loop3A_1046, %parallel_loop3A_1047 : vector<16xf32>
        tpu.vector_store_idx %arg16[%select_n3A_146, %parallel_loop3A_1042, %sub3A_150, %parallel_loop3A_1045], %parallel_loop3A_1048 : memref<3x4x8x128xf32, #tpu.memory_space<vmem>>[vector<16xi32>, vector<16xi32>, vector<16xi32>, vector<16xi32>], vector<16xf32>,
        %parallel_loop3A_1049 = vector.broadcast %parallel_loop3A_1026 : i32 to vector<16xi32>
        %parallel_loop3A_1050 = arith.addi %select_n3A_184, %parallel_loop3A_1049 : vector<16xi32>
        %parallel_loop3A_1051 = arith.constant 7 : i32
        %parallel_loop3A_1052 = vector.broadcast %parallel_loop3A_1051 : i32 to vector<16xi32>
        %parallel_loop3A_1053 = arith.shrsi %parallel_loop3A_1050, %parallel_loop3A_1052 : vector<16xi32>
        %parallel_loop3A_1054 = arith.constant 127 : i32
        %parallel_loop3A_1055 = vector.broadcast %parallel_loop3A_1054 : i32 to vector<16xi32>
        %parallel_loop3A_1056 = arith.andi %parallel_loop3A_1050, %parallel_loop3A_1055 : vector<16xi32>
        %parallel_loop3A_1057 = tpu.vector_load_idx %arg14[%parallel_loop3A_1053, %parallel_loop3A_1056, %sub3A_188] : memref<4x128x24xf32, #tpu.memory_space<vmem>>[vector<16xi32>, vector<16xi32>, vector<16xi32>], vector<16xf32>,
        %parallel_loop3A_1058 = tpu.vector_load_idx %arg15[%parallel_loop3A_1053, %parallel_loop3A_1056, %sub3A_188] : memref<4x128x24xf32, #tpu.memory_space<vmem>>[vector<16xi32>, vector<16xi32>, vector<16xi32>], vector<16xf32>,
        %parallel_loop3A_1059 = arith.addf %parallel_loop3A_1057, %parallel_loop3A_1058 : vector<16xf32>
        tpu.vector_store_idx %arg16[%select_n3A_219, %parallel_loop3A_1053, %sub3A_223, %parallel_loop3A_1056], %parallel_loop3A_1059 : memref<3x4x8x128xf32, #tpu.memory_space<vmem>>[vector<16xi32>, vector<16xi32>, vector<16xi32>, vector<16xi32>], vector<16xf32>,
        %parallel_loop3A_1060 = vector.broadcast %parallel_loop3A_1026 : i32 to vector<16xi32>
        %parallel_loop3A_1061 = arith.addi %select_n3A_257, %parallel_loop3A_1060 : vector<16xi32>
        %parallel_loop3A_1062 = arith.constant 7 : i32
        %parallel_loop3A_1063 = vector.broadcast %parallel_loop3A_1062 : i32 to vector<16xi32>
        %parallel_loop3A_1064 = arith.shrsi %parallel_loop3A_1061, %parallel_loop3A_1063 : vector<16xi32>
        %parallel_loop3A_1065 = arith.constant 127 : i32
        %parallel_loop3A_1066 = vector.broadcast %parallel_loop3A_1065 : i32 to vector<16xi32>
        %parallel_loop3A_1067 = arith.andi %parallel_loop3A_1061, %parallel_loop3A_1066 : vector<16xi32>
        %parallel_loop3A_1068 = tpu.vector_load_idx %arg14[%parallel_loop3A_1064, %parallel_loop3A_1067, %sub3A_261] : memref<4x128x24xf32, #tpu.memory_space<vmem>>[vector<16xi32>, vector<16xi32>, vector<16xi32>], vector<16xf32>,
        %parallel_loop3A_1069 = tpu.vector_load_idx %arg15[%parallel_loop3A_1064, %parallel_loop3A_1067, %sub3A_261] : memref<4x128x24xf32, #tpu.memory_space<vmem>>[vector<16xi32>, vector<16xi32>, vector<16xi32>], vector<16xf32>,
        %parallel_loop3A_1070 = arith.addf %parallel_loop3A_1068, %parallel_loop3A_1069 : vector<16xf32>
        tpu.vector_store_idx %arg16[%select_n3A_292, %parallel_loop3A_1064, %sub3A_296, %parallel_loop3A_1067], %parallel_loop3A_1070 : memref<3x4x8x128xf32, #tpu.memory_space<vmem>>[vector<16xi32>, vector<16xi32>, vector<16xi32>, vector<16xi32>], vector<16xf32>,
        %parallel_loop3A_1071 = vector.broadcast %parallel_loop3A_1026 : i32 to vector<16xi32>
        %parallel_loop3A_1072 = arith.addi %select_n3A_330, %parallel_loop3A_1071 : vector<16xi32>
        %parallel_loop3A_1073 = arith.constant 7 : i32
        %parallel_loop3A_1074 = vector.broadcast %parallel_loop3A_1073 : i32 to vector<16xi32>
        %parallel_loop3A_1075 = arith.shrsi %parallel_loop3A_1072, %parallel_loop3A_1074 : vector<16xi32>
        %parallel_loop3A_1076 = arith.constant 127 : i32
        %parallel_loop3A_1077 = vector.broadcast %parallel_loop3A_1076 : i32 to vector<16xi32>
        %parallel_loop3A_1078 = arith.andi %parallel_loop3A_1072, %parallel_loop3A_1077 : vector<16xi32>
        %parallel_loop3A_1079 = tpu.vector_load_idx %arg14[%parallel_loop3A_1075, %parallel_loop3A_1078, %sub3A_334] : memref<4x128x24xf32, #tpu.memory_space<vmem>>[vector<16xi32>, vector<16xi32>, vector<16xi32>], vector<16xf32>,
        %parallel_loop3A_1080 = tpu.vector_load_idx %arg15[%parallel_loop3A_1075, %parallel_loop3A_1078, %sub3A_334] : memref<4x128x24xf32, #tpu.memory_space<vmem>>[vector<16xi32>, vector<16xi32>, vector<16xi32>], vector<16xf32>,
        %parallel_loop3A_1081 = arith.addf %parallel_loop3A_1079, %parallel_loop3A_1080 : vector<16xf32>
        tpu.vector_store_idx %arg16[%select_n3A_365, %parallel_loop3A_1075, %sub3A_369, %parallel_loop3A_1078], %parallel_loop3A_1081 : memref<3x4x8x128xf32, #tpu.memory_space<vmem>>[vector<16xi32>, vector<16xi32>, vector<16xi32>, vector<16xi32>], vector<16xf32>,
      } {sc.loop_unroll_factor = 2 : i64, sc.parallel_access}
      %mul3A_960 = arith.constant 4 : i32
      %mul3A_961 = arith.muli %add3A_843, %mul3A_960 : i32
      %add3A_962 = arith.addi %sub3A_7, %mul3A_961 : i32
      %dma_start3A_963 = arith.constant 0 : i32
      %dma_start3A_964 = arith.constant 0 : i32
      %dma_start3A_965 = arith.constant 0 : i32
      %dma_start3A_966 = arith.constant 0 : i32
      %dma_start3A_967 = arith.constant 0 : i32
      %dma_start3A_968 = tpu.memref_slice %arg16[%dma_start3A_963, %dma_start3A_965, %dma_start3A_966, %dma_start3A_967] : memref<3x4x8x128xf32, #tpu.memory_space<vmem>> -> memref<1x4x8x128xf32, #tpu.memory_space<vmem>>
      %dma_start3A_969 = tpu.memref_squeeze %dma_start3A_968 : memref<1x4x8x128xf32, #tpu.memory_space<vmem>> -> memref<4x8x128xf32, #tpu.memory_space<vmem>>
      %dma_start3A_970 = arith.constant 0 : i32
      %dma_start3A_971 = arith.constant 0 : i32
      %dma_start3A_972 = tpu.memref_slice %arg6[%dma_start3A_964, %add3A_962, %dma_start3A_970, %dma_start3A_971] : memref<3x25000x8x128xf32, #tpu.memory_space<hbm>> -> memref<1x4x8x128xf32, #tpu.memory_space<hbm>>
      %dma_start3A_973 = tpu.memref_squeeze %dma_start3A_972 : memref<1x4x8x128xf32, #tpu.memory_space<hbm>> -> memref<4x8x128xf32, #tpu.memory_space<hbm>>
      %dma_start3A_974 = arith.constant 0 : i32
      %dma_start3A_975 = arith.constant 0 : i32
      %dma_start3A_976 = tpu.memref_slice %arg6[%dma_start3A_964, %add3A_962, %dma_start3A_974, %dma_start3A_975] : memref<3x25000x8x128xf32, #tpu.memory_space<hbm>> -> memref<1x4x8x128xf32, #tpu.memory_space<hbm>>
      %dma_start3A_977 = tpu.memref_squeeze %dma_start3A_976 : memref<1x4x8x128xf32, #tpu.memory_space<hbm>> -> memref<4x8x128xf32, #tpu.memory_space<hbm>>
      %dma_start3A_978 = arith.constant 0 : i32
      %dma_start3A_979 = arith.constant 0 : i32
      %dma_start3A_980 = arith.constant 0 : i32
      %dma_start3A_981 = tpu.memref_slice %arg16[%dma_start3A_963, %dma_start3A_978, %dma_start3A_979, %dma_start3A_980] : memref<3x4x8x128xf32, #tpu.memory_space<vmem>> -> memref<1x4x8x128xf32, #tpu.memory_space<vmem>>
      %dma_start3A_982 = tpu.memref_squeeze %dma_start3A_981 : memref<1x4x8x128xf32, #tpu.memory_space<vmem>> -> memref<4x8x128xf32, #tpu.memory_space<vmem>>
      tpu.enqueue_dma source(%dma_start3A_982 : memref<4x8x128xf32, #tpu.memory_space<vmem>>) target(%dma_start3A_977 : memref<4x8x128xf32, #tpu.memory_space<hbm>>) target_semaphore(%arg24 : memref<!tpu.dma_semaphore, #tpu.memory_space<semaphore_mem>>)
      %dma_start3A_983 = arith.constant 1 : i32
      %dma_start3A_984 = arith.constant 1 : i32
      %dma_start3A_985 = arith.constant 0 : i32
      %dma_start3A_986 = arith.constant 0 : i32
      %dma_start3A_987 = arith.constant 0 : i32
      %dma_start3A_988 = tpu.memref_slice %arg16[%dma_start3A_983, %dma_start3A_985, %dma_start3A_986, %dma_start3A_987] : memref<3x4x8x128xf32, #tpu.memory_space<vmem>> -> memref<1x4x8x128xf32, #tpu.memory_space<vmem>>
      %dma_start3A_989 = tpu.memref_squeeze %dma_start3A_988 : memref<1x4x8x128xf32, #tpu.memory_space<vmem>> -> memref<4x8x128xf32, #tpu.memory_space<vmem>>
      %dma_start3A_990 = arith.constant 0 : i32
      %dma_start3A_991 = arith.constant 0 : i32
      %dma_start3A_992 = tpu.memref_slice %arg6[%dma_start3A_984, %add3A_962, %dma_start3A_990, %dma_start3A_991] : memref<3x25000x8x128xf32, #tpu.memory_space<hbm>> -> memref<1x4x8x128xf32, #tpu.memory_space<hbm>>
      %dma_start3A_993 = tpu.memref_squeeze %dma_start3A_992 : memref<1x4x8x128xf32, #tpu.memory_space<hbm>> -> memref<4x8x128xf32, #tpu.memory_space<hbm>>
      %dma_start3A_994 = arith.constant 0 : i32
      %dma_start3A_995 = arith.constant 0 : i32
      %dma_start3A_996 = tpu.memref_slice %arg6[%dma_start3A_984, %add3A_962, %dma_start3A_994, %dma_start3A_995] : memref<3x25000x8x128xf32, #tpu.memory_space<hbm>> -> memref<1x4x8x128xf32, #tpu.memory_space<hbm>>
      %dma_start3A_997 = tpu.memref_squeeze %dma_start3A_996 : memref<1x4x8x128xf32, #tpu.memory_space<hbm>> -> memref<4x8x128xf32, #tpu.memory_space<hbm>>
      %dma_start3A_998 = arith.constant 0 : i32
      %dma_start3A_999 = arith.constant 0 : i32
      %dma_start3A_1000 = arith.constant 0 : i32
      %dma_start3A_1001 = tpu.memref_slice %arg16[%dma_start3A_983, %dma_start3A_998, %dma_start3A_999, %dma_start3A_1000] : memref<3x4x8x128xf32, #tpu.memory_space<vmem>> -> memref<1x4x8x128xf32, #tpu.memory_space<vmem>>
      %dma_start3A_1002 = tpu.memref_squeeze %dma_start3A_1001 : memref<1x4x8x128xf32, #tpu.memory_space<vmem>> -> memref<4x8x128xf32, #tpu.memory_space<vmem>>
      tpu.enqueue_dma source(%dma_start3A_1002 : memref<4x8x128xf32, #tpu.memory_space<vmem>>) target(%dma_start3A_997 : memref<4x8x128xf32, #tpu.memory_space<hbm>>) target_semaphore(%arg24 : memref<!tpu.dma_semaphore, #tpu.memory_space<semaphore_mem>>)
      %dma_start3A_1003 = arith.constant 2 : i32
      %dma_start3A_1004 = arith.constant 2 : i32
      %dma_start3A_1005 = arith.constant 0 : i32
      %dma_start3A_1006 = arith.constant 0 : i32
      %dma_start3A_1007 = arith.constant 0 : i32
      %dma_start3A_1008 = tpu.memref_slice %arg16[%dma_start3A_1003, %dma_start3A_1005, %dma_start3A_1006, %dma_start3A_1007] : memref<3x4x8x128xf32, #tpu.memory_space<vmem>> -> memref<1x4x8x128xf32, #tpu.memory_space<vmem>>
      %dma_start3A_1009 = tpu.memref_squeeze %dma_start3A_1008 : memref<1x4x8x128xf32, #tpu.memory_space<vmem>> -> memref<4x8x128xf32, #tpu.memory_space<vmem>>
      %dma_start3A_1010 = arith.constant 0 : i32
      %dma_start3A_1011 = arith.constant 0 : i32
      %dma_start3A_1012 = tpu.memref_slice %arg6[%dma_start3A_1004, %add3A_962, %dma_start3A_1010, %dma_start3A_1011] : memref<3x25000x8x128xf32, #tpu.memory_space<hbm>> -> memref<1x4x8x128xf32, #tpu.memory_space<hbm>>
      %dma_start3A_1013 = tpu.memref_squeeze %dma_start3A_1012 : memref<1x4x8x128xf32, #tpu.memory_space<hbm>> -> memref<4x8x128xf32, #tpu.memory_space<hbm>>
      %dma_start3A_1014 = arith.constant 0 : i32
      %dma_start3A_1015 = arith.constant 0 : i32
      %dma_start3A_1016 = tpu.memref_slice %arg6[%dma_start3A_1004, %add3A_962, %dma_start3A_1014, %dma_start3A_1015] : memref<3x25000x8x128xf32, #tpu.memory_space<hbm>> -> memref<1x4x8x128xf32, #tpu.memory_space<hbm>>
      %dma_start3A_1017 = tpu.memref_squeeze %dma_start3A_1016 : memref<1x4x8x128xf32, #tpu.memory_space<hbm>> -> memref<4x8x128xf32, #tpu.memory_space<hbm>>
      %dma_start3A_1018 = arith.constant 0 : i32
      %dma_start3A_1019 = arith.constant 0 : i32
      %dma_start3A_1020 = arith.constant 0 : i32
      %dma_start3A_1021 = tpu.memref_slice %arg16[%dma_start3A_1003, %dma_start3A_1018, %dma_start3A_1019, %dma_start3A_1020] : memref<3x4x8x128xf32, #tpu.memory_space<vmem>> -> memref<1x4x8x128xf32, #tpu.memory_space<vmem>>
      %dma_start3A_1022 = tpu.memref_squeeze %dma_start3A_1021 : memref<1x4x8x128xf32, #tpu.memory_space<vmem>> -> memref<4x8x128xf32, #tpu.memory_space<vmem>>
      tpu.enqueue_dma source(%dma_start3A_1022 : memref<4x8x128xf32, #tpu.memory_space<vmem>>) target(%dma_start3A_1017 : memref<4x8x128xf32, #tpu.memory_space<hbm>>) target_semaphore(%arg24 : memref<!tpu.dma_semaphore, #tpu.memory_space<semaphore_mem>>)
      %while3A_1023 = arith.constant 0 : i32
      scf.yield %while3A_1023 : i32
    }
    %dma_wait3A_531 = arith.constant 0 : i32
    %dma_wait3A_532 = arith.constant 0 : i32
    %dma_wait3A_533 = arith.constant 0 : i32
    %dma_wait3A_534 = arith.constant 0 : i32
    %dma_wait3A_535 = arith.constant 0 : i32
    %dma_wait3A_536 = tpu.memref_slice %arg11[%dma_wait3A_531, %dma_wait3A_533, %dma_wait3A_534, %dma_wait3A_535] : memref<3x4x8x128xf32, #tpu.memory_space<vmem>> -> memref<1x4x8x128xf32, #tpu.memory_space<vmem>>
    %dma_wait3A_537 = tpu.memref_squeeze %dma_wait3A_536 : memref<1x4x8x128xf32, #tpu.memory_space<vmem>> -> memref<4x8x128xf32, #tpu.memory_space<vmem>>
    %dma_wait3A_538 = arith.constant 0 : i32
    %dma_wait3A_539 = arith.constant 0 : i32
    %dma_wait3A_540 = arith.constant 0 : i32
    %dma_wait3A_541 = tpu.memref_slice %arg6[%dma_wait3A_532, %dma_wait3A_538, %dma_wait3A_539, %dma_wait3A_540] : memref<3x25000x8x128xf32, #tpu.memory_space<hbm>> -> memref<1x4x8x128xf32, #tpu.memory_space<hbm>>
    %dma_wait3A_542 = tpu.memref_squeeze %dma_wait3A_541 : memref<1x4x8x128xf32, #tpu.memory_space<hbm>> -> memref<4x8x128xf32, #tpu.memory_space<hbm>>
    %dma_wait3A_543 = arith.constant 0 : i32
    %dma_wait3A_544 = arith.constant 0 : i32
    %dma_wait3A_545 = arith.constant 0 : i32
    %dma_wait3A_546 = tpu.memref_slice %arg6[%dma_wait3A_532, %dma_wait3A_543, %dma_wait3A_544, %dma_wait3A_545] : memref<3x25000x8x128xf32, #tpu.memory_space<hbm>> -> memref<1x4x8x128xf32, #tpu.memory_space<hbm>>
    %dma_wait3A_547 = tpu.memref_squeeze %dma_wait3A_546 : memref<1x4x8x128xf32, #tpu.memory_space<hbm>> -> memref<4x8x128xf32, #tpu.memory_space<hbm>>
    %dma_wait3A_548 = arith.constant 0 : i32
    %dma_wait3A_549 = arith.constant 0 : i32
    %dma_wait3A_550 = arith.constant 0 : i32
    %dma_wait3A_551 = tpu.memref_slice %arg11[%dma_wait3A_531, %dma_wait3A_548, %dma_wait3A_549, %dma_wait3A_550] : memref<3x4x8x128xf32, #tpu.memory_space<vmem>> -> memref<1x4x8x128xf32, #tpu.memory_space<vmem>>
    %dma_wait3A_552 = tpu.memref_squeeze %dma_wait3A_551 : memref<1x4x8x128xf32, #tpu.memory_space<vmem>> -> memref<4x8x128xf32, #tpu.memory_space<vmem>>
    tpu.wait_dma2 semaphore(%arg20 : memref<!tpu.dma_semaphore, #tpu.memory_space<semaphore_mem>>) src(%dma_wait3A_552 : memref<4x8x128xf32, #tpu.memory_space<vmem>>) dst(%dma_wait3A_547 : memref<4x8x128xf32, #tpu.memory_space<hbm>>)
    %dma_wait3A_553 = arith.constant 1 : i32
    %dma_wait3A_554 = arith.constant 1 : i32
    %dma_wait3A_555 = arith.constant 0 : i32
    %dma_wait3A_556 = arith.constant 0 : i32
    %dma_wait3A_557 = arith.constant 0 : i32
    %dma_wait3A_558 = tpu.memref_slice %arg11[%dma_wait3A_553, %dma_wait3A_555, %dma_wait3A_556, %dma_wait3A_557] : memref<3x4x8x128xf32, #tpu.memory_space<vmem>> -> memref<1x4x8x128xf32, #tpu.memory_space<vmem>>
    %dma_wait3A_559 = tpu.memref_squeeze %dma_wait3A_558 : memref<1x4x8x128xf32, #tpu.memory_space<vmem>> -> memref<4x8x128xf32, #tpu.memory_space<vmem>>
    %dma_wait3A_560 = arith.constant 0 : i32
    %dma_wait3A_561 = arith.constant 0 : i32
    %dma_wait3A_562 = arith.constant 0 : i32
    %dma_wait3A_563 = tpu.memref_slice %arg6[%dma_wait3A_554, %dma_wait3A_560, %dma_wait3A_561, %dma_wait3A_562] : memref<3x25000x8x128xf32, #tpu.memory_space<hbm>> -> memref<1x4x8x128xf32, #tpu.memory_space<hbm>>
    %dma_wait3A_564 = tpu.memref_squeeze %dma_wait3A_563 : memref<1x4x8x128xf32, #tpu.memory_space<hbm>> -> memref<4x8x128xf32, #tpu.memory_space<hbm>>
    %dma_wait3A_565 = arith.constant 0 : i32
    %dma_wait3A_566 = arith.constant 0 : i32
    %dma_wait3A_567 = arith.constant 0 : i32
    %dma_wait3A_568 = tpu.memref_slice %arg6[%dma_wait3A_554, %dma_wait3A_565, %dma_wait3A_566, %dma_wait3A_567] : memref<3x25000x8x128xf32, #tpu.memory_space<hbm>> -> memref<1x4x8x128xf32, #tpu.memory_space<hbm>>
    %dma_wait3A_569 = tpu.memref_squeeze %dma_wait3A_568 : memref<1x4x8x128xf32, #tpu.memory_space<hbm>> -> memref<4x8x128xf32, #tpu.memory_space<hbm>>
    %dma_wait3A_570 = arith.constant 0 : i32
    %dma_wait3A_571 = arith.constant 0 : i32
    %dma_wait3A_572 = arith.constant 0 : i32
    %dma_wait3A_573 = tpu.memref_slice %arg11[%dma_wait3A_553, %dma_wait3A_570, %dma_wait3A_571, %dma_wait3A_572] : memref<3x4x8x128xf32, #tpu.memory_space<vmem>> -> memref<1x4x8x128xf32, #tpu.memory_space<vmem>>
    %dma_wait3A_574 = tpu.memref_squeeze %dma_wait3A_573 : memref<1x4x8x128xf32, #tpu.memory_space<vmem>> -> memref<4x8x128xf32, #tpu.memory_space<vmem>>
    tpu.wait_dma2 semaphore(%arg20 : memref<!tpu.dma_semaphore, #tpu.memory_space<semaphore_mem>>) src(%dma_wait3A_574 : memref<4x8x128xf32, #tpu.memory_space<vmem>>) dst(%dma_wait3A_569 : memref<4x8x128xf32, #tpu.memory_space<hbm>>)
    %dma_wait3A_575 = arith.constant 2 : i32
    %dma_wait3A_576 = arith.constant 2 : i32
    %dma_wait3A_577 = arith.constant 0 : i32
    %dma_wait3A_578 = arith.constant 0 : i32
    %dma_wait3A_579 = arith.constant 0 : i32
    %dma_wait3A_580 = tpu.memref_slice %arg11[%dma_wait3A_575, %dma_wait3A_577, %dma_wait3A_578, %dma_wait3A_579] : memref<3x4x8x128xf32, #tpu.memory_space<vmem>> -> memref<1x4x8x128xf32, #tpu.memory_space<vmem>>
    %dma_wait3A_581 = tpu.memref_squeeze %dma_wait3A_580 : memref<1x4x8x128xf32, #tpu.memory_space<vmem>> -> memref<4x8x128xf32, #tpu.memory_space<vmem>>
    %dma_wait3A_582 = arith.constant 0 : i32
    %dma_wait3A_583 = arith.constant 0 : i32
    %dma_wait3A_584 = arith.constant 0 : i32
    %dma_wait3A_585 = tpu.memref_slice %arg6[%dma_wait3A_576, %dma_wait3A_582, %dma_wait3A_583, %dma_wait3A_584] : memref<3x25000x8x128xf32, #tpu.memory_space<hbm>> -> memref<1x4x8x128xf32, #tpu.memory_space<hbm>>
    %dma_wait3A_586 = tpu.memref_squeeze %dma_wait3A_585 : memref<1x4x8x128xf32, #tpu.memory_space<hbm>> -> memref<4x8x128xf32, #tpu.memory_space<hbm>>
    %dma_wait3A_587 = arith.constant 0 : i32
    %dma_wait3A_588 = arith.constant 0 : i32
    %dma_wait3A_589 = arith.constant 0 : i32
    %dma_wait3A_590 = tpu.memref_slice %arg6[%dma_wait3A_576, %dma_wait3A_587, %dma_wait3A_588, %dma_wait3A_589] : memref<3x25000x8x128xf32, #tpu.memory_space<hbm>> -> memref<1x4x8x128xf32, #tpu.memory_space<hbm>>
    %dma_wait3A_591 = tpu.memref_squeeze %dma_wait3A_590 : memref<1x4x8x128xf32, #tpu.memory_space<hbm>> -> memref<4x8x128xf32, #tpu.memory_space<hbm>>
    %dma_wait3A_592 = arith.constant 0 : i32
    %dma_wait3A_593 = arith.constant 0 : i32
    %dma_wait3A_594 = arith.constant 0 : i32
    %dma_wait3A_595 = tpu.memref_slice %arg11[%dma_wait3A_575, %dma_wait3A_592, %dma_wait3A_593, %dma_wait3A_594] : memref<3x4x8x128xf32, #tpu.memory_space<vmem>> -> memref<1x4x8x128xf32, #tpu.memory_space<vmem>>
    %dma_wait3A_596 = tpu.memref_squeeze %dma_wait3A_595 : memref<1x4x8x128xf32, #tpu.memory_space<vmem>> -> memref<4x8x128xf32, #tpu.memory_space<vmem>>
    tpu.wait_dma2 semaphore(%arg20 : memref<!tpu.dma_semaphore, #tpu.memory_space<semaphore_mem>>) src(%dma_wait3A_596 : memref<4x8x128xf32, #tpu.memory_space<vmem>>) dst(%dma_wait3A_591 : memref<4x8x128xf32, #tpu.memory_space<hbm>>)
    %dma_wait3A_597 = arith.constant 0 : i32
    %dma_wait3A_598 = arith.constant 0 : i32
    %dma_wait3A_599 = arith.constant 0 : i32
    %dma_wait3A_600 = arith.constant 0 : i32
    %dma_wait3A_601 = arith.constant 0 : i32
    %dma_wait3A_602 = tpu.memref_slice %arg16[%dma_wait3A_597, %dma_wait3A_599, %dma_wait3A_600, %dma_wait3A_601] : memref<3x4x8x128xf32, #tpu.memory_space<vmem>> -> memref<1x4x8x128xf32, #tpu.memory_space<vmem>>
    %dma_wait3A_603 = tpu.memref_squeeze %dma_wait3A_602 : memref<1x4x8x128xf32, #tpu.memory_space<vmem>> -> memref<4x8x128xf32, #tpu.memory_space<vmem>>
    %dma_wait3A_604 = arith.constant 0 : i32
    %dma_wait3A_605 = arith.constant 0 : i32
    %dma_wait3A_606 = arith.constant 0 : i32
    %dma_wait3A_607 = tpu.memref_slice %arg6[%dma_wait3A_598, %dma_wait3A_604, %dma_wait3A_605, %dma_wait3A_606] : memref<3x25000x8x128xf32, #tpu.memory_space<hbm>> -> memref<1x4x8x128xf32, #tpu.memory_space<hbm>>
    %dma_wait3A_608 = tpu.memref_squeeze %dma_wait3A_607 : memref<1x4x8x128xf32, #tpu.memory_space<hbm>> -> memref<4x8x128xf32, #tpu.memory_space<hbm>>
    %dma_wait3A_609 = arith.constant 0 : i32
    %dma_wait3A_610 = arith.constant 0 : i32
    %dma_wait3A_611 = arith.constant 0 : i32
    %dma_wait3A_612 = tpu.memref_slice %arg6[%dma_wait3A_598, %dma_wait3A_609, %dma_wait3A_610, %dma_wait3A_611] : memref<3x25000x8x128xf32, #tpu.memory_space<hbm>> -> memref<1x4x8x128xf32, #tpu.memory_space<hbm>>
    %dma_wait3A_613 = tpu.memref_squeeze %dma_wait3A_612 : memref<1x4x8x128xf32, #tpu.memory_space<hbm>> -> memref<4x8x128xf32, #tpu.memory_space<hbm>>
    %dma_wait3A_614 = arith.constant 0 : i32
    %dma_wait3A_615 = arith.constant 0 : i32
    %dma_wait3A_616 = arith.constant 0 : i32
    %dma_wait3A_617 = tpu.memref_slice %arg16[%dma_wait3A_597, %dma_wait3A_614, %dma_wait3A_615, %dma_wait3A_616] : memref<3x4x8x128xf32, #tpu.memory_space<vmem>> -> memref<1x4x8x128xf32, #tpu.memory_space<vmem>>
    %dma_wait3A_618 = tpu.memref_squeeze %dma_wait3A_617 : memref<1x4x8x128xf32, #tpu.memory_space<vmem>> -> memref<4x8x128xf32, #tpu.memory_space<vmem>>
    tpu.wait_dma2 semaphore(%arg24 : memref<!tpu.dma_semaphore, #tpu.memory_space<semaphore_mem>>) src(%dma_wait3A_618 : memref<4x8x128xf32, #tpu.memory_space<vmem>>) dst(%dma_wait3A_613 : memref<4x8x128xf32, #tpu.memory_space<hbm>>)
    %dma_wait3A_619 = arith.constant 1 : i32
    %dma_wait3A_620 = arith.constant 1 : i32
    %dma_wait3A_621 = arith.constant 0 : i32
    %dma_wait3A_622 = arith.constant 0 : i32
    %dma_wait3A_623 = arith.constant 0 : i32
    %dma_wait3A_624 = tpu.memref_slice %arg16[%dma_wait3A_619, %dma_wait3A_621, %dma_wait3A_622, %dma_wait3A_623] : memref<3x4x8x128xf32, #tpu.memory_space<vmem>> -> memref<1x4x8x128xf32, #tpu.memory_space<vmem>>
    %dma_wait3A_625 = tpu.memref_squeeze %dma_wait3A_624 : memref<1x4x8x128xf32, #tpu.memory_space<vmem>> -> memref<4x8x128xf32, #tpu.memory_space<vmem>>
    %dma_wait3A_626 = arith.constant 0 : i32
    %dma_wait3A_627 = arith.constant 0 : i32
    %dma_wait3A_628 = arith.constant 0 : i32
    %dma_wait3A_629 = tpu.memref_slice %arg6[%dma_wait3A_620, %dma_wait3A_626, %dma_wait3A_627, %dma_wait3A_628] : memref<3x25000x8x128xf32, #tpu.memory_space<hbm>> -> memref<1x4x8x128xf32, #tpu.memory_space<hbm>>
    %dma_wait3A_630 = tpu.memref_squeeze %dma_wait3A_629 : memref<1x4x8x128xf32, #tpu.memory_space<hbm>> -> memref<4x8x128xf32, #tpu.memory_space<hbm>>
    %dma_wait3A_631 = arith.constant 0 : i32
    %dma_wait3A_632 = arith.constant 0 : i32
    %dma_wait3A_633 = arith.constant 0 : i32
    %dma_wait3A_634 = tpu.memref_slice %arg6[%dma_wait3A_620, %dma_wait3A_631, %dma_wait3A_632, %dma_wait3A_633] : memref<3x25000x8x128xf32, #tpu.memory_space<hbm>> -> memref<1x4x8x128xf32, #tpu.memory_space<hbm>>
    %dma_wait3A_635 = tpu.memref_squeeze %dma_wait3A_634 : memref<1x4x8x128xf32, #tpu.memory_space<hbm>> -> memref<4x8x128xf32, #tpu.memory_space<hbm>>
    %dma_wait3A_636 = arith.constant 0 : i32
    %dma_wait3A_637 = arith.constant 0 : i32
    %dma_wait3A_638 = arith.constant 0 : i32
    %dma_wait3A_639 = tpu.memref_slice %arg16[%dma_wait3A_619, %dma_wait3A_636, %dma_wait3A_637, %dma_wait3A_638] : memref<3x4x8x128xf32, #tpu.memory_space<vmem>> -> memref<1x4x8x128xf32, #tpu.memory_space<vmem>>
    %dma_wait3A_640 = tpu.memref_squeeze %dma_wait3A_639 : memref<1x4x8x128xf32, #tpu.memory_space<vmem>> -> memref<4x8x128xf32, #tpu.memory_space<vmem>>
    tpu.wait_dma2 semaphore(%arg24 : memref<!tpu.dma_semaphore, #tpu.memory_space<semaphore_mem>>) src(%dma_wait3A_640 : memref<4x8x128xf32, #tpu.memory_space<vmem>>) dst(%dma_wait3A_635 : memref<4x8x128xf32, #tpu.memory_space<hbm>>)
    %dma_wait3A_641 = arith.constant 2 : i32
    %dma_wait3A_642 = arith.constant 2 : i32
    %dma_wait3A_643 = arith.constant 0 : i32
    %dma_wait3A_644 = arith.constant 0 : i32
    %dma_wait3A_645 = arith.constant 0 : i32
    %dma_wait3A_646 = tpu.memref_slice %arg16[%dma_wait3A_641, %dma_wait3A_643, %dma_wait3A_644, %dma_wait3A_645] : memref<3x4x8x128xf32, #tpu.memory_space<vmem>> -> memref<1x4x8x128xf32, #tpu.memory_space<vmem>>
    %dma_wait3A_647 = tpu.memref_squeeze %dma_wait3A_646 : memref<1x4x8x128xf32, #tpu.memory_space<vmem>> -> memref<4x8x128xf32, #tpu.memory_space<vmem>>
    %dma_wait3A_648 = arith.constant 0 : i32
    %dma_wait3A_649 = arith.constant 0 : i32
    %dma_wait3A_650 = arith.constant 0 : i32
    %dma_wait3A_651 = tpu.memref_slice %arg6[%dma_wait3A_642, %dma_wait3A_648, %dma_wait3A_649, %dma_wait3A_650] : memref<3x25000x8x128xf32, #tpu.memory_space<hbm>> -> memref<1x4x8x128xf32, #tpu.memory_space<hbm>>
    %dma_wait3A_652 = tpu.memref_squeeze %dma_wait3A_651 : memref<1x4x8x128xf32, #tpu.memory_space<hbm>> -> memref<4x8x128xf32, #tpu.memory_space<hbm>>
    %dma_wait3A_653 = arith.constant 0 : i32
    %dma_wait3A_654 = arith.constant 0 : i32
    %dma_wait3A_655 = arith.constant 0 : i32
    %dma_wait3A_656 = tpu.memref_slice %arg6[%dma_wait3A_642, %dma_wait3A_653, %dma_wait3A_654, %dma_wait3A_655] : memref<3x25000x8x128xf32, #tpu.memory_space<hbm>> -> memref<1x4x8x128xf32, #tpu.memory_space<hbm>>
    %dma_wait3A_657 = tpu.memref_squeeze %dma_wait3A_656 : memref<1x4x8x128xf32, #tpu.memory_space<hbm>> -> memref<4x8x128xf32, #tpu.memory_space<hbm>>
    %dma_wait3A_658 = arith.constant 0 : i32
    %dma_wait3A_659 = arith.constant 0 : i32
    %dma_wait3A_660 = arith.constant 0 : i32
    %dma_wait3A_661 = tpu.memref_slice %arg16[%dma_wait3A_641, %dma_wait3A_658, %dma_wait3A_659, %dma_wait3A_660] : memref<3x4x8x128xf32, #tpu.memory_space<vmem>> -> memref<1x4x8x128xf32, #tpu.memory_space<vmem>>
    %dma_wait3A_662 = tpu.memref_squeeze %dma_wait3A_661 : memref<1x4x8x128xf32, #tpu.memory_space<vmem>> -> memref<4x8x128xf32, #tpu.memory_space<vmem>>
    tpu.wait_dma2 semaphore(%arg24 : memref<!tpu.dma_semaphore, #tpu.memory_space<semaphore_mem>>) src(%dma_wait3A_662 : memref<4x8x128xf32, #tpu.memory_space<vmem>>) dst(%dma_wait3A_657 : memref<4x8x128xf32, #tpu.memory_space<hbm>>)
    return
  }
}

module attributes {stable_mosaic.version = 14 : i64} {
  func.func @_stage1_body(%arg0: i32, %arg1: memref<200x4096xf32, #tpu.memory_space<vmem>>, %arg2: memref<200x24xf32, #tpu.memory_space<vmem>>, %arg3: memref<200x24xf32, #tpu.memory_space<vmem>>, %arg4: memref<4096x24xf32, #tpu.memory_space<vmem>>, %arg5: memref<4096x24xf32, #tpu.memory_space<vmem>>) attributes {dimension_semantics = [#tpu.dimension_semantics<arbitrary>], iteration_bounds = array<i64: 25>, scalar_prefetch = 0 : i64, scratch_operands = 0 : i64, tpu.core_type = #tpu.core_type<tc>, window_params = [{transform_indices = @transform_0, window_bounds = array<i64: 200, 4096>}, {pipeline_mode = #tpu.pipeline_mode<synchronous>, transform_indices = @transform_1, window_bounds = array<i64: 200, 24>}, {pipeline_mode = #tpu.pipeline_mode<synchronous>, transform_indices = @transform_2, window_bounds = array<i64: 200, 24>}, {transform_indices = @transform_3, window_bounds = array<i64: 4096, 24>}, {transform_indices = @transform_4, window_bounds = array<i64: 4096, 24>}]} {
    %get3A = arith.constant 0 : index
    %get3A_0 = arith.constant 0 : index
    %get3A_1 = vector.load %arg1[%get3A, %get3A_0] : memref<200x4096xf32, #tpu.memory_space<vmem>>, vector<200x4096xf32>
    %get3A_2 = arith.constant 0 : index
    %get3A_3 = arith.constant 0 : index
    %get3A_4 = vector.load %arg2[%get3A_2, %get3A_3] : memref<200x24xf32, #tpu.memory_space<vmem>>, vector<200x24xf32>
    %dot_general3A = arith.constant dense<0.000000e+00> : vector<4096x24xf32>
    %dot_general3A_5 = tpu.matmul %get3A_1, %get3A_4, %dot_general3A {dimension_numbers = #tpu.dot_dimension_numbers<[0], [0], [1], [1], [0, 1, 1, 1], [], []>, transpose_lhs_hint = false} : vector<200x4096xf32>, vector<200x24xf32>, vector<4096x24xf32> -> vector<4096x24xf32>
    %swap3A = arith.constant 0 : index
    %swap3A_6 = arith.constant 0 : index
    %swap3A_7 = vector.load %arg4[%swap3A, %swap3A_6] : memref<4096x24xf32, #tpu.memory_space<vmem>>, vector<4096x24xf32>
    tpu.vector_store %arg4[%swap3A, %swap3A_6], %dot_general3A_5 {strides = array<i32>} : memref<4096x24xf32, #tpu.memory_space<vmem>>, vector<4096x24xf32>,
    %get3A_8 = arith.constant 0 : index
    %get3A_9 = arith.constant 0 : index
    %get3A_10 = vector.load %arg3[%get3A_8, %get3A_9] : memref<200x24xf32, #tpu.memory_space<vmem>>, vector<200x24xf32>
    %dot_general3A_11 = arith.constant dense<0.000000e+00> : vector<4096x24xf32>
    %dot_general3A_12 = tpu.matmul %get3A_1, %get3A_10, %dot_general3A_11 {dimension_numbers = #tpu.dot_dimension_numbers<[0], [0], [1], [1], [0, 1, 1, 1], [], []>, transpose_lhs_hint = false} : vector<200x4096xf32>, vector<200x24xf32>, vector<4096x24xf32> -> vector<4096x24xf32>
    %swap3A_13 = arith.constant 0 : index
    %swap3A_14 = arith.constant 0 : index
    %swap3A_15 = vector.load %arg5[%swap3A_13, %swap3A_14] : memref<4096x24xf32, #tpu.memory_space<vmem>>, vector<4096x24xf32>
    tpu.vector_store %arg5[%swap3A_13, %swap3A_14], %dot_general3A_12 {strides = array<i32>} : memref<4096x24xf32, #tpu.memory_space<vmem>>, vector<4096x24xf32>,
    return
  }
  func.func @transform_0(%arg0: i32) -> (i32, i32) {
    %c0_i32 = arith.constant 0 : i32
    %c0_i32_0 = arith.constant 0 : i32
    return %c0_i32, %arg0 : i32, i32
  }
  func.func @transform_1(%arg0: i32) -> (i32, i32) {
    %c0_i32 = arith.constant 0 : i32
    %c0_i32_0 = arith.constant 0 : i32
    %c0_i32_1 = arith.constant 0 : i32
    return %c0_i32, %c0_i32_0 : i32, i32
  }
  func.func @transform_2(%arg0: i32) -> (i32, i32) {
    %c0_i32 = arith.constant 0 : i32
    %c0_i32_0 = arith.constant 0 : i32
    %c0_i32_1 = arith.constant 0 : i32
    return %c0_i32, %c0_i32_0 : i32, i32
  }
  func.func @transform_3(%arg0: i32) -> (i32, i32) {
    %c0_i32 = arith.constant 0 : i32
    %c0_i32_0 = arith.constant 0 : i32
    return %arg0, %c0_i32 : i32, i32
  }
  func.func @transform_4(%arg0: i32) -> (i32, i32) {
    %c0_i32 = arith.constant 0 : i32
    %c0_i32_0 = arith.constant 0 : i32
    return %arg0, %c0_i32 : i32, i32
  }
}

</mosaic_0001>

<sc_bundles>
// kernel: kernel.4.cloned.1.call-start
scs
__scs_entry_jumppad:
0x0: {  	(pc) =	sbr.rel $0x88, $3  }
0x1: {  	(tag) =	ssettag $0x0;
	lr =	simm.s32 $0x1  }
0x2: {  	[smem:$0x3F9C] =	sst lr;
	_ =	strace $0xD0000000  }
0x3: {  	_ = 	snop  }
0x4: {  	_ = 	snop  }
0x5: {  	_ = 	snop  }
0x6: {  	_ = 	snop  }
0x7: {  	_ = 	snop  }
__scs_overlays_trampoline_lowered:
0x8: {  	[smem:$0x3FAB] =	sst s0  }
0x9: {  	[smem:$0x3FAC] =	sst s1  }
0xa: {  	[smem:$0x3FAD] =	sst s2  }
0xb: {  	[smem:$0x3FAE] =	sst s3  }
0xc: {  	[smem:$0x3FAF] =	sst s4  }
0xd: {  	[smem:$0x3FB0] =	sst s5  }
0xe: {  	[smem:$0x3FB1] =	sst s6  }
0xf: {  	[smem:$0x3FB2] =	sst s7  }
0x10: {  	[smem:$0x3FB3] =	sst s8  }
0x11: {  	[smem:$0x3FB4] =	sst s9;
	s0 =	simm.s32 @!p0 $0x0  }
0x12: {  	s1 =	sld [smem:$0x3F9A];
	s0 =	simm.s32 @p0 $0x1  }
0x13: {  	[smem:$0x3FB5] =	sst s0;
	s0 =	simm.s32 @!p1 $0x0  }
0x14: {  	s2 =	sld [smem:$0x3F99];
	s0 =	simm.s32 @p1 $0x1  }
0x15: {  	[smem:$0x3FB6] =	sst s0;
	s0 =	simm.s32 @!p2 $0x0  }
0x16: {  	s3 =	sld [smem:$0x3FDB];
	s0 =	simm.s32 @p2 $0x1  }
0x17: {  	s4 =	simm.s32 $0x1BF5;
	[smem:$0x3FB8] =	sst s0  }
0x18: {  	s0 =	sld [smem:$0x3F9B];
	_ =	swait.ge [sflag:s4], $0x0  }
0x19: {  	s7 =	sld [smem:$0x3F9C]  }
0x1a: {  	s8 =	sadd.s32 $0xFFFFE003, lr  }
0x1b: {  	s9 =	sadd.s32 $0xFFFFFEF7, lr;
	s5 =	simm.s32 $0xFFFFFFFF;
	p2 =	slt.u32 s8, $0xFFFFF086  }
0x1c: {  	p1 =	slt.u32 s9, $0xF7A;
	s5 =	simm.s32 @!p2 $0x0  }
0x1d: {  	s5 =	simm.s32 @p1 $0x1;
	p0 =	seq.s32 s7, s2  }
0x1e: {  	s7 =	smul.u32 @!p0 $0xF7A, s2;
	p2 =	seq.s32 @!p0 s5, $0x0  }
0x1f: {  	s9 =	smul.u32 $0xF7A, s1;
	s8 =	simm.s32 @!p0 $0x1BF5;
	p2 =	por !p2, p0  }
0x20: {  	[sflag:s8] =	ssyncset.s32 @!p0 $0xFFFFF086;
	s6 =	sadd.s32 @!p0 s3, s7;
	s7 =	simm.s32 @!p0 $0x108  }
0x21: {  	s3 =	sadd.s32 s3, s9;
	s6 =	sadd.s32 @!p0 $0x88, s6;
	s7 =	simm.s32 @p2 $0x1082  }
0x22: {  	[simem:s7], [sflag:s8] =	dma.local @!p0 [hbm:s6], $0xF7A  }
0x23: {  	s9 =	sor.u32 $0xD0000000, s2;
	s6 =	simm.s32 $0x108;
	_ =	swait.ge @!p0 [sflag:s8], $0x0  }
0x24: {  	s3 =	sadd.s32 $0x88, s3;
	s6 =	simm.s32 @!p1 $0x1082;
	[sflag:s4] =	ssyncset.s32 $0xFFFFF086  }
0x25: {  	[simem:s6], [sflag:s4] =	dma.local [hbm:s3], $0xF7A  }
0x26: {  	[smem:$0x3F9C] =	sst s1;
	(tag) =	ssettag s2;
	_ =	strace s9  }
0x27: {  	s1 =	sld [smem:$0x3FAC]  }
0x28: {  	s2 =	sld [smem:$0x3FAD]  }
0x29: {  	s4 =	sld [smem:$0x3FAF]  }
0x2a: {  	p0 =	seq.s32 s5, $0x0;
	s5 =	sld [smem:$0x3FB0]  }
0x2b: {  	s6 =	sld [smem:$0x3FB1]  }
0x2c: {  	s7 =	sld [smem:$0x3FB2]  }
0x2d: {  	s3 =	simm.s32 $0x108;
	s8 =	sld [smem:$0x3FB3]  }
0x2e: {  	s3 =	simm.s32 @!p0 $0x1082;
	s9 =	sld [smem:$0x3FB4]  }
0x2f: {  	lr =	sadd.s32 s0, s3;
	s0 =	sld [smem:$0x3FAB]  }
0x30: {  	s3 =	sld [smem:$0x3FAE]  }
0x31: {  	[smem:$0x3FB7] =	sst s10  }
0x32: {  	s10 =	sld [smem:$0x3FB5];
	_ =	sdelay $0x3  }
0x33: {  	p0 =	seq.s32 s10, $0x1;
	s10 =	sld [smem:$0x3FB7];
	_ =	sdelay $0x3  }
0x34: {  	[smem:$0x3FB7] =	sst s10  }
0x35: {  	s10 =	sld [smem:$0x3FB6];
	_ =	sdelay $0x3  }
0x36: {  	p1 =	seq.s32 s10, $0x1;
	s10 =	sld [smem:$0x3FB7];
	_ =	sdelay $0x3  }
0x37: {  	[smem:$0x3FB7] =	sst s10  }
0x38: {  	s10 =	sld [smem:$0x3FB8]  }
0x39: {  	_ = 	snop;
	(pc) =	sbr.ind lr, $3  }
0x3a: {  	_ = 	snop  }
0x3b: {  	_ = 	snop  }
0x3c: {  	p2 =	seq.s32 s10, $0x1;
	s10 =	sld [smem:$0x3FB7]  }
0x3d: {  	_ =	shalt  }
0x3e: {  	_ =	shalt  }
0x3f: {  	_ =	shalt  }
0x40: {  	_ =	shalt  }
0x41: {  	_ =	shalt  }
0x42: {  	_ =	shalt  }
0x43: {  	_ =	shalt  }
0x44: {  	_ =	shalt  }
0x45: {  	_ =	shalt  }
0x46: {  	_ =	shalt  }
0x47: {  	_ =	shalt  }
0x48: {  	_ =	shalt  }
0x49: {  	_ =	shalt  }
0x4a: {  	_ =	shalt  }
0x4b: {  	_ =	shalt  }
0x4c: {  	_ =	shalt  }
0x4d: {  	_ =	shalt  }
0x4e: {  	_ =	shalt  }
0x4f: {  	_ =	shalt  }
0x50: {  	_ =	shalt  }
0x51: {  	_ =	shalt  }
0x52: {  	_ =	shalt  }
0x53: {  	_ =	shalt  }
0x54: {  	_ =	shalt  }
0x55: {  	_ =	shalt  }
0x56: {  	_ =	shalt  }
0x57: {  	_ =	shalt  }
0x58: {  	_ =	shalt  }
0x59: {  	_ =	shalt  }
0x5a: {  	_ =	shalt  }
0x5b: {  	_ =	shalt  }
0x5c: {  	_ =	shalt  }
0x5d: {  	_ =	shalt  }
0x5e: {  	_ =	shalt  }
0x5f: {  	_ =	shalt  }
0x60: {  	_ =	shalt  }
0x61: {  	_ =	shalt  }
0x62: {  	_ =	shalt  }
0x63: {  	_ =	shalt  }
0x64: {  	_ =	shalt  }
0x65: {  	_ =	shalt  }
0x66: {  	_ =	shalt  }
0x67: {  	_ =	shalt  }
0x68: {  	_ =	shalt  }
0x69: {  	_ =	shalt  }
0x6a: {  	_ =	shalt  }
0x6b: {  	_ =	shalt  }
0x6c: {  	_ =	shalt  }
0x6d: {  	_ =	shalt  }
0x6e: {  	_ =	shalt  }
0x6f: {  	_ =	shalt  }
0x70: {  	_ =	shalt  }
0x71: {  	_ =	shalt  }
0x72: {  	_ =	shalt  }
0x73: {  	_ =	shalt  }
0x74: {  	_ =	shalt  }
0x75: {  	_ =	shalt  }
0x76: {  	_ =	shalt  }
0x77: {  	_ =	shalt  }
0x78: {  	_ =	shalt  }
0x79: {  	_ =	shalt  }
0x7a: {  	_ =	shalt  }
0x7b: {  	_ =	shalt  }
0x7c: {  	_ =	shalt  }
0x7d: {  	_ =	shalt  }
0x7e: {  	_ =	shalt  }
0x7f: {  	_ =	shalt  }
0x80: {  	_ =	shalt  }
0x81: {  	_ =	shalt  }
0x82: {  	_ =	shalt  }
0x83: {  	_ =	shalt  }
0x84: {  	_ =	shalt  }
0x85: {  	_ =	shalt  }
0x86: {  	_ =	shalt  }
0x87: {  	_ =	shalt  }
.Lfunc_end0:
.L_simem_size_0:
called_computation_lowered:
.L_overlay_start_0:
0x88: {  	s2 =	sld [smem:$0x3FD9]  }
0x89: {  	s3 =	sld [smem:$0x3FFE];
	_ =	sdelay $0x1  }
0x8a: {  	s1 =	srdreg.scid  }
0x8b: {  	s0 =	sand.u32 $0x1, s1  }
0x8c: {  	s17 =	sshll.u32 s0, $0xA;
	s2 =	sadd.s32 s3, s2  }
0x8d: {  	s2 =	sadd.s32 s2, s17  }
0x8e: {  	[smem:$0x3FC3] =	sst s2  }
0x8f: {  	_ = 	snop  }
0x90: {  	s2 =	sld [smem:$0x3FC8]  }
0x91: {  	s18 =	sld [smem:$0x3FC7]  }
0x92: {  	s4 =	sld [smem:$0x3FD0];
	(tm) =	ssettm $0x1  }
0x93: {  	s5 =	sld [smem:$0x3FFB];
	_ =	sdelay $0x3  }
0x94: {  	_ =	strace s5  }
0x95: {  	s5 =	sld [smem:$0x3FFC];
	_ =	sdelay $0x3  }
0x96: {  	_ =	strace s5  }
0x97: {  	s5 =	sld [smem:$0x3FFD];
	_ =	sdelay $0x3  }
0x98: {  	_ =	strace s5  }
0x99: {  	_ =	strace $0x8FFFFFFF  }
0x9a: {  	s19 =	sld [smem:$0x3FDB];
	_ =	sdelay $0x1  }
0x9b: {  	s6 =	simm.s32 $_scs_section_size  }
0x9c: {  	s7 =	simm.s32 $_size__tile_overlayer_lowered;
	s8 =	simm.s32 $_tile_overlayer_lowered  }
0x9d: {  	s22 =	simm.s32 $0x1BFF;
	s21 =	sshll.u32 s8, $0x1;
	s5 =	sadd.s32 s6, s19  }
0x9e: {  	s9 =	simm.s32 $0x0;
	s20 =	sshll.u32 s7, $0x1;
	s7 =	sadd.s32 s21, s5  }
0x9f: {  	[timem:s9], [sflag:s22] =	dma.local [hbm:s7], s20  }
0xa0: {  	_ =	swait.ge [sflag:s22], s20  }
0xa1: {  	s6 =	ssub.s32 $0x0, s20;
	[sflag:s22] =	ssyncset.done $0x0  }
0xa2: {  	[sflag:s22] =	ssyncadd.s32 s6;
	_ =	sdelay $0x1  }
0xa3: {  	s23 =	simm.s32 $0x1B8B  }
0xa4: {  	_ =	swait.ge [sflag:s23], $0x1  }
0xa5: {  	[sflag:s23] =	ssyncset.done $0x0  }
0xa6: {  	s25 =	simm.s32 $0x1B8E;
	s24 =	sld [smem:$0x3FFE];
	[sflag:s23] =	ssyncadd.s32 $0xFFFFFFFF  }
0xa7: {  	s26 =	simm.s32 $execute0_lowered;
	[smem:$0x3FD2] =	sst s25  }
0xa8: {  	s7 =	sshll.u32 s26, $0x1;
	_ =	strace $0x80000046;
	[dreg:$0x1] =	wrdreg $0xFFFFFFFF  }
0xa9: {  	s28 =	simm.s32 $_size_execute0_lowered;
	s5 =	sadd.s32 s5, s7;
	[dreg:$0x0] =	wrdreg $0x0  }
0xaa: {  	s7 =	sshll.u32 s28, $0x1;
	[dreg:$0x2] =	wrdreg s5  }
0xab: {  	[dreg:$0x3] =	wrdreg s7  }
0xac: {  	[dreg:$0x4] =	wrdreg $0xC0  }
0xad: {  	_ =	task [dreg:s9], $0x5FFFF  }
0xae: {  	[dreg:$0x1] =	wrdreg $0xFFFFFFFF  }
0xaf: {  	[dreg:$0x0] =	wrdreg $0x60  }
0xb0: {  	[dreg:$0x2] =	wrdreg s24  }
0xb1: {  	[dreg:$0x3] =	wrdreg s2  }
0xb2: {  	[dreg:$0x4] =	wrdreg s18  }
0xb3: {  	[dreg:$0x5] =	wrdreg s4  }
0xb4: {  	[dreg:$0x6] =	wrdreg $0x9  }
0xb5: {  	_ =	task.clear_ibuf [dreg:s9], $0x7FFFF;
	_ =	strace $0x90000046  }
0xb6: {  	s29 =	simm.s32 $0x9;
	_ =	strace $0x80000048  }
0xb7: {  	_ =	swait.ge [sflag:s29], $0x1  }
0xb8: {  	[sflag:s29] =	ssyncadd.s32 $0xFFFFFFFF  }
0xb9: {  	_ =	strace $0x90000048  }
0xba: {  	_ =	sfence  }
0xbb: {  	s30 =	sld [smem:$0x0];
	_ =	sdelay $0x2  }
0xbc: {  	s31 =	sshll.u32 s1, $0xD;
	s1 =	sshrl.u32 s1, $0x2  }
0xbd: {  	s3 =	sand.u32 $0x4000, s31;
	s1 =	sadd.s32 s1, s30  }
0xbe: {  	s0 =	sor.u32 s3, s0;
	s1 =	sshll.u32 s1, $0x11  }
0xbf: {  	s0 =	sor.u32 s1, s0  }
0xc0: {  	s0 =	sadd.s32 $0x8F2B, s0  }
0xc1: {  	[sflag:s0] =	ssyncadd.remote.s32 $0x1  }
0xc2: {  	_ =	sfence.sel $0xFFFF  }
0xc3: {  	[dreg:$0x0] =	wrdreg $0xFFFFFFFF;
	(pc) =	sbr.abs _section_cstart, $3  }
0xc4: {  	[dreg:$0x1] =	wrdreg $0xFFFFFFFF  }
0xc5: {  	_ =	task.clear_ibuf [dreg:s9], $0x2FFFF;
	_ =	strace $0x9FFFFFFF  }
0xc6: {  	(tm) =	ssettm $0x7FFFFFFF  }
0xc7: {  	_ =	shalt  }
tec
execute0_lowered:
.L_overlay_start_1:
0x0: {  	(tag) =	ssettag $0x1  }
0x1: {  	vm5 =	vcmask $0x300;
	v0 =	vimm.s32 $0x1380;
	vm6 =	vcmask $0x704  }
0x2: {  	vm4 =	vcmask $0xB08;
	vm2 =	vcmask $0xF0C;
	v1 =	vimm.s32 $0x32107654  }
0x3: {  	vm1 =	vcmask $0x1310;
	vm0 =	vcmask $0x1714;
	vm3 =	vcmask $0xF00  }
0x4: {  	v3 =	vimm.s32 $0x13121110;
	v4 =	vimm.s32 $0xB0A0908;
	vm11 =	vcmask $0x2F10  }
0x5: {  	vm12 =	vcmask $0x3F30;
	v5 =	vimm.s32 $0xF0E0D0C;
	vm13 =	vcmask $0x2F00  }
0x6: {  	v6 =	vimm.s32 $0x3;
	vm14 =	vcmask $0x1F10;
	vm15 =	vcmask $0x1B18  }
0x7: {  	v8 =	vimm.s32 $0x1384;
	v9 =	vimm.s32 $0x1180;
	v10 =	vimm.s32 $0x380  }
0x8: {  	v11 =	vimm.s32 $0x180;
	v12 =	vimm.s32 $0x2187;
	vm8 =	vcmask $0x1F1C  }
0x9: {  	vm9 =	vcmask $0x2320;
	vm10 =	vcmask $0x2724;
	v13 =	vimm.s32 $0x76543210  }
0xa: {  	v15 =	vimm.s32 $0xFEDCBA98;
	v0 =	vsel vm5, $0x0, v0;
	v1 =	vunpack.c.l.s4.s8 v1  }
0xb: {  	v3 =	vunpack.c.0.s8.s32 v3;
	v4 =	vunpack.c.0.s8.s32 v4;
	v8 =	vsel vm5, $0x4, v8  }
0xc: {  	v9 =	vsel vm5, $0x2000, v9;
	v10 =	vsel vm5, $0x1200, v10;
	v11 =	vsel vm5, $0x1000, v11  }
0xd: {  	v12 =	vsel vm5, $0x207, v12;
	v13 =	vunpack.c.l.s4.s8 v13;
	v15 =	vunpack.c.l.s4.s8 v15  }
0xe: {  	v0 =	vsel vm6, $0x80, v0;
	v8 =	vsel vm6, $0x84, v8;
	v9 =	vsel vm6, $0x2080, v9  }
0xf: {  	v10 =	vsel vm6, $0x1280, v10;
	v11 =	vsel vm6, $0x1080, v11;
	v12 =	vsel vm6, $0x287, v12  }
0x10: {  	v0 =	vsel vm4, $0x100, v0;
	v1 =	vunpack.c.0.s8.s32 v1;
	v8 =	vsel vm4, $0x104, v8  }
0x11: {  	v9 =	vsel vm4, $0x2100, v9;
	v10 =	vsel vm4, $0x1300, v10;
	v11 =	vsel vm4, $0x1100, v11  }
0x12: {  	v12 =	vsel vm4, $0x307, v12;
	v17 =	vunpack.c.0.s8.s32 v13;
	v15 =	vunpack.c.0.s8.s32 v15  }
0x13: {  	v13 =	vlaneseq.u32;
	v0 =	vsel vm2, $0x180, v0;
	v8 =	vsel vm2, $0x184, v8  }
0x14: {  	v9 =	vsel vm2, $0x2180, v9;
	v10 =	vsel vm2, $0x1380, v10;
	v11 =	vsel vm2, $0x1180, v11  }
0x15: {  	v12 =	vsel vm2, $0x387, v12;
	v2 =	vsel vm1, $0x200, v0;
	v0 =	vimm.s32 $0x1  }
0x16: {  	v1 =	vand.u32 $0xF, v1;
	v8 =	vsel vm1, $0x204, v8;
	v9 =	vsel vm1, $0x0, v9  }
0x17: {  	v10 =	vsel vm1, $0x2000, v10;
	v11 =	vsel vm1, $0x1200, v11;
	v12 =	vsel vm1, $0x1007, v12  }
0x18: {  	v18 =	vand.u32 $0xF, v15;
	v0 =	vsel vm3, $0x0, v0;
	v1 =	vsel vm11, v1, v3  }
0x19: {  	v7 =	vsel vm0, $0x280, v2;
	v2 =	vsel vm13, $0x2, v6;
	v6 =	vimm.s32 $0x183  }
0x1a: {  	v8 =	vsel vm0, $0x284, v8;
	v9 =	vsel vm0, $0x80, v9;
	v10 =	vsel vm0, $0x2080, v10  }
0x1b: {  	v11 =	vsel vm0, $0x1280, v11;
	v12 =	vsel vm0, $0x1087, v12;
	vm11 =	vcmask $0x2B28  }
0x1c: {  	vm13 =	vcmask $0x3330;
	v1 =	vsel vm12, v4, v1;
	v4 =	vunpack.c.0.s8.s32 v5  }
0x1d: {  	v5 =	vimm.s32 $0x3020100;
	v6 =	vsel vm5, $0x1002, v6;
	v8 =	vsel vm15, $0x304, v8  }
0x1e: {  	v9 =	vsel vm15, $0x100, v9;
	v10 =	vsel vm15, $0x2100, v10;
	v11 =	vsel vm15, $0x1300, v11  }
0x1f: {  	v12 =	vsel vm15, $0x1107, v12;
	vm12 =	vcmask $0x2F2C;
	v5 =	vunpack.c.0.s8.s32 v5  }
0x20: {  	v6 =	vsel vm6, $0x1082, v6;
	v8 =	vsel vm8, $0x384, v8;
	v9 =	vsel vm8, $0x180, v9  }
0x21: {  	v10 =	vsel vm8, $0x2180, v10;
	v11 =	vsel vm8, $0x1380, v11;
	v12 =	vsel vm8, $0x1187, v12  }
0x22: {  	v14 =	vsel vm14, v3, v4;
	v4 =	vimm.s32 $0x1181;
	v6 =	vsel vm4, $0x1102, v6  }
0x23: {  	v8 =	vsel vm9, $0x1004, v8;
	v9 =	vsel vm9, $0x200, v9;
	v10 =	vsel vm9, $0x0, v10  }
0x24: {  	v11 =	vsel vm9, $0x2000, v11;
	v12 =	vsel vm9, $0x1207, v12;
	v16 =	vsel vm14, v5, v3  }
0x25: {  	v3 =	vsel vm15, $0x300, v7;
	v5 =	vimm.s32 $0x382;
	v4 =	vsel vm5, $0x2000, v4  }
0x26: {  	v7 =	vimm.s32 $0x2183;
	v6 =	vsel vm2, $0x1182, v6;
	v8 =	vsel vm10, $0x1084, v8  }
0x27: {  	v9 =	vsel vm10, $0x280, v9;
	v10 =	vsel vm10, $0x80, v10;
	v11 =	vsel vm10, $0x2080, v11  }
0x28: {  	v12 =	vsel vm10, $0x1287, v12;
	vm14 =	vcmask $0x3734;
	v14 =	vcombine.low v14, v17  }
0x29: {  	v17 =	vshrl.u32 v13, $0x3;
	v5 =	vsel vm5, $0x1201, v5;
	v7 =	vsel vm5, $0x203, v7  }
0x2a: {  	v4 =	vsel vm6, $0x2080, v4;
	v3 =	vsel vm8, $0x380, v3;
	v6 =	vsel vm1, $0x1202, v6  }
0x2b: {  	v8 =	vsel vm11, $0x1104, v8;
	v9 =	vsel vm11, $0x300, v9;
	v10 =	vsel vm11, $0x100, v10  }
0x2c: {  	v11 =	vsel vm11, $0x2100, v11;
	v12 =	vsel vm11, $0x1307, v12;
	v15 =	vadd.s32 $0x1, v17  }
0x2d: {  	v16 =	vcombine.low v18, v16;
	v17 =	vadd.s32 $0x4C, v13;
	v5 =	vsel vm6, $0x1281, v5  }
0x2e: {  	v7 =	vsel vm6, $0x283, v7;
	v4 =	vsel vm4, $0x2100, v4;
	v3 =	vsel vm9, $0x1000, v3  }
0x2f: {  	v6 =	vsel vm0, $0x1282, v6;
	v8 =	vsel vm12, $0x1184, v8;
	v9 =	vsel vm12, $0x380, v9  }
0x30: {  	v10 =	vsel vm12, $0x180, v10;
	v11 =	vsel vm12, $0x2180, v11;
	v12 =	vsel vm12, $0x1387, v12  }
0x31: {  	v5 =	vsel vm4, $0x1301, v5;
	v7 =	vsel vm4, $0x303, v7;
	v4 =	vsel vm2, $0x2180, v4  }
0x32: {  	v3 =	vsel vm10, $0x1080, v3;
	v6 =	vsel vm15, $0x1302, v6;
	v8 =	vsel vm13, $0x1204, v8  }
0x33: {  	v9 =	vsel vm13, $0x1000, v9;
	v10 =	vsel vm13, $0x200, v10;
	v11 =	vsel vm13, $0x0, v11  }
0x34: {  	s0 =	rddreg [dreg:$0x0];
	v12 =	vsel vm13, $0x2007, v12;
	v5 =	vsel vm2, $0x1381, v5;
	v7 =	vsel vm2, $0x383, v7  }
0x35: {  	s1 =	rddreg [dreg:$0x1];
	v4 =	vsel vm1, $0x1, v4;
	v3 =	vsel vm11, $0x1100, v3;
	v6 =	vsel vm8, $0x1382, v6  }
0x36: {  	s2 =	rddreg [dreg:$0x2];
	s3 =	srdreg.scid;
	v8 =	vsel vm14, $0x1284, v8;
	v9 =	vsel vm14, $0x1080, v9;
	v10 =	vsel vm14, $0x280, v10  }
0x37: {  	s4 =	stileid.u32;
	s5 =	rddreg [dreg:$0x3];
	s6 =	simm.s32 $0x0;
	v11 =	vsel vm14, $0x80, v11;
	v12 =	vsel vm14, $0x2087, v12;
	v5 =	vsel vm1, $0x2001, v5  }
0x38: {  	s20 =	simm.s32 $0x400;
	s21 =	simm.s32 $0x3400;
	s28 =	simm.s32 $0x7400;
	v7 =	vsel vm1, $0x1003, v7;
	v4 =	vsel vm0, $0x81, v4;
	v6 =	vsel vm9, $0x2002, v6  }
0x39: {  	s29 =	simm.s32 $0x8400;
	s30 =	simm.s32 $0x5;
	s31 =	simm.s32 $0x6;
	v3 =	vsel vm12, $0x1180, v3;
	v5 =	vsel vm0, $0x2081, v5;
	v7 =	vsel vm0, $0x1083, v7  }
0x3a: {  	s22 =	simm.s32 $0xF800;
	s17 =	simm.s32 $0x11800;
	s11 =	simm.s32 $0x0;
	v4 =	vsel vm15, $0x101, v4;
	v6 =	vsel vm10, $0x2082, v6;
	v3 =	vsel vm13, $0x1200, v3  }
0x3b: {  	s3 =	sand.u32 $0x1, s3;
	s4 =	sshll.u32 s4, $0x1;
	[smem:$0x7FF] =	sst s6;
	v5 =	vsel vm15, $0x2101, v5;
	v7 =	vsel vm15, $0x1103, v7;
	v4 =	vsel vm8, $0x181, v4  }
0x3c: {  	s4 =	sor.u32 s3, s4;
	_ =	strace $0x80000047;
	s3 =	ssub.s32 $0x2, s3;
	v6 =	vsel vm11, $0x2102, v6;
	v3 =	vsel vm14, $0x1280, v3;
	vm15 =	vcmask $0x3B38  }
0x3d: {  	s7 =	smul.u32 $0x310, s4;
	s8 =	smax.u32 s4, $0x15;
	s9 =	sshrl.u32 s3, $0x1;
	v5 =	vsel vm8, $0x2181, v5;
	v7 =	vsel vm8, $0x1183, v7;
	v4 =	vsel vm9, $0x201, v4  }
0x3e: {  	p0 =	slt.u32 s4, $0x15;
	s8 =	sshll.u32 s8, $0x3;
	s3 =	ssub.s32 s3, s9;
	v6 =	vsel vm12, $0x2182, v6;
	v3 =	vsel vm15, $0x1300, v3;
	v8 =	vsel vm15, $0x1304, v8  }
0x3f: {  	s8 =	ssub.s32 s7, s8;
	s7 =	sadd.s32 $0x30D400, s0;
	s3 =	smax.u32 s3, $0x1;
	v9 =	vsel vm15, $0x1100, v9;
	v10 =	vsel vm15, $0x300, v10;
	v11 =	vsel vm15, $0x100, v11  }
0x40: {  	s10 =	sadd.s32 $0xA8, s8;
	s8 =	simm.s32 $0xC4;
	[dreg:$0x9] =	wrdreg s3;
	v12 =	vsel vm15, $0x2107, v12;
	v5 =	vsel vm9, $0x2, v5;
	v7 =	vsel vm9, $0x1203, v7  }
0x41: {  	s3 =	simm.s32 $0xC800;
	s23 =	sshll.u32 s10, $0x4;
	s8 =	simm.s32 @!p0 $0xC2;
	v4 =	vsel vm10, $0x281, v4;
	v6 =	vsel vm13, $0x3, v6;
	v5 =	vsel vm10, $0x82, v5  }
0x42: {  	s14 =	sshll.u32 s10, $0x7;
	s15 =	sshll.u32 s10, $0xA;
	s4 =	sand.u32 $0x1FFFFF80, s23;
	v7 =	vsel vm10, $0x1283, v7;
	v4 =	vsel vm11, $0x301, v4;
	v6 =	vsel vm14, $0x83, v6  }
0x43: {  	s13 =	sshrl.u32 s8, $0x1;
	s23 =	simm.s32 $0x10800;
	s24 =	sadd.s32 s1, s4;
	v5 =	vsel vm11, $0x102, v5;
	v7 =	vsel vm11, $0x1303, v7;
	v4 =	vsel vm12, $0x381, v4  }
0x44: {  	s25 =	sadd.s32 s2, s4;
	s4 =	sor.u32 $0x40, s4;
	[dreg:$0x5] =	wrdreg s24;
	v6 =	vsel vm15, $0x103, v6;
	v5 =	vsel vm12, $0x182, v5;
	v7 =	vsel vm12, $0x1383, v7  }
0x45: {  	[dreg:$0x6] =	wrdreg s25;
	s26 =	sadd.s32 s1, s4;
	s4 =	sadd.s32 s2, s4;
	v4 =	vsel vm13, $0x1001, v4;
	v5 =	vsel vm13, $0x202, v5;
	v7 =	vsel vm13, $0x2003, v7  }
0x46: {  	s24 =	simm.s32 $0x1;
	s25 =	simm.s32 $0x2;
	[dreg:$0x7] =	wrdreg s26;
	v4 =	vsel vm14, $0x1081, v4;
	v5 =	vsel vm14, $0x282, v5;
	v7 =	vsel vm14, $0x2083, v7  }
0x47: {  	[dreg:$0x8] =	wrdreg s4;
	s26 =	simm.s32 $0x6400;
	s4 =	simm.s32 $0x9800;
	v4 =	vsel vm15, $0x1101, v4;
	v5 =	vsel vm15, $0x302, v5;
	v7 =	vsel vm15, $0x2103, v7  }
.LBB2_1:
0x48: {  	[dreg:$0xa] =	wrdreg s11  }
0x49: {  	s9 =	rddreg [dreg:$0x5]  }
0x4a: {  	[tilespmem:s6], [sflag:$0x3] =	stream.linear.gather [hbm4b:s9+s6], $0x200, $0x38;
	[tilespmem:$0x12800] =	vst v63  }
0x4b: {  	s11 =	rddreg [dreg:$0x6];
	s10 =	simm.s32 $0x200;
	s12 =	simm.s32 $0x3  }
0x4c: {  	[tilespmem:s10], [sflag:$0x3] =	stream.linear.gather [hbm4b:s11+s6], $0x200, $0x38;
	[tilespmem:$0x12800] =	vst v63  }
0x4d: {  	_ =	swait.ge [sflag:s12], $0x200  }
0x4e: {  	[sflag:s12] =	ssyncset.done $0x0  }
0x4f: {  	[sflag:s12] =	ssyncadd.s32 $0xFFFFFE00  }
0x50: {  	_ =	swait.ge [sflag:s12], $0x200  }
0x51: {  	[sflag:s12] =	ssyncset.done $0x0  }
0x52: {  	s9 =	simm.s32 $0x80;
	[sflag:s12] =	ssyncadd.s32 $0xFFFFFE00  }
0x53: {  	[tilespmem:s20], [sflag:$0x1] =	stream.indirect.gather [hbm4b:s7+s9], $0x18, s6, s9, $0xb8;
	[tilespmem:$0x12800] =	vst v63  }
0x54: {  	_ = 	snop  }
0x55: {  	[tilespmem:s21], [sflag:$0x2] =	stream.indirect.gather [hbm4b:s0+s9], $0x18, s10, s9, $0xb8;
	[tilespmem:$0x12800] =	vst v63  }
0x56: {  	s16 =	simm.s32 $0x1000  }
0x57: {  	[tilespmem:s16], [sflag:$0x1] =	stream.indirect.gather [hbm4b:s7+s9], $0x18, s9, s9, $0xb8;
	[tilespmem:$0x12800] =	vst v63  }
0x58: {  	s18 =	simm.s32 $0x280;
	s19 =	simm.s32 $0x4000  }
0x59: {  	[tilespmem:s19], [sflag:$0x2] =	stream.indirect.gather [hbm4b:s0+s9], $0x18, s18, s9, $0xb8;
	[tilespmem:$0x12800] =	vst v63  }
0x5a: {  	s12 =	simm.s32 $0x100;
	s16 =	simm.s32 $0x1C00  }
0x5b: {  	[tilespmem:s16], [sflag:$0x1] =	stream.indirect.gather [hbm4b:s7+s9], $0x18, s12, s9, $0xb8;
	[tilespmem:$0x12800] =	vst v63  }
0x5c: {  	s18 =	simm.s32 $0x300;
	s19 =	simm.s32 $0x4C00  }
0x5d: {  	[tilespmem:s19], [sflag:$0x2] =	stream.indirect.gather [hbm4b:s0+s9], $0x18, s18, s9, $0xb8;
	[tilespmem:$0x12800] =	vst v63  }
0x5e: {  	s12 =	simm.s32 $0x180;
	s16 =	simm.s32 $0x2800  }
0x5f: {  	[tilespmem:s16], [sflag:$0x1] =	stream.indirect.gather [hbm4b:s7+s9], $0x18, s12, s9, $0xb8;
	[tilespmem:$0x12800] =	vst v63  }
0x60: {  	s18 =	simm.s32 $0x380;
	s19 =	simm.s32 $0x5800  }
0x61: {  	[tilespmem:s19], [sflag:$0x2] =	stream.indirect.gather [hbm4b:s0+s9], $0x18, s18, s9, $0xb8;
	[tilespmem:$0x12800] =	vst v63  }
0x62: {  	s12 =	rddreg [dreg:$0x7];
	s16 =	simm.s32 $0x9400  }
0x63: {  	[tilespmem:s16], [sflag:$0x7] =	stream.linear.gather [hbm4b:s12+s6], $0x200, $0x38;
	[tilespmem:$0x12800] =	vst v63  }
0x64: {  	s18 =	rddreg [dreg:$0x8];
	s19 =	simm.s32 $0x9600;
	s12 =	simm.s32 $0x0  }
0x65: {  	[tilespmem:s19], [sflag:$0x7] =	stream.linear.gather [hbm4b:s18+s6], $0x200, $0x38;
	[tilespmem:$0x12800] =	vst v63  }
.LBB2_2:
0x66: {  	_ =	swait.ge [sflag:s24], $0xC00  }
0x67: {  	[sflag:s24] =	ssyncset.done $0x0  }
0x68: {  	[sflag:s24] =	ssyncadd.s32 $0xFFFFF400  }
0x69: {  	_ =	swait.ge [sflag:s25], $0xC00  }
0x6a: {  	[sflag:s25] =	ssyncset.done $0x0  }
0x6b: {  	[sflag:s25] =	ssyncadd.s32 $0xFFFFF400  }
0x6c: {  	_ =	swait.ge [sflag:s24], $0xC00  }
0x6d: {  	[sflag:s24] =	ssyncset.done $0x0  }
0x6e: {  	[sflag:s24] =	ssyncadd.s32 $0xFFFFF400  }
0x6f: {  	_ =	swait.ge [sflag:s25], $0xC00  }
0x70: {  	[sflag:s25] =	ssyncset.done $0x0  }
0x71: {  	[sflag:s25] =	ssyncadd.s32 $0xFFFFF400  }
0x72: {  	_ =	swait.ge [sflag:s24], $0xC00  }
0x73: {  	[sflag:s24] =	ssyncset.done $0x0  }
0x74: {  	[sflag:s24] =	ssyncadd.s32 $0xFFFFF400  }
0x75: {  	_ =	swait.ge [sflag:s25], $0xC00  }
0x76: {  	[sflag:s25] =	ssyncset.done $0x0  }
0x77: {  	[sflag:s25] =	ssyncadd.s32 $0xFFFFF400  }
0x78: {  	_ =	swait.ge [sflag:s24], $0xC00  }
0x79: {  	[sflag:s24] =	ssyncset.done $0x0  }
0x7a: {  	[sflag:s24] =	ssyncadd.s32 $0xFFFFF400  }
0x7b: {  	s16 =	sshllo.u32 s12, $0x1;
	_ =	swait.ge [sflag:s25], $0xC00  }
0x7c: {  	p0 =	sge.u32 s16, s8;
	[sflag:s25] =	ssyncset.done $0x0  }
0x7d: {  	s9 =	simm.s32 @!p0 $0x7;
	[sflag:s25] =	ssyncadd.s32 $0xFFFFF400  }
0x7e: {  	_ =	swait.ge @!p0 [sflag:s9], $0x200  }
0x7f: {  	[sflag:s9] =	ssyncset.done @!p0 $0x0  }
0x80: {  	[sflag:s9] =	ssyncadd.s32 @!p0 $0xFFFFFE00  }
0x81: {  	_ =	swait.ge @!p0 [sflag:s9], $0x200  }
0x82: {  	s10 =	simm.s32 @!p0 $0x9400;
	[sflag:s9] =	ssyncset.done @!p0 $0x0  }
0x83: {  	s18 =	simm.s32 @!p0 $0x9800;
	[sflag:s9] =	ssyncadd.s32 @!p0 $0xFFFFFE00;
	s9 =	simm.s32 @!p0 $0x80  }
0x84: {  	[tilespmem:s18], [sflag:$0x5] =	stream.indirect.gather @!p0 [hbm4b:s7+s9], $0x18, s10, s9, $0xb8;
	[tilespmem:$0x12800] =	vst v63  }
0x85: {  	s10 =	simm.s32 @!p0 $0x9600;
	s18 =	simm.s32 @!p0 $0xC800  }
0x86: {  	[tilespmem:s18], [sflag:$0x6] =	stream.indirect.gather @!p0 [hbm4b:s0+s9], $0x18, s10, s9, $0xb8;
	[tilespmem:$0x12800] =	vst v63  }
0x87: {  	s10 =	simm.s32 @!p0 $0x9480;
	s18 =	simm.s32 @!p0 $0xA400  }
0x88: {  	[tilespmem:s18], [sflag:$0x5] =	stream.indirect.gather @!p0 [hbm4b:s7+s9], $0x18, s10, s9, $0xb8;
	[tilespmem:$0x12800] =	vst v63  }
0x89: {  	s10 =	simm.s32 @!p0 $0x9680;
	s18 =	simm.s32 @!p0 $0xD400  }
0x8a: {  	[tilespmem:s18], [sflag:$0x6] =	stream.indirect.gather @!p0 [hbm4b:s0+s9], $0x18, s10, s9, $0xb8;
	[tilespmem:$0x12800] =	vst v63  }
0x8b: {  	s10 =	simm.s32 @!p0 $0x9500;
	s18 =	simm.s32 @!p0 $0xB000  }
0x8c: {  	[tilespmem:s18], [sflag:$0x5] =	stream.indirect.gather @!p0 [hbm4b:s7+s9], $0x18, s10, s9, $0xb8;
	[tilespmem:$0x12800] =	vst v63  }
0x8d: {  	s10 =	simm.s32 @!p0 $0x9700;
	s18 =	simm.s32 @!p0 $0xE000  }
0x8e: {  	[tilespmem:s18], [sflag:$0x6] =	stream.indirect.gather @!p0 [hbm4b:s0+s9], $0x18, s10, s9, $0xb8;
	[tilespmem:$0x12800] =	vst v63  }
0x8f: {  	s10 =	simm.s32 @!p0 $0x9580;
	s18 =	simm.s32 @!p0 $0xBC00  }
0x90: {  	[tilespmem:s18], [sflag:$0x5] =	stream.indirect.gather @!p0 [hbm4b:s7+s9], $0x18, s10, s9, $0xb8;
	[tilespmem:$0x12800] =	vst v63  }
0x91: {  	s19 =	simm.s32 @!p0 $0xEC00;
	s18 =	sshll.u32 s12, $0x1;
	s10 =	simm.s32 @!p0 $0x9780  }
0x92: {  	[tilespmem:s19], [sflag:$0x6] =	stream.indirect.gather @!p0 [hbm4b:s0+s9], $0x18, s10, s9, $0xb8;
	[tilespmem:$0x12800] =	vst v63  }
0x93: {  	s9 =	sadd.s32 $0x2, s18  }
0x94: {  	p1 =	sge.u32 s9, s8  }
0x95: {  	s9 =	sshll.u32 @!p1 s9, $0x9  }
0x96: {  	s9 =	sadd.s32 @!p1 s14, s9  }
0x97: {  	s9 =	sshrl.u32 @!p1 s9, $0x3  }
0x98: {  	s19 =	simm.s32 @!p1 $0x0;
	s10 =	sadd.s32 @!p1 s1, s9  }
0x99: {  	[tilespmem:s19], [sflag:$0x3] =	stream.linear.gather @!p1 [hbm4b:s10+s19], $0x200, $0x38;
	[tilespmem:$0x12800] =	vst v63  }
0x9a: {  	s9 =	sadd.s32 @!p1 s2, s9;
	s10 =	simm.s32 @!p1 $0x200  }
0x9b: {  	[tilespmem:s10], [sflag:$0x3] =	stream.linear.gather @!p1 [hbm4b:s9+s19], $0x200, $0x38;
	[tilespmem:$0x12800] =	vst v63  }
0x9c: {  	p0 =	seq.s32 s12, $0x0;
	s9 =	simm.s32 $0x0  }
0x9d: {  	s10 =	simm.s32 @!p0 $0x4;
	v18 =	vmov s9  }
0x9e: {  	_ =	swait.ge @!p0 [sflag:s10], $0x1000;
	v20 =	vshrl.u32 v18, $0x7;
	v18 =	vand.u32 $0x78, v18  }
0x9f: {  	[sflag:s10] =	ssyncset.done @!p0 $0x0;
	v25 =	vmul.u32 $0xC00, v20;
	v19 =	vmul.u32 $0x18, v18  }
0xa0: {  	[sflag:s10] =	ssyncadd.s32 @!p0 $0xFFFFF000  }
0xa1: {  	s11 =	simm.s32 $0x4;
	_ =	swait.ge @!p0 [sflag:s10], $0x1000;
	v19 =	vadd.s32 v19, v25  }
0xa2: {  	v21 =	vmov s11;
	[sflag:s10] =	ssyncset.done @!p0 $0x0;
	v22 =	vor.u32 v13, v19  }
0xa3: {  	v26 =	vor.u32 s11, v0;
	v23 =	vshrl.u32 v21, $0x7;
	v24 =	vand.u32 $0x7C, v21;
	[sflag:s10] =	ssyncadd.s32 @!p0 $0xFFFFF000  }
0xa4: {  	v29 =	vand.u32 $0x7D, v26;
	v27 =	vmul.u32 $0xC00, v23;
	v24 =	vmul.u32 $0x18, v24;
	_ =	swait.ge @!p0 [sflag:s10], $0x1000  }
0xa5: {  	v21 =	vand.u32 $0x78, v21;
	v23 =	vshll.u32 v23, $0xA;
	v29 =	vmul.u32 $0x18, v29;
	[sflag:s10] =	ssyncset.done @!p0 $0x0  }
0xa6: {  	v28 =	vor.u32 s11, v15;
	v33 =	vor.u32 v21, v23;
	v30 =	vadd.s32 v24, v27;
	[sflag:s10] =	ssyncadd.s32 @!p0 $0xFFFFF000  }
0xa7: {  	v29 =	vadd.s32 v27, v29;
	v34 =	vor.u32 v8, v33;
	v24 =	vor.u32 s9, v0;
	v32 =	vld.idx.msk [tilespmem:v22+s20+$0x0], $0xffff  }
0xa8: {  	v31 =	vor.u32 v13, v30;
	v24 =	vand.u32 $0x79, v24;
	v20 =	vshll.u32 v20, $0xA;
	v22 =	vld.idx.msk [tilespmem:v22+s21+$0x0], $0xffff  }
0xa9: {  	v24 =	vmul.u32 $0x18, v24;
	v23 =	vor.u32 v18, v20;
	v18 =	vand.u32 $0x7F, v28  }
0xaa: {  	v29 =	vadd.s32 v1, v29;
	v20 =	vor.u32 v3, v23;
	v18 =	vmul.u32 $0x18, v18  }
0xab: {  	v21 =	vadd.s32 v25, v24;
	v24 =	vand.u32 $0x5, v26;
	v46 =	vor.u32 v5, v23  }
0xac: {  	v21 =	vadd.s32 v1, v21;
	v24 =	vor.u32 v24, v33;
	v18 =	vadd.s32 v27, v18;
	s10 =	simm.s32 $0x8  }
0xad: {  	v35 =	vor.u32 v9, v24;
	v61 =	vor.u32 s10, v0;
	v22 =	vadd.f32 v22, v32  }
0xae: {  	v26 =	vld.idx.msk [tilespmem:v31+s20+$0x0], $0xffff;
	v32 =	vadd.s32 v14, v18;
	v18 =	vand.u32 $0x7, v28;
	v28 =	vor.u32 s11, v2;
	s11 =	simm.s32 $0xC  }
0xaf: {  	v31 =	vld.idx.msk [tilespmem:v31+s21+$0x0], $0xffff;
	v24 =	vand.u32 $0x7F, v28;
	v18 =	vor.u32 v18, v33;
	v57 =	vmov s11  }
0xb0: {  	v37 =	vor.u32 s11, v0;
	v41 =	vor.u32 s11, v15;
	[tilespmem:v20+s26+$0x0] =	vst.idx.msk $0xffff, v22;
	v20 =	vor.u32 s9, v15  }
0xb1: {  	v22 =	vmul.u32 $0x18, v24;
	v24 =	vor.u32 v10, v18;
	v39 =	vshrl.u32 v57, $0x7  }
0xb2: {  	v42 =	vand.u32 $0x7C, v57;
	v36 =	vld.idx.msk [tilespmem:v21+s20+$0x0], $0xffff;
	v18 =	vand.u32 $0x7B, v20;
	v20 =	vand.u32 $0x7, v28  }
0xb3: {  	v28 =	vadd.s32 v17, v30;
	v30 =	vld.idx.msk [tilespmem:v21+s21+$0x0], $0xffff;
	v18 =	vmul.u32 $0x18, v18;
	v21 =	vadd.s32 v27, v22  }
0xb4: {  	v27 =	vadd.f32 v31, v26;
	v20 =	vor.u32 v20, v33;
	v22 =	vmov s10  }
0xb5: {  	v26 =	vor.u32 v11, v20;
	v20 =	vor.u32 v4, v23;
	v18 =	vadd.s32 v25, v18  }
0xb6: {  	v58 =	vshrl.u32 v22, $0x7;
	v38 =	vand.u32 $0x78, v22;
	v31 =	vadd.s32 v14, v18  }
0xb7: {  	v45 =	vand.u32 $0x7D, v37;
	v40 =	vmul.u32 $0xC00, v58;
	v22 =	vmul.u32 $0x18, v38;
	[tilespmem:v34+s26+$0x0] =	vst.idx.msk $0xffff, v27  }
0xb8: {  	v37 =	vand.u32 $0x5, v37;
	v43 =	vmul.u32 $0xC00, v39;
	v34 =	vld.idx.msk [tilespmem:v29+s20+$0x0], $0xffff;
	v30 =	vadd.f32 v30, v36  }
0xb9: {  	v18 =	vor.u32 v12, v33;
	v29 =	vld.idx.msk [tilespmem:v29+s21+$0x0], $0xffff;
	v33 =	vand.u32 $0x79, v61;
	v22 =	vadd.s32 v22, v40  }
0xba: {  	v33 =	vmul.u32 $0x18, v33;
	v44 =	vor.u32 v13, v22;
	[tilespmem:v20+s26+$0x0] =	vst.idx.msk $0xffff, v30;
	v20 =	vor.u32 s9, v2  }
0xbb: {  	v21 =	vadd.s32 v16, v21;
	v30 =	vmul.u32 $0x18, v42;
	v20 =	vand.u32 $0x7B, v20;
	v59 =	vld.idx.msk [tilespmem:v31+s20+$0x0], $0xffff  }
0xbc: {  	v36 =	vshll.u32 v58, $0xA;
	v33 =	vadd.s32 v40, v33;
	v27 =	vld.idx.msk [tilespmem:v31+s21+$0x0], $0xffff;
	v20 =	vmul.u32 $0x18, v20  }
0xbd: {  	v58 =	vadd.s32 v17, v19;
	v33 =	vadd.s32 v1, v33;
	v30 =	vadd.s32 v30, v43  }
0xbe: {  	v29 =	vadd.f32 v29, v34;
	v60 =	vor.u32 v13, v30;
	v20 =	vadd.s32 v25, v20  }
0xbf: {  	v31 =	vmul.u32 $0x18, v45;
	v34 =	vor.u32 v7, v23;
	v48 =	vld.idx.msk [tilespmem:v44+s20+$0x0], $0xffff;
	v20 =	vadd.s32 v16, v20  }
0xc0: {  	v39 =	vshll.u32 v39, $0xA;
	v19 =	vadd.s32 v17, v30;
	v25 =	vand.u32 $0x78, v57;
	v62 =	vld.idx.msk [tilespmem:v44+s21+$0x0], $0xffff;
	[tilespmem:v35+s26+$0x0] =	vst.idx.msk $0xffff, v29  }
0xc1: {  	v31 =	vadd.s32 v43, v31;
	v57 =	vor.u32 v6, v23;
	v35 =	vld.idx.msk [tilespmem:v32+s20+$0x0], $0xffff;
	v27 =	vadd.f32 v27, v59  }
0xc2: {  	v25 =	vor.u32 v25, v39;
	v39 =	vadd.s32 v1, v31;
	v31 =	vand.u32 $0x7F, v41;
	v32 =	vld.idx.msk [tilespmem:v32+s21+$0x0], $0xffff  }
0xc3: {  	v29 =	vand.u32 $0x7, v41;
	v47 =	vor.u32 v8, v25;
	v31 =	vmul.u32 $0x18, v31;
	v63 =	vld.idx.msk [tilespmem:v60+s20+$0x0], $0xffff;
	[tilespmem:v46+s26+$0x0] =	vst.idx.msk $0xffff, v27  }
0xc4: {  	v51 =	vor.u32 v37, v25;
	v29 =	vor.u32 v29, v25;
	v27 =	vor.u32 v38, v36;
	v52 =	vld.idx.msk [tilespmem:v20+s20+$0x0], $0xffff  }
0xc5: {  	v29 =	vor.u32 v10, v29;
	v31 =	vadd.s32 v43, v31;
	v53 =	vor.u32 v3, v27;
	v20 =	vld.idx.msk [tilespmem:v20+s21+$0x0], $0xffff  }
0xc6: {  	v59 =	vor.u32 s10, v15;
	v54 =	vld.idx.msk [tilespmem:v60+s21+$0x0], $0xffff;
	v45 =	vadd.s32 v14, v31;
	v31 =	vor.u32 s11, v2  }
0xc7: {  	v30 =	vand.u32 $0x7B, v59;
	v38 =	vor.u32 v9, v51;
	v56 =	vand.u32 $0x7F, v31  }
0xc8: {  	v55 =	vadd.f32 v62, v48;
	v60 =	vand.u32 $0x7, v31;
	v42 =	vmul.u32 $0x18, v56  }
0xc9: {  	v61 =	vmul.u32 $0x18, v30;
	s11 =	simm.s32 $0x14;
	v35 =	vadd.f32 v32, v35;
	v30 =	vor.u32 v60, v25  }
0xca: {  	v44 =	vor.u32 s11, v15;
	v31 =	vadd.s32 v43, v42;
	[tilespmem:v53+s26+$0x0] =	vst.idx.msk $0xffff, v55;
	v20 =	vadd.f32 v20, v52  }
0xcb: {  	v30 =	vor.u32 v11, v30;
	v62 =	vadd.f32 v54, v63;
	v31 =	vadd.s32 v16, v31;
	v49 =	vld.idx.msk [tilespmem:v33+s20+$0x0], $0xffff  }
0xcc: {  	v43 =	vor.u32 s11, v0;
	v52 =	vor.u32 s10, v2;
	v33 =	vld.idx.msk [tilespmem:v33+s21+$0x0], $0xffff;
	[tilespmem:v57+s26+$0x0] =	vst.idx.msk $0xffff, v20;
	v20 =	vadd.s32 v40, v61  }
0xcd: {  	s9 =	simm.s32 $0x10;
	v55 =	vor.u32 v4, v27;
	v61 =	vand.u32 $0x7B, v52;
	v63 =	vld.idx.msk [tilespmem:v58+s20+$0x0], $0xffff;
	v56 =	vadd.s32 v14, v20  }
0xce: {  	v57 =	vld.idx.msk [tilespmem:v58+s21+$0x0], $0xffff;
	v20 =	vor.u32 v12, v25;
	v25 =	vmov s11;
	v58 =	vmov s9  }
0xcf: {  	v41 =	vmul.u32 $0x18, v61;
	v23 =	vshrl.u32 v58, $0x7;
	v46 =	vand.u32 $0x78, v58  }
0xd0: {  	[tilespmem:v24+s26+$0x0] =	vst.idx.msk $0xffff, v35;
	v60 =	vshrl.u32 v25, $0x7;
	v51 =	vand.u32 $0x7C, v25;
	v25 =	vand.u32 $0x78, v25  }
0xd1: {  	[tilespmem:v47+s26+$0x0] =	vst.idx.msk $0xffff, v62;
	v50 =	vmul.u32 $0x18, v46;
	v48 =	vmul.u32 $0xC00, v60;
	v24 =	vshll.u32 v60, $0xA;
	v60 =	vld.idx.msk [tilespmem:v21+s20+$0x0], $0xffff  }
0xd2: {  	v59 =	vadd.f32 v33, v49;
	v33 =	vmul.u32 $0xC00, v23;
	v52 =	vor.u32 v25, v24;
	v24 =	vld.idx.msk [tilespmem:v21+s21+$0x0], $0xffff  }
0xd3: {  	v62 =	vand.u32 $0x7D, v43;
	v40 =	vadd.s32 v40, v41;
	v36 =	vadd.f32 v57, v63;
	v63 =	vld.idx.msk [tilespmem:v39+s20+$0x0], $0xffff  }
0xd4: {  	v43 =	vand.u32 $0x5, v43;
	[tilespmem:v55+s26+$0x0] =	vst.idx.msk $0xffff, v59;
	v32 =	vadd.s32 v50, v33;
	v55 =	vmul.u32 $0x18, v51;
	v39 =	vld.idx.msk [tilespmem:v39+s21+$0x0], $0xffff  }
0xd5: {  	v58 =	vor.u32 v5, v27;
	v40 =	vadd.s32 v16, v40;
	v53 =	vld.idx.msk [tilespmem:v56+s20+$0x0], $0xffff;
	v47 =	vor.u32 v13, v32  }
0xd6: {  	v21 =	vand.u32 $0x7F, v44;
	v25 =	vor.u32 s9, v0;
	v56 =	vld.idx.msk [tilespmem:v56+s21+$0x0], $0xffff;
	v42 =	vadd.s32 v55, v48  }
0xd7: {  	v54 =	vor.u32 v8, v52;
	v50 =	vmul.u32 $0x18, v62;
	v57 =	vor.u32 v13, v42  }
0xd8: {  	v25 =	vand.u32 $0x79, v25;
	v32 =	vadd.s32 v17, v32;
	v55 =	vmul.u32 $0x18, v21  }
0xd9: {  	v59 =	vadd.s32 v48, v50;
	v21 =	vshll.u32 v23, $0xA;
	v23 =	vmul.u32 $0x18, v25  }
0xda: {  	v41 =	vadd.s32 v1, v59;
	v21 =	vor.u32 v46, v21;
	v55 =	vadd.s32 v48, v55;
	v61 =	vld.idx.msk [tilespmem:v47+s20+$0x0], $0xffff  }
0xdb: {  	v23 =	vadd.s32 v33, v23;
	v62 =	vadd.f32 v39, v63;
	v37 =	vadd.f32 v56, v53;
	v47 =	vld.idx.msk [tilespmem:v47+s21+$0x0], $0xffff  }
0xdc: {  	v63 =	vor.u32 v43, v52;
	v23 =	vadd.s32 v1, v23;
	v43 =	vadd.s32 v14, v55;
	v25 =	vld.idx.msk [tilespmem:v57+s20+$0x0], $0xffff  }
0xdd: {  	v56 =	vor.u32 v3, v21;
	v39 =	vor.u32 v9, v63;
	[tilespmem:v58+s26+$0x0] =	vst.idx.msk $0xffff, v37;
	v51 =	vld.idx.msk [tilespmem:v57+s21+$0x0], $0xffff  }
0xde: {  	[tilespmem:v38+s26+$0x0] =	vst.idx.msk $0xffff, v62;
	v38 =	vadd.f32 v24, v60;
	v62 =	vadd.s32 v17, v22;
	v46 =	vld.idx.msk [tilespmem:v40+s20+$0x0], $0xffff  }
0xdf: {  	v22 =	vadd.s32 v17, v42;
	v57 =	vand.u32 $0x7, v44;
	v58 =	vor.u32 s11, v2;
	v40 =	vld.idx.msk [tilespmem:v40+s21+$0x0], $0xffff  }
0xe0: {  	v60 =	vand.u32 $0x7F, v58;
	v35 =	vor.u32 v57, v52;
	v37 =	vand.u32 $0x7, v58  }
0xe1: {  	v59 =	vld.idx.msk [tilespmem:v45+s20+$0x0], $0xffff;
	s11 =	simm.s32 $0x1C;
	v24 =	vadd.f32 v47, v61;
	v61 =	vor.u32 v6, v27;
	v47 =	vmul.u32 $0x18, v60  }
0xe2: {  	v45 =	vld.idx.msk [tilespmem:v45+s21+$0x0], $0xffff;
	v49 =	vmov s11;
	v50 =	vor.u32 s11, v0;
	v35 =	vor.u32 v10, v35  }
0xe3: {  	[tilespmem:v56+s26+$0x0] =	vst.idx.msk $0xffff, v24;
	v24 =	vor.u32 s9, v15;
	v55 =	vadd.s32 v48, v47;
	v58 =	vadd.f32 v51, v25  }
0xe4: {  	v25 =	vor.u32 v37, v52;
	v47 =	vor.u32 v7, v27;
	v63 =	vld.idx.msk [tilespmem:v23+s20+$0x0], $0xffff;
	v40 =	vadd.f32 v40, v46  }
0xe5: {  	v51 =	vor.u32 s11, v15;
	v24 =	vand.u32 $0x7B, v24;
	v56 =	vld.idx.msk [tilespmem:v23+s21+$0x0], $0xffff;
	v25 =	vor.u32 v11, v25;
	[tilespmem:v54+s26+$0x0] =	vst.idx.msk $0xffff, v58  }
0xe6: {  	v23 =	vmul.u32 $0x18, v24;
	v24 =	vadd.s32 v16, v55;
	v58 =	vand.u32 $0x7C, v49;
	[tilespmem:v61+s26+$0x0] =	vst.idx.msk $0xffff, v40  }
0xe7: {  	s19 =	simm.s32 $0x18;
	v40 =	vadd.f32 v45, v59;
	v59 =	vor.u32 v4, v21;
	v48 =	vmul.u32 $0x18, v58;
	v57 =	vld.idx.msk [tilespmem:v62+s20+$0x0], $0xffff  }
0xe8: {  	v58 =	vor.u32 v5, v21;
	v23 =	vadd.s32 v33, v23;
	v60 =	vld.idx.msk [tilespmem:v62+s21+$0x0], $0xffff;
	v62 =	vmov s19  }
0xe9: {  	[tilespmem:v26+s26+$0x0] =	vst.idx.msk $0xffff, v38;
	v61 =	vadd.s32 v14, v23;
	v23 =	vor.u32 v12, v52;
	v38 =	vshrl.u32 v62, $0x7  }
0xea: {  	v55 =	vld.idx.msk [tilespmem:v28+s20+$0x0], $0xffff;
	v52 =	vand.u32 $0x78, v62;
	v62 =	vand.u32 $0x5, v50;
	v42 =	vadd.f32 v56, v63  }
0xeb: {  	v54 =	vld.idx.msk [tilespmem:v41+s20+$0x0], $0xffff;
	[tilespmem:v29+s26+$0x0] =	vst.idx.msk $0xffff, v40;
	v63 =	vshrl.u32 v49, $0x7;
	v26 =	vmul.u32 $0xC00, v38;
	v27 =	vmul.u32 $0x18, v52  }
0xec: {  	v29 =	vld.idx.msk [tilespmem:v41+s21+$0x0], $0xffff;
	v38 =	vshll.u32 v38, $0xA;
	[tilespmem:v59+s26+$0x0] =	vst.idx.msk $0xffff, v42;
	v42 =	vmul.u32 $0xC00, v63;
	v59 =	vor.u32 s9, v2  }
0xed: {  	v27 =	vadd.s32 v27, v26;
	v37 =	vadd.f32 v60, v57;
	v44 =	vand.u32 $0x7B, v59;
	v59 =	vld.idx.msk [tilespmem:v28+s21+$0x0], $0xffff  }
0xee: {  	v56 =	vor.u32 v13, v27;
	v57 =	vand.u32 $0x7D, v50;
	v60 =	vshll.u32 v63, $0xA;
	v45 =	vld.idx.msk [tilespmem:v61+s20+$0x0], $0xffff  }
0xef: {  	v28 =	vand.u32 $0x7F, v51;
	v46 =	vld.idx.msk [tilespmem:v61+s21+$0x0], $0xffff;
	v44 =	vmul.u32 $0x18, v44;
	v41 =	vadd.s32 v48, v42  }
0xf0: {  	v53 =	vld.idx.msk [tilespmem:v31+s20+$0x0], $0xffff;
	v61 =	vmul.u32 $0x18, v57;
	v28 =	vmul.u32 $0x18, v28;
	v57 =	vor.u32 v13, v41  }
0xf1: {  	v50 =	vor.u32 v6, v21;
	v33 =	vadd.s32 v33, v44;
	v44 =	vld.idx.msk [tilespmem:v31+s21+$0x0], $0xffff;
	v31 =	vand.u32 $0x78, v49  }
0xf2: {  	v48 =	vadd.s32 v42, v61;
	v28 =	vadd.s32 v42, v28;
	v49 =	vadd.s32 v16, v33  }
0xf3: {  	[tilespmem:v34+s26+$0x0] =	vst.idx.msk $0xffff, v36;
	v61 =	vor.u32 s11, v2;
	v60 =	vor.u32 v31, v60;
	v31 =	vor.u32 s19, v0;
	v40 =	vld.idx.msk [tilespmem:v56+s20+$0x0], $0xffff  }
0xf4: {  	v33 =	vadd.s32 v1, v48;
	v34 =	vld.idx.msk [tilespmem:v56+s21+$0x0], $0xffff;
	v31 =	vand.u32 $0x79, v31;
	v45 =	vadd.f32 v46, v45  }
0xf5: {  	v28 =	vadd.s32 v14, v28;
	v56 =	vadd.f32 v29, v54;
	v63 =	vmul.u32 $0x18, v31;
	v48 =	vld.idx.msk [tilespmem:v57+s20+$0x0], $0xffff  }
0xf6: {  	v29 =	vor.u32 v62, v60;
	v31 =	vor.u32 v52, v38;
	v52 =	vld.idx.msk [tilespmem:v57+s21+$0x0], $0xffff;
	[tilespmem:v58+s26+$0x0] =	vst.idx.msk $0xffff, v45  }
0xf7: {  	v62 =	vand.u32 $0x7F, v61;
	v38 =	vor.u32 v3, v31;
	v45 =	vadd.s32 v26, v63;
	v36 =	vld.idx.msk [tilespmem:v49+s20+$0x0], $0xffff  }
0xf8: {  	v46 =	vor.u32 v8, v60;
	[tilespmem:v39+s26+$0x0] =	vst.idx.msk $0xffff, v56;
	v49 =	vld.idx.msk [tilespmem:v49+s21+$0x0], $0xffff;
	v45 =	vadd.s32 v1, v45  }
0xf9: {  	[tilespmem:v47+s26+$0x0] =	vst.idx.msk $0xffff, v37;
	v56 =	vmul.u32 $0x18, v62;
	v58 =	vand.u32 $0x7, v51;
	v47 =	vld.idx.msk [tilespmem:v43+s20+$0x0], $0xffff;
	v44 =	vadd.f32 v44, v53  }
0xfa: {  	v57 =	vor.u32 s19, v15;
	v63 =	vld.idx.msk [tilespmem:v43+s21+$0x0], $0xffff;
	v37 =	vor.u32 v58, v60;
	v34 =	vadd.f32 v34, v40  }
0xfb: {  	v58 =	vadd.s32 v42, v56;
	[tilespmem:v30+s26+$0x0] =	vst.idx.msk $0xffff, v44;
	v40 =	vor.u32 v10, v37;
	v37 =	vand.u32 $0x7B, v57  }
0xfc: {  	v30 =	vand.u32 $0x7, v61;
	v62 =	vmul.u32 $0x18, v37;
	v37 =	vld.idx.msk [tilespmem:v19+s20+$0x0], $0xffff;
	[tilespmem:v38+s26+$0x0] =	vst.idx.msk $0xffff, v34;
	v61 =	vadd.f32 v52, v48  }
0xfd: {  	v29 =	vor.u32 v9, v29;
	v42 =	vadd.s32 v16, v58;
	v43 =	vld.idx.msk [tilespmem:v45+s20+$0x0], $0xffff;
	v36 =	vadd.f32 v49, v36  }
0xfe: {  	v44 =	vadd.f32 v59, v55;
	v30 =	vor.u32 v30, v60;
	v45 =	vld.idx.msk [tilespmem:v45+s21+$0x0], $0xffff;
	[tilespmem:v46+s26+$0x0] =	vst.idx.msk $0xffff, v61  }
0xff: {  	v34 =	vadd.s32 v17, v41;
	v63 =	vadd.f32 v63, v47;
	v39 =	vld.idx.msk [tilespmem:v33+s20+$0x0], $0xffff;
	[tilespmem:v50+s26+$0x0] =	vst.idx.msk $0xffff, v36  }
0x100: {  	v30 =	vor.u32 v11, v30;
	v47 =	vor.u32 v4, v31;
	v38 =	vadd.s32 v26, v62;
	v36 =	vld.idx.msk [tilespmem:v32+s20+$0x0], $0xffff  }
0x101: {  	s10 =	simm.s32 $0x24;
	s9 =	simm.s32 $0x6;
	v46 =	vadd.s32 v14, v38;
	v38 =	vor.u32 v12, v60;
	[tilespmem:v35+s26+$0x0] =	vst.idx.msk $0xffff, v63;
	v41 =	vld.idx.msk [tilespmem:v32+s21+$0x0], $0xffff  }
.LBB2_3:
0x102: {  	s11 =	sadd.s32 $0xFFFFFFFC, s10;
	v35 =	vmov s10;
	v48 =	vor.u32 s10, v0;
	v49 =	vor.u32 s10, v15;
	v50 =	vld.idx.msk [tilespmem:v33+s21+$0x0], $0xffff;
	[tilespmem:v18+s26+$0x0] =	vst.idx.msk $0xffff, v44;
	v32 =	vmovc v40;
	v18 =	vmovc v20  }
0x103: {  	v40 =	vadd.f32 v45, v43;
	v43 =	vor.u32 v7, v21;
	v21 =	vmovc v31;
	v20 =	vmovc v23;
	v33 =	vmov s11;
	v44 =	vld.idx.msk [tilespmem:v24+s20+$0x0], $0xffff  }
0x104: {  	v52 =	vmovc v37;
	v31 =	vshrl.u32 v33, $0x7;
	v45 =	vand.u32 $0x78, v33;
	v33 =	vshrl.u32 v35, $0x7;
	v51 =	vld.idx.msk [tilespmem:v24+s21+$0x0], $0xffff;
	v24 =	vmovc v42  }
0x105: {  	v53 =	vand.u32 $0x7C, v35;
	v37 =	vmul.u32 $0xC00, v31;
	v42 =	vmul.u32 $0x18, v45;
	[tilespmem:v47+s26+$0x0] =	vst.idx.msk $0xffff, v40;
	v54 =	vld.idx.msk [tilespmem:v19+s21+$0x0], $0xffff;
	v19 =	vmovc v22  }
0x106: {  	v55 =	vor.u32 s19, v2;
	v23 =	vmovc v38;
	s19 =	smov.u32 s11;
	v47 =	vmul.u32 $0xC00, v33;
	v36 =	vadd.f32 v41, v36;
	v22 =	vmovc v34;
	v40 =	vld.idx.msk [tilespmem:v46+s20+$0x0], $0xffff  }
0x107: {  	s9 =	sadd.s32 $0x2, s9;
	v34 =	vmul.u32 $0x18, v53;
	v38 =	vadd.s32 v42, v37;
	v41 =	vld.idx.msk [tilespmem:v46+s21+$0x0], $0xffff;
	v42 =	vand.u32 $0x7B, v55  }
0x108: {  	p2 =	slt.u32 s9, $0x7E;
	v53 =	vand.u32 $0x7D, v48;
	v46 =	vor.u32 v13, v38;
	v42 =	vmul.u32 $0x18, v42;
	[tilespmem:v43+s26+$0x0] =	vst.idx.msk $0xffff, v36  }
0x109: {  	v33 =	vshll.u32 v33, $0xA;
	v34 =	vadd.s32 v34, v47;
	v36 =	vmul.u32 $0x18, v53  }
0x10a: {  	v43 =	vor.u32 v13, v34;
	v53 =	vor.u32 v5, v21;
	v42 =	vadd.s32 v26, v42;
	v26 =	vmovc v37  }
0x10b: {  	v35 =	vand.u32 $0x78, v35;
	v36 =	vadd.s32 v47, v36;
	v37 =	vadd.s32 v16, v42  }
0x10c: {  	v35 =	vor.u32 v35, v33;
	v33 =	vadd.s32 v1, v36;
	v36 =	vand.u32 $0x7F, v49  }
0x10d: {  	v55 =	vor.u32 s19, v0;
	v56 =	vor.u32 v8, v35;
	v40 =	vadd.f32 v41, v40;
	v42 =	vld.idx.msk [tilespmem:v46+s20+$0x0], $0xffff  }
0x10e: {  	v48 =	vand.u32 $0x5, v48;
	v36 =	vmul.u32 $0x18, v36;
	v41 =	vld.idx.msk [tilespmem:v46+s21+$0x0], $0xffff;
	v46 =	vand.u32 $0x79, v55  }
0x10f: {  	v31 =	vshll.u32 v31, $0xA;
	v39 =	vadd.f32 v50, v39;
	v46 =	vmul.u32 $0x18, v46;
	v55 =	vld.idx.msk [tilespmem:v43+s20+$0x0], $0xffff;
	[tilespmem:v53+s26+$0x0] =	vst.idx.msk $0xffff, v40  }
0x110: {  	v31 =	vor.u32 v45, v31;
	v36 =	vadd.s32 v47, v36;
	v40 =	vor.u32 v48, v35;
	v45 =	vld.idx.msk [tilespmem:v37+s20+$0x0], $0xffff  }
0x111: {  	v48 =	vor.u32 v3, v31;
	v40 =	vor.u32 v9, v40;
	v46 =	vadd.s32 v26, v46;
	v37 =	vld.idx.msk [tilespmem:v37+s21+$0x0], $0xffff  }
0x112: {  	v36 =	vadd.s32 v14, v36;
	v46 =	vadd.s32 v1, v46;
	v50 =	vld.idx.msk [tilespmem:v43+s21+$0x0], $0xffff;
	[tilespmem:v29+s26+$0x0] =	vst.idx.msk $0xffff, v39  }
0x113: {  	v44 =	vadd.f32 v51, v44;
	v39 =	vand.u32 $0x7, v49;
	v43 =	vor.u32 s10, v2;
	v29 =	vmovc v40;
	v49 =	vld.idx.msk [tilespmem:v28+s20+$0x0], $0xffff  }
0x114: {  	v51 =	vor.u32 v6, v21;
	v40 =	vadd.f32 v41, v42;
	v41 =	vand.u32 $0x7F, v43;
	v53 =	vld.idx.msk [tilespmem:v28+s21+$0x0], $0xffff;
	v28 =	vmovc v36  }
0x115: {  	v36 =	vor.u32 v39, v35;
	v39 =	vmul.u32 $0x18, v41;
	v41 =	vadd.s32 v17, v27;
	[tilespmem:v25+s26+$0x0] =	vst.idx.msk $0xffff, v44  }
0x116: {  	v34 =	vadd.s32 v17, v34;
	[tilespmem:v48+s26+$0x0] =	vst.idx.msk $0xffff, v40;
	v40 =	vor.u32 v10, v36;
	v36 =	vand.u32 $0x7, v43  }
0x117: {  	v27 =	vmovc v38;
	v48 =	vor.u32 s19, v15;
	v39 =	vadd.s32 v47, v39;
	v37 =	vadd.f32 v37, v45;
	v43 =	vld.idx.msk [tilespmem:v46+s20+$0x0], $0xffff  }
.Ltmp0:
0x118: {  	v25 =	vmovc v30;
	v38 =	vand.u32 $0x7B, v48;
	v44 =	vadd.f32 v50, v55;
	v42 =	vadd.s32 v16, v39;
	v45 =	vld.idx.msk [tilespmem:v46+s21+$0x0], $0xffff;
	(pc) =	sbr.rel @p2 .LBB2_3-.Ltmp0, $4  }
0x119: {  	v30 =	vor.u32 v36, v35;
	v38 =	vmul.u32 $0x18, v38;
	[tilespmem:v51+s26+$0x0] =	vst.idx.msk $0xffff, v37;
	v37 =	vld.idx.msk [tilespmem:v19+s20+$0x0], $0xffff  }
0x11a: {  	v30 =	vor.u32 v11, v30;
	v48 =	vadd.f32 v53, v49;
	[tilespmem:v56+s26+$0x0] =	vst.idx.msk $0xffff, v44;
	v36 =	vld.idx.msk [tilespmem:v41+s20+$0x0], $0xffff  }
0x11b: {  	v47 =	vor.u32 v4, v31;
	v38 =	vadd.s32 v26, v38;
	v44 =	vadd.f32 v54, v52;
	v41 =	vld.idx.msk [tilespmem:v41+s21+$0x0], $0xffff  }
0x11c: {  	s10 =	sadd.s32 $0x8, s10;
	v46 =	vadd.s32 v14, v38;
	v38 =	vor.u32 v12, v35;
	v39 =	vld.idx.msk [tilespmem:v33+s20+$0x0], $0xffff;
	[tilespmem:v32+s26+$0x0] =	vst.idx.msk $0xffff, v48  }
0x11d: {  	_ =	sdelay $0x3  }
0x11e: {  	v32 =	vld.idx.msk [tilespmem:v33+s21+$0x0], $0xffff;
	_ =	sdelay $0x2  }
0x11f: {  	v51 =	vadd.f32 v45, v43;
	_ =	sdelay $0x1  }
0x120: {  	v52 =	vor.u32 s19, v2;
	[tilespmem:v47+s26+$0x0] =	vst.idx.msk $0xffff, v51;
	v32 =	vadd.f32 v32, v39  }
0x121: {  	v33 =	vand.u32 $0x7B, v52;
	v35 =	vld.idx.msk [tilespmem:v46+s20+$0x0], $0xffff  }
0x122: {  	v33 =	vmul.u32 $0x18, v33;
	v53 =	vld.idx.msk [tilespmem:v46+s21+$0x0], $0xffff;
	[tilespmem:v29+s26+$0x0] =	vst.idx.msk $0xffff, v32  }
0x123: {  	v32 =	vld.idx.msk [tilespmem:v28+s20+$0x0], $0xffff  }
0x124: {  	v26 =	vadd.s32 v26, v33;
	v29 =	vor.u32 v5, v31;
	v28 =	vld.idx.msk [tilespmem:v28+s21+$0x0], $0xffff  }
0x125: {  	v26 =	vadd.s32 v16, v26;
	_ =	sdelay $0x1  }
0x126: {  	v54 =	vadd.f32 v53, v35  }
0x127: {  	v55 =	vld.idx.msk [tilespmem:v24+s20+$0x0], $0xffff  }
0x128: {  	v24 =	vld.idx.msk [tilespmem:v24+s21+$0x0], $0xffff;
	[tilespmem:v29+s26+$0x0] =	vst.idx.msk $0xffff, v54;
	v28 =	vadd.f32 v28, v32  }
0x129: {  	v29 =	vld.idx.msk [tilespmem:v26+s20+$0x0], $0xffff  }
0x12a: {  	v26 =	vld.idx.msk [tilespmem:v26+s21+$0x0], $0xffff;
	[tilespmem:v40+s26+$0x0] =	vst.idx.msk $0xffff, v28  }
0x12b: {  	v56 =	vld.idx.msk [tilespmem:v42+s20+$0x0], $0xffff  }
0x12c: {  	v28 =	vor.u32 v6, v31;
	v57 =	vld.idx.msk [tilespmem:v42+s21+$0x0], $0xffff  }
0x12d: {  	v27 =	vadd.s32 v17, v27;
	v24 =	vadd.f32 v24, v55;
	_ =	sdelay $0x1  }
0x12e: {  	v19 =	vld.idx.msk [tilespmem:v19+s21+$0x0], $0xffff;
	[tilespmem:v25+s26+$0x0] =	vst.idx.msk $0xffff, v24;
	v26 =	vadd.f32 v26, v29  }
0x12f: {  	v24 =	vld.idx.msk [tilespmem:v22+s20+$0x0], $0xffff  }
0x130: {  	v22 =	vld.idx.msk [tilespmem:v22+s21+$0x0], $0xffff;
	[tilespmem:v28+s26+$0x0] =	vst.idx.msk $0xffff, v26;
	v26 =	vadd.f32 v57, v56  }
0x131: {  	v25 =	vld.idx.msk [tilespmem:v27+s20+$0x0], $0xffff  }
0x132: {  	v27 =	vld.idx.msk [tilespmem:v27+s21+$0x0], $0xffff;
	[tilespmem:v30+s26+$0x0] =	vst.idx.msk $0xffff, v26  }
0x133: {  	v26 =	vld.idx.msk [tilespmem:v34+s20+$0x0], $0xffff  }
0x134: {  	[tilespmem:v18+s26+$0x0] =	vst.idx.msk $0xffff, v44;
	v18 =	vadd.f32 v19, v37;
	v28 =	vor.u32 v7, v31;
	v29 =	vld.idx.msk [tilespmem:v34+s21+$0x0], $0xffff  }
0x135: {  	v21 =	vor.u32 v7, v21  }
0x136: {  	[tilespmem:v20+s26+$0x0] =	vst.idx.msk $0xffff, v18;
	v18 =	vadd.f32 v22, v24  }
0x137: {  	v19 =	vadd.f32 v27, v25  }
0x138: {  	s9 =	sshll.u32 s12, $0xD;
	[tilespmem:v23+s26+$0x0] =	vst.idx.msk $0xffff, v18;
	v30 =	vadd.f32 v41, v36  }
0x139: {  	s9 =	sadd.s32 s15, s9;
	[tilespmem:v28+s26+$0x0] =	vst.idx.msk $0xffff, v19;
	v19 =	vadd.f32 v29, v26  }
0x13a: {  	s10 =	sshrl.u32 s9, $0x3;
	[tilespmem:v21+s26+$0x0] =	vst.idx.msk $0xffff, v30  }
0x13b: {  	s11 =	sadd.s32 $0x186A000, s9;
	s10 =	sadd.s32 s5, s10;
	[tilespmem:v38+s26+$0x0] =	vst.idx.msk $0xffff, v19  }
0x13c: {  	[hbm4b:s10+s6] =	stream.linear.scatter [tilespmem:s26], [sflag:$0x4], $0x1000, $0x38;
	[tilespmem:$0x12800] =	vst v63  }
0x13d: {  	s9 =	sadd.s32 $0x30D4000, s9;
	s10 =	sshrl.u32 s11, $0x3  }
0x13e: {  	s9 =	sshrl.u32 s9, $0x3;
	s10 =	sadd.s32 s5, s10  }
0x13f: {  	[hbm4b:s10+s6] =	stream.linear.scatter [tilespmem:s28], [sflag:$0x4], $0x1000, $0x38;
	[tilespmem:$0x12800] =	vst v63  }
0x140: {  	s9 =	sadd.s32 s5, s9  }
0x141: {  	[hbm4b:s9+s6] =	stream.linear.scatter [tilespmem:s29], [sflag:$0x4], $0x1000, $0x38;
	[tilespmem:$0x12800] =	vst v63  }
0x142: {  	_ =	swait.ge [sflag:s30], $0xC00  }
0x143: {  	[sflag:s30] =	ssyncset.done $0x0  }
0x144: {  	[sflag:s30] =	ssyncadd.s32 $0xFFFFF400  }
0x145: {  	_ =	swait.ge [sflag:s31], $0xC00  }
0x146: {  	[sflag:s31] =	ssyncset.done $0x0  }
0x147: {  	[sflag:s31] =	ssyncadd.s32 $0xFFFFF400  }
0x148: {  	_ =	swait.ge [sflag:s30], $0xC00  }
0x149: {  	[sflag:s30] =	ssyncset.done $0x0  }
0x14a: {  	[sflag:s30] =	ssyncadd.s32 $0xFFFFF400  }
0x14b: {  	_ =	swait.ge [sflag:s31], $0xC00  }
0x14c: {  	[sflag:s31] =	ssyncset.done $0x0  }
0x14d: {  	[sflag:s31] =	ssyncadd.s32 $0xFFFFF400  }
0x14e: {  	_ =	swait.ge [sflag:s30], $0xC00  }
0x14f: {  	[sflag:s30] =	ssyncset.done $0x0  }
0x150: {  	[sflag:s30] =	ssyncadd.s32 $0xFFFFF400  }
0x151: {  	_ =	swait.ge [sflag:s31], $0xC00  }
0x152: {  	[sflag:s31] =	ssyncset.done $0x0  }
0x153: {  	[sflag:s31] =	ssyncadd.s32 $0xFFFFF400  }
0x154: {  	_ =	swait.ge [sflag:s30], $0xC00  }
0x155: {  	[sflag:s30] =	ssyncset.done $0x0  }
0x156: {  	[sflag:s30] =	ssyncadd.s32 $0xFFFFF400  }
0x157: {  	_ =	swait.ge [sflag:s31], $0xC00  }
0x158: {  	[sflag:s31] =	ssyncset.done $0x0  }
0x159: {  	s9 =	simm.s32 @!p1 $0x3;
	[sflag:s31] =	ssyncadd.s32 $0xFFFFF400  }
0x15a: {  	_ =	swait.ge @!p1 [sflag:s9], $0x200  }
0x15b: {  	[sflag:s9] =	ssyncset.done @!p1 $0x0  }
0x15c: {  	[sflag:s9] =	ssyncadd.s32 @!p1 $0xFFFFFE00  }
0x15d: {  	_ =	swait.ge @!p1 [sflag:s9], $0x200  }
0x15e: {  	s11 =	simm.s32 @!p1 $0x400;
	[sflag:s9] =	ssyncset.done @!p1 $0x0  }
0x15f: {  	s10 =	simm.s32 @!p1 $0x0;
	[sflag:s9] =	ssyncadd.s32 @!p1 $0xFFFFFE00;
	s9 =	simm.s32 @!p1 $0x80  }
0x160: {  	[tilespmem:s11], [sflag:$0x1] =	stream.indirect.gather @!p1 [hbm4b:s7+s9], $0x18, s10, s9, $0xb8;
	[tilespmem:$0x12800] =	vst v63  }
0x161: {  	s10 =	simm.s32 @!p1 $0x200;
	s11 =	simm.s32 @!p1 $0x3400  }
0x162: {  	[tilespmem:s11], [sflag:$0x2] =	stream.indirect.gather @!p1 [hbm4b:s0+s9], $0x18, s10, s9, $0xb8;
	[tilespmem:$0x12800] =	vst v63  }
0x163: {  	s10 =	simm.s32 @!p1 $0x1000  }
0x164: {  	[tilespmem:s10], [sflag:$0x1] =	stream.indirect.gather @!p1 [hbm4b:s7+s9], $0x18, s9, s9, $0xb8;
	[tilespmem:$0x12800] =	vst v63  }
0x165: {  	s11 =	simm.s32 @!p1 $0x4000;
	s10 =	simm.s32 @!p1 $0x280  }
0x166: {  	[tilespmem:s11], [sflag:$0x2] =	stream.indirect.gather @!p1 [hbm4b:s0+s9], $0x18, s10, s9, $0xb8;
	[tilespmem:$0x12800] =	vst v63  }
0x167: {  	s10 =	simm.s32 @!p1 $0x100;
	s11 =	simm.s32 @!p1 $0x1C00  }
0x168: {  	[tilespmem:s11], [sflag:$0x1] =	stream.indirect.gather @!p1 [hbm4b:s7+s9], $0x18, s10, s9, $0xb8;
	[tilespmem:$0x12800] =	vst v63  }
0x169: {  	s10 =	simm.s32 @!p1 $0x300;
	s11 =	simm.s32 @!p1 $0x4C00  }
0x16a: {  	[tilespmem:s11], [sflag:$0x2] =	stream.indirect.gather @!p1 [hbm4b:s0+s9], $0x18, s10, s9, $0xb8;
	[tilespmem:$0x12800] =	vst v63  }
0x16b: {  	s10 =	simm.s32 @!p1 $0x180;
	s11 =	simm.s32 @!p1 $0x2800  }
0x16c: {  	[tilespmem:s11], [sflag:$0x1] =	stream.indirect.gather @!p1 [hbm4b:s7+s9], $0x18, s10, s9, $0xb8;
	[tilespmem:$0x12800] =	vst v63  }
0x16d: {  	s10 =	simm.s32 @!p1 $0x380;
	s11 =	simm.s32 @!p1 $0x5800  }
0x16e: {  	[tilespmem:s11], [sflag:$0x2] =	stream.indirect.gather @!p1 [hbm4b:s0+s9], $0x18, s10, s9, $0xb8;
	[tilespmem:$0x12800] =	vst v63  }
0x16f: {  	s9 =	sadd.s32 $0x3, s18  }
0x170: {  	p1 =	sge.u32 s9, s8  }
0x171: {  	s9 =	sshll.u32 @!p1 s9, $0x9  }
0x172: {  	s9 =	sadd.s32 @!p1 s14, s9  }
0x173: {  	s9 =	sshrl.u32 @!p1 s9, $0x3  }
0x174: {  	s11 =	simm.s32 @!p1 $0x0;
	s18 =	simm.s32 @!p1 $0x9400;
	s10 =	sadd.s32 @!p1 s1, s9  }
0x175: {  	[tilespmem:s18], [sflag:$0x7] =	stream.linear.gather @!p1 [hbm4b:s10+s11], $0x200, $0x38;
	[tilespmem:$0x12800] =	vst v63  }
0x176: {  	s9 =	sadd.s32 @!p1 s2, s9;
	s10 =	simm.s32 @!p1 $0x9600;
	s18 =	simm.s32 $0x0  }
0x177: {  	[tilespmem:s10], [sflag:$0x7] =	stream.linear.gather @!p1 [hbm4b:s9+s11], $0x200, $0x38;
	[tilespmem:$0x12800] =	vst v63  }
0x178: {  	v18 =	vmov s18;
	s10 =	simm.s32 @!p0 $0x8  }
0x179: {  	s19 =	simm.s32 $0x4;
	v20 =	vshrl.u32 v18, $0x7;
	v18 =	vand.u32 $0x78, v18;
	_ =	swait.ge @!p0 [sflag:s10], $0x1000  }
0x17a: {  	v21 =	vmov s19;
	v25 =	vmul.u32 $0xC00, v20;
	v19 =	vmul.u32 $0x18, v18;
	[sflag:s10] =	ssyncset.done @!p0 $0x0  }
0x17b: {  	v23 =	vshrl.u32 v21, $0x7;
	[sflag:s10] =	ssyncadd.s32 @!p0 $0xFFFFF000  }
0x17c: {  	v24 =	vand.u32 $0x7C, v21;
	v21 =	vand.u32 $0x78, v21;
	v19 =	vadd.s32 v19, v25;
	_ =	swait.ge @!p0 [sflag:s10], $0x1000  }
0x17d: {  	v27 =	vmul.u32 $0xC00, v23;
	v26 =	vor.u32 s19, v0;
	v22 =	vor.u32 v13, v19;
	[sflag:s10] =	ssyncset.done @!p0 $0x0  }
0x17e: {  	v24 =	vmul.u32 $0x18, v24;
	v23 =	vshll.u32 v23, $0xA;
	v29 =	vand.u32 $0x7D, v26;
	[sflag:s10] =	ssyncadd.s32 @!p0 $0xFFFFF000  }
0x17f: {  	v59 =	vor.u32 v21, v23;
	v29 =	vmul.u32 $0x18, v29;
	_ =	swait.ge @!p0 [sflag:s10], $0x1000  }
0x180: {  	v28 =	vor.u32 s19, v15;
	v30 =	vadd.s32 v24, v27;
	v60 =	vor.u32 v8, v59;
	[sflag:s10] =	ssyncset.done @!p0 $0x0  }
0x181: {  	v31 =	vor.u32 v13, v30;
	v29 =	vadd.s32 v27, v29;
	v24 =	vor.u32 s18, v0;
	[sflag:s10] =	ssyncadd.s32 @!p0 $0xFFFFF000  }
0x182: {  	v29 =	vadd.s32 v1, v29;
	v24 =	vand.u32 $0x79, v24;
	s11 =	simm.s32 $0xC;
	v20 =	vshll.u32 v20, $0xA;
	v58 =	vld.idx.msk [tilespmem:v22+s4+$0x0], $0xffff  }
0x183: {  	v24 =	vmul.u32 $0x18, v24;
	v62 =	vmov s11;
	v63 =	vor.u32 s11, v0;
	v22 =	vld.idx.msk [tilespmem:v22+s3+$0x0], $0xffff  }
0x184: {  	v41 =	vor.u32 s11, v15;
	v23 =	vor.u32 v18, v20;
	v18 =	vand.u32 $0x7F, v28  }
0x185: {  	v54 =	vshrl.u32 v62, $0x7;
	v55 =	vand.u32 $0x7C, v62;
	v20 =	vor.u32 v3, v23  }
0x186: {  	v21 =	vadd.s32 v25, v24;
	v24 =	vand.u32 $0x5, v26;
	v18 =	vmul.u32 $0x18, v18  }
0x187: {  	v37 =	vand.u32 $0x5, v63;
	v21 =	vadd.s32 v1, v21;
	v24 =	vor.u32 v24, v59;
	v26 =	vld.idx.msk [tilespmem:v31+s4+$0x0], $0xffff  }
0x188: {  	v18 =	vadd.s32 v27, v18;
	v35 =	vor.u32 v9, v24;
	v31 =	vld.idx.msk [tilespmem:v31+s3+$0x0], $0xffff;
	v22 =	vadd.f32 v22, v58  }
0x189: {  	v32 =	vadd.s32 v14, v18;
	v18 =	vand.u32 $0x7, v28;
	v28 =	vor.u32 s19, v2  }
0x18a: {  	v24 =	vand.u32 $0x7F, v28;
	v18 =	vor.u32 v18, v59;
	[tilespmem:v20+s22+$0x0] =	vst.idx.msk $0xffff, v22;
	v20 =	vor.u32 s18, v15  }
0x18b: {  	v22 =	vmul.u32 $0x18, v24;
	v24 =	vor.u32 v10, v18;
	v18 =	vand.u32 $0x7B, v20  }
0x18c: {  	v61 =	vld.idx.msk [tilespmem:v21+s4+$0x0], $0xffff;
	v20 =	vand.u32 $0x7, v28;
	v28 =	vadd.s32 v17, v30;
	v18 =	vmul.u32 $0x18, v18  }
0x18d: {  	s19 =	simm.s32 $0x8;
	v30 =	vld.idx.msk [tilespmem:v21+s3+$0x0], $0xffff;
	v21 =	vadd.s32 v27, v22;
	v27 =	vadd.f32 v31, v26;
	v20 =	vor.u32 v20, v59  }
0x18e: {  	v22 =	vmov s19;
	v26 =	vor.u32 v11, v20;
	v20 =	vor.u32 v4, v23  }
0x18f: {  	v52 =	vshrl.u32 v22, $0x7;
	v53 =	vand.u32 $0x78, v22;
	v18 =	vadd.s32 v25, v18  }
0x190: {  	v40 =	vmul.u32 $0xC00, v52;
	v22 =	vmul.u32 $0x18, v53;
	[tilespmem:v60+s22+$0x0] =	vst.idx.msk $0xffff, v27;
	v31 =	vadd.s32 v14, v18  }
0x191: {  	v43 =	vmul.u32 $0xC00, v54;
	v39 =	vshll.u32 v54, $0xA;
	v58 =	vand.u32 $0x7D, v63;
	v34 =	vld.idx.msk [tilespmem:v29+s4+$0x0], $0xffff  }
0x192: {  	v21 =	vadd.s32 v16, v21;
	v29 =	vld.idx.msk [tilespmem:v29+s3+$0x0], $0xffff;
	v30 =	vadd.f32 v30, v61;
	v22 =	vadd.s32 v22, v40  }
0x193: {  	v60 =	vor.u32 v5, v23;
	v61 =	vor.u32 s19, v0;
	v57 =	vor.u32 v13, v22  }
0x194: {  	v33 =	vand.u32 $0x79, v61;
	[tilespmem:v20+s22+$0x0] =	vst.idx.msk $0xffff, v30;
	v20 =	vor.u32 s18, v2;
	v30 =	vmul.u32 $0x18, v55  }
0x195: {  	v18 =	vor.u32 v12, v59;
	v33 =	vmul.u32 $0x18, v33;
	v20 =	vand.u32 $0x7B, v20;
	v56 =	vld.idx.msk [tilespmem:v31+s4+$0x0], $0xffff  }
0x196: {  	v27 =	vld.idx.msk [tilespmem:v31+s3+$0x0], $0xffff;
	v20 =	vmul.u32 $0x18, v20;
	v30 =	vadd.s32 v30, v43;
	v31 =	vmul.u32 $0x18, v58  }
0x197: {  	v29 =	vadd.f32 v29, v34;
	v33 =	vadd.s32 v40, v33;
	v59 =	vor.u32 v13, v30  }
0x198: {  	v58 =	vadd.s32 v17, v19;
	v34 =	vor.u32 v7, v23;
	v20 =	vadd.s32 v25, v20;
	v48 =	vld.idx.msk [tilespmem:v57+s4+$0x0], $0xffff  }
0x199: {  	v36 =	vshll.u32 v52, $0xA;
	v25 =	vand.u32 $0x78, v62;
	v62 =	vld.idx.msk [tilespmem:v57+s3+$0x0], $0xffff;
	[tilespmem:v35+s22+$0x0] =	vst.idx.msk $0xffff, v29;
	v20 =	vadd.s32 v16, v20  }
0x19a: {  	v33 =	vadd.s32 v1, v33;
	v19 =	vadd.s32 v17, v30;
	v31 =	vadd.s32 v43, v31;
	v35 =	vld.idx.msk [tilespmem:v32+s4+$0x0], $0xffff  }
0x19b: {  	v57 =	vor.u32 v6, v23;
	v25 =	vor.u32 v25, v39;
	v32 =	vld.idx.msk [tilespmem:v32+s3+$0x0], $0xffff;
	v27 =	vadd.f32 v27, v56  }
0x19c: {  	v39 =	vadd.s32 v1, v31;
	v31 =	vand.u32 $0x7F, v41;
	v47 =	vor.u32 v8, v25;
	v63 =	vld.idx.msk [tilespmem:v59+s4+$0x0], $0xffff  }
0x19d: {  	v29 =	vand.u32 $0x7, v41;
	v31 =	vmul.u32 $0x18, v31;
	v54 =	vld.idx.msk [tilespmem:v59+s3+$0x0], $0xffff;
	[tilespmem:v60+s22+$0x0] =	vst.idx.msk $0xffff, v27;
	v27 =	vor.u32 v53, v36  }
0x19e: {  	v51 =	vor.u32 v37, v25;
	v29 =	vor.u32 v29, v25;
	v52 =	vld.idx.msk [tilespmem:v20+s4+$0x0], $0xffff;
	v53 =	vor.u32 v3, v27  }
0x19f: {  	v38 =	vor.u32 v9, v51;
	v29 =	vor.u32 v10, v29;
	v31 =	vadd.s32 v43, v31;
	v20 =	vld.idx.msk [tilespmem:v20+s3+$0x0], $0xffff  }
0x1a0: {  	v59 =	vor.u32 s19, v15;
	v45 =	vadd.s32 v14, v31;
	v31 =	vor.u32 s11, v2  }
0x1a1: {  	v55 =	vadd.f32 v62, v48;
	v30 =	vand.u32 $0x7B, v59;
	v56 =	vand.u32 $0x7F, v31  }
0x1a2: {  	v60 =	vand.u32 $0x7, v31;
	v35 =	vadd.f32 v32, v35;
	v42 =	vmul.u32 $0x18, v56  }
0x1a3: {  	v61 =	vmul.u32 $0x18, v30;
	v30 =	vor.u32 v60, v25;
	v62 =	vadd.f32 v54, v63;
	[tilespmem:v53+s22+$0x0] =	vst.idx.msk $0xffff, v55  }
0x1a4: {  	s9 =	simm.s32 $0x14;
	v30 =	vor.u32 v11, v30;
	v31 =	vadd.s32 v43, v42;
	v20 =	vadd.f32 v20, v52;
	v49 =	vld.idx.msk [tilespmem:v33+s4+$0x0], $0xffff  }
0x1a5: {  	v44 =	vor.u32 s9, v15;
	v43 =	vor.u32 s9, v0;
	v31 =	vadd.s32 v16, v31;
	[tilespmem:v47+s22+$0x0] =	vst.idx.msk $0xffff, v62;
	v33 =	vld.idx.msk [tilespmem:v33+s3+$0x0], $0xffff  }
0x1a6: {  	v55 =	vor.u32 v4, v27;
	v52 =	vor.u32 s19, v2;
	v62 =	vand.u32 $0x7D, v43;
	[tilespmem:v57+s22+$0x0] =	vst.idx.msk $0xffff, v20  }
0x1a7: {  	s11 =	simm.s32 $0x10;
	v43 =	vand.u32 $0x5, v43;
	v20 =	vadd.s32 v40, v61;
	v61 =	vand.u32 $0x7B, v52;
	v63 =	vld.idx.msk [tilespmem:v58+s4+$0x0], $0xffff  }
0x1a8: {  	v56 =	vadd.s32 v14, v20;
	v57 =	vld.idx.msk [tilespmem:v58+s3+$0x0], $0xffff;
	v20 =	vor.u32 v12, v25;
	v58 =	vmov s11  }
0x1a9: {  	v25 =	vmov s9;
	v41 =	vmul.u32 $0x18, v61;
	v23 =	vshrl.u32 v58, $0x7  }
0x1aa: {  	v46 =	vand.u32 $0x78, v58;
	v60 =	vshrl.u32 v25, $0x7;
	v59 =	vadd.f32 v33, v49  }
0x1ab: {  	[tilespmem:v24+s22+$0x0] =	vst.idx.msk $0xffff, v35;
	v51 =	vand.u32 $0x7C, v25;
	v50 =	vmul.u32 $0x18, v46;
	v33 =	vmul.u32 $0xC00, v23  }
0x1ac: {  	v58 =	vor.u32 v5, v27;
	v48 =	vmul.u32 $0xC00, v60;
	v24 =	vshll.u32 v60, $0xA;
	v60 =	vld.idx.msk [tilespmem:v21+s4+$0x0], $0xffff;
	[tilespmem:v55+s22+$0x0] =	vst.idx.msk $0xffff, v59  }
0x1ad: {  	v36 =	vadd.f32 v57, v63;
	v32 =	vadd.s32 v50, v33;
	v55 =	vmul.u32 $0x18, v51;
	v63 =	vld.idx.msk [tilespmem:v39+s4+$0x0], $0xffff  }
0x1ae: {  	v25 =	vand.u32 $0x78, v25;
	v40 =	vadd.s32 v40, v41;
	v53 =	vld.idx.msk [tilespmem:v56+s4+$0x0], $0xffff;
	v47 =	vor.u32 v13, v32  }
0x1af: {  	v40 =	vadd.s32 v16, v40;
	v52 =	vor.u32 v25, v24;
	v56 =	vld.idx.msk [tilespmem:v56+s3+$0x0], $0xffff;
	v42 =	vadd.s32 v55, v48  }
0x1b0: {  	v25 =	vor.u32 s11, v0;
	v50 =	vmul.u32 $0x18, v62;
	v39 =	vld.idx.msk [tilespmem:v39+s3+$0x0], $0xffff;
	v57 =	vor.u32 v13, v42  }
0x1b1: {  	v24 =	vld.idx.msk [tilespmem:v21+s3+$0x0], $0xffff;
	v21 =	vand.u32 $0x7F, v44;
	v54 =	vor.u32 v8, v52;
	v25 =	vand.u32 $0x79, v25  }
0x1b2: {  	s19 =	simm.s32 $0x1C;
	v32 =	vadd.s32 v17, v32;
	v59 =	vadd.s32 v48, v50;
	v55 =	vmul.u32 $0x18, v21  }
0x1b3: {  	v21 =	vshll.u32 v23, $0xA;
	v23 =	vmul.u32 $0x18, v25;
	v50 =	vor.u32 s19, v0;
	v61 =	vld.idx.msk [tilespmem:v47+s4+$0x0], $0xffff  }
0x1b4: {  	v41 =	vadd.s32 v1, v59;
	v21 =	vor.u32 v46, v21;
	v37 =	vadd.f32 v56, v53;
	v47 =	vld.idx.msk [tilespmem:v47+s3+$0x0], $0xffff  }
0x1b5: {  	v55 =	vadd.s32 v48, v55;
	v23 =	vadd.s32 v33, v23;
	v62 =	vadd.f32 v39, v63;
	v25 =	vld.idx.msk [tilespmem:v57+s4+$0x0], $0xffff  }
0x1b6: {  	v49 =	vmov s19;
	v63 =	vor.u32 v43, v52;
	v23 =	vadd.s32 v1, v23;
	[tilespmem:v58+s22+$0x0] =	vst.idx.msk $0xffff, v37;
	v51 =	vld.idx.msk [tilespmem:v57+s3+$0x0], $0xffff  }
0x1b7: {  	v43 =	vadd.s32 v14, v55;
	v56 =	vor.u32 v3, v21;
	v39 =	vor.u32 v9, v63;
	v46 =	vld.idx.msk [tilespmem:v40+s4+$0x0], $0xffff  }
0x1b8: {  	[tilespmem:v38+s22+$0x0] =	vst.idx.msk $0xffff, v62;
	v38 =	vadd.f32 v24, v60;
	v57 =	vand.u32 $0x7, v44;
	v58 =	vor.u32 s9, v2;
	v40 =	vld.idx.msk [tilespmem:v40+s3+$0x0], $0xffff  }
0x1b9: {  	v62 =	vadd.s32 v17, v22;
	v60 =	vand.u32 $0x7F, v58;
	v35 =	vor.u32 v57, v52  }
0x1ba: {  	v59 =	vld.idx.msk [tilespmem:v45+s4+$0x0], $0xffff;
	v24 =	vadd.f32 v47, v61;
	v61 =	vor.u32 v6, v27;
	v47 =	vmul.u32 $0x18, v60  }
0x1bb: {  	v22 =	vadd.s32 v17, v42;
	v45 =	vld.idx.msk [tilespmem:v45+s3+$0x0], $0xffff;
	v37 =	vand.u32 $0x7, v58;
	v35 =	vor.u32 v10, v35  }
0x1bc: {  	[tilespmem:v56+s22+$0x0] =	vst.idx.msk $0xffff, v24;
	v24 =	vor.u32 s11, v15;
	v55 =	vadd.s32 v48, v47;
	v58 =	vadd.f32 v51, v25  }
0x1bd: {  	v25 =	vor.u32 v37, v52;
	v47 =	vor.u32 v7, v27;
	v63 =	vld.idx.msk [tilespmem:v23+s4+$0x0], $0xffff;
	v40 =	vadd.f32 v40, v46  }
0x1be: {  	v51 =	vor.u32 s19, v15;
	v24 =	vand.u32 $0x7B, v24;
	v56 =	vld.idx.msk [tilespmem:v23+s3+$0x0], $0xffff;
	v25 =	vor.u32 v11, v25;
	[tilespmem:v54+s22+$0x0] =	vst.idx.msk $0xffff, v58  }
0x1bf: {  	v23 =	vmul.u32 $0x18, v24;
	v24 =	vadd.s32 v16, v55;
	v58 =	vand.u32 $0x7C, v49;
	[tilespmem:v61+s22+$0x0] =	vst.idx.msk $0xffff, v40  }
0x1c0: {  	s18 =	simm.s32 $0x18;
	v40 =	vadd.f32 v45, v59;
	v59 =	vor.u32 v4, v21;
	v48 =	vmul.u32 $0x18, v58;
	v57 =	vld.idx.msk [tilespmem:v62+s4+$0x0], $0xffff  }
0x1c1: {  	v58 =	vor.u32 v5, v21;
	v23 =	vadd.s32 v33, v23;
	v60 =	vld.idx.msk [tilespmem:v62+s3+$0x0], $0xffff;
	v62 =	vmov s18  }
0x1c2: {  	[tilespmem:v26+s22+$0x0] =	vst.idx.msk $0xffff, v38;
	v61 =	vadd.s32 v14, v23;
	v23 =	vor.u32 v12, v52;
	v38 =	vshrl.u32 v62, $0x7  }
0x1c3: {  	v55 =	vld.idx.msk [tilespmem:v28+s4+$0x0], $0xffff;
	v52 =	vand.u32 $0x78, v62;
	v62 =	vand.u32 $0x5, v50;
	v42 =	vadd.f32 v56, v63  }
0x1c4: {  	v54 =	vld.idx.msk [tilespmem:v41+s4+$0x0], $0xffff;
	[tilespmem:v29+s22+$0x0] =	vst.idx.msk $0xffff, v40;
	v63 =	vshrl.u32 v49, $0x7;
	v26 =	vmul.u32 $0xC00, v38;
	v27 =	vmul.u32 $0x18, v52  }
0x1c5: {  	v29 =	vld.idx.msk [tilespmem:v41+s3+$0x0], $0xffff;
	v38 =	vshll.u32 v38, $0xA;
	[tilespmem:v59+s22+$0x0] =	vst.idx.msk $0xffff, v42;
	v42 =	vmul.u32 $0xC00, v63;
	v59 =	vor.u32 s11, v2  }
0x1c6: {  	v27 =	vadd.s32 v27, v26;
	v37 =	vadd.f32 v60, v57;
	v44 =	vand.u32 $0x7B, v59;
	v59 =	vld.idx.msk [tilespmem:v28+s3+$0x0], $0xffff  }
0x1c7: {  	v56 =	vor.u32 v13, v27;
	v57 =	vand.u32 $0x7D, v50;
	v60 =	vshll.u32 v63, $0xA;
	v45 =	vld.idx.msk [tilespmem:v61+s4+$0x0], $0xffff  }
0x1c8: {  	v28 =	vand.u32 $0x7F, v51;
	v46 =	vld.idx.msk [tilespmem:v61+s3+$0x0], $0xffff;
	v44 =	vmul.u32 $0x18, v44;
	v41 =	vadd.s32 v48, v42  }
0x1c9: {  	v53 =	vld.idx.msk [tilespmem:v31+s4+$0x0], $0xffff;
	v61 =	vmul.u32 $0x18, v57;
	v28 =	vmul.u32 $0x18, v28;
	v57 =	vor.u32 v13, v41  }
0x1ca: {  	v50 =	vor.u32 v6, v21;
	v33 =	vadd.s32 v33, v44;
	v44 =	vld.idx.msk [tilespmem:v31+s3+$0x0], $0xffff;
	v31 =	vand.u32 $0x78, v49  }
0x1cb: {  	v48 =	vadd.s32 v42, v61;
	v28 =	vadd.s32 v42, v28;
	v49 =	vadd.s32 v16, v33  }
0x1cc: {  	[tilespmem:v34+s22+$0x0] =	vst.idx.msk $0xffff, v36;
	v61 =	vor.u32 s19, v2;
	v60 =	vor.u32 v31, v60;
	v31 =	vor.u32 s18, v0;
	v40 =	vld.idx.msk [tilespmem:v56+s4+$0x0], $0xffff  }
0x1cd: {  	v33 =	vadd.s32 v1, v48;
	v34 =	vld.idx.msk [tilespmem:v56+s3+$0x0], $0xffff;
	v31 =	vand.u32 $0x79, v31;
	v45 =	vadd.f32 v46, v45  }
0x1ce: {  	v28 =	vadd.s32 v14, v28;
	v56 =	vadd.f32 v29, v54;
	v63 =	vmul.u32 $0x18, v31;
	v48 =	vld.idx.msk [tilespmem:v57+s4+$0x0], $0xffff  }
0x1cf: {  	v29 =	vor.u32 v62, v60;
	v31 =	vor.u32 v52, v38;
	v52 =	vld.idx.msk [tilespmem:v57+s3+$0x0], $0xffff;
	[tilespmem:v58+s22+$0x0] =	vst.idx.msk $0xffff, v45  }
0x1d0: {  	v62 =	vand.u32 $0x7F, v61;
	v38 =	vor.u32 v3, v31;
	v45 =	vadd.s32 v26, v63;
	v36 =	vld.idx.msk [tilespmem:v49+s4+$0x0], $0xffff  }
0x1d1: {  	v46 =	vor.u32 v8, v60;
	[tilespmem:v39+s22+$0x0] =	vst.idx.msk $0xffff, v56;
	v49 =	vld.idx.msk [tilespmem:v49+s3+$0x0], $0xffff;
	v45 =	vadd.s32 v1, v45  }
0x1d2: {  	[tilespmem:v47+s22+$0x0] =	vst.idx.msk $0xffff, v37;
	v56 =	vmul.u32 $0x18, v62;
	v58 =	vand.u32 $0x7, v51;
	v47 =	vld.idx.msk [tilespmem:v43+s4+$0x0], $0xffff;
	v44 =	vadd.f32 v44, v53  }
0x1d3: {  	v57 =	vor.u32 s18, v15;
	v63 =	vld.idx.msk [tilespmem:v43+s3+$0x0], $0xffff;
	v37 =	vor.u32 v58, v60;
	v34 =	vadd.f32 v34, v40  }
0x1d4: {  	v58 =	vadd.s32 v42, v56;
	[tilespmem:v30+s22+$0x0] =	vst.idx.msk $0xffff, v44;
	v40 =	vor.u32 v10, v37;
	v37 =	vand.u32 $0x7B, v57  }
0x1d5: {  	v30 =	vand.u32 $0x7, v61;
	v62 =	vmul.u32 $0x18, v37;
	v37 =	vld.idx.msk [tilespmem:v19+s4+$0x0], $0xffff;
	[tilespmem:v38+s22+$0x0] =	vst.idx.msk $0xffff, v34;
	v61 =	vadd.f32 v52, v48  }
0x1d6: {  	v29 =	vor.u32 v9, v29;
	v42 =	vadd.s32 v16, v58;
	v43 =	vld.idx.msk [tilespmem:v45+s4+$0x0], $0xffff;
	v36 =	vadd.f32 v49, v36  }
0x1d7: {  	v44 =	vadd.f32 v59, v55;
	v30 =	vor.u32 v30, v60;
	v45 =	vld.idx.msk [tilespmem:v45+s3+$0x0], $0xffff;
	[tilespmem:v46+s22+$0x0] =	vst.idx.msk $0xffff, v61  }
0x1d8: {  	v34 =	vadd.s32 v17, v41;
	v63 =	vadd.f32 v63, v47;
	v39 =	vld.idx.msk [tilespmem:v33+s4+$0x0], $0xffff;
	[tilespmem:v50+s22+$0x0] =	vst.idx.msk $0xffff, v36  }
0x1d9: {  	v30 =	vor.u32 v11, v30;
	v47 =	vor.u32 v4, v31;
	v38 =	vadd.s32 v26, v62;
	v36 =	vld.idx.msk [tilespmem:v32+s4+$0x0], $0xffff  }
0x1da: {  	s10 =	simm.s32 $0x24;
	s9 =	simm.s32 $0x6;
	v46 =	vadd.s32 v14, v38;
	v38 =	vor.u32 v12, v60;
	[tilespmem:v35+s22+$0x0] =	vst.idx.msk $0xffff, v63;
	v41 =	vld.idx.msk [tilespmem:v32+s3+$0x0], $0xffff  }
.LBB2_5:
0x1db: {  	s11 =	sadd.s32 $0xFFFFFFFC, s10;
	v35 =	vmov s10;
	v48 =	vor.u32 s10, v0;
	v49 =	vor.u32 s10, v15;
	v50 =	vld.idx.msk [tilespmem:v33+s3+$0x0], $0xffff;
	[tilespmem:v18+s22+$0x0] =	vst.idx.msk $0xffff, v44;
	v32 =	vmovc v40;
	v18 =	vmovc v20  }
0x1dc: {  	v40 =	vadd.f32 v45, v43;
	v43 =	vor.u32 v7, v21;
	v21 =	vmovc v31;
	v20 =	vmovc v23;
	v33 =	vmov s11;
	v44 =	vld.idx.msk [tilespmem:v24+s4+$0x0], $0xffff  }
0x1dd: {  	v52 =	vmovc v37;
	v31 =	vshrl.u32 v33, $0x7;
	v45 =	vand.u32 $0x78, v33;
	v33 =	vshrl.u32 v35, $0x7;
	v51 =	vld.idx.msk [tilespmem:v24+s3+$0x0], $0xffff;
	v24 =	vmovc v42  }
0x1de: {  	v53 =	vand.u32 $0x7C, v35;
	v37 =	vmul.u32 $0xC00, v31;
	v42 =	vmul.u32 $0x18, v45;
	[tilespmem:v47+s22+$0x0] =	vst.idx.msk $0xffff, v40;
	v54 =	vld.idx.msk [tilespmem:v19+s3+$0x0], $0xffff;
	v19 =	vmovc v22  }
0x1df: {  	v55 =	vor.u32 s18, v2;
	v23 =	vmovc v38;
	s18 =	smov.u32 s11;
	v47 =	vmul.u32 $0xC00, v33;
	v36 =	vadd.f32 v41, v36;
	v22 =	vmovc v34;
	v40 =	vld.idx.msk [tilespmem:v46+s4+$0x0], $0xffff  }
0x1e0: {  	s9 =	sadd.s32 $0x2, s9;
	v34 =	vmul.u32 $0x18, v53;
	v38 =	vadd.s32 v42, v37;
	v41 =	vld.idx.msk [tilespmem:v46+s3+$0x0], $0xffff;
	v42 =	vand.u32 $0x7B, v55  }
0x1e1: {  	p0 =	slt.u32 s9, $0x7E;
	v53 =	vand.u32 $0x7D, v48;
	v46 =	vor.u32 v13, v38;
	v42 =	vmul.u32 $0x18, v42;
	[tilespmem:v43+s22+$0x0] =	vst.idx.msk $0xffff, v36  }
0x1e2: {  	v33 =	vshll.u32 v33, $0xA;
	v34 =	vadd.s32 v34, v47;
	v36 =	vmul.u32 $0x18, v53  }
0x1e3: {  	v43 =	vor.u32 v13, v34;
	v53 =	vor.u32 v5, v21;
	v42 =	vadd.s32 v26, v42;
	v26 =	vmovc v37  }
0x1e4: {  	v35 =	vand.u32 $0x78, v35;
	v36 =	vadd.s32 v47, v36;
	v37 =	vadd.s32 v16, v42  }
0x1e5: {  	v35 =	vor.u32 v35, v33;
	v33 =	vadd.s32 v1, v36;
	v36 =	vand.u32 $0x7F, v49  }
0x1e6: {  	v55 =	vor.u32 s18, v0;
	v56 =	vor.u32 v8, v35;
	v40 =	vadd.f32 v41, v40;
	v42 =	vld.idx.msk [tilespmem:v46+s4+$0x0], $0xffff  }
0x1e7: {  	v48 =	vand.u32 $0x5, v48;
	v36 =	vmul.u32 $0x18, v36;
	v41 =	vld.idx.msk [tilespmem:v46+s3+$0x0], $0xffff;
	v46 =	vand.u32 $0x79, v55  }
0x1e8: {  	v31 =	vshll.u32 v31, $0xA;
	v39 =	vadd.f32 v50, v39;
	v46 =	vmul.u32 $0x18, v46;
	v55 =	vld.idx.msk [tilespmem:v43+s4+$0x0], $0xffff;
	[tilespmem:v53+s22+$0x0] =	vst.idx.msk $0xffff, v40  }
0x1e9: {  	v31 =	vor.u32 v45, v31;
	v36 =	vadd.s32 v47, v36;
	v40 =	vor.u32 v48, v35;
	v45 =	vld.idx.msk [tilespmem:v37+s4+$0x0], $0xffff  }
0x1ea: {  	v48 =	vor.u32 v3, v31;
	v40 =	vor.u32 v9, v40;
	v46 =	vadd.s32 v26, v46;
	v37 =	vld.idx.msk [tilespmem:v37+s3+$0x0], $0xffff  }
0x1eb: {  	v36 =	vadd.s32 v14, v36;
	v46 =	vadd.s32 v1, v46;
	v50 =	vld.idx.msk [tilespmem:v43+s3+$0x0], $0xffff;
	[tilespmem:v29+s22+$0x0] =	vst.idx.msk $0xffff, v39  }
0x1ec: {  	v44 =	vadd.f32 v51, v44;
	v39 =	vand.u32 $0x7, v49;
	v43 =	vor.u32 s10, v2;
	v29 =	vmovc v40;
	v49 =	vld.idx.msk [tilespmem:v28+s4+$0x0], $0xffff  }
0x1ed: {  	v51 =	vor.u32 v6, v21;
	v40 =	vadd.f32 v41, v42;
	v41 =	vand.u32 $0x7F, v43;
	v53 =	vld.idx.msk [tilespmem:v28+s3+$0x0], $0xffff;
	v28 =	vmovc v36  }
0x1ee: {  	v36 =	vor.u32 v39, v35;
	v39 =	vmul.u32 $0x18, v41;
	v41 =	vadd.s32 v17, v27;
	[tilespmem:v25+s22+$0x0] =	vst.idx.msk $0xffff, v44  }
0x1ef: {  	v34 =	vadd.s32 v17, v34;
	[tilespmem:v48+s22+$0x0] =	vst.idx.msk $0xffff, v40;
	v40 =	vor.u32 v10, v36;
	v36 =	vand.u32 $0x7, v43  }
0x1f0: {  	v27 =	vmovc v38;
	v48 =	vor.u32 s18, v15;
	v39 =	vadd.s32 v47, v39;
	v37 =	vadd.f32 v37, v45;
	v43 =	vld.idx.msk [tilespmem:v46+s4+$0x0], $0xffff  }
.Ltmp1:
0x1f1: {  	v25 =	vmovc v30;
	v38 =	vand.u32 $0x7B, v48;
	v44 =	vadd.f32 v50, v55;
	v42 =	vadd.s32 v16, v39;
	v45 =	vld.idx.msk [tilespmem:v46+s3+$0x0], $0xffff;
	(pc) =	sbr.rel @p0 .LBB2_5-.Ltmp1, $4  }
0x1f2: {  	v30 =	vor.u32 v36, v35;
	v38 =	vmul.u32 $0x18, v38;
	[tilespmem:v51+s22+$0x0] =	vst.idx.msk $0xffff, v37;
	v37 =	vld.idx.msk [tilespmem:v19+s4+$0x0], $0xffff  }
0x1f3: {  	v30 =	vor.u32 v11, v30;
	v48 =	vadd.f32 v53, v49;
	[tilespmem:v56+s22+$0x0] =	vst.idx.msk $0xffff, v44;
	v36 =	vld.idx.msk [tilespmem:v41+s4+$0x0], $0xffff  }
0x1f4: {  	v47 =	vor.u32 v4, v31;
	v38 =	vadd.s32 v26, v38;
	v44 =	vadd.f32 v54, v52;
	v41 =	vld.idx.msk [tilespmem:v41+s3+$0x0], $0xffff  }
0x1f5: {  	s10 =	sadd.s32 $0x8, s10;
	v46 =	vadd.s32 v14, v38;
	v38 =	vor.u32 v12, v35;
	v39 =	vld.idx.msk [tilespmem:v33+s4+$0x0], $0xffff;
	[tilespmem:v32+s22+$0x0] =	vst.idx.msk $0xffff, v48  }
0x1f6: {  	_ =	sdelay $0x3  }
0x1f7: {  	v32 =	vld.idx.msk [tilespmem:v33+s3+$0x0], $0xffff;
	_ =	sdelay $0x2  }
0x1f8: {  	v45 =	vadd.f32 v45, v43;
	_ =	sdelay $0x1  }
0x1f9: {  	v48 =	vor.u32 s18, v2;
	[tilespmem:v47+s22+$0x0] =	vst.idx.msk $0xffff, v45;
	v32 =	vadd.f32 v32, v39  }
0x1fa: {  	v33 =	vand.u32 $0x7B, v48;
	v35 =	vld.idx.msk [tilespmem:v46+s4+$0x0], $0xffff  }
0x1fb: {  	v33 =	vmul.u32 $0x18, v33;
	v49 =	vld.idx.msk [tilespmem:v46+s3+$0x0], $0xffff;
	[tilespmem:v29+s22+$0x0] =	vst.idx.msk $0xffff, v32  }
0x1fc: {  	v32 =	vld.idx.msk [tilespmem:v28+s4+$0x0], $0xffff  }
0x1fd: {  	v50 =	vor.u32 v5, v31;
	v26 =	vadd.s32 v26, v33;
	v51 =	vld.idx.msk [tilespmem:v28+s3+$0x0], $0xffff  }
0x1fe: {  	v26 =	vadd.s32 v16, v26;
	_ =	sdelay $0x1  }
0x1ff: {  	v52 =	vadd.f32 v49, v35  }
0x200: {  	v53 =	vld.idx.msk [tilespmem:v24+s4+$0x0], $0xffff  }
0x201: {  	v54 =	vld.idx.msk [tilespmem:v24+s3+$0x0], $0xffff;
	[tilespmem:v50+s22+$0x0] =	vst.idx.msk $0xffff, v52;
	v28 =	vadd.f32 v51, v32  }
0x202: {  	v29 =	vld.idx.msk [tilespmem:v26+s4+$0x0], $0xffff  }
0x203: {  	v26 =	vld.idx.msk [tilespmem:v26+s3+$0x0], $0xffff;
	[tilespmem:v40+s22+$0x0] =	vst.idx.msk $0xffff, v28  }
0x204: {  	v56 =	vld.idx.msk [tilespmem:v42+s4+$0x0], $0xffff  }
0x205: {  	v55 =	vor.u32 v6, v31;
	v57 =	vld.idx.msk [tilespmem:v42+s3+$0x0], $0xffff  }
0x206: {  	v27 =	vadd.s32 v17, v27;
	v24 =	vadd.f32 v54, v53;
	_ =	sdelay $0x1  }
0x207: {  	v19 =	vld.idx.msk [tilespmem:v19+s3+$0x0], $0xffff;
	[tilespmem:v25+s22+$0x0] =	vst.idx.msk $0xffff, v24;
	v26 =	vadd.f32 v26, v29  }
0x208: {  	v24 =	vld.idx.msk [tilespmem:v22+s4+$0x0], $0xffff  }
0x209: {  	v60 =	vld.idx.msk [tilespmem:v22+s3+$0x0], $0xffff;
	[tilespmem:v55+s22+$0x0] =	vst.idx.msk $0xffff, v26;
	v59 =	vadd.f32 v57, v56  }
0x20a: {  	v58 =	vld.idx.msk [tilespmem:v27+s4+$0x0], $0xffff  }
0x20b: {  	v21 =	vor.u32 v7, v21;
	v27 =	vld.idx.msk [tilespmem:v27+s3+$0x0], $0xffff;
	[tilespmem:v30+s22+$0x0] =	vst.idx.msk $0xffff, v59  }
0x20c: {  	v26 =	vld.idx.msk [tilespmem:v34+s4+$0x0], $0xffff  }
0x20d: {  	v61 =	vor.u32 v7, v31;
	v62 =	vld.idx.msk [tilespmem:v34+s3+$0x0], $0xffff  }
0x20e: {  	v63 =	vadd.f32 v41, v36  }
0x20f: {  	[tilespmem:v18+s22+$0x0] =	vst.idx.msk $0xffff, v44;
	v18 =	vadd.f32 v19, v37  }
0x210: {  	[tilespmem:v21+s22+$0x0] =	vst.idx.msk $0xffff, v63;
	v19 =	vadd.f32 v27, v58  }
0x211: {  	s9 =	sshll.u32 s16, $0xC;
	[tilespmem:v20+s22+$0x0] =	vst.idx.msk $0xffff, v18;
	v18 =	vadd.f32 v60, v24  }
0x212: {  	s9 =	sadd.s32 s15, s9;
	[tilespmem:v61+s22+$0x0] =	vst.idx.msk $0xffff, v19;
	v19 =	vadd.f32 v62, v26  }
0x213: {  	s12 =	sadd.s32 $0x1, s12;
	s10 =	sshrl.u32 s9, $0x3;
	[tilespmem:v23+s22+$0x0] =	vst.idx.msk $0xffff, v18  }
0x214: {  	p0 =	sne.s32 s12, s13;
	s19 =	sadd.s32 $0x186A000, s9;
	s10 =	sadd.s32 s5, s10;
	[tilespmem:v38+s22+$0x0] =	vst.idx.msk $0xffff, v19  }
0x215: {  	[hbm4b:s10+s6] =	stream.linear.scatter [tilespmem:s22], [sflag:$0x8], $0x1000, $0x38;
	[tilespmem:$0x12800] =	vst v63  }
.Ltmp2:
0x216: {  	s9 =	sadd.s32 $0x30D4000, s9;
	s10 =	sshrl.u32 s19, $0x3;
	(pc) =	sbr.rel @p0 .LBB2_2-.Ltmp2, $4  }
0x217: {  	s9 =	sshrl.u32 s9, $0x3;
	s10 =	sadd.s32 s5, s10  }
0x218: {  	[hbm4b:s10+s6] =	stream.linear.scatter [tilespmem:s23], [sflag:$0x8], $0x1000, $0x38;
	[tilespmem:$0x12800] =	vst v63  }
0x219: {  	s9 =	sadd.s32 s5, s9  }
0x21a: {  	[hbm4b:s9+s6] =	stream.linear.scatter [tilespmem:s17], [sflag:$0x8], $0x1000, $0x38;
	[tilespmem:$0x12800] =	vst v63  }
0x21b: {  	s9 =	simm.s32 $0x4  }
0x21c: {  	_ =	swait.ge [sflag:s9], $0x1000  }
0x21d: {  	[sflag:s9] =	ssyncset.done $0x0  }
0x21e: {  	[sflag:s9] =	ssyncadd.s32 $0xFFFFF000  }
0x21f: {  	_ =	swait.ge [sflag:s9], $0x1000  }
0x220: {  	[sflag:s9] =	ssyncset.done $0x0  }
0x221: {  	[sflag:s9] =	ssyncadd.s32 $0xFFFFF000  }
0x222: {  	_ =	swait.ge [sflag:s9], $0x1000  }
0x223: {  	[sflag:s9] =	ssyncset.done $0x0  }
0x224: {  	s10 =	simm.s32 $0x8;
	[sflag:s9] =	ssyncadd.s32 $0xFFFFF000  }
0x225: {  	_ =	swait.ge [sflag:s10], $0x1000  }
0x226: {  	[sflag:s10] =	ssyncset.done $0x0  }
0x227: {  	[sflag:s10] =	ssyncadd.s32 $0xFFFFF000  }
0x228: {  	_ =	swait.ge [sflag:s10], $0x1000  }
0x229: {  	[sflag:s10] =	ssyncset.done $0x0  }
0x22a: {  	[sflag:s10] =	ssyncadd.s32 $0xFFFFF000  }
0x22b: {  	_ =	swait.ge [sflag:s10], $0x1000  }
0x22c: {  	s11 =	rddreg [dreg:$0xa]  }
0x22d: {  	s19 =	rddreg [dreg:$0x9];
	s11 =	sadd.s32 $0x1, s11  }
0x22e: {  	p0 =	sne.s32 s11, s19  }
.Ltmp3:
0x22f: {  	_ = 	snop;
	(pc) =	sbr.rel @p0 .LBB2_1-.Ltmp3, $3  }
0x230: {  	_ =	sdelay $0x1  }
0x231: {  	[sflag:s10] =	ssyncset.done $0x0  }
0x232: {  	[sflag:s10] =	ssyncadd.s32 $0xFFFFF000  }
0x233: {  	_ =	sfence.sel $0x180000  }
0x234: {  	[bflag:$0x0] =	sbarrier.arrive $0xFFFF  }
0x235: {  	_ =	strace $0x90000047  }
0x236: {  	s0 =	stileid.u32;
	[bflag:$0x2] =	sbarrier.arrive $0xFFFF  }
0x237: {  	p0 =	sne.s32 s0, $0x0;
	s0 =	rddreg [dreg:$0x4]  }
0x238: {  	s0 =	sadd.s32 @!p0 $0x100000, s0  }
0x239: {  	[sflag:s0] =	ssyncadd.tile.s32 @!p0 $0x1;
	_ =	shalt  }
.Lfunc_end2:
_tile_overlayer_lowered:
.L_overlay_start_2:
0x23a: {  	(tag) =	ssettag $0x2  }
0x23b: {  	s0 =	rddreg [dreg:$0x0];
	s2 =	stileid.u32  }
0x23c: {  	s1 =	rddreg [dreg:$0x1];
	p0 =	sne.s32 s2, $0x0  }
0x23d: {  	s3 =	rddreg [dreg:$0x2];
	[bflag:$0x3] =	sbarrier.arrive $0xFFFF;
	s2 =	simm.s32 @!p0 $0x1C09  }
0x23e: {  	[timem:s3], [sflag:s2] =	dma.local @!p0 [hbm:s0], s1  }
0x23f: {  	s0 =	simm.s32 @!p0 $0x9  }
0x240: {  	_ =	swait.ge @!p0 [sflag:s0], s1  }
0x241: {  	s1 =	ssub.s32 @!p0 $0x0, s1;
	[sflag:s0] =	ssyncset.done @!p0 $0x0  }
0x242: {  	[sflag:s0] =	ssyncadd.s32 @!p0 s1  }
0x243: {  	[bflag:$0x3] =	sbarrier.arrive $0xFFFF  }
0x244: {  	_ =	shalt  }

</sc_bundles>
